<compile_context>
chip_gen: v7x
topology: tpu7x:2x2x1
jax: 0.10.2.dev20260603
libtpu: 0.0.44.dev20260713+nightly
codegen_flags: <defaults>
</compile_context>

<pallas_src>
import jax
import jax.numpy as jnp
from jax import lax
from jax.experimental import pallas as pl
from jax.experimental.pallas import tpu as pltpu
from jax.experimental.pallas import tpu_sc as plsc

B, S, H, D = 16, 4096, 16, 64
Q = 16

NC, NS = 2, 16
NW = NC * NS
SLABS = B * H
SPW = SLABS // NW
CH = 256
NCHUNK = S // CH
NPAIR = NCHUNK // 2
LANES = 16


def _sc_body(k_ref, v_ref, kval_ref, vval_ref, pos_ref,
             ko_ref, vo_ref,
             in0, in1, val_all, pos_v,
             rsem0, rsem1, wsem0, wsem1, vsem):
    wid = lax.axis_index("s") * NC + lax.axis_index("c")
    pltpu.sync_copy(pos_ref, pos_v)
    pos_vec = pos_v[...]
    pos_s = [pos_vec[q] for q in range(Q)]

    def run_phase(cache_ref, val_ref, out_ref):
        def pf_body(i, c):
            slab = wid * SPW + i
            b = slab // H
            h = slab % H
            pltpu.make_async_copy(
                val_ref.at[b, :, h, :], val_all.at[i], vsem).start()
            return c

        lax.fori_loop(0, SPW, pf_body, 0)
        for _ in range(SPW):
            pltpu.make_async_copy(
                val_ref.at[0, :, 0, :], val_all.at[0], vsem).wait()

        def modify(buf, i, chunk_start):
            for q in range(Q):
                local = pos_s[q] - chunk_start

                @pl.when((local >= 0) & (local < CH))
                def _(local=local, q=q):
                    for c in range(D // LANES):
                        buf[local, pl.ds(c * LANES, LANES)] = (
                            val_all[i, q, pl.ds(c * LANES, LANES)])

        def slab_body(i, carry):
            slab = wid * SPW + i
            b = slab // H
            h = slab % H
            rowbase = slab * S

            def read(chunk, buf, sem):
                return pltpu.make_async_copy(
                    cache_ref.at[b, pl.ds(chunk * CH, CH), h, :], buf, sem)

            def write(chunk, buf, sem):
                return pltpu.make_async_copy(
                    buf, out_ref.at[pl.ds(rowbase + chunk * CH, CH)], sem)

            read(0, in0, rsem0).start()

            def pair_body(p, c):
                a = 2 * p
                read(a, in0, rsem0).wait()

                @pl.when(p > 0)
                def _():
                    write(a - 1, in1, wsem1).wait()

                read(a + 1, in1, rsem1).start()
                modify(in0, i, a * CH)
                write(a, in0, wsem0).start()
                read(a + 1, in1, rsem1).wait()
                modify(in1, i, (a + 1) * CH)
                write(a + 1, in1, wsem1).start()

                @pl.when(p < NPAIR - 1)
                def _():
                    write(a, in0, wsem0).wait()
                    read(a + 2, in0, rsem0).start()

                return c

            lax.fori_loop(0, NPAIR, pair_body, 0)
            write(NCHUNK - 2, in0, wsem0).wait()
            write(NCHUNK - 1, in1, wsem1).wait()
            return carry

        lax.fori_loop(0, SPW, slab_body, 0)

    run_phase(k_ref, kval_ref, ko_ref)
    run_phase(v_ref, vval_ref, vo_ref)


def kernel(past_k_caches, past_v_caches, input_pos, k_val, v_val):
    pos = input_pos.astype(jnp.int32)
    mesh = plsc.VectorSubcoreMesh(core_axis_name="c", subcore_axis_name="s")
    kern = pl.kernel(
        _sc_body,
        out_type=[
            jax.ShapeDtypeStruct((B * H * S, D), jnp.float32),
            jax.ShapeDtypeStruct((B * H * S, D), jnp.float32),
        ],
        mesh=mesh,
        scratch_types=[
            pltpu.VMEM((CH, D), jnp.float32),
            pltpu.VMEM((CH, D), jnp.float32),
            pltpu.VMEM((SPW, Q, D), jnp.float32),
            pltpu.VMEM((Q,), jnp.int32),
            pltpu.SemaphoreType.DMA,
            pltpu.SemaphoreType.DMA,
            pltpu.SemaphoreType.DMA,
            pltpu.SemaphoreType.DMA,
            pltpu.SemaphoreType.DMA,
        ],
    )
    k_out, v_out = kern(past_k_caches, past_v_caches, k_val, v_val, pos)
    return (k_out.reshape(B, H, S, D), v_out.reshape(B, H, S, D))

# --- scband reference (transcript-rebuilt; emitter-appended) ---
"""Pipeline reference for scband-kvcache-simple-16690242912744 (READ-ONLY COPY).

The authoritative reference and input builder live on the scoring server;
editing this copy changes nothing except your own understanding.
"""

import jax, jax.numpy as jnp
import numpy as np

B, S, H, D = 16, 4096, 16, 64
Q = 16

def setup_inputs(seed: int = 0) -> dict:
    key = jax.random.key(seed)
    k1, k2, k3 = jax.random.split(key, 3)
    past_k_caches = jnp.zeros((B, S, H, D), dtype=jnp.float32)
    past_v_caches = jnp.zeros((B, S, H, D), dtype=jnp.float32)
    input_pos = jnp.sort(jax.random.randint(k1, (Q,), 0, S).astype(jnp.int64))
    k_val = jax.random.normal(k2, (B, Q, H, D), dtype=jnp.float32)
    v_val = jax.random.normal(k3, (B, Q, H, D), dtype=jnp.float32)
    return {"past_k_caches": past_k_caches, "past_v_caches": past_v_caches,
            "input_pos": input_pos, "k_val": k_val, "v_val": v_val}

def reference(past_k_caches, past_v_caches, input_pos, k_val, v_val):
    # torch.ops.aten.index_put_(cache, [None, input_pos], val) == cache.at[:, input_pos].set(val)
    k_out = past_k_caches.at[:, input_pos].set(k_val)
    v_out = past_v_caches.at[:, input_pos].set(v_val)
    k_out = jnp.swapaxes(k_out, 1, 2)
    v_out = jnp.swapaxes(v_out, 1, 2)
    return (k_out, v_out)

if __name__ == "__main__":
    import jax
    _d = setup_inputs()
    print(jax.jit(kernel)(*tuple(_d.values())))

</pallas_src>

<mosaic_0001>
#map = affine_map<(d0, d1) -> (0, 0, 0, 0)>
#map1 = affine_map<(d0, d1) -> (0)>
#map2 = affine_map<(d0, d1) -> (0, 0)>
module attributes {stable_mosaic.version = 14 : i64} {
  func.func @_sc_body(%arg0: i32, %arg1: i32, %arg2: memref<16x4096x16x64xf32, #tpu.memory_space<hbm>>, %arg3: memref<16x4096x16x64xf32, #tpu.memory_space<hbm>>, %arg4: memref<16x16x16x64xf32, #tpu.memory_space<hbm>>, %arg5: memref<16x16x16x64xf32, #tpu.memory_space<hbm>>, %arg6: memref<16xi32, #tpu.memory_space<hbm>>, %arg7: memref<1048576x64xf32, #tpu.memory_space<hbm>>, %arg8: memref<1048576x64xf32, #tpu.memory_space<hbm>>, %arg9: memref<256x64xf32, #tpu.memory_space<vmem>>, %arg10: memref<256x64xf32, #tpu.memory_space<vmem>>, %arg11: memref<8x16x64xf32, #tpu.memory_space<vmem>>, %arg12: memref<16xi32, #tpu.memory_space<vmem>>, %arg13: memref<!tpu.dma_semaphore, #tpu.memory_space<semaphore_mem>>, %arg14: memref<!tpu.dma_semaphore, #tpu.memory_space<semaphore_mem>>, %arg15: memref<!tpu.dma_semaphore, #tpu.memory_space<semaphore_mem>>, %arg16: memref<!tpu.dma_semaphore, #tpu.memory_space<semaphore_mem>>, %arg17: memref<!tpu.dma_semaphore, #tpu.memory_space<semaphore_mem>>) attributes {dimension_semantics = [#tpu.dimension_semantics<core_parallel>, #tpu.dimension_semantics<subcore_parallel>], iteration_bounds = array<i64: 2, 16>, scalar_prefetch = 0 : i64, scratch_operands = 9 : i64, tpu.core_type = #tpu.core_type<sc_vector_subcore>, window_params = [{transform_indices = #map}, {transform_indices = #map}, {transform_indices = #map}, {transform_indices = #map}, {transform_indices = #map1}, {transform_indices = #map2}, {transform_indices = #map2}]} {
    %mul3A = arith.constant 2 : i32
    %mul3A_0 = arith.muli %arg1, %mul3A : i32
    %add3A = arith.addi %mul3A_0, %arg0 : i32
    "tpu.region"() ({
      %run_scoped3A = tpu.sem_alloc : memref<!tpu.dma_semaphore, #tpu.memory_space<semaphore_mem>>
      tpu.enqueue_dma source(%arg6 : memref<16xi32, #tpu.memory_space<hbm>>) target(%arg12 : memref<16xi32, #tpu.memory_space<vmem>>) target_semaphore(%run_scoped3A : memref<!tpu.dma_semaphore, #tpu.memory_space<semaphore_mem>>)
      tpu.wait_dma2 semaphore(%run_scoped3A : memref<!tpu.dma_semaphore, #tpu.memory_space<semaphore_mem>>) src(%arg6 : memref<16xi32, #tpu.memory_space<hbm>>) dst(%arg12 : memref<16xi32, #tpu.memory_space<vmem>>)
      tpu.yield
    }) : () -> ()
    %get3A = arith.constant 0 : index
    %get3A_1 = tpu.vector_load %arg12[%get3A] {strides = array<i32>} : memref<16xi32, #tpu.memory_space<vmem>>, vector<16xi32>,
    %get3A_2 = vector.shape_cast %get3A_1 : vector<16xi32> to vector<16xi32>
    %slice3A = vector.extract_strided_slice %get3A_2 {offsets = [0], sizes = [1], strides = [1]} : vector<16xi32> to vector<1xi32>
    %squeeze3A = vector.extract %slice3A[0] : i32 from vector<1xi32>
    %slice3A_3 = vector.extract_strided_slice %get3A_2 {offsets = [1], sizes = [1], strides = [1]} : vector<16xi32> to vector<1xi32>
    %squeeze3A_4 = vector.extract %slice3A_3[0] : i32 from vector<1xi32>
    %slice3A_5 = vector.extract_strided_slice %get3A_2 {offsets = [2], sizes = [1], strides = [1]} : vector<16xi32> to vector<1xi32>
    %squeeze3A_6 = vector.extract %slice3A_5[0] : i32 from vector<1xi32>
    %slice3A_7 = vector.extract_strided_slice %get3A_2 {offsets = [3], sizes = [1], strides = [1]} : vector<16xi32> to vector<1xi32>
    %squeeze3A_8 = vector.extract %slice3A_7[0] : i32 from vector<1xi32>
    %slice3A_9 = vector.extract_strided_slice %get3A_2 {offsets = [4], sizes = [1], strides = [1]} : vector<16xi32> to vector<1xi32>
    %squeeze3A_10 = vector.extract %slice3A_9[0] : i32 from vector<1xi32>
    %slice3A_11 = vector.extract_strided_slice %get3A_2 {offsets = [5], sizes = [1], strides = [1]} : vector<16xi32> to vector<1xi32>
    %squeeze3A_12 = vector.extract %slice3A_11[0] : i32 from vector<1xi32>
    %slice3A_13 = vector.extract_strided_slice %get3A_2 {offsets = [6], sizes = [1], strides = [1]} : vector<16xi32> to vector<1xi32>
    %squeeze3A_14 = vector.extract %slice3A_13[0] : i32 from vector<1xi32>
    %slice3A_15 = vector.extract_strided_slice %get3A_2 {offsets = [7], sizes = [1], strides = [1]} : vector<16xi32> to vector<1xi32>
    %squeeze3A_16 = vector.extract %slice3A_15[0] : i32 from vector<1xi32>
    %slice3A_17 = vector.extract_strided_slice %get3A_2 {offsets = [8], sizes = [1], strides = [1]} : vector<16xi32> to vector<1xi32>
    %squeeze3A_18 = vector.extract %slice3A_17[0] : i32 from vector<1xi32>
    %slice3A_19 = vector.extract_strided_slice %get3A_2 {offsets = [9], sizes = [1], strides = [1]} : vector<16xi32> to vector<1xi32>
    %squeeze3A_20 = vector.extract %slice3A_19[0] : i32 from vector<1xi32>
    %slice3A_21 = vector.extract_strided_slice %get3A_2 {offsets = [10], sizes = [1], strides = [1]} : vector<16xi32> to vector<1xi32>
    %squeeze3A_22 = vector.extract %slice3A_21[0] : i32 from vector<1xi32>
    %slice3A_23 = vector.extract_strided_slice %get3A_2 {offsets = [11], sizes = [1], strides = [1]} : vector<16xi32> to vector<1xi32>
    %squeeze3A_24 = vector.extract %slice3A_23[0] : i32 from vector<1xi32>
    %slice3A_25 = vector.extract_strided_slice %get3A_2 {offsets = [12], sizes = [1], strides = [1]} : vector<16xi32> to vector<1xi32>
    %squeeze3A_26 = vector.extract %slice3A_25[0] : i32 from vector<1xi32>
    %slice3A_27 = vector.extract_strided_slice %get3A_2 {offsets = [13], sizes = [1], strides = [1]} : vector<16xi32> to vector<1xi32>
    %squeeze3A_28 = vector.extract %slice3A_27[0] : i32 from vector<1xi32>
    %slice3A_29 = vector.extract_strided_slice %get3A_2 {offsets = [14], sizes = [1], strides = [1]} : vector<16xi32> to vector<1xi32>
    %squeeze3A_30 = vector.extract %slice3A_29[0] : i32 from vector<1xi32>
    %slice3A_31 = vector.extract_strided_slice %get3A_2 {offsets = [15], sizes = [1], strides = [1]} : vector<16xi32> to vector<1xi32>
    %squeeze3A_32 = vector.extract %slice3A_31[0] : i32 from vector<1xi32>
    %scan3A = arith.constant 0 : i32
    %scan3A_33 = arith.constant 0 : i32
    %scan3A_34 = arith.constant 8 : i32
    %scan3A_35 = arith.addi %scan3A_33, %scan3A_34 : i32
    %scan3A_36 = arith.constant 1 : i32
    scf.for %scan3A_359 = %scan3A_33 to %scan3A_35 step %scan3A_36  : i32 {
      %mul3A_360 = arith.constant 8 : i32
      %mul3A_361 = arith.muli %add3A, %mul3A_360 : i32
      %add3A_362 = arith.addi %mul3A_361, %scan3A_359 : i32
      %jit3A = arith.constant 16 : i32
      %div3A = arith.divsi %add3A_362, %jit3A : i32
      %sign3A = arith.constant 0 : i32
      %sign3A_363 = arith.cmpi sgt, %add3A_362, %sign3A : i32
      %sign3A_364 = arith.extui %sign3A_363 : i1 to i32
      %sign3A_365 = arith.constant 0 : i32
      %sign3A_366 = arith.cmpi slt, %add3A_362, %sign3A_365 : i32
      %sign3A_367 = arith.extui %sign3A_366 : i1 to i32
      %sign3A_368 = arith.subi %sign3A_364, %sign3A_367 : i32
      %sign3A_369 = arith.constant 0 : i32
      %sign3A_370 = arith.cmpi sgt, %jit3A, %sign3A_369 : i32
      %sign3A_371 = arith.extui %sign3A_370 : i1 to i32
      %sign3A_372 = arith.constant 0 : i32
      %sign3A_373 = arith.cmpi slt, %jit3A, %sign3A_372 : i32
      %sign3A_374 = arith.extui %sign3A_373 : i1 to i32
      %sign3A_375 = arith.subi %sign3A_371, %sign3A_374 : i32
      %ne3A = arith.cmpi ne, %sign3A_368, %sign3A_375 : i32
      %rem3A = arith.remsi %add3A_362, %jit3A : i32
      %ne3A_376 = arith.constant 0 : i32
      %ne3A_377 = arith.cmpi ne, %rem3A, %ne3A_376 : i32
      %and3A = arith.andi %ne3A, %ne3A_377 : i1
      %sub3A = arith.constant 1 : i32
      %sub3A_378 = arith.subi %div3A, %sub3A : i32
      %select_n3A = arith.select %and3A, %sub3A_378, %div3A : i32
      %jit3A_379 = arith.constant 16 : i32
      %eq3A = arith.constant 0 : i32
      %eq3A_380 = arith.cmpi eq, %jit3A_379, %eq3A : i32
      %jit3A_381 = arith.constant 1 : i32
      %select_n3A_382 = arith.select %eq3A_380, %jit3A_381, %jit3A_379 : i32
      %rem3A_383 = arith.remsi %add3A_362, %select_n3A_382 : i32
      %ne3A_384 = arith.constant 0 : i32
      %ne3A_385 = arith.cmpi ne, %rem3A_383, %ne3A_384 : i32
      %lt3A = arith.constant 0 : i32
      %lt3A_386 = arith.cmpi slt, %rem3A_383, %lt3A : i32
      %lt3A_387 = arith.constant 0 : i32
      %lt3A_388 = arith.cmpi slt, %select_n3A_382, %lt3A_387 : i32
      %ne3A_389 = arith.xori %lt3A_386, %lt3A_388 : i1
      %and3A_390 = arith.andi %ne3A_389, %ne3A_385 : i1
      %add3A_391 = arith.addi %rem3A_383, %select_n3A_382 : i32
      %select_n3A_392 = arith.select %and3A_390, %add3A_391, %rem3A_383 : i32
      %dma_start3A = arith.constant 0 : i32
      %dma_start3A_393 = arith.constant 0 : i32
      %dma_start3A_394 = tpu.memref_slice %arg11[%scan3A_359, %dma_start3A, %dma_start3A_393] : memref<8x16x64xf32, #tpu.memory_space<vmem>> -> memref<1x16x64xf32, #tpu.memory_space<vmem>>
      %dma_start3A_395 = tpu.memref_squeeze %dma_start3A_394 : memref<1x16x64xf32, #tpu.memory_space<vmem>> -> memref<16x64xf32, #tpu.memory_space<vmem>>
      %dma_start3A_396 = arith.constant 0 : i32
      %dma_start3A_397 = arith.constant 0 : i32
      %dma_start3A_398 = tpu.memref_slice %arg4[%select_n3A, %dma_start3A_396, %select_n3A_392, %dma_start3A_397] : memref<16x16x16x64xf32, #tpu.memory_space<hbm>> -> memref<1x16x1x64xf32, #tpu.memory_space<hbm>>
      %dma_start3A_399 = tpu.memref_squeeze %dma_start3A_398 : memref<1x16x1x64xf32, #tpu.memory_space<hbm>> -> memref<16x64xf32, #tpu.memory_space<hbm>>
      %dma_start3A_400 = arith.constant 0 : i32
      %dma_start3A_401 = arith.constant 0 : i32
      %dma_start3A_402 = tpu.memref_slice %arg11[%scan3A_359, %dma_start3A_400, %dma_start3A_401] : memref<8x16x64xf32, #tpu.memory_space<vmem>> -> memref<1x16x64xf32, #tpu.memory_space<vmem>>
      %dma_start3A_403 = tpu.memref_squeeze %dma_start3A_402 : memref<1x16x64xf32, #tpu.memory_space<vmem>> -> memref<16x64xf32, #tpu.memory_space<vmem>>
      %dma_start3A_404 = arith.constant 0 : i32
      %dma_start3A_405 = arith.constant 0 : i32
      %dma_start3A_406 = tpu.memref_slice %arg4[%select_n3A, %dma_start3A_404, %select_n3A_392, %dma_start3A_405] : memref<16x16x16x64xf32, #tpu.memory_space<hbm>> -> memref<1x16x1x64xf32, #tpu.memory_space<hbm>>
      %dma_start3A_407 = tpu.memref_squeeze %dma_start3A_406 : memref<1x16x1x64xf32, #tpu.memory_space<hbm>> -> memref<16x64xf32, #tpu.memory_space<hbm>>
      tpu.enqueue_dma source(%dma_start3A_407 : memref<16x64xf32, #tpu.memory_space<hbm>>) target(%dma_start3A_403 : memref<16x64xf32, #tpu.memory_space<vmem>>) target_semaphore(%arg17 : memref<!tpu.dma_semaphore, #tpu.memory_space<semaphore_mem>>)
    }
    %scan3A_37 = arith.constant 8 : i32
    %dma_wait3A = arith.constant 0 : i32
    %dma_wait3A_38 = arith.constant 0 : i32
    %dma_wait3A_39 = arith.constant 0 : i32
    %dma_wait3A_40 = arith.constant 0 : i32
    %dma_wait3A_41 = arith.constant 0 : i32
    %dma_wait3A_42 = tpu.memref_slice %arg11[%dma_wait3A_39, %dma_wait3A_40, %dma_wait3A_41] : memref<8x16x64xf32, #tpu.memory_space<vmem>> -> memref<1x16x64xf32, #tpu.memory_space<vmem>>
    %dma_wait3A_43 = tpu.memref_squeeze %dma_wait3A_42 : memref<1x16x64xf32, #tpu.memory_space<vmem>> -> memref<16x64xf32, #tpu.memory_space<vmem>>
    %dma_wait3A_44 = arith.constant 0 : i32
    %dma_wait3A_45 = arith.constant 0 : i32
    %dma_wait3A_46 = tpu.memref_slice %arg4[%dma_wait3A, %dma_wait3A_44, %dma_wait3A_38, %dma_wait3A_45] : memref<16x16x16x64xf32, #tpu.memory_space<hbm>> -> memref<1x16x1x64xf32, #tpu.memory_space<hbm>>
    %dma_wait3A_47 = tpu.memref_squeeze %dma_wait3A_46 : memref<1x16x1x64xf32, #tpu.memory_space<hbm>> -> memref<16x64xf32, #tpu.memory_space<hbm>>
    %dma_wait3A_48 = arith.constant 0 : i32
    %dma_wait3A_49 = arith.constant 0 : i32
    %dma_wait3A_50 = tpu.memref_slice %arg11[%dma_wait3A_39, %dma_wait3A_48, %dma_wait3A_49] : memref<8x16x64xf32, #tpu.memory_space<vmem>> -> memref<1x16x64xf32, #tpu.memory_space<vmem>>
    %dma_wait3A_51 = tpu.memref_squeeze %dma_wait3A_50 : memref<1x16x64xf32, #tpu.memory_space<vmem>> -> memref<16x64xf32, #tpu.memory_space<vmem>>
    %dma_wait3A_52 = arith.constant 0 : i32
    %dma_wait3A_53 = arith.constant 0 : i32
    %dma_wait3A_54 = tpu.memref_slice %arg4[%dma_wait3A, %dma_wait3A_52, %dma_wait3A_38, %dma_wait3A_53] : memref<16x16x16x64xf32, #tpu.memory_space<hbm>> -> memref<1x16x1x64xf32, #tpu.memory_space<hbm>>
    %dma_wait3A_55 = tpu.memref_squeeze %dma_wait3A_54 : memref<1x16x1x64xf32, #tpu.memory_space<hbm>> -> memref<16x64xf32, #tpu.memory_space<hbm>>
    tpu.wait_dma2 semaphore(%arg17 : memref<!tpu.dma_semaphore, #tpu.memory_space<semaphore_mem>>) src(%dma_wait3A_55 : memref<16x64xf32, #tpu.memory_space<hbm>>) dst(%dma_wait3A_51 : memref<16x64xf32, #tpu.memory_space<vmem>>)
    %dma_wait3A_56 = arith.constant 0 : i32
    %dma_wait3A_57 = arith.constant 0 : i32
    %dma_wait3A_58 = arith.constant 0 : i32
    %dma_wait3A_59 = arith.constant 0 : i32
    %dma_wait3A_60 = arith.constant 0 : i32
    %dma_wait3A_61 = tpu.memref_slice %arg11[%dma_wait3A_58, %dma_wait3A_59, %dma_wait3A_60] : memref<8x16x64xf32, #tpu.memory_space<vmem>> -> memref<1x16x64xf32, #tpu.memory_space<vmem>>
    %dma_wait3A_62 = tpu.memref_squeeze %dma_wait3A_61 : memref<1x16x64xf32, #tpu.memory_space<vmem>> -> memref<16x64xf32, #tpu.memory_space<vmem>>
    %dma_wait3A_63 = arith.constant 0 : i32
    %dma_wait3A_64 = arith.constant 0 : i32
    %dma_wait3A_65 = tpu.memref_slice %arg4[%dma_wait3A_56, %dma_wait3A_63, %dma_wait3A_57, %dma_wait3A_64] : memref<16x16x16x64xf32, #tpu.memory_space<hbm>> -> memref<1x16x1x64xf32, #tpu.memory_space<hbm>>
    %dma_wait3A_66 = tpu.memref_squeeze %dma_wait3A_65 : memref<1x16x1x64xf32, #tpu.memory_space<hbm>> -> memref<16x64xf32, #tpu.memory_space<hbm>>
    %dma_wait3A_67 = arith.constant 0 : i32
    %dma_wait3A_68 = arith.constant 0 : i32
    %dma_wait3A_69 = tpu.memref_slice %arg11[%dma_wait3A_58, %dma_wait3A_67, %dma_wait3A_68] : memref<8x16x64xf32, #tpu.memory_space<vmem>> -> memref<1x16x64xf32, #tpu.memory_space<vmem>>
    %dma_wait3A_70 = tpu.memref_squeeze %dma_wait3A_69 : memref<1x16x64xf32, #tpu.memory_space<vmem>> -> memref<16x64xf32, #tpu.memory_space<vmem>>
    %dma_wait3A_71 = arith.constant 0 : i32
    %dma_wait3A_72 = arith.constant 0 : i32
    %dma_wait3A_73 = tpu.memref_slice %arg4[%dma_wait3A_56, %dma_wait3A_71, %dma_wait3A_57, %dma_wait3A_72] : memref<16x16x16x64xf32, #tpu.memory_space<hbm>> -> memref<1x16x1x64xf32, #tpu.memory_space<hbm>>
    %dma_wait3A_74 = tpu.memref_squeeze %dma_wait3A_73 : memref<1x16x1x64xf32, #tpu.memory_space<hbm>> -> memref<16x64xf32, #tpu.memory_space<hbm>>
    tpu.wait_dma2 semaphore(%arg17 : memref<!tpu.dma_semaphore, #tpu.memory_space<semaphore_mem>>) src(%dma_wait3A_74 : memref<16x64xf32, #tpu.memory_space<hbm>>) dst(%dma_wait3A_70 : memref<16x64xf32, #tpu.memory_space<vmem>>)
    %dma_wait3A_75 = arith.constant 0 : i32
    %dma_wait3A_76 = arith.constant 0 : i32
    %dma_wait3A_77 = arith.constant 0 : i32
    %dma_wait3A_78 = arith.constant 0 : i32
    %dma_wait3A_79 = arith.constant 0 : i32
    %dma_wait3A_80 = tpu.memref_slice %arg11[%dma_wait3A_77, %dma_wait3A_78, %dma_wait3A_79] : memref<8x16x64xf32, #tpu.memory_space<vmem>> -> memref<1x16x64xf32, #tpu.memory_space<vmem>>
    %dma_wait3A_81 = tpu.memref_squeeze %dma_wait3A_80 : memref<1x16x64xf32, #tpu.memory_space<vmem>> -> memref<16x64xf32, #tpu.memory_space<vmem>>
    %dma_wait3A_82 = arith.constant 0 : i32
    %dma_wait3A_83 = arith.constant 0 : i32
    %dma_wait3A_84 = tpu.memref_slice %arg4[%dma_wait3A_75, %dma_wait3A_82, %dma_wait3A_76, %dma_wait3A_83] : memref<16x16x16x64xf32, #tpu.memory_space<hbm>> -> memref<1x16x1x64xf32, #tpu.memory_space<hbm>>
    %dma_wait3A_85 = tpu.memref_squeeze %dma_wait3A_84 : memref<1x16x1x64xf32, #tpu.memory_space<hbm>> -> memref<16x64xf32, #tpu.memory_space<hbm>>
    %dma_wait3A_86 = arith.constant 0 : i32
    %dma_wait3A_87 = arith.constant 0 : i32
    %dma_wait3A_88 = tpu.memref_slice %arg11[%dma_wait3A_77, %dma_wait3A_86, %dma_wait3A_87] : memref<8x16x64xf32, #tpu.memory_space<vmem>> -> memref<1x16x64xf32, #tpu.memory_space<vmem>>
    %dma_wait3A_89 = tpu.memref_squeeze %dma_wait3A_88 : memref<1x16x64xf32, #tpu.memory_space<vmem>> -> memref<16x64xf32, #tpu.memory_space<vmem>>
    %dma_wait3A_90 = arith.constant 0 : i32
    %dma_wait3A_91 = arith.constant 0 : i32
    %dma_wait3A_92 = tpu.memref_slice %arg4[%dma_wait3A_75, %dma_wait3A_90, %dma_wait3A_76, %dma_wait3A_91] : memref<16x16x16x64xf32, #tpu.memory_space<hbm>> -> memref<1x16x1x64xf32, #tpu.memory_space<hbm>>
    %dma_wait3A_93 = tpu.memref_squeeze %dma_wait3A_92 : memref<1x16x1x64xf32, #tpu.memory_space<hbm>> -> memref<16x64xf32, #tpu.memory_space<hbm>>
    tpu.wait_dma2 semaphore(%arg17 : memref<!tpu.dma_semaphore, #tpu.memory_space<semaphore_mem>>) src(%dma_wait3A_93 : memref<16x64xf32, #tpu.memory_space<hbm>>) dst(%dma_wait3A_89 : memref<16x64xf32, #tpu.memory_space<vmem>>)
    %dma_wait3A_94 = arith.constant 0 : i32
    %dma_wait3A_95 = arith.constant 0 : i32
    %dma_wait3A_96 = arith.constant 0 : i32
    %dma_wait3A_97 = arith.constant 0 : i32
    %dma_wait3A_98 = arith.constant 0 : i32
    %dma_wait3A_99 = tpu.memref_slice %arg11[%dma_wait3A_96, %dma_wait3A_97, %dma_wait3A_98] : memref<8x16x64xf32, #tpu.memory_space<vmem>> -> memref<1x16x64xf32, #tpu.memory_space<vmem>>
    %dma_wait3A_100 = tpu.memref_squeeze %dma_wait3A_99 : memref<1x16x64xf32, #tpu.memory_space<vmem>> -> memref<16x64xf32, #tpu.memory_space<vmem>>
    %dma_wait3A_101 = arith.constant 0 : i32
    %dma_wait3A_102 = arith.constant 0 : i32
    %dma_wait3A_103 = tpu.memref_slice %arg4[%dma_wait3A_94, %dma_wait3A_101, %dma_wait3A_95, %dma_wait3A_102] : memref<16x16x16x64xf32, #tpu.memory_space<hbm>> -> memref<1x16x1x64xf32, #tpu.memory_space<hbm>>
    %dma_wait3A_104 = tpu.memref_squeeze %dma_wait3A_103 : memref<1x16x1x64xf32, #tpu.memory_space<hbm>> -> memref<16x64xf32, #tpu.memory_space<hbm>>
    %dma_wait3A_105 = arith.constant 0 : i32
    %dma_wait3A_106 = arith.constant 0 : i32
    %dma_wait3A_107 = tpu.memref_slice %arg11[%dma_wait3A_96, %dma_wait3A_105, %dma_wait3A_106] : memref<8x16x64xf32, #tpu.memory_space<vmem>> -> memref<1x16x64xf32, #tpu.memory_space<vmem>>
    %dma_wait3A_108 = tpu.memref_squeeze %dma_wait3A_107 : memref<1x16x64xf32, #tpu.memory_space<vmem>> -> memref<16x64xf32, #tpu.memory_space<vmem>>
    %dma_wait3A_109 = arith.constant 0 : i32
    %dma_wait3A_110 = arith.constant 0 : i32
    %dma_wait3A_111 = tpu.memref_slice %arg4[%dma_wait3A_94, %dma_wait3A_109, %dma_wait3A_95, %dma_wait3A_110] : memref<16x16x16x64xf32, #tpu.memory_space<hbm>> -> memref<1x16x1x64xf32, #tpu.memory_space<hbm>>
    %dma_wait3A_112 = tpu.memref_squeeze %dma_wait3A_111 : memref<1x16x1x64xf32, #tpu.memory_space<hbm>> -> memref<16x64xf32, #tpu.memory_space<hbm>>
    tpu.wait_dma2 semaphore(%arg17 : memref<!tpu.dma_semaphore, #tpu.memory_space<semaphore_mem>>) src(%dma_wait3A_112 : memref<16x64xf32, #tpu.memory_space<hbm>>) dst(%dma_wait3A_108 : memref<16x64xf32, #tpu.memory_space<vmem>>)
    %dma_wait3A_113 = arith.constant 0 : i32
    %dma_wait3A_114 = arith.constant 0 : i32
    %dma_wait3A_115 = arith.constant 0 : i32
    %dma_wait3A_116 = arith.constant 0 : i32
    %dma_wait3A_117 = arith.constant 0 : i32
    %dma_wait3A_118 = tpu.memref_slice %arg11[%dma_wait3A_115, %dma_wait3A_116, %dma_wait3A_117] : memref<8x16x64xf32, #tpu.memory_space<vmem>> -> memref<1x16x64xf32, #tpu.memory_space<vmem>>
    %dma_wait3A_119 = tpu.memref_squeeze %dma_wait3A_118 : memref<1x16x64xf32, #tpu.memory_space<vmem>> -> memref<16x64xf32, #tpu.memory_space<vmem>>
    %dma_wait3A_120 = arith.constant 0 : i32
    %dma_wait3A_121 = arith.constant 0 : i32
    %dma_wait3A_122 = tpu.memref_slice %arg4[%dma_wait3A_113, %dma_wait3A_120, %dma_wait3A_114, %dma_wait3A_121] : memref<16x16x16x64xf32, #tpu.memory_space<hbm>> -> memref<1x16x1x64xf32, #tpu.memory_space<hbm>>
    %dma_wait3A_123 = tpu.memref_squeeze %dma_wait3A_122 : memref<1x16x1x64xf32, #tpu.memory_space<hbm>> -> memref<16x64xf32, #tpu.memory_space<hbm>>
    %dma_wait3A_124 = arith.constant 0 : i32
    %dma_wait3A_125 = arith.constant 0 : i32
    %dma_wait3A_126 = tpu.memref_slice %arg11[%dma_wait3A_115, %dma_wait3A_124, %dma_wait3A_125] : memref<8x16x64xf32, #tpu.memory_space<vmem>> -> memref<1x16x64xf32, #tpu.memory_space<vmem>>
    %dma_wait3A_127 = tpu.memref_squeeze %dma_wait3A_126 : memref<1x16x64xf32, #tpu.memory_space<vmem>> -> memref<16x64xf32, #tpu.memory_space<vmem>>
    %dma_wait3A_128 = arith.constant 0 : i32
    %dma_wait3A_129 = arith.constant 0 : i32
    %dma_wait3A_130 = tpu.memref_slice %arg4[%dma_wait3A_113, %dma_wait3A_128, %dma_wait3A_114, %dma_wait3A_129] : memref<16x16x16x64xf32, #tpu.memory_space<hbm>> -> memref<1x16x1x64xf32, #tpu.memory_space<hbm>>
    %dma_wait3A_131 = tpu.memref_squeeze %dma_wait3A_130 : memref<1x16x1x64xf32, #tpu.memory_space<hbm>> -> memref<16x64xf32, #tpu.memory_space<hbm>>
    tpu.wait_dma2 semaphore(%arg17 : memref<!tpu.dma_semaphore, #tpu.memory_space<semaphore_mem>>) src(%dma_wait3A_131 : memref<16x64xf32, #tpu.memory_space<hbm>>) dst(%dma_wait3A_127 : memref<16x64xf32, #tpu.memory_space<vmem>>)
    %dma_wait3A_132 = arith.constant 0 : i32
    %dma_wait3A_133 = arith.constant 0 : i32
    %dma_wait3A_134 = arith.constant 0 : i32
    %dma_wait3A_135 = arith.constant 0 : i32
    %dma_wait3A_136 = arith.constant 0 : i32
    %dma_wait3A_137 = tpu.memref_slice %arg11[%dma_wait3A_134, %dma_wait3A_135, %dma_wait3A_136] : memref<8x16x64xf32, #tpu.memory_space<vmem>> -> memref<1x16x64xf32, #tpu.memory_space<vmem>>
    %dma_wait3A_138 = tpu.memref_squeeze %dma_wait3A_137 : memref<1x16x64xf32, #tpu.memory_space<vmem>> -> memref<16x64xf32, #tpu.memory_space<vmem>>
    %dma_wait3A_139 = arith.constant 0 : i32
    %dma_wait3A_140 = arith.constant 0 : i32
    %dma_wait3A_141 = tpu.memref_slice %arg4[%dma_wait3A_132, %dma_wait3A_139, %dma_wait3A_133, %dma_wait3A_140] : memref<16x16x16x64xf32, #tpu.memory_space<hbm>> -> memref<1x16x1x64xf32, #tpu.memory_space<hbm>>
    %dma_wait3A_142 = tpu.memref_squeeze %dma_wait3A_141 : memref<1x16x1x64xf32, #tpu.memory_space<hbm>> -> memref<16x64xf32, #tpu.memory_space<hbm>>
    %dma_wait3A_143 = arith.constant 0 : i32
    %dma_wait3A_144 = arith.constant 0 : i32
    %dma_wait3A_145 = tpu.memref_slice %arg11[%dma_wait3A_134, %dma_wait3A_143, %dma_wait3A_144] : memref<8x16x64xf32, #tpu.memory_space<vmem>> -> memref<1x16x64xf32, #tpu.memory_space<vmem>>
    %dma_wait3A_146 = tpu.memref_squeeze %dma_wait3A_145 : memref<1x16x64xf32, #tpu.memory_space<vmem>> -> memref<16x64xf32, #tpu.memory_space<vmem>>
    %dma_wait3A_147 = arith.constant 0 : i32
    %dma_wait3A_148 = arith.constant 0 : i32
    %dma_wait3A_149 = tpu.memref_slice %arg4[%dma_wait3A_132, %dma_wait3A_147, %dma_wait3A_133, %dma_wait3A_148] : memref<16x16x16x64xf32, #tpu.memory_space<hbm>> -> memref<1x16x1x64xf32, #tpu.memory_space<hbm>>
    %dma_wait3A_150 = tpu.memref_squeeze %dma_wait3A_149 : memref<1x16x1x64xf32, #tpu.memory_space<hbm>> -> memref<16x64xf32, #tpu.memory_space<hbm>>
    tpu.wait_dma2 semaphore(%arg17 : memref<!tpu.dma_semaphore, #tpu.memory_space<semaphore_mem>>) src(%dma_wait3A_150 : memref<16x64xf32, #tpu.memory_space<hbm>>) dst(%dma_wait3A_146 : memref<16x64xf32, #tpu.memory_space<vmem>>)
    %dma_wait3A_151 = arith.constant 0 : i32
    %dma_wait3A_152 = arith.constant 0 : i32
    %dma_wait3A_153 = arith.constant 0 : i32
    %dma_wait3A_154 = arith.constant 0 : i32
    %dma_wait3A_155 = arith.constant 0 : i32
    %dma_wait3A_156 = tpu.memref_slice %arg11[%dma_wait3A_153, %dma_wait3A_154, %dma_wait3A_155] : memref<8x16x64xf32, #tpu.memory_space<vmem>> -> memref<1x16x64xf32, #tpu.memory_space<vmem>>
    %dma_wait3A_157 = tpu.memref_squeeze %dma_wait3A_156 : memref<1x16x64xf32, #tpu.memory_space<vmem>> -> memref<16x64xf32, #tpu.memory_space<vmem>>
    %dma_wait3A_158 = arith.constant 0 : i32
    %dma_wait3A_159 = arith.constant 0 : i32
    %dma_wait3A_160 = tpu.memref_slice %arg4[%dma_wait3A_151, %dma_wait3A_158, %dma_wait3A_152, %dma_wait3A_159] : memref<16x16x16x64xf32, #tpu.memory_space<hbm>> -> memref<1x16x1x64xf32, #tpu.memory_space<hbm>>
    %dma_wait3A_161 = tpu.memref_squeeze %dma_wait3A_160 : memref<1x16x1x64xf32, #tpu.memory_space<hbm>> -> memref<16x64xf32, #tpu.memory_space<hbm>>
    %dma_wait3A_162 = arith.constant 0 : i32
    %dma_wait3A_163 = arith.constant 0 : i32
    %dma_wait3A_164 = tpu.memref_slice %arg11[%dma_wait3A_153, %dma_wait3A_162, %dma_wait3A_163] : memref<8x16x64xf32, #tpu.memory_space<vmem>> -> memref<1x16x64xf32, #tpu.memory_space<vmem>>
    %dma_wait3A_165 = tpu.memref_squeeze %dma_wait3A_164 : memref<1x16x64xf32, #tpu.memory_space<vmem>> -> memref<16x64xf32, #tpu.memory_space<vmem>>
    %dma_wait3A_166 = arith.constant 0 : i32
    %dma_wait3A_167 = arith.constant 0 : i32
    %dma_wait3A_168 = tpu.memref_slice %arg4[%dma_wait3A_151, %dma_wait3A_166, %dma_wait3A_152, %dma_wait3A_167] : memref<16x16x16x64xf32, #tpu.memory_space<hbm>> -> memref<1x16x1x64xf32, #tpu.memory_space<hbm>>
    %dma_wait3A_169 = tpu.memref_squeeze %dma_wait3A_168 : memref<1x16x1x64xf32, #tpu.memory_space<hbm>> -> memref<16x64xf32, #tpu.memory_space<hbm>>
    tpu.wait_dma2 semaphore(%arg17 : memref<!tpu.dma_semaphore, #tpu.memory_space<semaphore_mem>>) src(%dma_wait3A_169 : memref<16x64xf32, #tpu.memory_space<hbm>>) dst(%dma_wait3A_165 : memref<16x64xf32, #tpu.memory_space<vmem>>)
    %dma_wait3A_170 = arith.constant 0 : i32
    %dma_wait3A_171 = arith.constant 0 : i32
    %dma_wait3A_172 = arith.constant 0 : i32
    %dma_wait3A_173 = arith.constant 0 : i32
    %dma_wait3A_174 = arith.constant 0 : i32
    %dma_wait3A_175 = tpu.memref_slice %arg11[%dma_wait3A_172, %dma_wait3A_173, %dma_wait3A_174] : memref<8x16x64xf32, #tpu.memory_space<vmem>> -> memref<1x16x64xf32, #tpu.memory_space<vmem>>
    %dma_wait3A_176 = tpu.memref_squeeze %dma_wait3A_175 : memref<1x16x64xf32, #tpu.memory_space<vmem>> -> memref<16x64xf32, #tpu.memory_space<vmem>>
    %dma_wait3A_177 = arith.constant 0 : i32
    %dma_wait3A_178 = arith.constant 0 : i32
    %dma_wait3A_179 = tpu.memref_slice %arg4[%dma_wait3A_170, %dma_wait3A_177, %dma_wait3A_171, %dma_wait3A_178] : memref<16x16x16x64xf32, #tpu.memory_space<hbm>> -> memref<1x16x1x64xf32, #tpu.memory_space<hbm>>
    %dma_wait3A_180 = tpu.memref_squeeze %dma_wait3A_179 : memref<1x16x1x64xf32, #tpu.memory_space<hbm>> -> memref<16x64xf32, #tpu.memory_space<hbm>>
    %dma_wait3A_181 = arith.constant 0 : i32
    %dma_wait3A_182 = arith.constant 0 : i32
    %dma_wait3A_183 = tpu.memref_slice %arg11[%dma_wait3A_172, %dma_wait3A_181, %dma_wait3A_182] : memref<8x16x64xf32, #tpu.memory_space<vmem>> -> memref<1x16x64xf32, #tpu.memory_space<vmem>>
    %dma_wait3A_184 = tpu.memref_squeeze %dma_wait3A_183 : memref<1x16x64xf32, #tpu.memory_space<vmem>> -> memref<16x64xf32, #tpu.memory_space<vmem>>
    %dma_wait3A_185 = arith.constant 0 : i32
    %dma_wait3A_186 = arith.constant 0 : i32
    %dma_wait3A_187 = tpu.memref_slice %arg4[%dma_wait3A_170, %dma_wait3A_185, %dma_wait3A_171, %dma_wait3A_186] : memref<16x16x16x64xf32, #tpu.memory_space<hbm>> -> memref<1x16x1x64xf32, #tpu.memory_space<hbm>>
    %dma_wait3A_188 = tpu.memref_squeeze %dma_wait3A_187 : memref<1x16x1x64xf32, #tpu.memory_space<hbm>> -> memref<16x64xf32, #tpu.memory_space<hbm>>
    tpu.wait_dma2 semaphore(%arg17 : memref<!tpu.dma_semaphore, #tpu.memory_space<semaphore_mem>>) src(%dma_wait3A_188 : memref<16x64xf32, #tpu.memory_space<hbm>>) dst(%dma_wait3A_184 : memref<16x64xf32, #tpu.memory_space<vmem>>)
    %scan3A_189 = arith.constant 0 : i32
    %scan3A_190 = arith.constant 0 : i32
    %scan3A_191 = arith.constant 8 : i32
    %scan3A_192 = arith.addi %scan3A_190, %scan3A_191 : i32
    %scan3A_193 = arith.constant 1 : i32
    scf.for %scan3A_359 = %scan3A_190 to %scan3A_192 step %scan3A_193  : i32 {
      %mul3A_360 = arith.constant 8 : i32
      %mul3A_361 = arith.muli %add3A, %mul3A_360 : i32
      %add3A_362 = arith.addi %mul3A_361, %scan3A_359 : i32
      %jit3A = arith.constant 16 : i32
      %div3A = arith.divsi %add3A_362, %jit3A : i32
      %sign3A = arith.constant 0 : i32
      %sign3A_363 = arith.cmpi sgt, %add3A_362, %sign3A : i32
      %sign3A_364 = arith.extui %sign3A_363 : i1 to i32
      %sign3A_365 = arith.constant 0 : i32
      %sign3A_366 = arith.cmpi slt, %add3A_362, %sign3A_365 : i32
      %sign3A_367 = arith.extui %sign3A_366 : i1 to i32
      %sign3A_368 = arith.subi %sign3A_364, %sign3A_367 : i32
      %sign3A_369 = arith.constant 0 : i32
      %sign3A_370 = arith.cmpi sgt, %jit3A, %sign3A_369 : i32
      %sign3A_371 = arith.extui %sign3A_370 : i1 to i32
      %sign3A_372 = arith.constant 0 : i32
      %sign3A_373 = arith.cmpi slt, %jit3A, %sign3A_372 : i32
      %sign3A_374 = arith.extui %sign3A_373 : i1 to i32
      %sign3A_375 = arith.subi %sign3A_371, %sign3A_374 : i32
      %ne3A = arith.cmpi ne, %sign3A_368, %sign3A_375 : i32
      %rem3A = arith.remsi %add3A_362, %jit3A : i32
      %ne3A_376 = arith.constant 0 : i32
      %ne3A_377 = arith.cmpi ne, %rem3A, %ne3A_376 : i32
      %and3A = arith.andi %ne3A, %ne3A_377 : i1
      %sub3A = arith.constant 1 : i32
      %sub3A_378 = arith.subi %div3A, %sub3A : i32
      %select_n3A = arith.select %and3A, %sub3A_378, %div3A : i32
      %jit3A_379 = arith.constant 16 : i32
      %eq3A = arith.constant 0 : i32
      %eq3A_380 = arith.cmpi eq, %jit3A_379, %eq3A : i32
      %jit3A_381 = arith.constant 1 : i32
      %select_n3A_382 = arith.select %eq3A_380, %jit3A_381, %jit3A_379 : i32
      %rem3A_383 = arith.remsi %add3A_362, %select_n3A_382 : i32
      %ne3A_384 = arith.constant 0 : i32
      %ne3A_385 = arith.cmpi ne, %rem3A_383, %ne3A_384 : i32
      %lt3A = arith.constant 0 : i32
      %lt3A_386 = arith.cmpi slt, %rem3A_383, %lt3A : i32
      %lt3A_387 = arith.constant 0 : i32
      %lt3A_388 = arith.cmpi slt, %select_n3A_382, %lt3A_387 : i32
      %ne3A_389 = arith.xori %lt3A_386, %lt3A_388 : i1
      %and3A_390 = arith.andi %ne3A_389, %ne3A_385 : i1
      %add3A_391 = arith.addi %rem3A_383, %select_n3A_382 : i32
      %select_n3A_392 = arith.select %and3A_390, %add3A_391, %rem3A_383 : i32
      %mul3A_393 = arith.constant 4096 : i32
      %mul3A_394 = arith.muli %add3A_362, %mul3A_393 : i32
      %dma_start3A = arith.constant 0 : i32
      %dma_start3A_395 = arith.constant 0 : i32
      %dma_start3A_396 = tpu.memref_slice %arg2[%select_n3A, %dma_start3A, %select_n3A_392, %dma_start3A_395] : memref<16x4096x16x64xf32, #tpu.memory_space<hbm>> -> memref<1x256x1x64xf32, #tpu.memory_space<hbm>>
      %dma_start3A_397 = tpu.memref_squeeze %dma_start3A_396 : memref<1x256x1x64xf32, #tpu.memory_space<hbm>> -> memref<256x64xf32, #tpu.memory_space<hbm>>
      %dma_start3A_398 = arith.constant 0 : i32
      %dma_start3A_399 = arith.constant 0 : i32
      %dma_start3A_400 = tpu.memref_slice %arg2[%select_n3A, %dma_start3A_398, %select_n3A_392, %dma_start3A_399] : memref<16x4096x16x64xf32, #tpu.memory_space<hbm>> -> memref<1x256x1x64xf32, #tpu.memory_space<hbm>>
      %dma_start3A_401 = tpu.memref_squeeze %dma_start3A_400 : memref<1x256x1x64xf32, #tpu.memory_space<hbm>> -> memref<256x64xf32, #tpu.memory_space<hbm>>
      tpu.enqueue_dma source(%dma_start3A_401 : memref<256x64xf32, #tpu.memory_space<hbm>>) target(%arg9 : memref<256x64xf32, #tpu.memory_space<vmem>>) target_semaphore(%arg13 : memref<!tpu.dma_semaphore, #tpu.memory_space<semaphore_mem>>)
      %scan3A_402 = arith.constant 0 : i32
      %scan3A_403 = arith.constant 0 : i32
      %scan3A_404 = arith.constant 8 : i32
      %scan3A_405 = arith.addi %scan3A_403, %scan3A_404 : i32
      %scan3A_406 = arith.constant 1 : i32
      scf.for %scan3A_420 = %scan3A_403 to %scan3A_405 step %scan3A_406  : i32 {
        %mul3A_421 = arith.constant 2 : i32
        %mul3A_422 = arith.muli %mul3A_421, %scan3A_420 : i32
        %mul3A_423 = arith.constant 256 : i32
        %mul3A_424 = arith.muli %mul3A_422, %mul3A_423 : i32
        %dma_wait3A_425 = arith.constant 0 : i32
        %dma_wait3A_426 = tpu.memref_slice %arg2[%select_n3A, %mul3A_424, %select_n3A_392, %dma_wait3A_425] : memref<16x4096x16x64xf32, #tpu.memory_space<hbm>> -> memref<1x256x1x64xf32, #tpu.memory_space<hbm>>
        %dma_wait3A_427 = tpu.memref_squeeze %dma_wait3A_426 : memref<1x256x1x64xf32, #tpu.memory_space<hbm>> -> memref<256x64xf32, #tpu.memory_space<hbm>>
        %dma_wait3A_428 = arith.constant 0 : i32
        %dma_wait3A_429 = tpu.memref_slice %arg2[%select_n3A, %mul3A_424, %select_n3A_392, %dma_wait3A_428] : memref<16x4096x16x64xf32, #tpu.memory_space<hbm>> -> memref<1x256x1x64xf32, #tpu.memory_space<hbm>>
        %dma_wait3A_430 = tpu.memref_squeeze %dma_wait3A_429 : memref<1x256x1x64xf32, #tpu.memory_space<hbm>> -> memref<256x64xf32, #tpu.memory_space<hbm>>
        tpu.wait_dma2 semaphore(%arg13 : memref<!tpu.dma_semaphore, #tpu.memory_space<semaphore_mem>>) src(%dma_wait3A_430 : memref<256x64xf32, #tpu.memory_space<hbm>>) dst(%arg9 : memref<256x64xf32, #tpu.memory_space<vmem>>)
        %gt3A = arith.constant 0 : i32
        %gt3A_431 = arith.cmpi sgt, %scan3A_420, %gt3A : i32
        %convert_element_type3A = arith.extui %gt3A_431 : i1 to i32
        %cond3A = arith.constant 0 : i32
        %cond3A_432 = arith.cmpi ne, %convert_element_type3A, %cond3A : i32
        scf.if %cond3A_432 {
          %sub3A_767 = arith.constant 1 : i32
          %sub3A_768 = arith.subi %mul3A_422, %sub3A_767 : i32
          %mul3A_769 = arith.constant 256 : i32
          %mul3A_770 = arith.muli %sub3A_768, %mul3A_769 : i32
          %add3A_771 = arith.addi %mul3A_394, %mul3A_770 : i32
          %dma_wait3A_772 = arith.constant 0 : i32
          %dma_wait3A_773 = tpu.memref_slice %arg7[%add3A_771, %dma_wait3A_772] : memref<1048576x64xf32, #tpu.memory_space<hbm>> -> memref<256x64xf32, #tpu.memory_space<hbm>>
          %dma_wait3A_774 = arith.constant 0 : i32
          %dma_wait3A_775 = tpu.memref_slice %arg7[%add3A_771, %dma_wait3A_774] : memref<1048576x64xf32, #tpu.memory_space<hbm>> -> memref<256x64xf32, #tpu.memory_space<hbm>>
          tpu.wait_dma2 semaphore(%arg16 : memref<!tpu.dma_semaphore, #tpu.memory_space<semaphore_mem>>) src(%arg10 : memref<256x64xf32, #tpu.memory_space<vmem>>) dst(%dma_wait3A_775 : memref<256x64xf32, #tpu.memory_space<hbm>>)
        } else {
        }
        %add3A_433 = arith.constant 1 : i32
        %add3A_434 = arith.addi %mul3A_422, %add3A_433 : i32
        %mul3A_435 = arith.constant 256 : i32
        %mul3A_436 = arith.muli %add3A_434, %mul3A_435 : i32
        %dma_start3A_437 = arith.constant 0 : i32
        %dma_start3A_438 = tpu.memref_slice %arg2[%select_n3A, %mul3A_436, %select_n3A_392, %dma_start3A_437] : memref<16x4096x16x64xf32, #tpu.memory_space<hbm>> -> memref<1x256x1x64xf32, #tpu.memory_space<hbm>>
        %dma_start3A_439 = tpu.memref_squeeze %dma_start3A_438 : memref<1x256x1x64xf32, #tpu.memory_space<hbm>> -> memref<256x64xf32, #tpu.memory_space<hbm>>
        %dma_start3A_440 = arith.constant 0 : i32
        %dma_start3A_441 = tpu.memref_slice %arg2[%select_n3A, %mul3A_436, %select_n3A_392, %dma_start3A_440] : memref<16x4096x16x64xf32, #tpu.memory_space<hbm>> -> memref<1x256x1x64xf32, #tpu.memory_space<hbm>>
        %dma_start3A_442 = tpu.memref_squeeze %dma_start3A_441 : memref<1x256x1x64xf32, #tpu.memory_space<hbm>> -> memref<256x64xf32, #tpu.memory_space<hbm>>
        tpu.enqueue_dma source(%dma_start3A_442 : memref<256x64xf32, #tpu.memory_space<hbm>>) target(%arg10 : memref<256x64xf32, #tpu.memory_space<vmem>>) target_semaphore(%arg14 : memref<!tpu.dma_semaphore, #tpu.memory_space<semaphore_mem>>)
        %mul3A_443 = arith.constant 256 : i32
        %mul3A_444 = arith.muli %mul3A_422, %mul3A_443 : i32
        %sub3A_445 = arith.subi %squeeze3A, %mul3A_444 : i32
        %ge3A = arith.constant 0 : i32
        %ge3A_446 = arith.cmpi sge, %sub3A_445, %ge3A : i32
        %lt3A_447 = arith.constant 256 : i32
        %lt3A_448 = arith.cmpi slt, %sub3A_445, %lt3A_447 : i32
        %and3A_449 = arith.andi %ge3A_446, %lt3A_448 : i1
        %convert_element_type3A_450 = arith.extui %and3A_449 : i1 to i32
        %cond3A_451 = arith.constant 0 : i32
        %cond3A_452 = arith.cmpi ne, %convert_element_type3A_450, %cond3A_451 : i32
        scf.if %cond3A_452 {
          %get3A_767 = arith.constant 0 : i32
          %get3A_768 = arith.index_cast %scan3A_359 : i32 to index
          %get3A_769 = arith.index_cast %get3A_767 : i32 to index
          %get3A_770 = arith.constant 0 : index
          %get3A_771 = tpu.vector_load %arg11[%get3A_768, %get3A_769, %get3A_770] {strides = array<i32>} : memref<8x16x64xf32, #tpu.memory_space<vmem>>, vector<1x1x16xf32>,
          %get3A_772 = vector.shape_cast %get3A_771 : vector<1x1x16xf32> to vector<16xf32>
          %swap3A = arith.index_cast %sub3A_445 : i32 to index
          %swap3A_773 = arith.constant 0 : index
          %swap3A_774 = tpu.vector_load %arg9[%swap3A, %swap3A_773] {strides = array<i32>} : memref<256x64xf32, #tpu.memory_space<vmem>>, vector<1x16xf32>,
          %swap3A_775 = vector.shape_cast %swap3A_774 : vector<1x16xf32> to vector<16xf32>
          %swap3A_776 = vector.shape_cast %get3A_772 : vector<16xf32> to vector<1x16xf32>
          tpu.vector_store %arg9[%swap3A, %swap3A_773], %swap3A_776 {strides = array<i32>} : memref<256x64xf32, #tpu.memory_space<vmem>>, vector<1x16xf32>,
          %get3A_777 = arith.constant 0 : i32
          %get3A_778 = arith.index_cast %scan3A_359 : i32 to index
          %get3A_779 = arith.index_cast %get3A_777 : i32 to index
          %get3A_780 = arith.constant 16 : index
          %get3A_781 = tpu.vector_load %arg11[%get3A_778, %get3A_779, %get3A_780] {strides = array<i32>} : memref<8x16x64xf32, #tpu.memory_space<vmem>>, vector<1x1x16xf32>,
          %get3A_782 = vector.shape_cast %get3A_781 : vector<1x1x16xf32> to vector<16xf32>
          %swap3A_783 = arith.index_cast %sub3A_445 : i32 to index
          %swap3A_784 = arith.constant 16 : index
          %swap3A_785 = tpu.vector_load %arg9[%swap3A_783, %swap3A_784] {strides = array<i32>} : memref<256x64xf32, #tpu.memory_space<vmem>>, vector<1x16xf32>,
          %swap3A_786 = vector.shape_cast %swap3A_785 : vector<1x16xf32> to vector<16xf32>
          %swap3A_787 = vector.shape_cast %get3A_782 : vector<16xf32> to vector<1x16xf32>
          tpu.vector_store %arg9[%swap3A_783, %swap3A_784], %swap3A_787 {strides = array<i32>} : memref<256x64xf32, #tpu.memory_space<vmem>>, vector<1x16xf32>,
          %get3A_788 = arith.constant 0 : i32
          %get3A_789 = arith.index_cast %scan3A_359 : i32 to index
          %get3A_790 = arith.index_cast %get3A_788 : i32 to index
          %get3A_791 = arith.constant 32 : index
          %get3A_792 = tpu.vector_load %arg11[%get3A_789, %get3A_790, %get3A_791] {strides = array<i32>} : memref<8x16x64xf32, #tpu.memory_space<vmem>>, vector<1x1x16xf32>,
          %get3A_793 = vector.shape_cast %get3A_792 : vector<1x1x16xf32> to vector<16xf32>
          %swap3A_794 = arith.index_cast %sub3A_445 : i32 to index
          %swap3A_795 = arith.constant 32 : index
          %swap3A_796 = tpu.vector_load %arg9[%swap3A_794, %swap3A_795] {strides = array<i32>} : memref<256x64xf32, #tpu.memory_space<vmem>>, vector<1x16xf32>,
          %swap3A_797 = vector.shape_cast %swap3A_796 : vector<1x16xf32> to vector<16xf32>
          %swap3A_798 = vector.shape_cast %get3A_793 : vector<16xf32> to vector<1x16xf32>
          tpu.vector_store %arg9[%swap3A_794, %swap3A_795], %swap3A_798 {strides = array<i32>} : memref<256x64xf32, #tpu.memory_space<vmem>>, vector<1x16xf32>,
          %get3A_799 = arith.constant 0 : i32
          %get3A_800 = arith.index_cast %scan3A_359 : i32 to index
          %get3A_801 = arith.index_cast %get3A_799 : i32 to index
          %get3A_802 = arith.constant 48 : index
          %get3A_803 = tpu.vector_load %arg11[%get3A_800, %get3A_801, %get3A_802] {strides = array<i32>} : memref<8x16x64xf32, #tpu.memory_space<vmem>>, vector<1x1x16xf32>,
          %get3A_804 = vector.shape_cast %get3A_803 : vector<1x1x16xf32> to vector<16xf32>
          %swap3A_805 = arith.index_cast %sub3A_445 : i32 to index
          %swap3A_806 = arith.constant 48 : index
          %swap3A_807 = tpu.vector_load %arg9[%swap3A_805, %swap3A_806] {strides = array<i32>} : memref<256x64xf32, #tpu.memory_space<vmem>>, vector<1x16xf32>,
          %swap3A_808 = vector.shape_cast %swap3A_807 : vector<1x16xf32> to vector<16xf32>
          %swap3A_809 = vector.shape_cast %get3A_804 : vector<16xf32> to vector<1x16xf32>
          tpu.vector_store %arg9[%swap3A_805, %swap3A_806], %swap3A_809 {strides = array<i32>} : memref<256x64xf32, #tpu.memory_space<vmem>>, vector<1x16xf32>,
        } else {
        }
        %sub3A_453 = arith.subi %squeeze3A_4, %mul3A_444 : i32
        %ge3A_454 = arith.constant 0 : i32
        %ge3A_455 = arith.cmpi sge, %sub3A_453, %ge3A_454 : i32
        %lt3A_456 = arith.constant 256 : i32
        %lt3A_457 = arith.cmpi slt, %sub3A_453, %lt3A_456 : i32
        %and3A_458 = arith.andi %ge3A_455, %lt3A_457 : i1
        %convert_element_type3A_459 = arith.extui %and3A_458 : i1 to i32
        %cond3A_460 = arith.constant 0 : i32
        %cond3A_461 = arith.cmpi ne, %convert_element_type3A_459, %cond3A_460 : i32
        scf.if %cond3A_461 {
          %get3A_767 = arith.constant 1 : i32
          %get3A_768 = arith.index_cast %scan3A_359 : i32 to index
          %get3A_769 = arith.index_cast %get3A_767 : i32 to index
          %get3A_770 = arith.constant 0 : index
          %get3A_771 = tpu.vector_load %arg11[%get3A_768, %get3A_769, %get3A_770] {strides = array<i32>} : memref<8x16x64xf32, #tpu.memory_space<vmem>>, vector<1x1x16xf32>,
          %get3A_772 = vector.shape_cast %get3A_771 : vector<1x1x16xf32> to vector<16xf32>
          %swap3A = arith.index_cast %sub3A_453 : i32 to index
          %swap3A_773 = arith.constant 0 : index
          %swap3A_774 = tpu.vector_load %arg9[%swap3A, %swap3A_773] {strides = array<i32>} : memref<256x64xf32, #tpu.memory_space<vmem>>, vector<1x16xf32>,
          %swap3A_775 = vector.shape_cast %swap3A_774 : vector<1x16xf32> to vector<16xf32>
          %swap3A_776 = vector.shape_cast %get3A_772 : vector<16xf32> to vector<1x16xf32>
          tpu.vector_store %arg9[%swap3A, %swap3A_773], %swap3A_776 {strides = array<i32>} : memref<256x64xf32, #tpu.memory_space<vmem>>, vector<1x16xf32>,
          %get3A_777 = arith.constant 1 : i32
          %get3A_778 = arith.index_cast %scan3A_359 : i32 to index
          %get3A_779 = arith.index_cast %get3A_777 : i32 to index
          %get3A_780 = arith.constant 16 : index
          %get3A_781 = tpu.vector_load %arg11[%get3A_778, %get3A_779, %get3A_780] {strides = array<i32>} : memref<8x16x64xf32, #tpu.memory_space<vmem>>, vector<1x1x16xf32>,
          %get3A_782 = vector.shape_cast %get3A_781 : vector<1x1x16xf32> to vector<16xf32>
          %swap3A_783 = arith.index_cast %sub3A_453 : i32 to index
          %swap3A_784 = arith.constant 16 : index
          %swap3A_785 = tpu.vector_load %arg9[%swap3A_783, %swap3A_784] {strides = array<i32>} : memref<256x64xf32, #tpu.memory_space<vmem>>, vector<1x16xf32>,
          %swap3A_786 = vector.shape_cast %swap3A_785 : vector<1x16xf32> to vector<16xf32>
          %swap3A_787 = vector.shape_cast %get3A_782 : vector<16xf32> to vector<1x16xf32>
          tpu.vector_store %arg9[%swap3A_783, %swap3A_784], %swap3A_787 {strides = array<i32>} : memref<256x64xf32, #tpu.memory_space<vmem>>, vector<1x16xf32>,
          %get3A_788 = arith.constant 1 : i32
          %get3A_789 = arith.index_cast %scan3A_359 : i32 to index
          %get3A_790 = arith.index_cast %get3A_788 : i32 to index
          %get3A_791 = arith.constant 32 : index
          %get3A_792 = tpu.vector_load %arg11[%get3A_789, %get3A_790, %get3A_791] {strides = array<i32>} : memref<8x16x64xf32, #tpu.memory_space<vmem>>, vector<1x1x16xf32>,
          %get3A_793 = vector.shape_cast %get3A_792 : vector<1x1x16xf32> to vector<16xf32>
          %swap3A_794 = arith.index_cast %sub3A_453 : i32 to index
          %swap3A_795 = arith.constant 32 : index
          %swap3A_796 = tpu.vector_load %arg9[%swap3A_794, %swap3A_795] {strides = array<i32>} : memref<256x64xf32, #tpu.memory_space<vmem>>, vector<1x16xf32>,
          %swap3A_797 = vector.shape_cast %swap3A_796 : vector<1x16xf32> to vector<16xf32>
          %swap3A_798 = vector.shape_cast %get3A_793 : vector<16xf32> to vector<1x16xf32>
          tpu.vector_store %arg9[%swap3A_794, %swap3A_795], %swap3A_798 {strides = array<i32>} : memref<256x64xf32, #tpu.memory_space<vmem>>, vector<1x16xf32>,
          %get3A_799 = arith.constant 1 : i32
          %get3A_800 = arith.index_cast %scan3A_359 : i32 to index
          %get3A_801 = arith.index_cast %get3A_799 : i32 to index
          %get3A_802 = arith.constant 48 : index
          %get3A_803 = tpu.vector_load %arg11[%get3A_800, %get3A_801, %get3A_802] {strides = array<i32>} : memref<8x16x64xf32, #tpu.memory_space<vmem>>, vector<1x1x16xf32>,
          %get3A_804 = vector.shape_cast %get3A_803 : vector<1x1x16xf32> to vector<16xf32>
          %swap3A_805 = arith.index_cast %sub3A_453 : i32 to index
          %swap3A_806 = arith.constant 48 : index
          %swap3A_807 = tpu.vector_load %arg9[%swap3A_805, %swap3A_806] {strides = array<i32>} : memref<256x64xf32, #tpu.memory_space<vmem>>, vector<1x16xf32>,
          %swap3A_808 = vector.shape_cast %swap3A_807 : vector<1x16xf32> to vector<16xf32>
          %swap3A_809 = vector.shape_cast %get3A_804 : vector<16xf32> to vector<1x16xf32>
          tpu.vector_store %arg9[%swap3A_805, %swap3A_806], %swap3A_809 {strides = array<i32>} : memref<256x64xf32, #tpu.memory_space<vmem>>, vector<1x16xf32>,
        } else {
        }
        %sub3A_462 = arith.subi %squeeze3A_6, %mul3A_444 : i32
        %ge3A_463 = arith.constant 0 : i32
        %ge3A_464 = arith.cmpi sge, %sub3A_462, %ge3A_463 : i32
        %lt3A_465 = arith.constant 256 : i32
        %lt3A_466 = arith.cmpi slt, %sub3A_462, %lt3A_465 : i32
        %and3A_467 = arith.andi %ge3A_464, %lt3A_466 : i1
        %convert_element_type3A_468 = arith.extui %and3A_467 : i1 to i32
        %cond3A_469 = arith.constant 0 : i32
        %cond3A_470 = arith.cmpi ne, %convert_element_type3A_468, %cond3A_469 : i32
        scf.if %cond3A_470 {
          %get3A_767 = arith.constant 2 : i32
          %get3A_768 = arith.index_cast %scan3A_359 : i32 to index
          %get3A_769 = arith.index_cast %get3A_767 : i32 to index
          %get3A_770 = arith.constant 0 : index
          %get3A_771 = tpu.vector_load %arg11[%get3A_768, %get3A_769, %get3A_770] {strides = array<i32>} : memref<8x16x64xf32, #tpu.memory_space<vmem>>, vector<1x1x16xf32>,
          %get3A_772 = vector.shape_cast %get3A_771 : vector<1x1x16xf32> to vector<16xf32>
          %swap3A = arith.index_cast %sub3A_462 : i32 to index
          %swap3A_773 = arith.constant 0 : index
          %swap3A_774 = tpu.vector_load %arg9[%swap3A, %swap3A_773] {strides = array<i32>} : memref<256x64xf32, #tpu.memory_space<vmem>>, vector<1x16xf32>,
          %swap3A_775 = vector.shape_cast %swap3A_774 : vector<1x16xf32> to vector<16xf32>
          %swap3A_776 = vector.shape_cast %get3A_772 : vector<16xf32> to vector<1x16xf32>
          tpu.vector_store %arg9[%swap3A, %swap3A_773], %swap3A_776 {strides = array<i32>} : memref<256x64xf32, #tpu.memory_space<vmem>>, vector<1x16xf32>,
          %get3A_777 = arith.constant 2 : i32
          %get3A_778 = arith.index_cast %scan3A_359 : i32 to index
          %get3A_779 = arith.index_cast %get3A_777 : i32 to index
          %get3A_780 = arith.constant 16 : index
          %get3A_781 = tpu.vector_load %arg11[%get3A_778, %get3A_779, %get3A_780] {strides = array<i32>} : memref<8x16x64xf32, #tpu.memory_space<vmem>>, vector<1x1x16xf32>,
          %get3A_782 = vector.shape_cast %get3A_781 : vector<1x1x16xf32> to vector<16xf32>
          %swap3A_783 = arith.index_cast %sub3A_462 : i32 to index
          %swap3A_784 = arith.constant 16 : index
          %swap3A_785 = tpu.vector_load %arg9[%swap3A_783, %swap3A_784] {strides = array<i32>} : memref<256x64xf32, #tpu.memory_space<vmem>>, vector<1x16xf32>,
          %swap3A_786 = vector.shape_cast %swap3A_785 : vector<1x16xf32> to vector<16xf32>
          %swap3A_787 = vector.shape_cast %get3A_782 : vector<16xf32> to vector<1x16xf32>
          tpu.vector_store %arg9[%swap3A_783, %swap3A_784], %swap3A_787 {strides = array<i32>} : memref<256x64xf32, #tpu.memory_space<vmem>>, vector<1x16xf32>,
          %get3A_788 = arith.constant 2 : i32
          %get3A_789 = arith.index_cast %scan3A_359 : i32 to index
          %get3A_790 = arith.index_cast %get3A_788 : i32 to index
          %get3A_791 = arith.constant 32 : index
          %get3A_792 = tpu.vector_load %arg11[%get3A_789, %get3A_790, %get3A_791] {strides = array<i32>} : memref<8x16x64xf32, #tpu.memory_space<vmem>>, vector<1x1x16xf32>,
          %get3A_793 = vector.shape_cast %get3A_792 : vector<1x1x16xf32> to vector<16xf32>
          %swap3A_794 = arith.index_cast %sub3A_462 : i32 to index
          %swap3A_795 = arith.constant 32 : index
          %swap3A_796 = tpu.vector_load %arg9[%swap3A_794, %swap3A_795] {strides = array<i32>} : memref<256x64xf32, #tpu.memory_space<vmem>>, vector<1x16xf32>,
          %swap3A_797 = vector.shape_cast %swap3A_796 : vector<1x16xf32> to vector<16xf32>
          %swap3A_798 = vector.shape_cast %get3A_793 : vector<16xf32> to vector<1x16xf32>
          tpu.vector_store %arg9[%swap3A_794, %swap3A_795], %swap3A_798 {strides = array<i32>} : memref<256x64xf32, #tpu.memory_space<vmem>>, vector<1x16xf32>,
          %get3A_799 = arith.constant 2 : i32
          %get3A_800 = arith.index_cast %scan3A_359 : i32 to index
          %get3A_801 = arith.index_cast %get3A_799 : i32 to index
          %get3A_802 = arith.constant 48 : index
          %get3A_803 = tpu.vector_load %arg11[%get3A_800, %get3A_801, %get3A_802] {strides = array<i32>} : memref<8x16x64xf32, #tpu.memory_space<vmem>>, vector<1x1x16xf32>,
          %get3A_804 = vector.shape_cast %get3A_803 : vector<1x1x16xf32> to vector<16xf32>
          %swap3A_805 = arith.index_cast %sub3A_462 : i32 to index
          %swap3A_806 = arith.constant 48 : index
          %swap3A_807 = tpu.vector_load %arg9[%swap3A_805, %swap3A_806] {strides = array<i32>} : memref<256x64xf32, #tpu.memory_space<vmem>>, vector<1x16xf32>,
          %swap3A_808 = vector.shape_cast %swap3A_807 : vector<1x16xf32> to vector<16xf32>
          %swap3A_809 = vector.shape_cast %get3A_804 : vector<16xf32> to vector<1x16xf32>
          tpu.vector_store %arg9[%swap3A_805, %swap3A_806], %swap3A_809 {strides = array<i32>} : memref<256x64xf32, #tpu.memory_space<vmem>>, vector<1x16xf32>,
        } else {
        }
        %sub3A_471 = arith.subi %squeeze3A_8, %mul3A_444 : i32
        %ge3A_472 = arith.constant 0 : i32
        %ge3A_473 = arith.cmpi sge, %sub3A_471, %ge3A_472 : i32
        %lt3A_474 = arith.constant 256 : i32
        %lt3A_475 = arith.cmpi slt, %sub3A_471, %lt3A_474 : i32
        %and3A_476 = arith.andi %ge3A_473, %lt3A_475 : i1
        %convert_element_type3A_477 = arith.extui %and3A_476 : i1 to i32
        %cond3A_478 = arith.constant 0 : i32
        %cond3A_479 = arith.cmpi ne, %convert_element_type3A_477, %cond3A_478 : i32
        scf.if %cond3A_479 {
          %get3A_767 = arith.constant 3 : i32
          %get3A_768 = arith.index_cast %scan3A_359 : i32 to index
          %get3A_769 = arith.index_cast %get3A_767 : i32 to index
          %get3A_770 = arith.constant 0 : index
          %get3A_771 = tpu.vector_load %arg11[%get3A_768, %get3A_769, %get3A_770] {strides = array<i32>} : memref<8x16x64xf32, #tpu.memory_space<vmem>>, vector<1x1x16xf32>,
          %get3A_772 = vector.shape_cast %get3A_771 : vector<1x1x16xf32> to vector<16xf32>
          %swap3A = arith.index_cast %sub3A_471 : i32 to index
          %swap3A_773 = arith.constant 0 : index
          %swap3A_774 = tpu.vector_load %arg9[%swap3A, %swap3A_773] {strides = array<i32>} : memref<256x64xf32, #tpu.memory_space<vmem>>, vector<1x16xf32>,
          %swap3A_775 = vector.shape_cast %swap3A_774 : vector<1x16xf32> to vector<16xf32>
          %swap3A_776 = vector.shape_cast %get3A_772 : vector<16xf32> to vector<1x16xf32>
          tpu.vector_store %arg9[%swap3A, %swap3A_773], %swap3A_776 {strides = array<i32>} : memref<256x64xf32, #tpu.memory_space<vmem>>, vector<1x16xf32>,
          %get3A_777 = arith.constant 3 : i32
          %get3A_778 = arith.index_cast %scan3A_359 : i32 to index
          %get3A_779 = arith.index_cast %get3A_777 : i32 to index
          %get3A_780 = arith.constant 16 : index
          %get3A_781 = tpu.vector_load %arg11[%get3A_778, %get3A_779, %get3A_780] {strides = array<i32>} : memref<8x16x64xf32, #tpu.memory_space<vmem>>, vector<1x1x16xf32>,
          %get3A_782 = vector.shape_cast %get3A_781 : vector<1x1x16xf32> to vector<16xf32>
          %swap3A_783 = arith.index_cast %sub3A_471 : i32 to index
          %swap3A_784 = arith.constant 16 : index
          %swap3A_785 = tpu.vector_load %arg9[%swap3A_783, %swap3A_784] {strides = array<i32>} : memref<256x64xf32, #tpu.memory_space<vmem>>, vector<1x16xf32>,
          %swap3A_786 = vector.shape_cast %swap3A_785 : vector<1x16xf32> to vector<16xf32>
          %swap3A_787 = vector.shape_cast %get3A_782 : vector<16xf32> to vector<1x16xf32>
          tpu.vector_store %arg9[%swap3A_783, %swap3A_784], %swap3A_787 {strides = array<i32>} : memref<256x64xf32, #tpu.memory_space<vmem>>, vector<1x16xf32>,
          %get3A_788 = arith.constant 3 : i32
          %get3A_789 = arith.index_cast %scan3A_359 : i32 to index
          %get3A_790 = arith.index_cast %get3A_788 : i32 to index
          %get3A_791 = arith.constant 32 : index
          %get3A_792 = tpu.vector_load %arg11[%get3A_789, %get3A_790, %get3A_791] {strides = array<i32>} : memref<8x16x64xf32, #tpu.memory_space<vmem>>, vector<1x1x16xf32>,
          %get3A_793 = vector.shape_cast %get3A_792 : vector<1x1x16xf32> to vector<16xf32>
          %swap3A_794 = arith.index_cast %sub3A_471 : i32 to index
          %swap3A_795 = arith.constant 32 : index
          %swap3A_796 = tpu.vector_load %arg9[%swap3A_794, %swap3A_795] {strides = array<i32>} : memref<256x64xf32, #tpu.memory_space<vmem>>, vector<1x16xf32>,
          %swap3A_797 = vector.shape_cast %swap3A_796 : vector<1x16xf32> to vector<16xf32>
          %swap3A_798 = vector.shape_cast %get3A_793 : vector<16xf32> to vector<1x16xf32>
          tpu.vector_store %arg9[%swap3A_794, %swap3A_795], %swap3A_798 {strides = array<i32>} : memref<256x64xf32, #tpu.memory_space<vmem>>, vector<1x16xf32>,
          %get3A_799 = arith.constant 3 : i32
          %get3A_800 = arith.index_cast %scan3A_359 : i32 to index
          %get3A_801 = arith.index_cast %get3A_799 : i32 to index
          %get3A_802 = arith.constant 48 : index
          %get3A_803 = tpu.vector_load %arg11[%get3A_800, %get3A_801, %get3A_802] {strides = array<i32>} : memref<8x16x64xf32, #tpu.memory_space<vmem>>, vector<1x1x16xf32>,
          %get3A_804 = vector.shape_cast %get3A_803 : vector<1x1x16xf32> to vector<16xf32>
          %swap3A_805 = arith.index_cast %sub3A_471 : i32 to index
          %swap3A_806 = arith.constant 48 : index
          %swap3A_807 = tpu.vector_load %arg9[%swap3A_805, %swap3A_806] {strides = array<i32>} : memref<256x64xf32, #tpu.memory_space<vmem>>, vector<1x16xf32>,
          %swap3A_808 = vector.shape_cast %swap3A_807 : vector<1x16xf32> to vector<16xf32>
          %swap3A_809 = vector.shape_cast %get3A_804 : vector<16xf32> to vector<1x16xf32>
          tpu.vector_store %arg9[%swap3A_805, %swap3A_806], %swap3A_809 {strides = array<i32>} : memref<256x64xf32, #tpu.memory_space<vmem>>, vector<1x16xf32>,
        } else {
        }
        %sub3A_480 = arith.subi %squeeze3A_10, %mul3A_444 : i32
        %ge3A_481 = arith.constant 0 : i32
        %ge3A_482 = arith.cmpi sge, %sub3A_480, %ge3A_481 : i32
        %lt3A_483 = arith.constant 256 : i32
        %lt3A_484 = arith.cmpi slt, %sub3A_480, %lt3A_483 : i32
        %and3A_485 = arith.andi %ge3A_482, %lt3A_484 : i1
        %convert_element_type3A_486 = arith.extui %and3A_485 : i1 to i32
        %cond3A_487 = arith.constant 0 : i32
        %cond3A_488 = arith.cmpi ne, %convert_element_type3A_486, %cond3A_487 : i32
        scf.if %cond3A_488 {
          %get3A_767 = arith.constant 4 : i32
          %get3A_768 = arith.index_cast %scan3A_359 : i32 to index
          %get3A_769 = arith.index_cast %get3A_767 : i32 to index
          %get3A_770 = arith.constant 0 : index
          %get3A_771 = tpu.vector_load %arg11[%get3A_768, %get3A_769, %get3A_770] {strides = array<i32>} : memref<8x16x64xf32, #tpu.memory_space<vmem>>, vector<1x1x16xf32>,
          %get3A_772 = vector.shape_cast %get3A_771 : vector<1x1x16xf32> to vector<16xf32>
          %swap3A = arith.index_cast %sub3A_480 : i32 to index
          %swap3A_773 = arith.constant 0 : index
          %swap3A_774 = tpu.vector_load %arg9[%swap3A, %swap3A_773] {strides = array<i32>} : memref<256x64xf32, #tpu.memory_space<vmem>>, vector<1x16xf32>,
          %swap3A_775 = vector.shape_cast %swap3A_774 : vector<1x16xf32> to vector<16xf32>
          %swap3A_776 = vector.shape_cast %get3A_772 : vector<16xf32> to vector<1x16xf32>
          tpu.vector_store %arg9[%swap3A, %swap3A_773], %swap3A_776 {strides = array<i32>} : memref<256x64xf32, #tpu.memory_space<vmem>>, vector<1x16xf32>,
          %get3A_777 = arith.constant 4 : i32
          %get3A_778 = arith.index_cast %scan3A_359 : i32 to index
          %get3A_779 = arith.index_cast %get3A_777 : i32 to index
          %get3A_780 = arith.constant 16 : index
          %get3A_781 = tpu.vector_load %arg11[%get3A_778, %get3A_779, %get3A_780] {strides = array<i32>} : memref<8x16x64xf32, #tpu.memory_space<vmem>>, vector<1x1x16xf32>,
          %get3A_782 = vector.shape_cast %get3A_781 : vector<1x1x16xf32> to vector<16xf32>
          %swap3A_783 = arith.index_cast %sub3A_480 : i32 to index
          %swap3A_784 = arith.constant 16 : index
          %swap3A_785 = tpu.vector_load %arg9[%swap3A_783, %swap3A_784] {strides = array<i32>} : memref<256x64xf32, #tpu.memory_space<vmem>>, vector<1x16xf32>,
          %swap3A_786 = vector.shape_cast %swap3A_785 : vector<1x16xf32> to vector<16xf32>
          %swap3A_787 = vector.shape_cast %get3A_782 : vector<16xf32> to vector<1x16xf32>
          tpu.vector_store %arg9[%swap3A_783, %swap3A_784], %swap3A_787 {strides = array<i32>} : memref<256x64xf32, #tpu.memory_space<vmem>>, vector<1x16xf32>,
          %get3A_788 = arith.constant 4 : i32
          %get3A_789 = arith.index_cast %scan3A_359 : i32 to index
          %get3A_790 = arith.index_cast %get3A_788 : i32 to index
          %get3A_791 = arith.constant 32 : index
          %get3A_792 = tpu.vector_load %arg11[%get3A_789, %get3A_790, %get3A_791] {strides = array<i32>} : memref<8x16x64xf32, #tpu.memory_space<vmem>>, vector<1x1x16xf32>,
          %get3A_793 = vector.shape_cast %get3A_792 : vector<1x1x16xf32> to vector<16xf32>
          %swap3A_794 = arith.index_cast %sub3A_480 : i32 to index
          %swap3A_795 = arith.constant 32 : index
          %swap3A_796 = tpu.vector_load %arg9[%swap3A_794, %swap3A_795] {strides = array<i32>} : memref<256x64xf32, #tpu.memory_space<vmem>>, vector<1x16xf32>,
          %swap3A_797 = vector.shape_cast %swap3A_796 : vector<1x16xf32> to vector<16xf32>
          %swap3A_798 = vector.shape_cast %get3A_793 : vector<16xf32> to vector<1x16xf32>
          tpu.vector_store %arg9[%swap3A_794, %swap3A_795], %swap3A_798 {strides = array<i32>} : memref<256x64xf32, #tpu.memory_space<vmem>>, vector<1x16xf32>,
          %get3A_799 = arith.constant 4 : i32
          %get3A_800 = arith.index_cast %scan3A_359 : i32 to index
          %get3A_801 = arith.index_cast %get3A_799 : i32 to index
          %get3A_802 = arith.constant 48 : index
          %get3A_803 = tpu.vector_load %arg11[%get3A_800, %get3A_801, %get3A_802] {strides = array<i32>} : memref<8x16x64xf32, #tpu.memory_space<vmem>>, vector<1x1x16xf32>,
          %get3A_804 = vector.shape_cast %get3A_803 : vector<1x1x16xf32> to vector<16xf32>
          %swap3A_805 = arith.index_cast %sub3A_480 : i32 to index
          %swap3A_806 = arith.constant 48 : index
          %swap3A_807 = tpu.vector_load %arg9[%swap3A_805, %swap3A_806] {strides = array<i32>} : memref<256x64xf32, #tpu.memory_space<vmem>>, vector<1x16xf32>,
          %swap3A_808 = vector.shape_cast %swap3A_807 : vector<1x16xf32> to vector<16xf32>
          %swap3A_809 = vector.shape_cast %get3A_804 : vector<16xf32> to vector<1x16xf32>
          tpu.vector_store %arg9[%swap3A_805, %swap3A_806], %swap3A_809 {strides = array<i32>} : memref<256x64xf32, #tpu.memory_space<vmem>>, vector<1x16xf32>,
        } else {
        }
        %sub3A_489 = arith.subi %squeeze3A_12, %mul3A_444 : i32
        %ge3A_490 = arith.constant 0 : i32
        %ge3A_491 = arith.cmpi sge, %sub3A_489, %ge3A_490 : i32
        %lt3A_492 = arith.constant 256 : i32
        %lt3A_493 = arith.cmpi slt, %sub3A_489, %lt3A_492 : i32
        %and3A_494 = arith.andi %ge3A_491, %lt3A_493 : i1
        %convert_element_type3A_495 = arith.extui %and3A_494 : i1 to i32
        %cond3A_496 = arith.constant 0 : i32
        %cond3A_497 = arith.cmpi ne, %convert_element_type3A_495, %cond3A_496 : i32
        scf.if %cond3A_497 {
          %get3A_767 = arith.constant 5 : i32
          %get3A_768 = arith.index_cast %scan3A_359 : i32 to index
          %get3A_769 = arith.index_cast %get3A_767 : i32 to index
          %get3A_770 = arith.constant 0 : index
          %get3A_771 = tpu.vector_load %arg11[%get3A_768, %get3A_769, %get3A_770] {strides = array<i32>} : memref<8x16x64xf32, #tpu.memory_space<vmem>>, vector<1x1x16xf32>,
          %get3A_772 = vector.shape_cast %get3A_771 : vector<1x1x16xf32> to vector<16xf32>
          %swap3A = arith.index_cast %sub3A_489 : i32 to index
          %swap3A_773 = arith.constant 0 : index
          %swap3A_774 = tpu.vector_load %arg9[%swap3A, %swap3A_773] {strides = array<i32>} : memref<256x64xf32, #tpu.memory_space<vmem>>, vector<1x16xf32>,
          %swap3A_775 = vector.shape_cast %swap3A_774 : vector<1x16xf32> to vector<16xf32>
          %swap3A_776 = vector.shape_cast %get3A_772 : vector<16xf32> to vector<1x16xf32>
          tpu.vector_store %arg9[%swap3A, %swap3A_773], %swap3A_776 {strides = array<i32>} : memref<256x64xf32, #tpu.memory_space<vmem>>, vector<1x16xf32>,
          %get3A_777 = arith.constant 5 : i32
          %get3A_778 = arith.index_cast %scan3A_359 : i32 to index
          %get3A_779 = arith.index_cast %get3A_777 : i32 to index
          %get3A_780 = arith.constant 16 : index
          %get3A_781 = tpu.vector_load %arg11[%get3A_778, %get3A_779, %get3A_780] {strides = array<i32>} : memref<8x16x64xf32, #tpu.memory_space<vmem>>, vector<1x1x16xf32>,
          %get3A_782 = vector.shape_cast %get3A_781 : vector<1x1x16xf32> to vector<16xf32>
          %swap3A_783 = arith.index_cast %sub3A_489 : i32 to index
          %swap3A_784 = arith.constant 16 : index
          %swap3A_785 = tpu.vector_load %arg9[%swap3A_783, %swap3A_784] {strides = array<i32>} : memref<256x64xf32, #tpu.memory_space<vmem>>, vector<1x16xf32>,
          %swap3A_786 = vector.shape_cast %swap3A_785 : vector<1x16xf32> to vector<16xf32>
          %swap3A_787 = vector.shape_cast %get3A_782 : vector<16xf32> to vector<1x16xf32>
          tpu.vector_store %arg9[%swap3A_783, %swap3A_784], %swap3A_787 {strides = array<i32>} : memref<256x64xf32, #tpu.memory_space<vmem>>, vector<1x16xf32>,
          %get3A_788 = arith.constant 5 : i32
          %get3A_789 = arith.index_cast %scan3A_359 : i32 to index
          %get3A_790 = arith.index_cast %get3A_788 : i32 to index
          %get3A_791 = arith.constant 32 : index
          %get3A_792 = tpu.vector_load %arg11[%get3A_789, %get3A_790, %get3A_791] {strides = array<i32>} : memref<8x16x64xf32, #tpu.memory_space<vmem>>, vector<1x1x16xf32>,
          %get3A_793 = vector.shape_cast %get3A_792 : vector<1x1x16xf32> to vector<16xf32>
          %swap3A_794 = arith.index_cast %sub3A_489 : i32 to index
          %swap3A_795 = arith.constant 32 : index
          %swap3A_796 = tpu.vector_load %arg9[%swap3A_794, %swap3A_795] {strides = array<i32>} : memref<256x64xf32, #tpu.memory_space<vmem>>, vector<1x16xf32>,
          %swap3A_797 = vector.shape_cast %swap3A_796 : vector<1x16xf32> to vector<16xf32>
          %swap3A_798 = vector.shape_cast %get3A_793 : vector<16xf32> to vector<1x16xf32>
          tpu.vector_store %arg9[%swap3A_794, %swap3A_795], %swap3A_798 {strides = array<i32>} : memref<256x64xf32, #tpu.memory_space<vmem>>, vector<1x16xf32>,
          %get3A_799 = arith.constant 5 : i32
          %get3A_800 = arith.index_cast %scan3A_359 : i32 to index
          %get3A_801 = arith.index_cast %get3A_799 : i32 to index
          %get3A_802 = arith.constant 48 : index
          %get3A_803 = tpu.vector_load %arg11[%get3A_800, %get3A_801, %get3A_802] {strides = array<i32>} : memref<8x16x64xf32, #tpu.memory_space<vmem>>, vector<1x1x16xf32>,
          %get3A_804 = vector.shape_cast %get3A_803 : vector<1x1x16xf32> to vector<16xf32>
          %swap3A_805 = arith.index_cast %sub3A_489 : i32 to index
          %swap3A_806 = arith.constant 48 : index
          %swap3A_807 = tpu.vector_load %arg9[%swap3A_805, %swap3A_806] {strides = array<i32>} : memref<256x64xf32, #tpu.memory_space<vmem>>, vector<1x16xf32>,
          %swap3A_808 = vector.shape_cast %swap3A_807 : vector<1x16xf32> to vector<16xf32>
          %swap3A_809 = vector.shape_cast %get3A_804 : vector<16xf32> to vector<1x16xf32>
          tpu.vector_store %arg9[%swap3A_805, %swap3A_806], %swap3A_809 {strides = array<i32>} : memref<256x64xf32, #tpu.memory_space<vmem>>, vector<1x16xf32>,
        } else {
        }
        %sub3A_498 = arith.subi %squeeze3A_14, %mul3A_444 : i32
        %ge3A_499 = arith.constant 0 : i32
        %ge3A_500 = arith.cmpi sge, %sub3A_498, %ge3A_499 : i32
        %lt3A_501 = arith.constant 256 : i32
        %lt3A_502 = arith.cmpi slt, %sub3A_498, %lt3A_501 : i32
        %and3A_503 = arith.andi %ge3A_500, %lt3A_502 : i1
        %convert_element_type3A_504 = arith.extui %and3A_503 : i1 to i32
        %cond3A_505 = arith.constant 0 : i32
        %cond3A_506 = arith.cmpi ne, %convert_element_type3A_504, %cond3A_505 : i32
        scf.if %cond3A_506 {
          %get3A_767 = arith.constant 6 : i32
          %get3A_768 = arith.index_cast %scan3A_359 : i32 to index
          %get3A_769 = arith.index_cast %get3A_767 : i32 to index
          %get3A_770 = arith.constant 0 : index
          %get3A_771 = tpu.vector_load %arg11[%get3A_768, %get3A_769, %get3A_770] {strides = array<i32>} : memref<8x16x64xf32, #tpu.memory_space<vmem>>, vector<1x1x16xf32>,
          %get3A_772 = vector.shape_cast %get3A_771 : vector<1x1x16xf32> to vector<16xf32>
          %swap3A = arith.index_cast %sub3A_498 : i32 to index
          %swap3A_773 = arith.constant 0 : index
          %swap3A_774 = tpu.vector_load %arg9[%swap3A, %swap3A_773] {strides = array<i32>} : memref<256x64xf32, #tpu.memory_space<vmem>>, vector<1x16xf32>,
          %swap3A_775 = vector.shape_cast %swap3A_774 : vector<1x16xf32> to vector<16xf32>
          %swap3A_776 = vector.shape_cast %get3A_772 : vector<16xf32> to vector<1x16xf32>
          tpu.vector_store %arg9[%swap3A, %swap3A_773], %swap3A_776 {strides = array<i32>} : memref<256x64xf32, #tpu.memory_space<vmem>>, vector<1x16xf32>,
          %get3A_777 = arith.constant 6 : i32
          %get3A_778 = arith.index_cast %scan3A_359 : i32 to index
          %get3A_779 = arith.index_cast %get3A_777 : i32 to index
          %get3A_780 = arith.constant 16 : index
          %get3A_781 = tpu.vector_load %arg11[%get3A_778, %get3A_779, %get3A_780] {strides = array<i32>} : memref<8x16x64xf32, #tpu.memory_space<vmem>>, vector<1x1x16xf32>,
          %get3A_782 = vector.shape_cast %get3A_781 : vector<1x1x16xf32> to vector<16xf32>
          %swap3A_783 = arith.index_cast %sub3A_498 : i32 to index
          %swap3A_784 = arith.constant 16 : index
          %swap3A_785 = tpu.vector_load %arg9[%swap3A_783, %swap3A_784] {strides = array<i32>} : memref<256x64xf32, #tpu.memory_space<vmem>>, vector<1x16xf32>,
          %swap3A_786 = vector.shape_cast %swap3A_785 : vector<1x16xf32> to vector<16xf32>
          %swap3A_787 = vector.shape_cast %get3A_782 : vector<16xf32> to vector<1x16xf32>
          tpu.vector_store %arg9[%swap3A_783, %swap3A_784], %swap3A_787 {strides = array<i32>} : memref<256x64xf32, #tpu.memory_space<vmem>>, vector<1x16xf32>,
          %get3A_788 = arith.constant 6 : i32
          %get3A_789 = arith.index_cast %scan3A_359 : i32 to index
          %get3A_790 = arith.index_cast %get3A_788 : i32 to index
          %get3A_791 = arith.constant 32 : index
          %get3A_792 = tpu.vector_load %arg11[%get3A_789, %get3A_790, %get3A_791] {strides = array<i32>} : memref<8x16x64xf32, #tpu.memory_space<vmem>>, vector<1x1x16xf32>,
          %get3A_793 = vector.shape_cast %get3A_792 : vector<1x1x16xf32> to vector<16xf32>
          %swap3A_794 = arith.index_cast %sub3A_498 : i32 to index
          %swap3A_795 = arith.constant 32 : index
          %swap3A_796 = tpu.vector_load %arg9[%swap3A_794, %swap3A_795] {strides = array<i32>} : memref<256x64xf32, #tpu.memory_space<vmem>>, vector<1x16xf32>,
          %swap3A_797 = vector.shape_cast %swap3A_796 : vector<1x16xf32> to vector<16xf32>
          %swap3A_798 = vector.shape_cast %get3A_793 : vector<16xf32> to vector<1x16xf32>
          tpu.vector_store %arg9[%swap3A_794, %swap3A_795], %swap3A_798 {strides = array<i32>} : memref<256x64xf32, #tpu.memory_space<vmem>>, vector<1x16xf32>,
          %get3A_799 = arith.constant 6 : i32
          %get3A_800 = arith.index_cast %scan3A_359 : i32 to index
          %get3A_801 = arith.index_cast %get3A_799 : i32 to index
          %get3A_802 = arith.constant 48 : index
          %get3A_803 = tpu.vector_load %arg11[%get3A_800, %get3A_801, %get3A_802] {strides = array<i32>} : memref<8x16x64xf32, #tpu.memory_space<vmem>>, vector<1x1x16xf32>,
          %get3A_804 = vector.shape_cast %get3A_803 : vector<1x1x16xf32> to vector<16xf32>
          %swap3A_805 = arith.index_cast %sub3A_498 : i32 to index
          %swap3A_806 = arith.constant 48 : index
          %swap3A_807 = tpu.vector_load %arg9[%swap3A_805, %swap3A_806] {strides = array<i32>} : memref<256x64xf32, #tpu.memory_space<vmem>>, vector<1x16xf32>,
          %swap3A_808 = vector.shape_cast %swap3A_807 : vector<1x16xf32> to vector<16xf32>
          %swap3A_809 = vector.shape_cast %get3A_804 : vector<16xf32> to vector<1x16xf32>
          tpu.vector_store %arg9[%swap3A_805, %swap3A_806], %swap3A_809 {strides = array<i32>} : memref<256x64xf32, #tpu.memory_space<vmem>>, vector<1x16xf32>,
        } else {
        }
        %sub3A_507 = arith.subi %squeeze3A_16, %mul3A_444 : i32
        %ge3A_508 = arith.constant 0 : i32
        %ge3A_509 = arith.cmpi sge, %sub3A_507, %ge3A_508 : i32
        %lt3A_510 = arith.constant 256 : i32
        %lt3A_511 = arith.cmpi slt, %sub3A_507, %lt3A_510 : i32
        %and3A_512 = arith.andi %ge3A_509, %lt3A_511 : i1
        %convert_element_type3A_513 = arith.extui %and3A_512 : i1 to i32
        %cond3A_514 = arith.constant 0 : i32
        %cond3A_515 = arith.cmpi ne, %convert_element_type3A_513, %cond3A_514 : i32
        scf.if %cond3A_515 {
          %get3A_767 = arith.constant 7 : i32
          %get3A_768 = arith.index_cast %scan3A_359 : i32 to index
          %get3A_769 = arith.index_cast %get3A_767 : i32 to index
          %get3A_770 = arith.constant 0 : index
          %get3A_771 = tpu.vector_load %arg11[%get3A_768, %get3A_769, %get3A_770] {strides = array<i32>} : memref<8x16x64xf32, #tpu.memory_space<vmem>>, vector<1x1x16xf32>,
          %get3A_772 = vector.shape_cast %get3A_771 : vector<1x1x16xf32> to vector<16xf32>
          %swap3A = arith.index_cast %sub3A_507 : i32 to index
          %swap3A_773 = arith.constant 0 : index
          %swap3A_774 = tpu.vector_load %arg9[%swap3A, %swap3A_773] {strides = array<i32>} : memref<256x64xf32, #tpu.memory_space<vmem>>, vector<1x16xf32>,
          %swap3A_775 = vector.shape_cast %swap3A_774 : vector<1x16xf32> to vector<16xf32>
          %swap3A_776 = vector.shape_cast %get3A_772 : vector<16xf32> to vector<1x16xf32>
          tpu.vector_store %arg9[%swap3A, %swap3A_773], %swap3A_776 {strides = array<i32>} : memref<256x64xf32, #tpu.memory_space<vmem>>, vector<1x16xf32>,
          %get3A_777 = arith.constant 7 : i32
          %get3A_778 = arith.index_cast %scan3A_359 : i32 to index
          %get3A_779 = arith.index_cast %get3A_777 : i32 to index
          %get3A_780 = arith.constant 16 : index
          %get3A_781 = tpu.vector_load %arg11[%get3A_778, %get3A_779, %get3A_780] {strides = array<i32>} : memref<8x16x64xf32, #tpu.memory_space<vmem>>, vector<1x1x16xf32>,
          %get3A_782 = vector.shape_cast %get3A_781 : vector<1x1x16xf32> to vector<16xf32>
          %swap3A_783 = arith.index_cast %sub3A_507 : i32 to index
          %swap3A_784 = arith.constant 16 : index
          %swap3A_785 = tpu.vector_load %arg9[%swap3A_783, %swap3A_784] {strides = array<i32>} : memref<256x64xf32, #tpu.memory_space<vmem>>, vector<1x16xf32>,
          %swap3A_786 = vector.shape_cast %swap3A_785 : vector<1x16xf32> to vector<16xf32>
          %swap3A_787 = vector.shape_cast %get3A_782 : vector<16xf32> to vector<1x16xf32>
          tpu.vector_store %arg9[%swap3A_783, %swap3A_784], %swap3A_787 {strides = array<i32>} : memref<256x64xf32, #tpu.memory_space<vmem>>, vector<1x16xf32>,
          %get3A_788 = arith.constant 7 : i32
          %get3A_789 = arith.index_cast %scan3A_359 : i32 to index
          %get3A_790 = arith.index_cast %get3A_788 : i32 to index
          %get3A_791 = arith.constant 32 : index
          %get3A_792 = tpu.vector_load %arg11[%get3A_789, %get3A_790, %get3A_791] {strides = array<i32>} : memref<8x16x64xf32, #tpu.memory_space<vmem>>, vector<1x1x16xf32>,
          %get3A_793 = vector.shape_cast %get3A_792 : vector<1x1x16xf32> to vector<16xf32>
          %swap3A_794 = arith.index_cast %sub3A_507 : i32 to index
          %swap3A_795 = arith.constant 32 : index
          %swap3A_796 = tpu.vector_load %arg9[%swap3A_794, %swap3A_795] {strides = array<i32>} : memref<256x64xf32, #tpu.memory_space<vmem>>, vector<1x16xf32>,
          %swap3A_797 = vector.shape_cast %swap3A_796 : vector<1x16xf32> to vector<16xf32>
          %swap3A_798 = vector.shape_cast %get3A_793 : vector<16xf32> to vector<1x16xf32>
          tpu.vector_store %arg9[%swap3A_794, %swap3A_795], %swap3A_798 {strides = array<i32>} : memref<256x64xf32, #tpu.memory_space<vmem>>, vector<1x16xf32>,
          %get3A_799 = arith.constant 7 : i32
          %get3A_800 = arith.index_cast %scan3A_359 : i32 to index
          %get3A_801 = arith.index_cast %get3A_799 : i32 to index
          %get3A_802 = arith.constant 48 : index
          %get3A_803 = tpu.vector_load %arg11[%get3A_800, %get3A_801, %get3A_802] {strides = array<i32>} : memref<8x16x64xf32, #tpu.memory_space<vmem>>, vector<1x1x16xf32>,
          %get3A_804 = vector.shape_cast %get3A_803 : vector<1x1x16xf32> to vector<16xf32>
          %swap3A_805 = arith.index_cast %sub3A_507 : i32 to index
          %swap3A_806 = arith.constant 48 : index
          %swap3A_807 = tpu.vector_load %arg9[%swap3A_805, %swap3A_806] {strides = array<i32>} : memref<256x64xf32, #tpu.memory_space<vmem>>, vector<1x16xf32>,
          %swap3A_808 = vector.shape_cast %swap3A_807 : vector<1x16xf32> to vector<16xf32>
          %swap3A_809 = vector.shape_cast %get3A_804 : vector<16xf32> to vector<1x16xf32>
          tpu.vector_store %arg9[%swap3A_805, %swap3A_806], %swap3A_809 {strides = array<i32>} : memref<256x64xf32, #tpu.memory_space<vmem>>, vector<1x16xf32>,
        } else {
        }
        %sub3A_516 = arith.subi %squeeze3A_18, %mul3A_444 : i32
        %ge3A_517 = arith.constant 0 : i32
        %ge3A_518 = arith.cmpi sge, %sub3A_516, %ge3A_517 : i32
        %lt3A_519 = arith.constant 256 : i32
        %lt3A_520 = arith.cmpi slt, %sub3A_516, %lt3A_519 : i32
        %and3A_521 = arith.andi %ge3A_518, %lt3A_520 : i1
        %convert_element_type3A_522 = arith.extui %and3A_521 : i1 to i32
        %cond3A_523 = arith.constant 0 : i32
        %cond3A_524 = arith.cmpi ne, %convert_element_type3A_522, %cond3A_523 : i32
        scf.if %cond3A_524 {
          %get3A_767 = arith.constant 8 : i32
          %get3A_768 = arith.index_cast %scan3A_359 : i32 to index
          %get3A_769 = arith.index_cast %get3A_767 : i32 to index
          %get3A_770 = arith.constant 0 : index
          %get3A_771 = tpu.vector_load %arg11[%get3A_768, %get3A_769, %get3A_770] {strides = array<i32>} : memref<8x16x64xf32, #tpu.memory_space<vmem>>, vector<1x1x16xf32>,
          %get3A_772 = vector.shape_cast %get3A_771 : vector<1x1x16xf32> to vector<16xf32>
          %swap3A = arith.index_cast %sub3A_516 : i32 to index
          %swap3A_773 = arith.constant 0 : index
          %swap3A_774 = tpu.vector_load %arg9[%swap3A, %swap3A_773] {strides = array<i32>} : memref<256x64xf32, #tpu.memory_space<vmem>>, vector<1x16xf32>,
          %swap3A_775 = vector.shape_cast %swap3A_774 : vector<1x16xf32> to vector<16xf32>
          %swap3A_776 = vector.shape_cast %get3A_772 : vector<16xf32> to vector<1x16xf32>
          tpu.vector_store %arg9[%swap3A, %swap3A_773], %swap3A_776 {strides = array<i32>} : memref<256x64xf32, #tpu.memory_space<vmem>>, vector<1x16xf32>,
          %get3A_777 = arith.constant 8 : i32
          %get3A_778 = arith.index_cast %scan3A_359 : i32 to index
          %get3A_779 = arith.index_cast %get3A_777 : i32 to index
          %get3A_780 = arith.constant 16 : index
          %get3A_781 = tpu.vector_load %arg11[%get3A_778, %get3A_779, %get3A_780] {strides = array<i32>} : memref<8x16x64xf32, #tpu.memory_space<vmem>>, vector<1x1x16xf32>,
          %get3A_782 = vector.shape_cast %get3A_781 : vector<1x1x16xf32> to vector<16xf32>
          %swap3A_783 = arith.index_cast %sub3A_516 : i32 to index
          %swap3A_784 = arith.constant 16 : index
          %swap3A_785 = tpu.vector_load %arg9[%swap3A_783, %swap3A_784] {strides = array<i32>} : memref<256x64xf32, #tpu.memory_space<vmem>>, vector<1x16xf32>,
          %swap3A_786 = vector.shape_cast %swap3A_785 : vector<1x16xf32> to vector<16xf32>
          %swap3A_787 = vector.shape_cast %get3A_782 : vector<16xf32> to vector<1x16xf32>
          tpu.vector_store %arg9[%swap3A_783, %swap3A_784], %swap3A_787 {strides = array<i32>} : memref<256x64xf32, #tpu.memory_space<vmem>>, vector<1x16xf32>,
          %get3A_788 = arith.constant 8 : i32
          %get3A_789 = arith.index_cast %scan3A_359 : i32 to index
          %get3A_790 = arith.index_cast %get3A_788 : i32 to index
          %get3A_791 = arith.constant 32 : index
          %get3A_792 = tpu.vector_load %arg11[%get3A_789, %get3A_790, %get3A_791] {strides = array<i32>} : memref<8x16x64xf32, #tpu.memory_space<vmem>>, vector<1x1x16xf32>,
          %get3A_793 = vector.shape_cast %get3A_792 : vector<1x1x16xf32> to vector<16xf32>
          %swap3A_794 = arith.index_cast %sub3A_516 : i32 to index
          %swap3A_795 = arith.constant 32 : index
          %swap3A_796 = tpu.vector_load %arg9[%swap3A_794, %swap3A_795] {strides = array<i32>} : memref<256x64xf32, #tpu.memory_space<vmem>>, vector<1x16xf32>,
          %swap3A_797 = vector.shape_cast %swap3A_796 : vector<1x16xf32> to vector<16xf32>
          %swap3A_798 = vector.shape_cast %get3A_793 : vector<16xf32> to vector<1x16xf32>
          tpu.vector_store %arg9[%swap3A_794, %swap3A_795], %swap3A_798 {strides = array<i32>} : memref<256x64xf32, #tpu.memory_space<vmem>>, vector<1x16xf32>,
          %get3A_799 = arith.constant 8 : i32
          %get3A_800 = arith.index_cast %scan3A_359 : i32 to index
          %get3A_801 = arith.index_cast %get3A_799 : i32 to index
          %get3A_802 = arith.constant 48 : index
          %get3A_803 = tpu.vector_load %arg11[%get3A_800, %get3A_801, %get3A_802] {strides = array<i32>} : memref<8x16x64xf32, #tpu.memory_space<vmem>>, vector<1x1x16xf32>,
          %get3A_804 = vector.shape_cast %get3A_803 : vector<1x1x16xf32> to vector<16xf32>
          %swap3A_805 = arith.index_cast %sub3A_516 : i32 to index
          %swap3A_806 = arith.constant 48 : index
          %swap3A_807 = tpu.vector_load %arg9[%swap3A_805, %swap3A_806] {strides = array<i32>} : memref<256x64xf32, #tpu.memory_space<vmem>>, vector<1x16xf32>,
          %swap3A_808 = vector.shape_cast %swap3A_807 : vector<1x16xf32> to vector<16xf32>
          %swap3A_809 = vector.shape_cast %get3A_804 : vector<16xf32> to vector<1x16xf32>
          tpu.vector_store %arg9[%swap3A_805, %swap3A_806], %swap3A_809 {strides = array<i32>} : memref<256x64xf32, #tpu.memory_space<vmem>>, vector<1x16xf32>,
        } else {
        }
        %sub3A_525 = arith.subi %squeeze3A_20, %mul3A_444 : i32
        %ge3A_526 = arith.constant 0 : i32
        %ge3A_527 = arith.cmpi sge, %sub3A_525, %ge3A_526 : i32
        %lt3A_528 = arith.constant 256 : i32
        %lt3A_529 = arith.cmpi slt, %sub3A_525, %lt3A_528 : i32
        %and3A_530 = arith.andi %ge3A_527, %lt3A_529 : i1
        %convert_element_type3A_531 = arith.extui %and3A_530 : i1 to i32
        %cond3A_532 = arith.constant 0 : i32
        %cond3A_533 = arith.cmpi ne, %convert_element_type3A_531, %cond3A_532 : i32
        scf.if %cond3A_533 {
          %get3A_767 = arith.constant 9 : i32
          %get3A_768 = arith.index_cast %scan3A_359 : i32 to index
          %get3A_769 = arith.index_cast %get3A_767 : i32 to index
          %get3A_770 = arith.constant 0 : index
          %get3A_771 = tpu.vector_load %arg11[%get3A_768, %get3A_769, %get3A_770] {strides = array<i32>} : memref<8x16x64xf32, #tpu.memory_space<vmem>>, vector<1x1x16xf32>,
          %get3A_772 = vector.shape_cast %get3A_771 : vector<1x1x16xf32> to vector<16xf32>
          %swap3A = arith.index_cast %sub3A_525 : i32 to index
          %swap3A_773 = arith.constant 0 : index
          %swap3A_774 = tpu.vector_load %arg9[%swap3A, %swap3A_773] {strides = array<i32>} : memref<256x64xf32, #tpu.memory_space<vmem>>, vector<1x16xf32>,
          %swap3A_775 = vector.shape_cast %swap3A_774 : vector<1x16xf32> to vector<16xf32>
          %swap3A_776 = vector.shape_cast %get3A_772 : vector<16xf32> to vector<1x16xf32>
          tpu.vector_store %arg9[%swap3A, %swap3A_773], %swap3A_776 {strides = array<i32>} : memref<256x64xf32, #tpu.memory_space<vmem>>, vector<1x16xf32>,
          %get3A_777 = arith.constant 9 : i32
          %get3A_778 = arith.index_cast %scan3A_359 : i32 to index
          %get3A_779 = arith.index_cast %get3A_777 : i32 to index
          %get3A_780 = arith.constant 16 : index
          %get3A_781 = tpu.vector_load %arg11[%get3A_778, %get3A_779, %get3A_780] {strides = array<i32>} : memref<8x16x64xf32, #tpu.memory_space<vmem>>, vector<1x1x16xf32>,
          %get3A_782 = vector.shape_cast %get3A_781 : vector<1x1x16xf32> to vector<16xf32>
          %swap3A_783 = arith.index_cast %sub3A_525 : i32 to index
          %swap3A_784 = arith.constant 16 : index
          %swap3A_785 = tpu.vector_load %arg9[%swap3A_783, %swap3A_784] {strides = array<i32>} : memref<256x64xf32, #tpu.memory_space<vmem>>, vector<1x16xf32>,
          %swap3A_786 = vector.shape_cast %swap3A_785 : vector<1x16xf32> to vector<16xf32>
          %swap3A_787 = vector.shape_cast %get3A_782 : vector<16xf32> to vector<1x16xf32>
          tpu.vector_store %arg9[%swap3A_783, %swap3A_784], %swap3A_787 {strides = array<i32>} : memref<256x64xf32, #tpu.memory_space<vmem>>, vector<1x16xf32>,
          %get3A_788 = arith.constant 9 : i32
          %get3A_789 = arith.index_cast %scan3A_359 : i32 to index
          %get3A_790 = arith.index_cast %get3A_788 : i32 to index
          %get3A_791 = arith.constant 32 : index
          %get3A_792 = tpu.vector_load %arg11[%get3A_789, %get3A_790, %get3A_791] {strides = array<i32>} : memref<8x16x64xf32, #tpu.memory_space<vmem>>, vector<1x1x16xf32>,
          %get3A_793 = vector.shape_cast %get3A_792 : vector<1x1x16xf32> to vector<16xf32>
          %swap3A_794 = arith.index_cast %sub3A_525 : i32 to index
          %swap3A_795 = arith.constant 32 : index
          %swap3A_796 = tpu.vector_load %arg9[%swap3A_794, %swap3A_795] {strides = array<i32>} : memref<256x64xf32, #tpu.memory_space<vmem>>, vector<1x16xf32>,
          %swap3A_797 = vector.shape_cast %swap3A_796 : vector<1x16xf32> to vector<16xf32>
          %swap3A_798 = vector.shape_cast %get3A_793 : vector<16xf32> to vector<1x16xf32>
          tpu.vector_store %arg9[%swap3A_794, %swap3A_795], %swap3A_798 {strides = array<i32>} : memref<256x64xf32, #tpu.memory_space<vmem>>, vector<1x16xf32>,
          %get3A_799 = arith.constant 9 : i32
          %get3A_800 = arith.index_cast %scan3A_359 : i32 to index
          %get3A_801 = arith.index_cast %get3A_799 : i32 to index
          %get3A_802 = arith.constant 48 : index
          %get3A_803 = tpu.vector_load %arg11[%get3A_800, %get3A_801, %get3A_802] {strides = array<i32>} : memref<8x16x64xf32, #tpu.memory_space<vmem>>, vector<1x1x16xf32>,
          %get3A_804 = vector.shape_cast %get3A_803 : vector<1x1x16xf32> to vector<16xf32>
          %swap3A_805 = arith.index_cast %sub3A_525 : i32 to index
          %swap3A_806 = arith.constant 48 : index
          %swap3A_807 = tpu.vector_load %arg9[%swap3A_805, %swap3A_806] {strides = array<i32>} : memref<256x64xf32, #tpu.memory_space<vmem>>, vector<1x16xf32>,
          %swap3A_808 = vector.shape_cast %swap3A_807 : vector<1x16xf32> to vector<16xf32>
          %swap3A_809 = vector.shape_cast %get3A_804 : vector<16xf32> to vector<1x16xf32>
          tpu.vector_store %arg9[%swap3A_805, %swap3A_806], %swap3A_809 {strides = array<i32>} : memref<256x64xf32, #tpu.memory_space<vmem>>, vector<1x16xf32>,
        } else {
        }
        %sub3A_534 = arith.subi %squeeze3A_22, %mul3A_444 : i32
        %ge3A_535 = arith.constant 0 : i32
        %ge3A_536 = arith.cmpi sge, %sub3A_534, %ge3A_535 : i32
        %lt3A_537 = arith.constant 256 : i32
        %lt3A_538 = arith.cmpi slt, %sub3A_534, %lt3A_537 : i32
        %and3A_539 = arith.andi %ge3A_536, %lt3A_538 : i1
        %convert_element_type3A_540 = arith.extui %and3A_539 : i1 to i32
        %cond3A_541 = arith.constant 0 : i32
        %cond3A_542 = arith.cmpi ne, %convert_element_type3A_540, %cond3A_541 : i32
        scf.if %cond3A_542 {
          %get3A_767 = arith.constant 10 : i32
          %get3A_768 = arith.index_cast %scan3A_359 : i32 to index
          %get3A_769 = arith.index_cast %get3A_767 : i32 to index
          %get3A_770 = arith.constant 0 : index
          %get3A_771 = tpu.vector_load %arg11[%get3A_768, %get3A_769, %get3A_770] {strides = array<i32>} : memref<8x16x64xf32, #tpu.memory_space<vmem>>, vector<1x1x16xf32>,
          %get3A_772 = vector.shape_cast %get3A_771 : vector<1x1x16xf32> to vector<16xf32>
          %swap3A = arith.index_cast %sub3A_534 : i32 to index
          %swap3A_773 = arith.constant 0 : index
          %swap3A_774 = tpu.vector_load %arg9[%swap3A, %swap3A_773] {strides = array<i32>} : memref<256x64xf32, #tpu.memory_space<vmem>>, vector<1x16xf32>,
          %swap3A_775 = vector.shape_cast %swap3A_774 : vector<1x16xf32> to vector<16xf32>
          %swap3A_776 = vector.shape_cast %get3A_772 : vector<16xf32> to vector<1x16xf32>
          tpu.vector_store %arg9[%swap3A, %swap3A_773], %swap3A_776 {strides = array<i32>} : memref<256x64xf32, #tpu.memory_space<vmem>>, vector<1x16xf32>,
          %get3A_777 = arith.constant 10 : i32
          %get3A_778 = arith.index_cast %scan3A_359 : i32 to index
          %get3A_779 = arith.index_cast %get3A_777 : i32 to index
          %get3A_780 = arith.constant 16 : index
          %get3A_781 = tpu.vector_load %arg11[%get3A_778, %get3A_779, %get3A_780] {strides = array<i32>} : memref<8x16x64xf32, #tpu.memory_space<vmem>>, vector<1x1x16xf32>,
          %get3A_782 = vector.shape_cast %get3A_781 : vector<1x1x16xf32> to vector<16xf32>
          %swap3A_783 = arith.index_cast %sub3A_534 : i32 to index
          %swap3A_784 = arith.constant 16 : index
          %swap3A_785 = tpu.vector_load %arg9[%swap3A_783, %swap3A_784] {strides = array<i32>} : memref<256x64xf32, #tpu.memory_space<vmem>>, vector<1x16xf32>,
          %swap3A_786 = vector.shape_cast %swap3A_785 : vector<1x16xf32> to vector<16xf32>
          %swap3A_787 = vector.shape_cast %get3A_782 : vector<16xf32> to vector<1x16xf32>
          tpu.vector_store %arg9[%swap3A_783, %swap3A_784], %swap3A_787 {strides = array<i32>} : memref<256x64xf32, #tpu.memory_space<vmem>>, vector<1x16xf32>,
          %get3A_788 = arith.constant 10 : i32
          %get3A_789 = arith.index_cast %scan3A_359 : i32 to index
          %get3A_790 = arith.index_cast %get3A_788 : i32 to index
          %get3A_791 = arith.constant 32 : index
          %get3A_792 = tpu.vector_load %arg11[%get3A_789, %get3A_790, %get3A_791] {strides = array<i32>} : memref<8x16x64xf32, #tpu.memory_space<vmem>>, vector<1x1x16xf32>,
          %get3A_793 = vector.shape_cast %get3A_792 : vector<1x1x16xf32> to vector<16xf32>
          %swap3A_794 = arith.index_cast %sub3A_534 : i32 to index
          %swap3A_795 = arith.constant 32 : index
          %swap3A_796 = tpu.vector_load %arg9[%swap3A_794, %swap3A_795] {strides = array<i32>} : memref<256x64xf32, #tpu.memory_space<vmem>>, vector<1x16xf32>,
          %swap3A_797 = vector.shape_cast %swap3A_796 : vector<1x16xf32> to vector<16xf32>
          %swap3A_798 = vector.shape_cast %get3A_793 : vector<16xf32> to vector<1x16xf32>
          tpu.vector_store %arg9[%swap3A_794, %swap3A_795], %swap3A_798 {strides = array<i32>} : memref<256x64xf32, #tpu.memory_space<vmem>>, vector<1x16xf32>,
          %get3A_799 = arith.constant 10 : i32
          %get3A_800 = arith.index_cast %scan3A_359 : i32 to index
          %get3A_801 = arith.index_cast %get3A_799 : i32 to index
          %get3A_802 = arith.constant 48 : index
          %get3A_803 = tpu.vector_load %arg11[%get3A_800, %get3A_801, %get3A_802] {strides = array<i32>} : memref<8x16x64xf32, #tpu.memory_space<vmem>>, vector<1x1x16xf32>,
          %get3A_804 = vector.shape_cast %get3A_803 : vector<1x1x16xf32> to vector<16xf32>
          %swap3A_805 = arith.index_cast %sub3A_534 : i32 to index
          %swap3A_806 = arith.constant 48 : index
          %swap3A_807 = tpu.vector_load %arg9[%swap3A_805, %swap3A_806] {strides = array<i32>} : memref<256x64xf32, #tpu.memory_space<vmem>>, vector<1x16xf32>,
          %swap3A_808 = vector.shape_cast %swap3A_807 : vector<1x16xf32> to vector<16xf32>
          %swap3A_809 = vector.shape_cast %get3A_804 : vector<16xf32> to vector<1x16xf32>
          tpu.vector_store %arg9[%swap3A_805, %swap3A_806], %swap3A_809 {strides = array<i32>} : memref<256x64xf32, #tpu.memory_space<vmem>>, vector<1x16xf32>,
        } else {
        }
        %sub3A_543 = arith.subi %squeeze3A_24, %mul3A_444 : i32
        %ge3A_544 = arith.constant 0 : i32
        %ge3A_545 = arith.cmpi sge, %sub3A_543, %ge3A_544 : i32
        %lt3A_546 = arith.constant 256 : i32
        %lt3A_547 = arith.cmpi slt, %sub3A_543, %lt3A_546 : i32
        %and3A_548 = arith.andi %ge3A_545, %lt3A_547 : i1
        %convert_element_type3A_549 = arith.extui %and3A_548 : i1 to i32
        %cond3A_550 = arith.constant 0 : i32
        %cond3A_551 = arith.cmpi ne, %convert_element_type3A_549, %cond3A_550 : i32
        scf.if %cond3A_551 {
          %get3A_767 = arith.constant 11 : i32
          %get3A_768 = arith.index_cast %scan3A_359 : i32 to index
          %get3A_769 = arith.index_cast %get3A_767 : i32 to index
          %get3A_770 = arith.constant 0 : index
          %get3A_771 = tpu.vector_load %arg11[%get3A_768, %get3A_769, %get3A_770] {strides = array<i32>} : memref<8x16x64xf32, #tpu.memory_space<vmem>>, vector<1x1x16xf32>,
          %get3A_772 = vector.shape_cast %get3A_771 : vector<1x1x16xf32> to vector<16xf32>
          %swap3A = arith.index_cast %sub3A_543 : i32 to index
          %swap3A_773 = arith.constant 0 : index
          %swap3A_774 = tpu.vector_load %arg9[%swap3A, %swap3A_773] {strides = array<i32>} : memref<256x64xf32, #tpu.memory_space<vmem>>, vector<1x16xf32>,
          %swap3A_775 = vector.shape_cast %swap3A_774 : vector<1x16xf32> to vector<16xf32>
          %swap3A_776 = vector.shape_cast %get3A_772 : vector<16xf32> to vector<1x16xf32>
          tpu.vector_store %arg9[%swap3A, %swap3A_773], %swap3A_776 {strides = array<i32>} : memref<256x64xf32, #tpu.memory_space<vmem>>, vector<1x16xf32>,
          %get3A_777 = arith.constant 11 : i32
          %get3A_778 = arith.index_cast %scan3A_359 : i32 to index
          %get3A_779 = arith.index_cast %get3A_777 : i32 to index
          %get3A_780 = arith.constant 16 : index
          %get3A_781 = tpu.vector_load %arg11[%get3A_778, %get3A_779, %get3A_780] {strides = array<i32>} : memref<8x16x64xf32, #tpu.memory_space<vmem>>, vector<1x1x16xf32>,
          %get3A_782 = vector.shape_cast %get3A_781 : vector<1x1x16xf32> to vector<16xf32>
          %swap3A_783 = arith.index_cast %sub3A_543 : i32 to index
          %swap3A_784 = arith.constant 16 : index
          %swap3A_785 = tpu.vector_load %arg9[%swap3A_783, %swap3A_784] {strides = array<i32>} : memref<256x64xf32, #tpu.memory_space<vmem>>, vector<1x16xf32>,
          %swap3A_786 = vector.shape_cast %swap3A_785 : vector<1x16xf32> to vector<16xf32>
          %swap3A_787 = vector.shape_cast %get3A_782 : vector<16xf32> to vector<1x16xf32>
          tpu.vector_store %arg9[%swap3A_783, %swap3A_784], %swap3A_787 {strides = array<i32>} : memref<256x64xf32, #tpu.memory_space<vmem>>, vector<1x16xf32>,
          %get3A_788 = arith.constant 11 : i32
          %get3A_789 = arith.index_cast %scan3A_359 : i32 to index
          %get3A_790 = arith.index_cast %get3A_788 : i32 to index
          %get3A_791 = arith.constant 32 : index
          %get3A_792 = tpu.vector_load %arg11[%get3A_789, %get3A_790, %get3A_791] {strides = array<i32>} : memref<8x16x64xf32, #tpu.memory_space<vmem>>, vector<1x1x16xf32>,
          %get3A_793 = vector.shape_cast %get3A_792 : vector<1x1x16xf32> to vector<16xf32>
          %swap3A_794 = arith.index_cast %sub3A_543 : i32 to index
          %swap3A_795 = arith.constant 32 : index
          %swap3A_796 = tpu.vector_load %arg9[%swap3A_794, %swap3A_795] {strides = array<i32>} : memref<256x64xf32, #tpu.memory_space<vmem>>, vector<1x16xf32>,
          %swap3A_797 = vector.shape_cast %swap3A_796 : vector<1x16xf32> to vector<16xf32>
          %swap3A_798 = vector.shape_cast %get3A_793 : vector<16xf32> to vector<1x16xf32>
          tpu.vector_store %arg9[%swap3A_794, %swap3A_795], %swap3A_798 {strides = array<i32>} : memref<256x64xf32, #tpu.memory_space<vmem>>, vector<1x16xf32>,
          %get3A_799 = arith.constant 11 : i32
          %get3A_800 = arith.index_cast %scan3A_359 : i32 to index
          %get3A_801 = arith.index_cast %get3A_799 : i32 to index
          %get3A_802 = arith.constant 48 : index
          %get3A_803 = tpu.vector_load %arg11[%get3A_800, %get3A_801, %get3A_802] {strides = array<i32>} : memref<8x16x64xf32, #tpu.memory_space<vmem>>, vector<1x1x16xf32>,
          %get3A_804 = vector.shape_cast %get3A_803 : vector<1x1x16xf32> to vector<16xf32>
          %swap3A_805 = arith.index_cast %sub3A_543 : i32 to index
          %swap3A_806 = arith.constant 48 : index
          %swap3A_807 = tpu.vector_load %arg9[%swap3A_805, %swap3A_806] {strides = array<i32>} : memref<256x64xf32, #tpu.memory_space<vmem>>, vector<1x16xf32>,
          %swap3A_808 = vector.shape_cast %swap3A_807 : vector<1x16xf32> to vector<16xf32>
          %swap3A_809 = vector.shape_cast %get3A_804 : vector<16xf32> to vector<1x16xf32>
          tpu.vector_store %arg9[%swap3A_805, %swap3A_806], %swap3A_809 {strides = array<i32>} : memref<256x64xf32, #tpu.memory_space<vmem>>, vector<1x16xf32>,
        } else {
        }
        %sub3A_552 = arith.subi %squeeze3A_26, %mul3A_444 : i32
        %ge3A_553 = arith.constant 0 : i32
        %ge3A_554 = arith.cmpi sge, %sub3A_552, %ge3A_553 : i32
        %lt3A_555 = arith.constant 256 : i32
        %lt3A_556 = arith.cmpi slt, %sub3A_552, %lt3A_555 : i32
        %and3A_557 = arith.andi %ge3A_554, %lt3A_556 : i1
        %convert_element_type3A_558 = arith.extui %and3A_557 : i1 to i32
        %cond3A_559 = arith.constant 0 : i32
        %cond3A_560 = arith.cmpi ne, %convert_element_type3A_558, %cond3A_559 : i32
        scf.if %cond3A_560 {
          %get3A_767 = arith.constant 12 : i32
          %get3A_768 = arith.index_cast %scan3A_359 : i32 to index
          %get3A_769 = arith.index_cast %get3A_767 : i32 to index
          %get3A_770 = arith.constant 0 : index
          %get3A_771 = tpu.vector_load %arg11[%get3A_768, %get3A_769, %get3A_770] {strides = array<i32>} : memref<8x16x64xf32, #tpu.memory_space<vmem>>, vector<1x1x16xf32>,
          %get3A_772 = vector.shape_cast %get3A_771 : vector<1x1x16xf32> to vector<16xf32>
          %swap3A = arith.index_cast %sub3A_552 : i32 to index
          %swap3A_773 = arith.constant 0 : index
          %swap3A_774 = tpu.vector_load %arg9[%swap3A, %swap3A_773] {strides = array<i32>} : memref<256x64xf32, #tpu.memory_space<vmem>>, vector<1x16xf32>,
          %swap3A_775 = vector.shape_cast %swap3A_774 : vector<1x16xf32> to vector<16xf32>
          %swap3A_776 = vector.shape_cast %get3A_772 : vector<16xf32> to vector<1x16xf32>
          tpu.vector_store %arg9[%swap3A, %swap3A_773], %swap3A_776 {strides = array<i32>} : memref<256x64xf32, #tpu.memory_space<vmem>>, vector<1x16xf32>,
          %get3A_777 = arith.constant 12 : i32
          %get3A_778 = arith.index_cast %scan3A_359 : i32 to index
          %get3A_779 = arith.index_cast %get3A_777 : i32 to index
          %get3A_780 = arith.constant 16 : index
          %get3A_781 = tpu.vector_load %arg11[%get3A_778, %get3A_779, %get3A_780] {strides = array<i32>} : memref<8x16x64xf32, #tpu.memory_space<vmem>>, vector<1x1x16xf32>,
          %get3A_782 = vector.shape_cast %get3A_781 : vector<1x1x16xf32> to vector<16xf32>
          %swap3A_783 = arith.index_cast %sub3A_552 : i32 to index
          %swap3A_784 = arith.constant 16 : index
          %swap3A_785 = tpu.vector_load %arg9[%swap3A_783, %swap3A_784] {strides = array<i32>} : memref<256x64xf32, #tpu.memory_space<vmem>>, vector<1x16xf32>,
          %swap3A_786 = vector.shape_cast %swap3A_785 : vector<1x16xf32> to vector<16xf32>
          %swap3A_787 = vector.shape_cast %get3A_782 : vector<16xf32> to vector<1x16xf32>
          tpu.vector_store %arg9[%swap3A_783, %swap3A_784], %swap3A_787 {strides = array<i32>} : memref<256x64xf32, #tpu.memory_space<vmem>>, vector<1x16xf32>,
          %get3A_788 = arith.constant 12 : i32
          %get3A_789 = arith.index_cast %scan3A_359 : i32 to index
          %get3A_790 = arith.index_cast %get3A_788 : i32 to index
          %get3A_791 = arith.constant 32 : index
          %get3A_792 = tpu.vector_load %arg11[%get3A_789, %get3A_790, %get3A_791] {strides = array<i32>} : memref<8x16x64xf32, #tpu.memory_space<vmem>>, vector<1x1x16xf32>,
          %get3A_793 = vector.shape_cast %get3A_792 : vector<1x1x16xf32> to vector<16xf32>
          %swap3A_794 = arith.index_cast %sub3A_552 : i32 to index
          %swap3A_795 = arith.constant 32 : index
          %swap3A_796 = tpu.vector_load %arg9[%swap3A_794, %swap3A_795] {strides = array<i32>} : memref<256x64xf32, #tpu.memory_space<vmem>>, vector<1x16xf32>,
          %swap3A_797 = vector.shape_cast %swap3A_796 : vector<1x16xf32> to vector<16xf32>
          %swap3A_798 = vector.shape_cast %get3A_793 : vector<16xf32> to vector<1x16xf32>
          tpu.vector_store %arg9[%swap3A_794, %swap3A_795], %swap3A_798 {strides = array<i32>} : memref<256x64xf32, #tpu.memory_space<vmem>>, vector<1x16xf32>,
          %get3A_799 = arith.constant 12 : i32
          %get3A_800 = arith.index_cast %scan3A_359 : i32 to index
          %get3A_801 = arith.index_cast %get3A_799 : i32 to index
          %get3A_802 = arith.constant 48 : index
          %get3A_803 = tpu.vector_load %arg11[%get3A_800, %get3A_801, %get3A_802] {strides = array<i32>} : memref<8x16x64xf32, #tpu.memory_space<vmem>>, vector<1x1x16xf32>,
          %get3A_804 = vector.shape_cast %get3A_803 : vector<1x1x16xf32> to vector<16xf32>
          %swap3A_805 = arith.index_cast %sub3A_552 : i32 to index
          %swap3A_806 = arith.constant 48 : index
          %swap3A_807 = tpu.vector_load %arg9[%swap3A_805, %swap3A_806] {strides = array<i32>} : memref<256x64xf32, #tpu.memory_space<vmem>>, vector<1x16xf32>,
          %swap3A_808 = vector.shape_cast %swap3A_807 : vector<1x16xf32> to vector<16xf32>
          %swap3A_809 = vector.shape_cast %get3A_804 : vector<16xf32> to vector<1x16xf32>
          tpu.vector_store %arg9[%swap3A_805, %swap3A_806], %swap3A_809 {strides = array<i32>} : memref<256x64xf32, #tpu.memory_space<vmem>>, vector<1x16xf32>,
        } else {
        }
        %sub3A_561 = arith.subi %squeeze3A_28, %mul3A_444 : i32
        %ge3A_562 = arith.constant 0 : i32
        %ge3A_563 = arith.cmpi sge, %sub3A_561, %ge3A_562 : i32
        %lt3A_564 = arith.constant 256 : i32
        %lt3A_565 = arith.cmpi slt, %sub3A_561, %lt3A_564 : i32
        %and3A_566 = arith.andi %ge3A_563, %lt3A_565 : i1
        %convert_element_type3A_567 = arith.extui %and3A_566 : i1 to i32
        %cond3A_568 = arith.constant 0 : i32
        %cond3A_569 = arith.cmpi ne, %convert_element_type3A_567, %cond3A_568 : i32
        scf.if %cond3A_569 {
          %get3A_767 = arith.constant 13 : i32
          %get3A_768 = arith.index_cast %scan3A_359 : i32 to index
          %get3A_769 = arith.index_cast %get3A_767 : i32 to index
          %get3A_770 = arith.constant 0 : index
          %get3A_771 = tpu.vector_load %arg11[%get3A_768, %get3A_769, %get3A_770] {strides = array<i32>} : memref<8x16x64xf32, #tpu.memory_space<vmem>>, vector<1x1x16xf32>,
          %get3A_772 = vector.shape_cast %get3A_771 : vector<1x1x16xf32> to vector<16xf32>
          %swap3A = arith.index_cast %sub3A_561 : i32 to index
          %swap3A_773 = arith.constant 0 : index
          %swap3A_774 = tpu.vector_load %arg9[%swap3A, %swap3A_773] {strides = array<i32>} : memref<256x64xf32, #tpu.memory_space<vmem>>, vector<1x16xf32>,
          %swap3A_775 = vector.shape_cast %swap3A_774 : vector<1x16xf32> to vector<16xf32>
          %swap3A_776 = vector.shape_cast %get3A_772 : vector<16xf32> to vector<1x16xf32>
          tpu.vector_store %arg9[%swap3A, %swap3A_773], %swap3A_776 {strides = array<i32>} : memref<256x64xf32, #tpu.memory_space<vmem>>, vector<1x16xf32>,
          %get3A_777 = arith.constant 13 : i32
          %get3A_778 = arith.index_cast %scan3A_359 : i32 to index
          %get3A_779 = arith.index_cast %get3A_777 : i32 to index
          %get3A_780 = arith.constant 16 : index
          %get3A_781 = tpu.vector_load %arg11[%get3A_778, %get3A_779, %get3A_780] {strides = array<i32>} : memref<8x16x64xf32, #tpu.memory_space<vmem>>, vector<1x1x16xf32>,
          %get3A_782 = vector.shape_cast %get3A_781 : vector<1x1x16xf32> to vector<16xf32>
          %swap3A_783 = arith.index_cast %sub3A_561 : i32 to index
          %swap3A_784 = arith.constant 16 : index
          %swap3A_785 = tpu.vector_load %arg9[%swap3A_783, %swap3A_784] {strides = array<i32>} : memref<256x64xf32, #tpu.memory_space<vmem>>, vector<1x16xf32>,
          %swap3A_786 = vector.shape_cast %swap3A_785 : vector<1x16xf32> to vector<16xf32>
          %swap3A_787 = vector.shape_cast %get3A_782 : vector<16xf32> to vector<1x16xf32>
          tpu.vector_store %arg9[%swap3A_783, %swap3A_784], %swap3A_787 {strides = array<i32>} : memref<256x64xf32, #tpu.memory_space<vmem>>, vector<1x16xf32>,
          %get3A_788 = arith.constant 13 : i32
          %get3A_789 = arith.index_cast %scan3A_359 : i32 to index
          %get3A_790 = arith.index_cast %get3A_788 : i32 to index
          %get3A_791 = arith.constant 32 : index
          %get3A_792 = tpu.vector_load %arg11[%get3A_789, %get3A_790, %get3A_791] {strides = array<i32>} : memref<8x16x64xf32, #tpu.memory_space<vmem>>, vector<1x1x16xf32>,
          %get3A_793 = vector.shape_cast %get3A_792 : vector<1x1x16xf32> to vector<16xf32>
          %swap3A_794 = arith.index_cast %sub3A_561 : i32 to index
          %swap3A_795 = arith.constant 32 : index
          %swap3A_796 = tpu.vector_load %arg9[%swap3A_794, %swap3A_795] {strides = array<i32>} : memref<256x64xf32, #tpu.memory_space<vmem>>, vector<1x16xf32>,
          %swap3A_797 = vector.shape_cast %swap3A_796 : vector<1x16xf32> to vector<16xf32>
          %swap3A_798 = vector.shape_cast %get3A_793 : vector<16xf32> to vector<1x16xf32>
          tpu.vector_store %arg9[%swap3A_794, %swap3A_795], %swap3A_798 {strides = array<i32>} : memref<256x64xf32, #tpu.memory_space<vmem>>, vector<1x16xf32>,
          %get3A_799 = arith.constant 13 : i32
          %get3A_800 = arith.index_cast %scan3A_359 : i32 to index
          %get3A_801 = arith.index_cast %get3A_799 : i32 to index
          %get3A_802 = arith.constant 48 : index
          %get3A_803 = tpu.vector_load %arg11[%get3A_800, %get3A_801, %get3A_802] {strides = array<i32>} : memref<8x16x64xf32, #tpu.memory_space<vmem>>, vector<1x1x16xf32>,
          %get3A_804 = vector.shape_cast %get3A_803 : vector<1x1x16xf32> to vector<16xf32>
          %swap3A_805 = arith.index_cast %sub3A_561 : i32 to index
          %swap3A_806 = arith.constant 48 : index
          %swap3A_807 = tpu.vector_load %arg9[%swap3A_805, %swap3A_806] {strides = array<i32>} : memref<256x64xf32, #tpu.memory_space<vmem>>, vector<1x16xf32>,
          %swap3A_808 = vector.shape_cast %swap3A_807 : vector<1x16xf32> to vector<16xf32>
          %swap3A_809 = vector.shape_cast %get3A_804 : vector<16xf32> to vector<1x16xf32>
          tpu.vector_store %arg9[%swap3A_805, %swap3A_806], %swap3A_809 {strides = array<i32>} : memref<256x64xf32, #tpu.memory_space<vmem>>, vector<1x16xf32>,
        } else {
        }
        %sub3A_570 = arith.subi %squeeze3A_30, %mul3A_444 : i32
        %ge3A_571 = arith.constant 0 : i32
        %ge3A_572 = arith.cmpi sge, %sub3A_570, %ge3A_571 : i32
        %lt3A_573 = arith.constant 256 : i32
        %lt3A_574 = arith.cmpi slt, %sub3A_570, %lt3A_573 : i32
        %and3A_575 = arith.andi %ge3A_572, %lt3A_574 : i1
        %convert_element_type3A_576 = arith.extui %and3A_575 : i1 to i32
        %cond3A_577 = arith.constant 0 : i32
        %cond3A_578 = arith.cmpi ne, %convert_element_type3A_576, %cond3A_577 : i32
        scf.if %cond3A_578 {
          %get3A_767 = arith.constant 14 : i32
          %get3A_768 = arith.index_cast %scan3A_359 : i32 to index
          %get3A_769 = arith.index_cast %get3A_767 : i32 to index
          %get3A_770 = arith.constant 0 : index
          %get3A_771 = tpu.vector_load %arg11[%get3A_768, %get3A_769, %get3A_770] {strides = array<i32>} : memref<8x16x64xf32, #tpu.memory_space<vmem>>, vector<1x1x16xf32>,
          %get3A_772 = vector.shape_cast %get3A_771 : vector<1x1x16xf32> to vector<16xf32>
          %swap3A = arith.index_cast %sub3A_570 : i32 to index
          %swap3A_773 = arith.constant 0 : index
          %swap3A_774 = tpu.vector_load %arg9[%swap3A, %swap3A_773] {strides = array<i32>} : memref<256x64xf32, #tpu.memory_space<vmem>>, vector<1x16xf32>,
          %swap3A_775 = vector.shape_cast %swap3A_774 : vector<1x16xf32> to vector<16xf32>
          %swap3A_776 = vector.shape_cast %get3A_772 : vector<16xf32> to vector<1x16xf32>
          tpu.vector_store %arg9[%swap3A, %swap3A_773], %swap3A_776 {strides = array<i32>} : memref<256x64xf32, #tpu.memory_space<vmem>>, vector<1x16xf32>,
          %get3A_777 = arith.constant 14 : i32
          %get3A_778 = arith.index_cast %scan3A_359 : i32 to index
          %get3A_779 = arith.index_cast %get3A_777 : i32 to index
          %get3A_780 = arith.constant 16 : index
          %get3A_781 = tpu.vector_load %arg11[%get3A_778, %get3A_779, %get3A_780] {strides = array<i32>} : memref<8x16x64xf32, #tpu.memory_space<vmem>>, vector<1x1x16xf32>,
          %get3A_782 = vector.shape_cast %get3A_781 : vector<1x1x16xf32> to vector<16xf32>
          %swap3A_783 = arith.index_cast %sub3A_570 : i32 to index
          %swap3A_784 = arith.constant 16 : index
          %swap3A_785 = tpu.vector_load %arg9[%swap3A_783, %swap3A_784] {strides = array<i32>} : memref<256x64xf32, #tpu.memory_space<vmem>>, vector<1x16xf32>,
          %swap3A_786 = vector.shape_cast %swap3A_785 : vector<1x16xf32> to vector<16xf32>
          %swap3A_787 = vector.shape_cast %get3A_782 : vector<16xf32> to vector<1x16xf32>
          tpu.vector_store %arg9[%swap3A_783, %swap3A_784], %swap3A_787 {strides = array<i32>} : memref<256x64xf32, #tpu.memory_space<vmem>>, vector<1x16xf32>,
          %get3A_788 = arith.constant 14 : i32
          %get3A_789 = arith.index_cast %scan3A_359 : i32 to index
          %get3A_790 = arith.index_cast %get3A_788 : i32 to index
          %get3A_791 = arith.constant 32 : index
          %get3A_792 = tpu.vector_load %arg11[%get3A_789, %get3A_790, %get3A_791] {strides = array<i32>} : memref<8x16x64xf32, #tpu.memory_space<vmem>>, vector<1x1x16xf32>,
          %get3A_793 = vector.shape_cast %get3A_792 : vector<1x1x16xf32> to vector<16xf32>
          %swap3A_794 = arith.index_cast %sub3A_570 : i32 to index
          %swap3A_795 = arith.constant 32 : index
          %swap3A_796 = tpu.vector_load %arg9[%swap3A_794, %swap3A_795] {strides = array<i32>} : memref<256x64xf32, #tpu.memory_space<vmem>>, vector<1x16xf32>,
          %swap3A_797 = vector.shape_cast %swap3A_796 : vector<1x16xf32> to vector<16xf32>
          %swap3A_798 = vector.shape_cast %get3A_793 : vector<16xf32> to vector<1x16xf32>
          tpu.vector_store %arg9[%swap3A_794, %swap3A_795], %swap3A_798 {strides = array<i32>} : memref<256x64xf32, #tpu.memory_space<vmem>>, vector<1x16xf32>,
          %get3A_799 = arith.constant 14 : i32
          %get3A_800 = arith.index_cast %scan3A_359 : i32 to index
          %get3A_801 = arith.index_cast %get3A_799 : i32 to index
          %get3A_802 = arith.constant 48 : index
          %get3A_803 = tpu.vector_load %arg11[%get3A_800, %get3A_801, %get3A_802] {strides = array<i32>} : memref<8x16x64xf32, #tpu.memory_space<vmem>>, vector<1x1x16xf32>,
          %get3A_804 = vector.shape_cast %get3A_803 : vector<1x1x16xf32> to vector<16xf32>
          %swap3A_805 = arith.index_cast %sub3A_570 : i32 to index
          %swap3A_806 = arith.constant 48 : index
          %swap3A_807 = tpu.vector_load %arg9[%swap3A_805, %swap3A_806] {strides = array<i32>} : memref<256x64xf32, #tpu.memory_space<vmem>>, vector<1x16xf32>,
          %swap3A_808 = vector.shape_cast %swap3A_807 : vector<1x16xf32> to vector<16xf32>
          %swap3A_809 = vector.shape_cast %get3A_804 : vector<16xf32> to vector<1x16xf32>
          tpu.vector_store %arg9[%swap3A_805, %swap3A_806], %swap3A_809 {strides = array<i32>} : memref<256x64xf32, #tpu.memory_space<vmem>>, vector<1x16xf32>,
        } else {
        }
        %sub3A_579 = arith.subi %squeeze3A_32, %mul3A_444 : i32
        %ge3A_580 = arith.constant 0 : i32
        %ge3A_581 = arith.cmpi sge, %sub3A_579, %ge3A_580 : i32
        %lt3A_582 = arith.constant 256 : i32
        %lt3A_583 = arith.cmpi slt, %sub3A_579, %lt3A_582 : i32
        %and3A_584 = arith.andi %ge3A_581, %lt3A_583 : i1
        %convert_element_type3A_585 = arith.extui %and3A_584 : i1 to i32
        %cond3A_586 = arith.constant 0 : i32
        %cond3A_587 = arith.cmpi ne, %convert_element_type3A_585, %cond3A_586 : i32
        scf.if %cond3A_587 {
          %get3A_767 = arith.constant 15 : i32
          %get3A_768 = arith.index_cast %scan3A_359 : i32 to index
          %get3A_769 = arith.index_cast %get3A_767 : i32 to index
          %get3A_770 = arith.constant 0 : index
          %get3A_771 = tpu.vector_load %arg11[%get3A_768, %get3A_769, %get3A_770] {strides = array<i32>} : memref<8x16x64xf32, #tpu.memory_space<vmem>>, vector<1x1x16xf32>,
          %get3A_772 = vector.shape_cast %get3A_771 : vector<1x1x16xf32> to vector<16xf32>
          %swap3A = arith.index_cast %sub3A_579 : i32 to index
          %swap3A_773 = arith.constant 0 : index
          %swap3A_774 = tpu.vector_load %arg9[%swap3A, %swap3A_773] {strides = array<i32>} : memref<256x64xf32, #tpu.memory_space<vmem>>, vector<1x16xf32>,
          %swap3A_775 = vector.shape_cast %swap3A_774 : vector<1x16xf32> to vector<16xf32>
          %swap3A_776 = vector.shape_cast %get3A_772 : vector<16xf32> to vector<1x16xf32>
          tpu.vector_store %arg9[%swap3A, %swap3A_773], %swap3A_776 {strides = array<i32>} : memref<256x64xf32, #tpu.memory_space<vmem>>, vector<1x16xf32>,
          %get3A_777 = arith.constant 15 : i32
          %get3A_778 = arith.index_cast %scan3A_359 : i32 to index
          %get3A_779 = arith.index_cast %get3A_777 : i32 to index
          %get3A_780 = arith.constant 16 : index
          %get3A_781 = tpu.vector_load %arg11[%get3A_778, %get3A_779, %get3A_780] {strides = array<i32>} : memref<8x16x64xf32, #tpu.memory_space<vmem>>, vector<1x1x16xf32>,
          %get3A_782 = vector.shape_cast %get3A_781 : vector<1x1x16xf32> to vector<16xf32>
          %swap3A_783 = arith.index_cast %sub3A_579 : i32 to index
          %swap3A_784 = arith.constant 16 : index
          %swap3A_785 = tpu.vector_load %arg9[%swap3A_783, %swap3A_784] {strides = array<i32>} : memref<256x64xf32, #tpu.memory_space<vmem>>, vector<1x16xf32>,
          %swap3A_786 = vector.shape_cast %swap3A_785 : vector<1x16xf32> to vector<16xf32>
          %swap3A_787 = vector.shape_cast %get3A_782 : vector<16xf32> to vector<1x16xf32>
          tpu.vector_store %arg9[%swap3A_783, %swap3A_784], %swap3A_787 {strides = array<i32>} : memref<256x64xf32, #tpu.memory_space<vmem>>, vector<1x16xf32>,
          %get3A_788 = arith.constant 15 : i32
          %get3A_789 = arith.index_cast %scan3A_359 : i32 to index
          %get3A_790 = arith.index_cast %get3A_788 : i32 to index
          %get3A_791 = arith.constant 32 : index
          %get3A_792 = tpu.vector_load %arg11[%get3A_789, %get3A_790, %get3A_791] {strides = array<i32>} : memref<8x16x64xf32, #tpu.memory_space<vmem>>, vector<1x1x16xf32>,
          %get3A_793 = vector.shape_cast %get3A_792 : vector<1x1x16xf32> to vector<16xf32>
          %swap3A_794 = arith.index_cast %sub3A_579 : i32 to index
          %swap3A_795 = arith.constant 32 : index
          %swap3A_796 = tpu.vector_load %arg9[%swap3A_794, %swap3A_795] {strides = array<i32>} : memref<256x64xf32, #tpu.memory_space<vmem>>, vector<1x16xf32>,
          %swap3A_797 = vector.shape_cast %swap3A_796 : vector<1x16xf32> to vector<16xf32>
          %swap3A_798 = vector.shape_cast %get3A_793 : vector<16xf32> to vector<1x16xf32>
          tpu.vector_store %arg9[%swap3A_794, %swap3A_795], %swap3A_798 {strides = array<i32>} : memref<256x64xf32, #tpu.memory_space<vmem>>, vector<1x16xf32>,
          %get3A_799 = arith.constant 15 : i32
          %get3A_800 = arith.index_cast %scan3A_359 : i32 to index
          %get3A_801 = arith.index_cast %get3A_799 : i32 to index
          %get3A_802 = arith.constant 48 : index
          %get3A_803 = tpu.vector_load %arg11[%get3A_800, %get3A_801, %get3A_802] {strides = array<i32>} : memref<8x16x64xf32, #tpu.memory_space<vmem>>, vector<1x1x16xf32>,
          %get3A_804 = vector.shape_cast %get3A_803 : vector<1x1x16xf32> to vector<16xf32>
          %swap3A_805 = arith.index_cast %sub3A_579 : i32 to index
          %swap3A_806 = arith.constant 48 : index
          %swap3A_807 = tpu.vector_load %arg9[%swap3A_805, %swap3A_806] {strides = array<i32>} : memref<256x64xf32, #tpu.memory_space<vmem>>, vector<1x16xf32>,
          %swap3A_808 = vector.shape_cast %swap3A_807 : vector<1x16xf32> to vector<16xf32>
          %swap3A_809 = vector.shape_cast %get3A_804 : vector<16xf32> to vector<1x16xf32>
          tpu.vector_store %arg9[%swap3A_805, %swap3A_806], %swap3A_809 {strides = array<i32>} : memref<256x64xf32, #tpu.memory_space<vmem>>, vector<1x16xf32>,
        } else {
        }
        %mul3A_588 = arith.constant 256 : i32
        %mul3A_589 = arith.muli %mul3A_422, %mul3A_588 : i32
        %add3A_590 = arith.addi %mul3A_394, %mul3A_589 : i32
        %dma_start3A_591 = arith.constant 0 : i32
        %dma_start3A_592 = tpu.memref_slice %arg7[%add3A_590, %dma_start3A_591] : memref<1048576x64xf32, #tpu.memory_space<hbm>> -> memref<256x64xf32, #tpu.memory_space<hbm>>
        %dma_start3A_593 = arith.constant 0 : i32
        %dma_start3A_594 = tpu.memref_slice %arg7[%add3A_590, %dma_start3A_593] : memref<1048576x64xf32, #tpu.memory_space<hbm>> -> memref<256x64xf32, #tpu.memory_space<hbm>>
        tpu.enqueue_dma source(%arg9 : memref<256x64xf32, #tpu.memory_space<vmem>>) target(%dma_start3A_594 : memref<256x64xf32, #tpu.memory_space<hbm>>) target_semaphore(%arg15 : memref<!tpu.dma_semaphore, #tpu.memory_space<semaphore_mem>>)
        %add3A_595 = arith.constant 1 : i32
        %add3A_596 = arith.addi %mul3A_422, %add3A_595 : i32
        %mul3A_597 = arith.constant 256 : i32
        %mul3A_598 = arith.muli %add3A_596, %mul3A_597 : i32
        %dma_wait3A_599 = arith.constant 0 : i32
        %dma_wait3A_600 = tpu.memref_slice %arg2[%select_n3A, %mul3A_598, %select_n3A_392, %dma_wait3A_599] : memref<16x4096x16x64xf32, #tpu.memory_space<hbm>> -> memref<1x256x1x64xf32, #tpu.memory_space<hbm>>
        %dma_wait3A_601 = tpu.memref_squeeze %dma_wait3A_600 : memref<1x256x1x64xf32, #tpu.memory_space<hbm>> -> memref<256x64xf32, #tpu.memory_space<hbm>>
        %dma_wait3A_602 = arith.constant 0 : i32
        %dma_wait3A_603 = tpu.memref_slice %arg2[%select_n3A, %mul3A_598, %select_n3A_392, %dma_wait3A_602] : memref<16x4096x16x64xf32, #tpu.memory_space<hbm>> -> memref<1x256x1x64xf32, #tpu.memory_space<hbm>>
        %dma_wait3A_604 = tpu.memref_squeeze %dma_wait3A_603 : memref<1x256x1x64xf32, #tpu.memory_space<hbm>> -> memref<256x64xf32, #tpu.memory_space<hbm>>
        tpu.wait_dma2 semaphore(%arg14 : memref<!tpu.dma_semaphore, #tpu.memory_space<semaphore_mem>>) src(%dma_wait3A_604 : memref<256x64xf32, #tpu.memory_space<hbm>>) dst(%arg10 : memref<256x64xf32, #tpu.memory_space<vmem>>)
        %add3A_605 = arith.constant 1 : i32
        %add3A_606 = arith.addi %mul3A_422, %add3A_605 : i32
        %mul3A_607 = arith.constant 256 : i32
        %mul3A_608 = arith.muli %add3A_606, %mul3A_607 : i32
        %sub3A_609 = arith.subi %squeeze3A, %mul3A_608 : i32
        %ge3A_610 = arith.constant 0 : i32
        %ge3A_611 = arith.cmpi sge, %sub3A_609, %ge3A_610 : i32
        %lt3A_612 = arith.constant 256 : i32
        %lt3A_613 = arith.cmpi slt, %sub3A_609, %lt3A_612 : i32
        %and3A_614 = arith.andi %ge3A_611, %lt3A_613 : i1
        %convert_element_type3A_615 = arith.extui %and3A_614 : i1 to i32
        %cond3A_616 = arith.constant 0 : i32
        %cond3A_617 = arith.cmpi ne, %convert_element_type3A_615, %cond3A_616 : i32
        scf.if %cond3A_617 {
          %get3A_767 = arith.constant 0 : i32
          %get3A_768 = arith.index_cast %scan3A_359 : i32 to index
          %get3A_769 = arith.index_cast %get3A_767 : i32 to index
          %get3A_770 = arith.constant 0 : index
          %get3A_771 = tpu.vector_load %arg11[%get3A_768, %get3A_769, %get3A_770] {strides = array<i32>} : memref<8x16x64xf32, #tpu.memory_space<vmem>>, vector<1x1x16xf32>,
          %get3A_772 = vector.shape_cast %get3A_771 : vector<1x1x16xf32> to vector<16xf32>
          %swap3A = arith.index_cast %sub3A_609 : i32 to index
          %swap3A_773 = arith.constant 0 : index
          %swap3A_774 = tpu.vector_load %arg10[%swap3A, %swap3A_773] {strides = array<i32>} : memref<256x64xf32, #tpu.memory_space<vmem>>, vector<1x16xf32>,
          %swap3A_775 = vector.shape_cast %swap3A_774 : vector<1x16xf32> to vector<16xf32>
          %swap3A_776 = vector.shape_cast %get3A_772 : vector<16xf32> to vector<1x16xf32>
          tpu.vector_store %arg10[%swap3A, %swap3A_773], %swap3A_776 {strides = array<i32>} : memref<256x64xf32, #tpu.memory_space<vmem>>, vector<1x16xf32>,
          %get3A_777 = arith.constant 0 : i32
          %get3A_778 = arith.index_cast %scan3A_359 : i32 to index
          %get3A_779 = arith.index_cast %get3A_777 : i32 to index
          %get3A_780 = arith.constant 16 : index
          %get3A_781 = tpu.vector_load %arg11[%get3A_778, %get3A_779, %get3A_780] {strides = array<i32>} : memref<8x16x64xf32, #tpu.memory_space<vmem>>, vector<1x1x16xf32>,
          %get3A_782 = vector.shape_cast %get3A_781 : vector<1x1x16xf32> to vector<16xf32>
          %swap3A_783 = arith.index_cast %sub3A_609 : i32 to index
          %swap3A_784 = arith.constant 16 : index
          %swap3A_785 = tpu.vector_load %arg10[%swap3A_783, %swap3A_784] {strides = array<i32>} : memref<256x64xf32, #tpu.memory_space<vmem>>, vector<1x16xf32>,
          %swap3A_786 = vector.shape_cast %swap3A_785 : vector<1x16xf32> to vector<16xf32>
          %swap3A_787 = vector.shape_cast %get3A_782 : vector<16xf32> to vector<1x16xf32>
          tpu.vector_store %arg10[%swap3A_783, %swap3A_784], %swap3A_787 {strides = array<i32>} : memref<256x64xf32, #tpu.memory_space<vmem>>, vector<1x16xf32>,
          %get3A_788 = arith.constant 0 : i32
          %get3A_789 = arith.index_cast %scan3A_359 : i32 to index
          %get3A_790 = arith.index_cast %get3A_788 : i32 to index
          %get3A_791 = arith.constant 32 : index
          %get3A_792 = tpu.vector_load %arg11[%get3A_789, %get3A_790, %get3A_791] {strides = array<i32>} : memref<8x16x64xf32, #tpu.memory_space<vmem>>, vector<1x1x16xf32>,
          %get3A_793 = vector.shape_cast %get3A_792 : vector<1x1x16xf32> to vector<16xf32>
          %swap3A_794 = arith.index_cast %sub3A_609 : i32 to index
          %swap3A_795 = arith.constant 32 : index
          %swap3A_796 = tpu.vector_load %arg10[%swap3A_794, %swap3A_795] {strides = array<i32>} : memref<256x64xf32, #tpu.memory_space<vmem>>, vector<1x16xf32>,
          %swap3A_797 = vector.shape_cast %swap3A_796 : vector<1x16xf32> to vector<16xf32>
          %swap3A_798 = vector.shape_cast %get3A_793 : vector<16xf32> to vector<1x16xf32>
          tpu.vector_store %arg10[%swap3A_794, %swap3A_795], %swap3A_798 {strides = array<i32>} : memref<256x64xf32, #tpu.memory_space<vmem>>, vector<1x16xf32>,
          %get3A_799 = arith.constant 0 : i32
          %get3A_800 = arith.index_cast %scan3A_359 : i32 to index
          %get3A_801 = arith.index_cast %get3A_799 : i32 to index
          %get3A_802 = arith.constant 48 : index
          %get3A_803 = tpu.vector_load %arg11[%get3A_800, %get3A_801, %get3A_802] {strides = array<i32>} : memref<8x16x64xf32, #tpu.memory_space<vmem>>, vector<1x1x16xf32>,
          %get3A_804 = vector.shape_cast %get3A_803 : vector<1x1x16xf32> to vector<16xf32>
          %swap3A_805 = arith.index_cast %sub3A_609 : i32 to index
          %swap3A_806 = arith.constant 48 : index
          %swap3A_807 = tpu.vector_load %arg10[%swap3A_805, %swap3A_806] {strides = array<i32>} : memref<256x64xf32, #tpu.memory_space<vmem>>, vector<1x16xf32>,
          %swap3A_808 = vector.shape_cast %swap3A_807 : vector<1x16xf32> to vector<16xf32>
          %swap3A_809 = vector.shape_cast %get3A_804 : vector<16xf32> to vector<1x16xf32>
          tpu.vector_store %arg10[%swap3A_805, %swap3A_806], %swap3A_809 {strides = array<i32>} : memref<256x64xf32, #tpu.memory_space<vmem>>, vector<1x16xf32>,
        } else {
        }
        %sub3A_618 = arith.subi %squeeze3A_4, %mul3A_608 : i32
        %ge3A_619 = arith.constant 0 : i32
        %ge3A_620 = arith.cmpi sge, %sub3A_618, %ge3A_619 : i32
        %lt3A_621 = arith.constant 256 : i32
        %lt3A_622 = arith.cmpi slt, %sub3A_618, %lt3A_621 : i32
        %and3A_623 = arith.andi %ge3A_620, %lt3A_622 : i1
        %convert_element_type3A_624 = arith.extui %and3A_623 : i1 to i32
        %cond3A_625 = arith.constant 0 : i32
        %cond3A_626 = arith.cmpi ne, %convert_element_type3A_624, %cond3A_625 : i32
        scf.if %cond3A_626 {
          %get3A_767 = arith.constant 1 : i32
          %get3A_768 = arith.index_cast %scan3A_359 : i32 to index
          %get3A_769 = arith.index_cast %get3A_767 : i32 to index
          %get3A_770 = arith.constant 0 : index
          %get3A_771 = tpu.vector_load %arg11[%get3A_768, %get3A_769, %get3A_770] {strides = array<i32>} : memref<8x16x64xf32, #tpu.memory_space<vmem>>, vector<1x1x16xf32>,
          %get3A_772 = vector.shape_cast %get3A_771 : vector<1x1x16xf32> to vector<16xf32>
          %swap3A = arith.index_cast %sub3A_618 : i32 to index
          %swap3A_773 = arith.constant 0 : index
          %swap3A_774 = tpu.vector_load %arg10[%swap3A, %swap3A_773] {strides = array<i32>} : memref<256x64xf32, #tpu.memory_space<vmem>>, vector<1x16xf32>,
          %swap3A_775 = vector.shape_cast %swap3A_774 : vector<1x16xf32> to vector<16xf32>
          %swap3A_776 = vector.shape_cast %get3A_772 : vector<16xf32> to vector<1x16xf32>
          tpu.vector_store %arg10[%swap3A, %swap3A_773], %swap3A_776 {strides = array<i32>} : memref<256x64xf32, #tpu.memory_space<vmem>>, vector<1x16xf32>,
          %get3A_777 = arith.constant 1 : i32
          %get3A_778 = arith.index_cast %scan3A_359 : i32 to index
          %get3A_779 = arith.index_cast %get3A_777 : i32 to index
          %get3A_780 = arith.constant 16 : index
          %get3A_781 = tpu.vector_load %arg11[%get3A_778, %get3A_779, %get3A_780] {strides = array<i32>} : memref<8x16x64xf32, #tpu.memory_space<vmem>>, vector<1x1x16xf32>,
          %get3A_782 = vector.shape_cast %get3A_781 : vector<1x1x16xf32> to vector<16xf32>
          %swap3A_783 = arith.index_cast %sub3A_618 : i32 to index
          %swap3A_784 = arith.constant 16 : index
          %swap3A_785 = tpu.vector_load %arg10[%swap3A_783, %swap3A_784] {strides = array<i32>} : memref<256x64xf32, #tpu.memory_space<vmem>>, vector<1x16xf32>,
          %swap3A_786 = vector.shape_cast %swap3A_785 : vector<1x16xf32> to vector<16xf32>
          %swap3A_787 = vector.shape_cast %get3A_782 : vector<16xf32> to vector<1x16xf32>
          tpu.vector_store %arg10[%swap3A_783, %swap3A_784], %swap3A_787 {strides = array<i32>} : memref<256x64xf32, #tpu.memory_space<vmem>>, vector<1x16xf32>,
          %get3A_788 = arith.constant 1 : i32
          %get3A_789 = arith.index_cast %scan3A_359 : i32 to index
          %get3A_790 = arith.index_cast %get3A_788 : i32 to index
          %get3A_791 = arith.constant 32 : index
          %get3A_792 = tpu.vector_load %arg11[%get3A_789, %get3A_790, %get3A_791] {strides = array<i32>} : memref<8x16x64xf32, #tpu.memory_space<vmem>>, vector<1x1x16xf32>,
          %get3A_793 = vector.shape_cast %get3A_792 : vector<1x1x16xf32> to vector<16xf32>
          %swap3A_794 = arith.index_cast %sub3A_618 : i32 to index
          %swap3A_795 = arith.constant 32 : index
          %swap3A_796 = tpu.vector_load %arg10[%swap3A_794, %swap3A_795] {strides = array<i32>} : memref<256x64xf32, #tpu.memory_space<vmem>>, vector<1x16xf32>,
          %swap3A_797 = vector.shape_cast %swap3A_796 : vector<1x16xf32> to vector<16xf32>
          %swap3A_798 = vector.shape_cast %get3A_793 : vector<16xf32> to vector<1x16xf32>
          tpu.vector_store %arg10[%swap3A_794, %swap3A_795], %swap3A_798 {strides = array<i32>} : memref<256x64xf32, #tpu.memory_space<vmem>>, vector<1x16xf32>,
          %get3A_799 = arith.constant 1 : i32
          %get3A_800 = arith.index_cast %scan3A_359 : i32 to index
          %get3A_801 = arith.index_cast %get3A_799 : i32 to index
          %get3A_802 = arith.constant 48 : index
          %get3A_803 = tpu.vector_load %arg11[%get3A_800, %get3A_801, %get3A_802] {strides = array<i32>} : memref<8x16x64xf32, #tpu.memory_space<vmem>>, vector<1x1x16xf32>,
          %get3A_804 = vector.shape_cast %get3A_803 : vector<1x1x16xf32> to vector<16xf32>
          %swap3A_805 = arith.index_cast %sub3A_618 : i32 to index
          %swap3A_806 = arith.constant 48 : index
          %swap3A_807 = tpu.vector_load %arg10[%swap3A_805, %swap3A_806] {strides = array<i32>} : memref<256x64xf32, #tpu.memory_space<vmem>>, vector<1x16xf32>,
          %swap3A_808 = vector.shape_cast %swap3A_807 : vector<1x16xf32> to vector<16xf32>
          %swap3A_809 = vector.shape_cast %get3A_804 : vector<16xf32> to vector<1x16xf32>
          tpu.vector_store %arg10[%swap3A_805, %swap3A_806], %swap3A_809 {strides = array<i32>} : memref<256x64xf32, #tpu.memory_space<vmem>>, vector<1x16xf32>,
        } else {
        }
        %sub3A_627 = arith.subi %squeeze3A_6, %mul3A_608 : i32
        %ge3A_628 = arith.constant 0 : i32
        %ge3A_629 = arith.cmpi sge, %sub3A_627, %ge3A_628 : i32
        %lt3A_630 = arith.constant 256 : i32
        %lt3A_631 = arith.cmpi slt, %sub3A_627, %lt3A_630 : i32
        %and3A_632 = arith.andi %ge3A_629, %lt3A_631 : i1
        %convert_element_type3A_633 = arith.extui %and3A_632 : i1 to i32
        %cond3A_634 = arith.constant 0 : i32
        %cond3A_635 = arith.cmpi ne, %convert_element_type3A_633, %cond3A_634 : i32
        scf.if %cond3A_635 {
          %get3A_767 = arith.constant 2 : i32
          %get3A_768 = arith.index_cast %scan3A_359 : i32 to index
          %get3A_769 = arith.index_cast %get3A_767 : i32 to index
          %get3A_770 = arith.constant 0 : index
          %get3A_771 = tpu.vector_load %arg11[%get3A_768, %get3A_769, %get3A_770] {strides = array<i32>} : memref<8x16x64xf32, #tpu.memory_space<vmem>>, vector<1x1x16xf32>,
          %get3A_772 = vector.shape_cast %get3A_771 : vector<1x1x16xf32> to vector<16xf32>
          %swap3A = arith.index_cast %sub3A_627 : i32 to index
          %swap3A_773 = arith.constant 0 : index
          %swap3A_774 = tpu.vector_load %arg10[%swap3A, %swap3A_773] {strides = array<i32>} : memref<256x64xf32, #tpu.memory_space<vmem>>, vector<1x16xf32>,
          %swap3A_775 = vector.shape_cast %swap3A_774 : vector<1x16xf32> to vector<16xf32>
          %swap3A_776 = vector.shape_cast %get3A_772 : vector<16xf32> to vector<1x16xf32>
          tpu.vector_store %arg10[%swap3A, %swap3A_773], %swap3A_776 {strides = array<i32>} : memref<256x64xf32, #tpu.memory_space<vmem>>, vector<1x16xf32>,
          %get3A_777 = arith.constant 2 : i32
          %get3A_778 = arith.index_cast %scan3A_359 : i32 to index
          %get3A_779 = arith.index_cast %get3A_777 : i32 to index
          %get3A_780 = arith.constant 16 : index
          %get3A_781 = tpu.vector_load %arg11[%get3A_778, %get3A_779, %get3A_780] {strides = array<i32>} : memref<8x16x64xf32, #tpu.memory_space<vmem>>, vector<1x1x16xf32>,
          %get3A_782 = vector.shape_cast %get3A_781 : vector<1x1x16xf32> to vector<16xf32>
          %swap3A_783 = arith.index_cast %sub3A_627 : i32 to index
          %swap3A_784 = arith.constant 16 : index
          %swap3A_785 = tpu.vector_load %arg10[%swap3A_783, %swap3A_784] {strides = array<i32>} : memref<256x64xf32, #tpu.memory_space<vmem>>, vector<1x16xf32>,
          %swap3A_786 = vector.shape_cast %swap3A_785 : vector<1x16xf32> to vector<16xf32>
          %swap3A_787 = vector.shape_cast %get3A_782 : vector<16xf32> to vector<1x16xf32>
          tpu.vector_store %arg10[%swap3A_783, %swap3A_784], %swap3A_787 {strides = array<i32>} : memref<256x64xf32, #tpu.memory_space<vmem>>, vector<1x16xf32>,
          %get3A_788 = arith.constant 2 : i32
          %get3A_789 = arith.index_cast %scan3A_359 : i32 to index
          %get3A_790 = arith.index_cast %get3A_788 : i32 to index
          %get3A_791 = arith.constant 32 : index
          %get3A_792 = tpu.vector_load %arg11[%get3A_789, %get3A_790, %get3A_791] {strides = array<i32>} : memref<8x16x64xf32, #tpu.memory_space<vmem>>, vector<1x1x16xf32>,
          %get3A_793 = vector.shape_cast %get3A_792 : vector<1x1x16xf32> to vector<16xf32>
          %swap3A_794 = arith.index_cast %sub3A_627 : i32 to index
          %swap3A_795 = arith.constant 32 : index
          %swap3A_796 = tpu.vector_load %arg10[%swap3A_794, %swap3A_795] {strides = array<i32>} : memref<256x64xf32, #tpu.memory_space<vmem>>, vector<1x16xf32>,
          %swap3A_797 = vector.shape_cast %swap3A_796 : vector<1x16xf32> to vector<16xf32>
          %swap3A_798 = vector.shape_cast %get3A_793 : vector<16xf32> to vector<1x16xf32>
          tpu.vector_store %arg10[%swap3A_794, %swap3A_795], %swap3A_798 {strides = array<i32>} : memref<256x64xf32, #tpu.memory_space<vmem>>, vector<1x16xf32>,
          %get3A_799 = arith.constant 2 : i32
          %get3A_800 = arith.index_cast %scan3A_359 : i32 to index
          %get3A_801 = arith.index_cast %get3A_799 : i32 to index
          %get3A_802 = arith.constant 48 : index
          %get3A_803 = tpu.vector_load %arg11[%get3A_800, %get3A_801, %get3A_802] {strides = array<i32>} : memref<8x16x64xf32, #tpu.memory_space<vmem>>, vector<1x1x16xf32>,
          %get3A_804 = vector.shape_cast %get3A_803 : vector<1x1x16xf32> to vector<16xf32>
          %swap3A_805 = arith.index_cast %sub3A_627 : i32 to index
          %swap3A_806 = arith.constant 48 : index
          %swap3A_807 = tpu.vector_load %arg10[%swap3A_805, %swap3A_806] {strides = array<i32>} : memref<256x64xf32, #tpu.memory_space<vmem>>, vector<1x16xf32>,
          %swap3A_808 = vector.shape_cast %swap3A_807 : vector<1x16xf32> to vector<16xf32>
          %swap3A_809 = vector.shape_cast %get3A_804 : vector<16xf32> to vector<1x16xf32>
          tpu.vector_store %arg10[%swap3A_805, %swap3A_806], %swap3A_809 {strides = array<i32>} : memref<256x64xf32, #tpu.memory_space<vmem>>, vector<1x16xf32>,
        } else {
        }
        %sub3A_636 = arith.subi %squeeze3A_8, %mul3A_608 : i32
        %ge3A_637 = arith.constant 0 : i32
        %ge3A_638 = arith.cmpi sge, %sub3A_636, %ge3A_637 : i32
        %lt3A_639 = arith.constant 256 : i32
        %lt3A_640 = arith.cmpi slt, %sub3A_636, %lt3A_639 : i32
        %and3A_641 = arith.andi %ge3A_638, %lt3A_640 : i1
        %convert_element_type3A_642 = arith.extui %and3A_641 : i1 to i32
        %cond3A_643 = arith.constant 0 : i32
        %cond3A_644 = arith.cmpi ne, %convert_element_type3A_642, %cond3A_643 : i32
        scf.if %cond3A_644 {
          %get3A_767 = arith.constant 3 : i32
          %get3A_768 = arith.index_cast %scan3A_359 : i32 to index
          %get3A_769 = arith.index_cast %get3A_767 : i32 to index
          %get3A_770 = arith.constant 0 : index
          %get3A_771 = tpu.vector_load %arg11[%get3A_768, %get3A_769, %get3A_770] {strides = array<i32>} : memref<8x16x64xf32, #tpu.memory_space<vmem>>, vector<1x1x16xf32>,
          %get3A_772 = vector.shape_cast %get3A_771 : vector<1x1x16xf32> to vector<16xf32>
          %swap3A = arith.index_cast %sub3A_636 : i32 to index
          %swap3A_773 = arith.constant 0 : index
          %swap3A_774 = tpu.vector_load %arg10[%swap3A, %swap3A_773] {strides = array<i32>} : memref<256x64xf32, #tpu.memory_space<vmem>>, vector<1x16xf32>,
          %swap3A_775 = vector.shape_cast %swap3A_774 : vector<1x16xf32> to vector<16xf32>
          %swap3A_776 = vector.shape_cast %get3A_772 : vector<16xf32> to vector<1x16xf32>
          tpu.vector_store %arg10[%swap3A, %swap3A_773], %swap3A_776 {strides = array<i32>} : memref<256x64xf32, #tpu.memory_space<vmem>>, vector<1x16xf32>,
          %get3A_777 = arith.constant 3 : i32
          %get3A_778 = arith.index_cast %scan3A_359 : i32 to index
          %get3A_779 = arith.index_cast %get3A_777 : i32 to index
          %get3A_780 = arith.constant 16 : index
          %get3A_781 = tpu.vector_load %arg11[%get3A_778, %get3A_779, %get3A_780] {strides = array<i32>} : memref<8x16x64xf32, #tpu.memory_space<vmem>>, vector<1x1x16xf32>,
          %get3A_782 = vector.shape_cast %get3A_781 : vector<1x1x16xf32> to vector<16xf32>
          %swap3A_783 = arith.index_cast %sub3A_636 : i32 to index
          %swap3A_784 = arith.constant 16 : index
          %swap3A_785 = tpu.vector_load %arg10[%swap3A_783, %swap3A_784] {strides = array<i32>} : memref<256x64xf32, #tpu.memory_space<vmem>>, vector<1x16xf32>,
          %swap3A_786 = vector.shape_cast %swap3A_785 : vector<1x16xf32> to vector<16xf32>
          %swap3A_787 = vector.shape_cast %get3A_782 : vector<16xf32> to vector<1x16xf32>
          tpu.vector_store %arg10[%swap3A_783, %swap3A_784], %swap3A_787 {strides = array<i32>} : memref<256x64xf32, #tpu.memory_space<vmem>>, vector<1x16xf32>,
          %get3A_788 = arith.constant 3 : i32
          %get3A_789 = arith.index_cast %scan3A_359 : i32 to index
          %get3A_790 = arith.index_cast %get3A_788 : i32 to index
          %get3A_791 = arith.constant 32 : index
          %get3A_792 = tpu.vector_load %arg11[%get3A_789, %get3A_790, %get3A_791] {strides = array<i32>} : memref<8x16x64xf32, #tpu.memory_space<vmem>>, vector<1x1x16xf32>,
          %get3A_793 = vector.shape_cast %get3A_792 : vector<1x1x16xf32> to vector<16xf32>
          %swap3A_794 = arith.index_cast %sub3A_636 : i32 to index
          %swap3A_795 = arith.constant 32 : index
          %swap3A_796 = tpu.vector_load %arg10[%swap3A_794, %swap3A_795] {strides = array<i32>} : memref<256x64xf32, #tpu.memory_space<vmem>>, vector<1x16xf32>,
          %swap3A_797 = vector.shape_cast %swap3A_796 : vector<1x16xf32> to vector<16xf32>
          %swap3A_798 = vector.shape_cast %get3A_793 : vector<16xf32> to vector<1x16xf32>
          tpu.vector_store %arg10[%swap3A_794, %swap3A_795], %swap3A_798 {strides = array<i32>} : memref<256x64xf32, #tpu.memory_space<vmem>>, vector<1x16xf32>,
          %get3A_799 = arith.constant 3 : i32
          %get3A_800 = arith.index_cast %scan3A_359 : i32 to index
          %get3A_801 = arith.index_cast %get3A_799 : i32 to index
          %get3A_802 = arith.constant 48 : index
          %get3A_803 = tpu.vector_load %arg11[%get3A_800, %get3A_801, %get3A_802] {strides = array<i32>} : memref<8x16x64xf32, #tpu.memory_space<vmem>>, vector<1x1x16xf32>,
          %get3A_804 = vector.shape_cast %get3A_803 : vector<1x1x16xf32> to vector<16xf32>
          %swap3A_805 = arith.index_cast %sub3A_636 : i32 to index
          %swap3A_806 = arith.constant 48 : index
          %swap3A_807 = tpu.vector_load %arg10[%swap3A_805, %swap3A_806] {strides = array<i32>} : memref<256x64xf32, #tpu.memory_space<vmem>>, vector<1x16xf32>,
          %swap3A_808 = vector.shape_cast %swap3A_807 : vector<1x16xf32> to vector<16xf32>
          %swap3A_809 = vector.shape_cast %get3A_804 : vector<16xf32> to vector<1x16xf32>
          tpu.vector_store %arg10[%swap3A_805, %swap3A_806], %swap3A_809 {strides = array<i32>} : memref<256x64xf32, #tpu.memory_space<vmem>>, vector<1x16xf32>,
        } else {
        }
        %sub3A_645 = arith.subi %squeeze3A_10, %mul3A_608 : i32
        %ge3A_646 = arith.constant 0 : i32
        %ge3A_647 = arith.cmpi sge, %sub3A_645, %ge3A_646 : i32
        %lt3A_648 = arith.constant 256 : i32
        %lt3A_649 = arith.cmpi slt, %sub3A_645, %lt3A_648 : i32
        %and3A_650 = arith.andi %ge3A_647, %lt3A_649 : i1
        %convert_element_type3A_651 = arith.extui %and3A_650 : i1 to i32
        %cond3A_652 = arith.constant 0 : i32
        %cond3A_653 = arith.cmpi ne, %convert_element_type3A_651, %cond3A_652 : i32
        scf.if %cond3A_653 {
          %get3A_767 = arith.constant 4 : i32
          %get3A_768 = arith.index_cast %scan3A_359 : i32 to index
          %get3A_769 = arith.index_cast %get3A_767 : i32 to index
          %get3A_770 = arith.constant 0 : index
          %get3A_771 = tpu.vector_load %arg11[%get3A_768, %get3A_769, %get3A_770] {strides = array<i32>} : memref<8x16x64xf32, #tpu.memory_space<vmem>>, vector<1x1x16xf32>,
          %get3A_772 = vector.shape_cast %get3A_771 : vector<1x1x16xf32> to vector<16xf32>
          %swap3A = arith.index_cast %sub3A_645 : i32 to index
          %swap3A_773 = arith.constant 0 : index
          %swap3A_774 = tpu.vector_load %arg10[%swap3A, %swap3A_773] {strides = array<i32>} : memref<256x64xf32, #tpu.memory_space<vmem>>, vector<1x16xf32>,
          %swap3A_775 = vector.shape_cast %swap3A_774 : vector<1x16xf32> to vector<16xf32>
          %swap3A_776 = vector.shape_cast %get3A_772 : vector<16xf32> to vector<1x16xf32>
          tpu.vector_store %arg10[%swap3A, %swap3A_773], %swap3A_776 {strides = array<i32>} : memref<256x64xf32, #tpu.memory_space<vmem>>, vector<1x16xf32>,
          %get3A_777 = arith.constant 4 : i32
          %get3A_778 = arith.index_cast %scan3A_359 : i32 to index
          %get3A_779 = arith.index_cast %get3A_777 : i32 to index
          %get3A_780 = arith.constant 16 : index
          %get3A_781 = tpu.vector_load %arg11[%get3A_778, %get3A_779, %get3A_780] {strides = array<i32>} : memref<8x16x64xf32, #tpu.memory_space<vmem>>, vector<1x1x16xf32>,
          %get3A_782 = vector.shape_cast %get3A_781 : vector<1x1x16xf32> to vector<16xf32>
          %swap3A_783 = arith.index_cast %sub3A_645 : i32 to index
          %swap3A_784 = arith.constant 16 : index
          %swap3A_785 = tpu.vector_load %arg10[%swap3A_783, %swap3A_784] {strides = array<i32>} : memref<256x64xf32, #tpu.memory_space<vmem>>, vector<1x16xf32>,
          %swap3A_786 = vector.shape_cast %swap3A_785 : vector<1x16xf32> to vector<16xf32>
          %swap3A_787 = vector.shape_cast %get3A_782 : vector<16xf32> to vector<1x16xf32>
          tpu.vector_store %arg10[%swap3A_783, %swap3A_784], %swap3A_787 {strides = array<i32>} : memref<256x64xf32, #tpu.memory_space<vmem>>, vector<1x16xf32>,
          %get3A_788 = arith.constant 4 : i32
          %get3A_789 = arith.index_cast %scan3A_359 : i32 to index
          %get3A_790 = arith.index_cast %get3A_788 : i32 to index
          %get3A_791 = arith.constant 32 : index
          %get3A_792 = tpu.vector_load %arg11[%get3A_789, %get3A_790, %get3A_791] {strides = array<i32>} : memref<8x16x64xf32, #tpu.memory_space<vmem>>, vector<1x1x16xf32>,
          %get3A_793 = vector.shape_cast %get3A_792 : vector<1x1x16xf32> to vector<16xf32>
          %swap3A_794 = arith.index_cast %sub3A_645 : i32 to index
          %swap3A_795 = arith.constant 32 : index
          %swap3A_796 = tpu.vector_load %arg10[%swap3A_794, %swap3A_795] {strides = array<i32>} : memref<256x64xf32, #tpu.memory_space<vmem>>, vector<1x16xf32>,
          %swap3A_797 = vector.shape_cast %swap3A_796 : vector<1x16xf32> to vector<16xf32>
          %swap3A_798 = vector.shape_cast %get3A_793 : vector<16xf32> to vector<1x16xf32>
          tpu.vector_store %arg10[%swap3A_794, %swap3A_795], %swap3A_798 {strides = array<i32>} : memref<256x64xf32, #tpu.memory_space<vmem>>, vector<1x16xf32>,
          %get3A_799 = arith.constant 4 : i32
          %get3A_800 = arith.index_cast %scan3A_359 : i32 to index
          %get3A_801 = arith.index_cast %get3A_799 : i32 to index
          %get3A_802 = arith.constant 48 : index
          %get3A_803 = tpu.vector_load %arg11[%get3A_800, %get3A_801, %get3A_802] {strides = array<i32>} : memref<8x16x64xf32, #tpu.memory_space<vmem>>, vector<1x1x16xf32>,
          %get3A_804 = vector.shape_cast %get3A_803 : vector<1x1x16xf32> to vector<16xf32>
          %swap3A_805 = arith.index_cast %sub3A_645 : i32 to index
          %swap3A_806 = arith.constant 48 : index
          %swap3A_807 = tpu.vector_load %arg10[%swap3A_805, %swap3A_806] {strides = array<i32>} : memref<256x64xf32, #tpu.memory_space<vmem>>, vector<1x16xf32>,
          %swap3A_808 = vector.shape_cast %swap3A_807 : vector<1x16xf32> to vector<16xf32>
          %swap3A_809 = vector.shape_cast %get3A_804 : vector<16xf32> to vector<1x16xf32>
          tpu.vector_store %arg10[%swap3A_805, %swap3A_806], %swap3A_809 {strides = array<i32>} : memref<256x64xf32, #tpu.memory_space<vmem>>, vector<1x16xf32>,
        } else {
        }
        %sub3A_654 = arith.subi %squeeze3A_12, %mul3A_608 : i32
        %ge3A_655 = arith.constant 0 : i32
        %ge3A_656 = arith.cmpi sge, %sub3A_654, %ge3A_655 : i32
        %lt3A_657 = arith.constant 256 : i32
        %lt3A_658 = arith.cmpi slt, %sub3A_654, %lt3A_657 : i32
        %and3A_659 = arith.andi %ge3A_656, %lt3A_658 : i1
        %convert_element_type3A_660 = arith.extui %and3A_659 : i1 to i32
        %cond3A_661 = arith.constant 0 : i32
        %cond3A_662 = arith.cmpi ne, %convert_element_type3A_660, %cond3A_661 : i32
        scf.if %cond3A_662 {
          %get3A_767 = arith.constant 5 : i32
          %get3A_768 = arith.index_cast %scan3A_359 : i32 to index
          %get3A_769 = arith.index_cast %get3A_767 : i32 to index
          %get3A_770 = arith.constant 0 : index
          %get3A_771 = tpu.vector_load %arg11[%get3A_768, %get3A_769, %get3A_770] {strides = array<i32>} : memref<8x16x64xf32, #tpu.memory_space<vmem>>, vector<1x1x16xf32>,
          %get3A_772 = vector.shape_cast %get3A_771 : vector<1x1x16xf32> to vector<16xf32>
          %swap3A = arith.index_cast %sub3A_654 : i32 to index
          %swap3A_773 = arith.constant 0 : index
          %swap3A_774 = tpu.vector_load %arg10[%swap3A, %swap3A_773] {strides = array<i32>} : memref<256x64xf32, #tpu.memory_space<vmem>>, vector<1x16xf32>,
          %swap3A_775 = vector.shape_cast %swap3A_774 : vector<1x16xf32> to vector<16xf32>
          %swap3A_776 = vector.shape_cast %get3A_772 : vector<16xf32> to vector<1x16xf32>
          tpu.vector_store %arg10[%swap3A, %swap3A_773], %swap3A_776 {strides = array<i32>} : memref<256x64xf32, #tpu.memory_space<vmem>>, vector<1x16xf32>,
          %get3A_777 = arith.constant 5 : i32
          %get3A_778 = arith.index_cast %scan3A_359 : i32 to index
          %get3A_779 = arith.index_cast %get3A_777 : i32 to index
          %get3A_780 = arith.constant 16 : index
          %get3A_781 = tpu.vector_load %arg11[%get3A_778, %get3A_779, %get3A_780] {strides = array<i32>} : memref<8x16x64xf32, #tpu.memory_space<vmem>>, vector<1x1x16xf32>,
          %get3A_782 = vector.shape_cast %get3A_781 : vector<1x1x16xf32> to vector<16xf32>
          %swap3A_783 = arith.index_cast %sub3A_654 : i32 to index
          %swap3A_784 = arith.constant 16 : index
          %swap3A_785 = tpu.vector_load %arg10[%swap3A_783, %swap3A_784] {strides = array<i32>} : memref<256x64xf32, #tpu.memory_space<vmem>>, vector<1x16xf32>,
          %swap3A_786 = vector.shape_cast %swap3A_785 : vector<1x16xf32> to vector<16xf32>
          %swap3A_787 = vector.shape_cast %get3A_782 : vector<16xf32> to vector<1x16xf32>
          tpu.vector_store %arg10[%swap3A_783, %swap3A_784], %swap3A_787 {strides = array<i32>} : memref<256x64xf32, #tpu.memory_space<vmem>>, vector<1x16xf32>,
          %get3A_788 = arith.constant 5 : i32
          %get3A_789 = arith.index_cast %scan3A_359 : i32 to index
          %get3A_790 = arith.index_cast %get3A_788 : i32 to index
          %get3A_791 = arith.constant 32 : index
          %get3A_792 = tpu.vector_load %arg11[%get3A_789, %get3A_790, %get3A_791] {strides = array<i32>} : memref<8x16x64xf32, #tpu.memory_space<vmem>>, vector<1x1x16xf32>,
          %get3A_793 = vector.shape_cast %get3A_792 : vector<1x1x16xf32> to vector<16xf32>
          %swap3A_794 = arith.index_cast %sub3A_654 : i32 to index
          %swap3A_795 = arith.constant 32 : index
          %swap3A_796 = tpu.vector_load %arg10[%swap3A_794, %swap3A_795] {strides = array<i32>} : memref<256x64xf32, #tpu.memory_space<vmem>>, vector<1x16xf32>,
          %swap3A_797 = vector.shape_cast %swap3A_796 : vector<1x16xf32> to vector<16xf32>
          %swap3A_798 = vector.shape_cast %get3A_793 : vector<16xf32> to vector<1x16xf32>
          tpu.vector_store %arg10[%swap3A_794, %swap3A_795], %swap3A_798 {strides = array<i32>} : memref<256x64xf32, #tpu.memory_space<vmem>>, vector<1x16xf32>,
          %get3A_799 = arith.constant 5 : i32
          %get3A_800 = arith.index_cast %scan3A_359 : i32 to index
          %get3A_801 = arith.index_cast %get3A_799 : i32 to index
          %get3A_802 = arith.constant 48 : index
          %get3A_803 = tpu.vector_load %arg11[%get3A_800, %get3A_801, %get3A_802] {strides = array<i32>} : memref<8x16x64xf32, #tpu.memory_space<vmem>>, vector<1x1x16xf32>,
          %get3A_804 = vector.shape_cast %get3A_803 : vector<1x1x16xf32> to vector<16xf32>
          %swap3A_805 = arith.index_cast %sub3A_654 : i32 to index
          %swap3A_806 = arith.constant 48 : index
          %swap3A_807 = tpu.vector_load %arg10[%swap3A_805, %swap3A_806] {strides = array<i32>} : memref<256x64xf32, #tpu.memory_space<vmem>>, vector<1x16xf32>,
          %swap3A_808 = vector.shape_cast %swap3A_807 : vector<1x16xf32> to vector<16xf32>
          %swap3A_809 = vector.shape_cast %get3A_804 : vector<16xf32> to vector<1x16xf32>
          tpu.vector_store %arg10[%swap3A_805, %swap3A_806], %swap3A_809 {strides = array<i32>} : memref<256x64xf32, #tpu.memory_space<vmem>>, vector<1x16xf32>,
        } else {
        }
        %sub3A_663 = arith.subi %squeeze3A_14, %mul3A_608 : i32
        %ge3A_664 = arith.constant 0 : i32
        %ge3A_665 = arith.cmpi sge, %sub3A_663, %ge3A_664 : i32
        %lt3A_666 = arith.constant 256 : i32
        %lt3A_667 = arith.cmpi slt, %sub3A_663, %lt3A_666 : i32
        %and3A_668 = arith.andi %ge3A_665, %lt3A_667 : i1
        %convert_element_type3A_669 = arith.extui %and3A_668 : i1 to i32
        %cond3A_670 = arith.constant 0 : i32
        %cond3A_671 = arith.cmpi ne, %convert_element_type3A_669, %cond3A_670 : i32
        scf.if %cond3A_671 {
          %get3A_767 = arith.constant 6 : i32
          %get3A_768 = arith.index_cast %scan3A_359 : i32 to index
          %get3A_769 = arith.index_cast %get3A_767 : i32 to index
          %get3A_770 = arith.constant 0 : index
          %get3A_771 = tpu.vector_load %arg11[%get3A_768, %get3A_769, %get3A_770] {strides = array<i32>} : memref<8x16x64xf32, #tpu.memory_space<vmem>>, vector<1x1x16xf32>,
          %get3A_772 = vector.shape_cast %get3A_771 : vector<1x1x16xf32> to vector<16xf32>
          %swap3A = arith.index_cast %sub3A_663 : i32 to index
          %swap3A_773 = arith.constant 0 : index
          %swap3A_774 = tpu.vector_load %arg10[%swap3A, %swap3A_773] {strides = array<i32>} : memref<256x64xf32, #tpu.memory_space<vmem>>, vector<1x16xf32>,
          %swap3A_775 = vector.shape_cast %swap3A_774 : vector<1x16xf32> to vector<16xf32>
          %swap3A_776 = vector.shape_cast %get3A_772 : vector<16xf32> to vector<1x16xf32>
          tpu.vector_store %arg10[%swap3A, %swap3A_773], %swap3A_776 {strides = array<i32>} : memref<256x64xf32, #tpu.memory_space<vmem>>, vector<1x16xf32>,
          %get3A_777 = arith.constant 6 : i32
          %get3A_778 = arith.index_cast %scan3A_359 : i32 to index
          %get3A_779 = arith.index_cast %get3A_777 : i32 to index
          %get3A_780 = arith.constant 16 : index
          %get3A_781 = tpu.vector_load %arg11[%get3A_778, %get3A_779, %get3A_780] {strides = array<i32>} : memref<8x16x64xf32, #tpu.memory_space<vmem>>, vector<1x1x16xf32>,
          %get3A_782 = vector.shape_cast %get3A_781 : vector<1x1x16xf32> to vector<16xf32>
          %swap3A_783 = arith.index_cast %sub3A_663 : i32 to index
          %swap3A_784 = arith.constant 16 : index
          %swap3A_785 = tpu.vector_load %arg10[%swap3A_783, %swap3A_784] {strides = array<i32>} : memref<256x64xf32, #tpu.memory_space<vmem>>, vector<1x16xf32>,
          %swap3A_786 = vector.shape_cast %swap3A_785 : vector<1x16xf32> to vector<16xf32>
          %swap3A_787 = vector.shape_cast %get3A_782 : vector<16xf32> to vector<1x16xf32>
          tpu.vector_store %arg10[%swap3A_783, %swap3A_784], %swap3A_787 {strides = array<i32>} : memref<256x64xf32, #tpu.memory_space<vmem>>, vector<1x16xf32>,
          %get3A_788 = arith.constant 6 : i32
          %get3A_789 = arith.index_cast %scan3A_359 : i32 to index
          %get3A_790 = arith.index_cast %get3A_788 : i32 to index
          %get3A_791 = arith.constant 32 : index
          %get3A_792 = tpu.vector_load %arg11[%get3A_789, %get3A_790, %get3A_791] {strides = array<i32>} : memref<8x16x64xf32, #tpu.memory_space<vmem>>, vector<1x1x16xf32>,
          %get3A_793 = vector.shape_cast %get3A_792 : vector<1x1x16xf32> to vector<16xf32>
          %swap3A_794 = arith.index_cast %sub3A_663 : i32 to index
          %swap3A_795 = arith.constant 32 : index
          %swap3A_796 = tpu.vector_load %arg10[%swap3A_794, %swap3A_795] {strides = array<i32>} : memref<256x64xf32, #tpu.memory_space<vmem>>, vector<1x16xf32>,
          %swap3A_797 = vector.shape_cast %swap3A_796 : vector<1x16xf32> to vector<16xf32>
          %swap3A_798 = vector.shape_cast %get3A_793 : vector<16xf32> to vector<1x16xf32>
          tpu.vector_store %arg10[%swap3A_794, %swap3A_795], %swap3A_798 {strides = array<i32>} : memref<256x64xf32, #tpu.memory_space<vmem>>, vector<1x16xf32>,
          %get3A_799 = arith.constant 6 : i32
          %get3A_800 = arith.index_cast %scan3A_359 : i32 to index
          %get3A_801 = arith.index_cast %get3A_799 : i32 to index
          %get3A_802 = arith.constant 48 : index
          %get3A_803 = tpu.vector_load %arg11[%get3A_800, %get3A_801, %get3A_802] {strides = array<i32>} : memref<8x16x64xf32, #tpu.memory_space<vmem>>, vector<1x1x16xf32>,
          %get3A_804 = vector.shape_cast %get3A_803 : vector<1x1x16xf32> to vector<16xf32>
          %swap3A_805 = arith.index_cast %sub3A_663 : i32 to index
          %swap3A_806 = arith.constant 48 : index
          %swap3A_807 = tpu.vector_load %arg10[%swap3A_805, %swap3A_806] {strides = array<i32>} : memref<256x64xf32, #tpu.memory_space<vmem>>, vector<1x16xf32>,
          %swap3A_808 = vector.shape_cast %swap3A_807 : vector<1x16xf32> to vector<16xf32>
          %swap3A_809 = vector.shape_cast %get3A_804 : vector<16xf32> to vector<1x16xf32>
          tpu.vector_store %arg10[%swap3A_805, %swap3A_806], %swap3A_809 {strides = array<i32>} : memref<256x64xf32, #tpu.memory_space<vmem>>, vector<1x16xf32>,
        } else {
        }
        %sub3A_672 = arith.subi %squeeze3A_16, %mul3A_608 : i32
        %ge3A_673 = arith.constant 0 : i32
        %ge3A_674 = arith.cmpi sge, %sub3A_672, %ge3A_673 : i32
        %lt3A_675 = arith.constant 256 : i32
        %lt3A_676 = arith.cmpi slt, %sub3A_672, %lt3A_675 : i32
        %and3A_677 = arith.andi %ge3A_674, %lt3A_676 : i1
        %convert_element_type3A_678 = arith.extui %and3A_677 : i1 to i32
        %cond3A_679 = arith.constant 0 : i32
        %cond3A_680 = arith.cmpi ne, %convert_element_type3A_678, %cond3A_679 : i32
        scf.if %cond3A_680 {
          %get3A_767 = arith.constant 7 : i32
          %get3A_768 = arith.index_cast %scan3A_359 : i32 to index
          %get3A_769 = arith.index_cast %get3A_767 : i32 to index
          %get3A_770 = arith.constant 0 : index
          %get3A_771 = tpu.vector_load %arg11[%get3A_768, %get3A_769, %get3A_770] {strides = array<i32>} : memref<8x16x64xf32, #tpu.memory_space<vmem>>, vector<1x1x16xf32>,
          %get3A_772 = vector.shape_cast %get3A_771 : vector<1x1x16xf32> to vector<16xf32>
          %swap3A = arith.index_cast %sub3A_672 : i32 to index
          %swap3A_773 = arith.constant 0 : index
          %swap3A_774 = tpu.vector_load %arg10[%swap3A, %swap3A_773] {strides = array<i32>} : memref<256x64xf32, #tpu.memory_space<vmem>>, vector<1x16xf32>,
          %swap3A_775 = vector.shape_cast %swap3A_774 : vector<1x16xf32> to vector<16xf32>
          %swap3A_776 = vector.shape_cast %get3A_772 : vector<16xf32> to vector<1x16xf32>
          tpu.vector_store %arg10[%swap3A, %swap3A_773], %swap3A_776 {strides = array<i32>} : memref<256x64xf32, #tpu.memory_space<vmem>>, vector<1x16xf32>,
          %get3A_777 = arith.constant 7 : i32
          %get3A_778 = arith.index_cast %scan3A_359 : i32 to index
          %get3A_779 = arith.index_cast %get3A_777 : i32 to index
          %get3A_780 = arith.constant 16 : index
          %get3A_781 = tpu.vector_load %arg11[%get3A_778, %get3A_779, %get3A_780] {strides = array<i32>} : memref<8x16x64xf32, #tpu.memory_space<vmem>>, vector<1x1x16xf32>,
          %get3A_782 = vector.shape_cast %get3A_781 : vector<1x1x16xf32> to vector<16xf32>
          %swap3A_783 = arith.index_cast %sub3A_672 : i32 to index
          %swap3A_784 = arith.constant 16 : index
          %swap3A_785 = tpu.vector_load %arg10[%swap3A_783, %swap3A_784] {strides = array<i32>} : memref<256x64xf32, #tpu.memory_space<vmem>>, vector<1x16xf32>,
          %swap3A_786 = vector.shape_cast %swap3A_785 : vector<1x16xf32> to vector<16xf32>
          %swap3A_787 = vector.shape_cast %get3A_782 : vector<16xf32> to vector<1x16xf32>
          tpu.vector_store %arg10[%swap3A_783, %swap3A_784], %swap3A_787 {strides = array<i32>} : memref<256x64xf32, #tpu.memory_space<vmem>>, vector<1x16xf32>,
          %get3A_788 = arith.constant 7 : i32
          %get3A_789 = arith.index_cast %scan3A_359 : i32 to index
          %get3A_790 = arith.index_cast %get3A_788 : i32 to index
          %get3A_791 = arith.constant 32 : index
          %get3A_792 = tpu.vector_load %arg11[%get3A_789, %get3A_790, %get3A_791] {strides = array<i32>} : memref<8x16x64xf32, #tpu.memory_space<vmem>>, vector<1x1x16xf32>,
          %get3A_793 = vector.shape_cast %get3A_792 : vector<1x1x16xf32> to vector<16xf32>
          %swap3A_794 = arith.index_cast %sub3A_672 : i32 to index
          %swap3A_795 = arith.constant 32 : index
          %swap3A_796 = tpu.vector_load %arg10[%swap3A_794, %swap3A_795] {strides = array<i32>} : memref<256x64xf32, #tpu.memory_space<vmem>>, vector<1x16xf32>,
          %swap3A_797 = vector.shape_cast %swap3A_796 : vector<1x16xf32> to vector<16xf32>
          %swap3A_798 = vector.shape_cast %get3A_793 : vector<16xf32> to vector<1x16xf32>
          tpu.vector_store %arg10[%swap3A_794, %swap3A_795], %swap3A_798 {strides = array<i32>} : memref<256x64xf32, #tpu.memory_space<vmem>>, vector<1x16xf32>,
          %get3A_799 = arith.constant 7 : i32
          %get3A_800 = arith.index_cast %scan3A_359 : i32 to index
          %get3A_801 = arith.index_cast %get3A_799 : i32 to index
          %get3A_802 = arith.constant 48 : index
          %get3A_803 = tpu.vector_load %arg11[%get3A_800, %get3A_801, %get3A_802] {strides = array<i32>} : memref<8x16x64xf32, #tpu.memory_space<vmem>>, vector<1x1x16xf32>,
          %get3A_804 = vector.shape_cast %get3A_803 : vector<1x1x16xf32> to vector<16xf32>
          %swap3A_805 = arith.index_cast %sub3A_672 : i32 to index
          %swap3A_806 = arith.constant 48 : index
          %swap3A_807 = tpu.vector_load %arg10[%swap3A_805, %swap3A_806] {strides = array<i32>} : memref<256x64xf32, #tpu.memory_space<vmem>>, vector<1x16xf32>,
          %swap3A_808 = vector.shape_cast %swap3A_807 : vector<1x16xf32> to vector<16xf32>
          %swap3A_809 = vector.shape_cast %get3A_804 : vector<16xf32> to vector<1x16xf32>
          tpu.vector_store %arg10[%swap3A_805, %swap3A_806], %swap3A_809 {strides = array<i32>} : memref<256x64xf32, #tpu.memory_space<vmem>>, vector<1x16xf32>,
        } else {
        }
        %sub3A_681 = arith.subi %squeeze3A_18, %mul3A_608 : i32
        %ge3A_682 = arith.constant 0 : i32
        %ge3A_683 = arith.cmpi sge, %sub3A_681, %ge3A_682 : i32
        %lt3A_684 = arith.constant 256 : i32
        %lt3A_685 = arith.cmpi slt, %sub3A_681, %lt3A_684 : i32
        %and3A_686 = arith.andi %ge3A_683, %lt3A_685 : i1
        %convert_element_type3A_687 = arith.extui %and3A_686 : i1 to i32
        %cond3A_688 = arith.constant 0 : i32
        %cond3A_689 = arith.cmpi ne, %convert_element_type3A_687, %cond3A_688 : i32
        scf.if %cond3A_689 {
          %get3A_767 = arith.constant 8 : i32
          %get3A_768 = arith.index_cast %scan3A_359 : i32 to index
          %get3A_769 = arith.index_cast %get3A_767 : i32 to index
          %get3A_770 = arith.constant 0 : index
          %get3A_771 = tpu.vector_load %arg11[%get3A_768, %get3A_769, %get3A_770] {strides = array<i32>} : memref<8x16x64xf32, #tpu.memory_space<vmem>>, vector<1x1x16xf32>,
          %get3A_772 = vector.shape_cast %get3A_771 : vector<1x1x16xf32> to vector<16xf32>
          %swap3A = arith.index_cast %sub3A_681 : i32 to index
          %swap3A_773 = arith.constant 0 : index
          %swap3A_774 = tpu.vector_load %arg10[%swap3A, %swap3A_773] {strides = array<i32>} : memref<256x64xf32, #tpu.memory_space<vmem>>, vector<1x16xf32>,
          %swap3A_775 = vector.shape_cast %swap3A_774 : vector<1x16xf32> to vector<16xf32>
          %swap3A_776 = vector.shape_cast %get3A_772 : vector<16xf32> to vector<1x16xf32>
          tpu.vector_store %arg10[%swap3A, %swap3A_773], %swap3A_776 {strides = array<i32>} : memref<256x64xf32, #tpu.memory_space<vmem>>, vector<1x16xf32>,
          %get3A_777 = arith.constant 8 : i32
          %get3A_778 = arith.index_cast %scan3A_359 : i32 to index
          %get3A_779 = arith.index_cast %get3A_777 : i32 to index
          %get3A_780 = arith.constant 16 : index
          %get3A_781 = tpu.vector_load %arg11[%get3A_778, %get3A_779, %get3A_780] {strides = array<i32>} : memref<8x16x64xf32, #tpu.memory_space<vmem>>, vector<1x1x16xf32>,
          %get3A_782 = vector.shape_cast %get3A_781 : vector<1x1x16xf32> to vector<16xf32>
          %swap3A_783 = arith.index_cast %sub3A_681 : i32 to index
          %swap3A_784 = arith.constant 16 : index
          %swap3A_785 = tpu.vector_load %arg10[%swap3A_783, %swap3A_784] {strides = array<i32>} : memref<256x64xf32, #tpu.memory_space<vmem>>, vector<1x16xf32>,
          %swap3A_786 = vector.shape_cast %swap3A_785 : vector<1x16xf32> to vector<16xf32>
          %swap3A_787 = vector.shape_cast %get3A_782 : vector<16xf32> to vector<1x16xf32>
          tpu.vector_store %arg10[%swap3A_783, %swap3A_784], %swap3A_787 {strides = array<i32>} : memref<256x64xf32, #tpu.memory_space<vmem>>, vector<1x16xf32>,
          %get3A_788 = arith.constant 8 : i32
          %get3A_789 = arith.index_cast %scan3A_359 : i32 to index
          %get3A_790 = arith.index_cast %get3A_788 : i32 to index
          %get3A_791 = arith.constant 32 : index
          %get3A_792 = tpu.vector_load %arg11[%get3A_789, %get3A_790, %get3A_791] {strides = array<i32>} : memref<8x16x64xf32, #tpu.memory_space<vmem>>, vector<1x1x16xf32>,
          %get3A_793 = vector.shape_cast %get3A_792 : vector<1x1x16xf32> to vector<16xf32>
          %swap3A_794 = arith.index_cast %sub3A_681 : i32 to index
          %swap3A_795 = arith.constant 32 : index
          %swap3A_796 = tpu.vector_load %arg10[%swap3A_794, %swap3A_795] {strides = array<i32>} : memref<256x64xf32, #tpu.memory_space<vmem>>, vector<1x16xf32>,
          %swap3A_797 = vector.shape_cast %swap3A_796 : vector<1x16xf32> to vector<16xf32>
          %swap3A_798 = vector.shape_cast %get3A_793 : vector<16xf32> to vector<1x16xf32>
          tpu.vector_store %arg10[%swap3A_794, %swap3A_795], %swap3A_798 {strides = array<i32>} : memref<256x64xf32, #tpu.memory_space<vmem>>, vector<1x16xf32>,
          %get3A_799 = arith.constant 8 : i32
          %get3A_800 = arith.index_cast %scan3A_359 : i32 to index
          %get3A_801 = arith.index_cast %get3A_799 : i32 to index
          %get3A_802 = arith.constant 48 : index
          %get3A_803 = tpu.vector_load %arg11[%get3A_800, %get3A_801, %get3A_802] {strides = array<i32>} : memref<8x16x64xf32, #tpu.memory_space<vmem>>, vector<1x1x16xf32>,
          %get3A_804 = vector.shape_cast %get3A_803 : vector<1x1x16xf32> to vector<16xf32>
          %swap3A_805 = arith.index_cast %sub3A_681 : i32 to index
          %swap3A_806 = arith.constant 48 : index
          %swap3A_807 = tpu.vector_load %arg10[%swap3A_805, %swap3A_806] {strides = array<i32>} : memref<256x64xf32, #tpu.memory_space<vmem>>, vector<1x16xf32>,
          %swap3A_808 = vector.shape_cast %swap3A_807 : vector<1x16xf32> to vector<16xf32>
          %swap3A_809 = vector.shape_cast %get3A_804 : vector<16xf32> to vector<1x16xf32>
          tpu.vector_store %arg10[%swap3A_805, %swap3A_806], %swap3A_809 {strides = array<i32>} : memref<256x64xf32, #tpu.memory_space<vmem>>, vector<1x16xf32>,
        } else {
        }
        %sub3A_690 = arith.subi %squeeze3A_20, %mul3A_608 : i32
        %ge3A_691 = arith.constant 0 : i32
        %ge3A_692 = arith.cmpi sge, %sub3A_690, %ge3A_691 : i32
        %lt3A_693 = arith.constant 256 : i32
        %lt3A_694 = arith.cmpi slt, %sub3A_690, %lt3A_693 : i32
        %and3A_695 = arith.andi %ge3A_692, %lt3A_694 : i1
        %convert_element_type3A_696 = arith.extui %and3A_695 : i1 to i32
        %cond3A_697 = arith.constant 0 : i32
        %cond3A_698 = arith.cmpi ne, %convert_element_type3A_696, %cond3A_697 : i32
        scf.if %cond3A_698 {
          %get3A_767 = arith.constant 9 : i32
          %get3A_768 = arith.index_cast %scan3A_359 : i32 to index
          %get3A_769 = arith.index_cast %get3A_767 : i32 to index
          %get3A_770 = arith.constant 0 : index
          %get3A_771 = tpu.vector_load %arg11[%get3A_768, %get3A_769, %get3A_770] {strides = array<i32>} : memref<8x16x64xf32, #tpu.memory_space<vmem>>, vector<1x1x16xf32>,
          %get3A_772 = vector.shape_cast %get3A_771 : vector<1x1x16xf32> to vector<16xf32>
          %swap3A = arith.index_cast %sub3A_690 : i32 to index
          %swap3A_773 = arith.constant 0 : index
          %swap3A_774 = tpu.vector_load %arg10[%swap3A, %swap3A_773] {strides = array<i32>} : memref<256x64xf32, #tpu.memory_space<vmem>>, vector<1x16xf32>,
          %swap3A_775 = vector.shape_cast %swap3A_774 : vector<1x16xf32> to vector<16xf32>
          %swap3A_776 = vector.shape_cast %get3A_772 : vector<16xf32> to vector<1x16xf32>
          tpu.vector_store %arg10[%swap3A, %swap3A_773], %swap3A_776 {strides = array<i32>} : memref<256x64xf32, #tpu.memory_space<vmem>>, vector<1x16xf32>,
          %get3A_777 = arith.constant 9 : i32
          %get3A_778 = arith.index_cast %scan3A_359 : i32 to index
          %get3A_779 = arith.index_cast %get3A_777 : i32 to index
          %get3A_780 = arith.constant 16 : index
          %get3A_781 = tpu.vector_load %arg11[%get3A_778, %get3A_779, %get3A_780] {strides = array<i32>} : memref<8x16x64xf32, #tpu.memory_space<vmem>>, vector<1x1x16xf32>,
          %get3A_782 = vector.shape_cast %get3A_781 : vector<1x1x16xf32> to vector<16xf32>
          %swap3A_783 = arith.index_cast %sub3A_690 : i32 to index
          %swap3A_784 = arith.constant 16 : index
          %swap3A_785 = tpu.vector_load %arg10[%swap3A_783, %swap3A_784] {strides = array<i32>} : memref<256x64xf32, #tpu.memory_space<vmem>>, vector<1x16xf32>,
          %swap3A_786 = vector.shape_cast %swap3A_785 : vector<1x16xf32> to vector<16xf32>
          %swap3A_787 = vector.shape_cast %get3A_782 : vector<16xf32> to vector<1x16xf32>
          tpu.vector_store %arg10[%swap3A_783, %swap3A_784], %swap3A_787 {strides = array<i32>} : memref<256x64xf32, #tpu.memory_space<vmem>>, vector<1x16xf32>,
          %get3A_788 = arith.constant 9 : i32
          %get3A_789 = arith.index_cast %scan3A_359 : i32 to index
          %get3A_790 = arith.index_cast %get3A_788 : i32 to index
          %get3A_791 = arith.constant 32 : index
          %get3A_792 = tpu.vector_load %arg11[%get3A_789, %get3A_790, %get3A_791] {strides = array<i32>} : memref<8x16x64xf32, #tpu.memory_space<vmem>>, vector<1x1x16xf32>,
          %get3A_793 = vector.shape_cast %get3A_792 : vector<1x1x16xf32> to vector<16xf32>
          %swap3A_794 = arith.index_cast %sub3A_690 : i32 to index
          %swap3A_795 = arith.constant 32 : index
          %swap3A_796 = tpu.vector_load %arg10[%swap3A_794, %swap3A_795] {strides = array<i32>} : memref<256x64xf32, #tpu.memory_space<vmem>>, vector<1x16xf32>,
          %swap3A_797 = vector.shape_cast %swap3A_796 : vector<1x16xf32> to vector<16xf32>
          %swap3A_798 = vector.shape_cast %get3A_793 : vector<16xf32> to vector<1x16xf32>
          tpu.vector_store %arg10[%swap3A_794, %swap3A_795], %swap3A_798 {strides = array<i32>} : memref<256x64xf32, #tpu.memory_space<vmem>>, vector<1x16xf32>,
          %get3A_799 = arith.constant 9 : i32
          %get3A_800 = arith.index_cast %scan3A_359 : i32 to index
          %get3A_801 = arith.index_cast %get3A_799 : i32 to index
          %get3A_802 = arith.constant 48 : index
          %get3A_803 = tpu.vector_load %arg11[%get3A_800, %get3A_801, %get3A_802] {strides = array<i32>} : memref<8x16x64xf32, #tpu.memory_space<vmem>>, vector<1x1x16xf32>,
          %get3A_804 = vector.shape_cast %get3A_803 : vector<1x1x16xf32> to vector<16xf32>
          %swap3A_805 = arith.index_cast %sub3A_690 : i32 to index
          %swap3A_806 = arith.constant 48 : index
          %swap3A_807 = tpu.vector_load %arg10[%swap3A_805, %swap3A_806] {strides = array<i32>} : memref<256x64xf32, #tpu.memory_space<vmem>>, vector<1x16xf32>,
          %swap3A_808 = vector.shape_cast %swap3A_807 : vector<1x16xf32> to vector<16xf32>
          %swap3A_809 = vector.shape_cast %get3A_804 : vector<16xf32> to vector<1x16xf32>
          tpu.vector_store %arg10[%swap3A_805, %swap3A_806], %swap3A_809 {strides = array<i32>} : memref<256x64xf32, #tpu.memory_space<vmem>>, vector<1x16xf32>,
        } else {
        }
        %sub3A_699 = arith.subi %squeeze3A_22, %mul3A_608 : i32
        %ge3A_700 = arith.constant 0 : i32
        %ge3A_701 = arith.cmpi sge, %sub3A_699, %ge3A_700 : i32
        %lt3A_702 = arith.constant 256 : i32
        %lt3A_703 = arith.cmpi slt, %sub3A_699, %lt3A_702 : i32
        %and3A_704 = arith.andi %ge3A_701, %lt3A_703 : i1
        %convert_element_type3A_705 = arith.extui %and3A_704 : i1 to i32
        %cond3A_706 = arith.constant 0 : i32
        %cond3A_707 = arith.cmpi ne, %convert_element_type3A_705, %cond3A_706 : i32
        scf.if %cond3A_707 {
          %get3A_767 = arith.constant 10 : i32
          %get3A_768 = arith.index_cast %scan3A_359 : i32 to index
          %get3A_769 = arith.index_cast %get3A_767 : i32 to index
          %get3A_770 = arith.constant 0 : index
          %get3A_771 = tpu.vector_load %arg11[%get3A_768, %get3A_769, %get3A_770] {strides = array<i32>} : memref<8x16x64xf32, #tpu.memory_space<vmem>>, vector<1x1x16xf32>,
          %get3A_772 = vector.shape_cast %get3A_771 : vector<1x1x16xf32> to vector<16xf32>
          %swap3A = arith.index_cast %sub3A_699 : i32 to index
          %swap3A_773 = arith.constant 0 : index
          %swap3A_774 = tpu.vector_load %arg10[%swap3A, %swap3A_773] {strides = array<i32>} : memref<256x64xf32, #tpu.memory_space<vmem>>, vector<1x16xf32>,
          %swap3A_775 = vector.shape_cast %swap3A_774 : vector<1x16xf32> to vector<16xf32>
          %swap3A_776 = vector.shape_cast %get3A_772 : vector<16xf32> to vector<1x16xf32>
          tpu.vector_store %arg10[%swap3A, %swap3A_773], %swap3A_776 {strides = array<i32>} : memref<256x64xf32, #tpu.memory_space<vmem>>, vector<1x16xf32>,
          %get3A_777 = arith.constant 10 : i32
          %get3A_778 = arith.index_cast %scan3A_359 : i32 to index
          %get3A_779 = arith.index_cast %get3A_777 : i32 to index
          %get3A_780 = arith.constant 16 : index
          %get3A_781 = tpu.vector_load %arg11[%get3A_778, %get3A_779, %get3A_780] {strides = array<i32>} : memref<8x16x64xf32, #tpu.memory_space<vmem>>, vector<1x1x16xf32>,
          %get3A_782 = vector.shape_cast %get3A_781 : vector<1x1x16xf32> to vector<16xf32>
          %swap3A_783 = arith.index_cast %sub3A_699 : i32 to index
          %swap3A_784 = arith.constant 16 : index
          %swap3A_785 = tpu.vector_load %arg10[%swap3A_783, %swap3A_784] {strides = array<i32>} : memref<256x64xf32, #tpu.memory_space<vmem>>, vector<1x16xf32>,
          %swap3A_786 = vector.shape_cast %swap3A_785 : vector<1x16xf32> to vector<16xf32>
          %swap3A_787 = vector.shape_cast %get3A_782 : vector<16xf32> to vector<1x16xf32>
          tpu.vector_store %arg10[%swap3A_783, %swap3A_784], %swap3A_787 {strides = array<i32>} : memref<256x64xf32, #tpu.memory_space<vmem>>, vector<1x16xf32>,
          %get3A_788 = arith.constant 10 : i32
          %get3A_789 = arith.index_cast %scan3A_359 : i32 to index
          %get3A_790 = arith.index_cast %get3A_788 : i32 to index
          %get3A_791 = arith.constant 32 : index
          %get3A_792 = tpu.vector_load %arg11[%get3A_789, %get3A_790, %get3A_791] {strides = array<i32>} : memref<8x16x64xf32, #tpu.memory_space<vmem>>, vector<1x1x16xf32>,
          %get3A_793 = vector.shape_cast %get3A_792 : vector<1x1x16xf32> to vector<16xf32>
          %swap3A_794 = arith.index_cast %sub3A_699 : i32 to index
          %swap3A_795 = arith.constant 32 : index
          %swap3A_796 = tpu.vector_load %arg10[%swap3A_794, %swap3A_795] {strides = array<i32>} : memref<256x64xf32, #tpu.memory_space<vmem>>, vector<1x16xf32>,
          %swap3A_797 = vector.shape_cast %swap3A_796 : vector<1x16xf32> to vector<16xf32>
          %swap3A_798 = vector.shape_cast %get3A_793 : vector<16xf32> to vector<1x16xf32>
          tpu.vector_store %arg10[%swap3A_794, %swap3A_795], %swap3A_798 {strides = array<i32>} : memref<256x64xf32, #tpu.memory_space<vmem>>, vector<1x16xf32>,
          %get3A_799 = arith.constant 10 : i32
          %get3A_800 = arith.index_cast %scan3A_359 : i32 to index
          %get3A_801 = arith.index_cast %get3A_799 : i32 to index
          %get3A_802 = arith.constant 48 : index
          %get3A_803 = tpu.vector_load %arg11[%get3A_800, %get3A_801, %get3A_802] {strides = array<i32>} : memref<8x16x64xf32, #tpu.memory_space<vmem>>, vector<1x1x16xf32>,
          %get3A_804 = vector.shape_cast %get3A_803 : vector<1x1x16xf32> to vector<16xf32>
          %swap3A_805 = arith.index_cast %sub3A_699 : i32 to index
          %swap3A_806 = arith.constant 48 : index
          %swap3A_807 = tpu.vector_load %arg10[%swap3A_805, %swap3A_806] {strides = array<i32>} : memref<256x64xf32, #tpu.memory_space<vmem>>, vector<1x16xf32>,
          %swap3A_808 = vector.shape_cast %swap3A_807 : vector<1x16xf32> to vector<16xf32>
          %swap3A_809 = vector.shape_cast %get3A_804 : vector<16xf32> to vector<1x16xf32>
          tpu.vector_store %arg10[%swap3A_805, %swap3A_806], %swap3A_809 {strides = array<i32>} : memref<256x64xf32, #tpu.memory_space<vmem>>, vector<1x16xf32>,
        } else {
        }
        %sub3A_708 = arith.subi %squeeze3A_24, %mul3A_608 : i32
        %ge3A_709 = arith.constant 0 : i32
        %ge3A_710 = arith.cmpi sge, %sub3A_708, %ge3A_709 : i32
        %lt3A_711 = arith.constant 256 : i32
        %lt3A_712 = arith.cmpi slt, %sub3A_708, %lt3A_711 : i32
        %and3A_713 = arith.andi %ge3A_710, %lt3A_712 : i1
        %convert_element_type3A_714 = arith.extui %and3A_713 : i1 to i32
        %cond3A_715 = arith.constant 0 : i32
        %cond3A_716 = arith.cmpi ne, %convert_element_type3A_714, %cond3A_715 : i32
        scf.if %cond3A_716 {
          %get3A_767 = arith.constant 11 : i32
          %get3A_768 = arith.index_cast %scan3A_359 : i32 to index
          %get3A_769 = arith.index_cast %get3A_767 : i32 to index
          %get3A_770 = arith.constant 0 : index
          %get3A_771 = tpu.vector_load %arg11[%get3A_768, %get3A_769, %get3A_770] {strides = array<i32>} : memref<8x16x64xf32, #tpu.memory_space<vmem>>, vector<1x1x16xf32>,
          %get3A_772 = vector.shape_cast %get3A_771 : vector<1x1x16xf32> to vector<16xf32>
          %swap3A = arith.index_cast %sub3A_708 : i32 to index
          %swap3A_773 = arith.constant 0 : index
          %swap3A_774 = tpu.vector_load %arg10[%swap3A, %swap3A_773] {strides = array<i32>} : memref<256x64xf32, #tpu.memory_space<vmem>>, vector<1x16xf32>,
          %swap3A_775 = vector.shape_cast %swap3A_774 : vector<1x16xf32> to vector<16xf32>
          %swap3A_776 = vector.shape_cast %get3A_772 : vector<16xf32> to vector<1x16xf32>
          tpu.vector_store %arg10[%swap3A, %swap3A_773], %swap3A_776 {strides = array<i32>} : memref<256x64xf32, #tpu.memory_space<vmem>>, vector<1x16xf32>,
          %get3A_777 = arith.constant 11 : i32
          %get3A_778 = arith.index_cast %scan3A_359 : i32 to index
          %get3A_779 = arith.index_cast %get3A_777 : i32 to index
          %get3A_780 = arith.constant 16 : index
          %get3A_781 = tpu.vector_load %arg11[%get3A_778, %get3A_779, %get3A_780] {strides = array<i32>} : memref<8x16x64xf32, #tpu.memory_space<vmem>>, vector<1x1x16xf32>,
          %get3A_782 = vector.shape_cast %get3A_781 : vector<1x1x16xf32> to vector<16xf32>
          %swap3A_783 = arith.index_cast %sub3A_708 : i32 to index
          %swap3A_784 = arith.constant 16 : index
          %swap3A_785 = tpu.vector_load %arg10[%swap3A_783, %swap3A_784] {strides = array<i32>} : memref<256x64xf32, #tpu.memory_space<vmem>>, vector<1x16xf32>,
          %swap3A_786 = vector.shape_cast %swap3A_785 : vector<1x16xf32> to vector<16xf32>
          %swap3A_787 = vector.shape_cast %get3A_782 : vector<16xf32> to vector<1x16xf32>
          tpu.vector_store %arg10[%swap3A_783, %swap3A_784], %swap3A_787 {strides = array<i32>} : memref<256x64xf32, #tpu.memory_space<vmem>>, vector<1x16xf32>,
          %get3A_788 = arith.constant 11 : i32
          %get3A_789 = arith.index_cast %scan3A_359 : i32 to index
          %get3A_790 = arith.index_cast %get3A_788 : i32 to index
          %get3A_791 = arith.constant 32 : index
          %get3A_792 = tpu.vector_load %arg11[%get3A_789, %get3A_790, %get3A_791] {strides = array<i32>} : memref<8x16x64xf32, #tpu.memory_space<vmem>>, vector<1x1x16xf32>,
          %get3A_793 = vector.shape_cast %get3A_792 : vector<1x1x16xf32> to vector<16xf32>
          %swap3A_794 = arith.index_cast %sub3A_708 : i32 to index
          %swap3A_795 = arith.constant 32 : index
          %swap3A_796 = tpu.vector_load %arg10[%swap3A_794, %swap3A_795] {strides = array<i32>} : memref<256x64xf32, #tpu.memory_space<vmem>>, vector<1x16xf32>,
          %swap3A_797 = vector.shape_cast %swap3A_796 : vector<1x16xf32> to vector<16xf32>
          %swap3A_798 = vector.shape_cast %get3A_793 : vector<16xf32> to vector<1x16xf32>
          tpu.vector_store %arg10[%swap3A_794, %swap3A_795], %swap3A_798 {strides = array<i32>} : memref<256x64xf32, #tpu.memory_space<vmem>>, vector<1x16xf32>,
          %get3A_799 = arith.constant 11 : i32
          %get3A_800 = arith.index_cast %scan3A_359 : i32 to index
          %get3A_801 = arith.index_cast %get3A_799 : i32 to index
          %get3A_802 = arith.constant 48 : index
          %get3A_803 = tpu.vector_load %arg11[%get3A_800, %get3A_801, %get3A_802] {strides = array<i32>} : memref<8x16x64xf32, #tpu.memory_space<vmem>>, vector<1x1x16xf32>,
          %get3A_804 = vector.shape_cast %get3A_803 : vector<1x1x16xf32> to vector<16xf32>
          %swap3A_805 = arith.index_cast %sub3A_708 : i32 to index
          %swap3A_806 = arith.constant 48 : index
          %swap3A_807 = tpu.vector_load %arg10[%swap3A_805, %swap3A_806] {strides = array<i32>} : memref<256x64xf32, #tpu.memory_space<vmem>>, vector<1x16xf32>,
          %swap3A_808 = vector.shape_cast %swap3A_807 : vector<1x16xf32> to vector<16xf32>
          %swap3A_809 = vector.shape_cast %get3A_804 : vector<16xf32> to vector<1x16xf32>
          tpu.vector_store %arg10[%swap3A_805, %swap3A_806], %swap3A_809 {strides = array<i32>} : memref<256x64xf32, #tpu.memory_space<vmem>>, vector<1x16xf32>,
        } else {
        }
        %sub3A_717 = arith.subi %squeeze3A_26, %mul3A_608 : i32
        %ge3A_718 = arith.constant 0 : i32
        %ge3A_719 = arith.cmpi sge, %sub3A_717, %ge3A_718 : i32
        %lt3A_720 = arith.constant 256 : i32
        %lt3A_721 = arith.cmpi slt, %sub3A_717, %lt3A_720 : i32
        %and3A_722 = arith.andi %ge3A_719, %lt3A_721 : i1
        %convert_element_type3A_723 = arith.extui %and3A_722 : i1 to i32
        %cond3A_724 = arith.constant 0 : i32
        %cond3A_725 = arith.cmpi ne, %convert_element_type3A_723, %cond3A_724 : i32
        scf.if %cond3A_725 {
          %get3A_767 = arith.constant 12 : i32
          %get3A_768 = arith.index_cast %scan3A_359 : i32 to index
          %get3A_769 = arith.index_cast %get3A_767 : i32 to index
          %get3A_770 = arith.constant 0 : index
          %get3A_771 = tpu.vector_load %arg11[%get3A_768, %get3A_769, %get3A_770] {strides = array<i32>} : memref<8x16x64xf32, #tpu.memory_space<vmem>>, vector<1x1x16xf32>,
          %get3A_772 = vector.shape_cast %get3A_771 : vector<1x1x16xf32> to vector<16xf32>
          %swap3A = arith.index_cast %sub3A_717 : i32 to index
          %swap3A_773 = arith.constant 0 : index
          %swap3A_774 = tpu.vector_load %arg10[%swap3A, %swap3A_773] {strides = array<i32>} : memref<256x64xf32, #tpu.memory_space<vmem>>, vector<1x16xf32>,
          %swap3A_775 = vector.shape_cast %swap3A_774 : vector<1x16xf32> to vector<16xf32>
          %swap3A_776 = vector.shape_cast %get3A_772 : vector<16xf32> to vector<1x16xf32>
          tpu.vector_store %arg10[%swap3A, %swap3A_773], %swap3A_776 {strides = array<i32>} : memref<256x64xf32, #tpu.memory_space<vmem>>, vector<1x16xf32>,
          %get3A_777 = arith.constant 12 : i32
          %get3A_778 = arith.index_cast %scan3A_359 : i32 to index
          %get3A_779 = arith.index_cast %get3A_777 : i32 to index
          %get3A_780 = arith.constant 16 : index
          %get3A_781 = tpu.vector_load %arg11[%get3A_778, %get3A_779, %get3A_780] {strides = array<i32>} : memref<8x16x64xf32, #tpu.memory_space<vmem>>, vector<1x1x16xf32>,
          %get3A_782 = vector.shape_cast %get3A_781 : vector<1x1x16xf32> to vector<16xf32>
          %swap3A_783 = arith.index_cast %sub3A_717 : i32 to index
          %swap3A_784 = arith.constant 16 : index
          %swap3A_785 = tpu.vector_load %arg10[%swap3A_783, %swap3A_784] {strides = array<i32>} : memref<256x64xf32, #tpu.memory_space<vmem>>, vector<1x16xf32>,
          %swap3A_786 = vector.shape_cast %swap3A_785 : vector<1x16xf32> to vector<16xf32>
          %swap3A_787 = vector.shape_cast %get3A_782 : vector<16xf32> to vector<1x16xf32>
          tpu.vector_store %arg10[%swap3A_783, %swap3A_784], %swap3A_787 {strides = array<i32>} : memref<256x64xf32, #tpu.memory_space<vmem>>, vector<1x16xf32>,
          %get3A_788 = arith.constant 12 : i32
          %get3A_789 = arith.index_cast %scan3A_359 : i32 to index
          %get3A_790 = arith.index_cast %get3A_788 : i32 to index
          %get3A_791 = arith.constant 32 : index
          %get3A_792 = tpu.vector_load %arg11[%get3A_789, %get3A_790, %get3A_791] {strides = array<i32>} : memref<8x16x64xf32, #tpu.memory_space<vmem>>, vector<1x1x16xf32>,
          %get3A_793 = vector.shape_cast %get3A_792 : vector<1x1x16xf32> to vector<16xf32>
          %swap3A_794 = arith.index_cast %sub3A_717 : i32 to index
          %swap3A_795 = arith.constant 32 : index
          %swap3A_796 = tpu.vector_load %arg10[%swap3A_794, %swap3A_795] {strides = array<i32>} : memref<256x64xf32, #tpu.memory_space<vmem>>, vector<1x16xf32>,
          %swap3A_797 = vector.shape_cast %swap3A_796 : vector<1x16xf32> to vector<16xf32>
          %swap3A_798 = vector.shape_cast %get3A_793 : vector<16xf32> to vector<1x16xf32>
          tpu.vector_store %arg10[%swap3A_794, %swap3A_795], %swap3A_798 {strides = array<i32>} : memref<256x64xf32, #tpu.memory_space<vmem>>, vector<1x16xf32>,
          %get3A_799 = arith.constant 12 : i32
          %get3A_800 = arith.index_cast %scan3A_359 : i32 to index
          %get3A_801 = arith.index_cast %get3A_799 : i32 to index
          %get3A_802 = arith.constant 48 : index
          %get3A_803 = tpu.vector_load %arg11[%get3A_800, %get3A_801, %get3A_802] {strides = array<i32>} : memref<8x16x64xf32, #tpu.memory_space<vmem>>, vector<1x1x16xf32>,
          %get3A_804 = vector.shape_cast %get3A_803 : vector<1x1x16xf32> to vector<16xf32>
          %swap3A_805 = arith.index_cast %sub3A_717 : i32 to index
          %swap3A_806 = arith.constant 48 : index
          %swap3A_807 = tpu.vector_load %arg10[%swap3A_805, %swap3A_806] {strides = array<i32>} : memref<256x64xf32, #tpu.memory_space<vmem>>, vector<1x16xf32>,
          %swap3A_808 = vector.shape_cast %swap3A_807 : vector<1x16xf32> to vector<16xf32>
          %swap3A_809 = vector.shape_cast %get3A_804 : vector<16xf32> to vector<1x16xf32>
          tpu.vector_store %arg10[%swap3A_805, %swap3A_806], %swap3A_809 {strides = array<i32>} : memref<256x64xf32, #tpu.memory_space<vmem>>, vector<1x16xf32>,
        } else {
        }
        %sub3A_726 = arith.subi %squeeze3A_28, %mul3A_608 : i32
        %ge3A_727 = arith.constant 0 : i32
        %ge3A_728 = arith.cmpi sge, %sub3A_726, %ge3A_727 : i32
        %lt3A_729 = arith.constant 256 : i32
        %lt3A_730 = arith.cmpi slt, %sub3A_726, %lt3A_729 : i32
        %and3A_731 = arith.andi %ge3A_728, %lt3A_730 : i1
        %convert_element_type3A_732 = arith.extui %and3A_731 : i1 to i32
        %cond3A_733 = arith.constant 0 : i32
        %cond3A_734 = arith.cmpi ne, %convert_element_type3A_732, %cond3A_733 : i32
        scf.if %cond3A_734 {
          %get3A_767 = arith.constant 13 : i32
          %get3A_768 = arith.index_cast %scan3A_359 : i32 to index
          %get3A_769 = arith.index_cast %get3A_767 : i32 to index
          %get3A_770 = arith.constant 0 : index
          %get3A_771 = tpu.vector_load %arg11[%get3A_768, %get3A_769, %get3A_770] {strides = array<i32>} : memref<8x16x64xf32, #tpu.memory_space<vmem>>, vector<1x1x16xf32>,
          %get3A_772 = vector.shape_cast %get3A_771 : vector<1x1x16xf32> to vector<16xf32>
          %swap3A = arith.index_cast %sub3A_726 : i32 to index
          %swap3A_773 = arith.constant 0 : index
          %swap3A_774 = tpu.vector_load %arg10[%swap3A, %swap3A_773] {strides = array<i32>} : memref<256x64xf32, #tpu.memory_space<vmem>>, vector<1x16xf32>,
          %swap3A_775 = vector.shape_cast %swap3A_774 : vector<1x16xf32> to vector<16xf32>
          %swap3A_776 = vector.shape_cast %get3A_772 : vector<16xf32> to vector<1x16xf32>
          tpu.vector_store %arg10[%swap3A, %swap3A_773], %swap3A_776 {strides = array<i32>} : memref<256x64xf32, #tpu.memory_space<vmem>>, vector<1x16xf32>,
          %get3A_777 = arith.constant 13 : i32
          %get3A_778 = arith.index_cast %scan3A_359 : i32 to index
          %get3A_779 = arith.index_cast %get3A_777 : i32 to index
          %get3A_780 = arith.constant 16 : index
          %get3A_781 = tpu.vector_load %arg11[%get3A_778, %get3A_779, %get3A_780] {strides = array<i32>} : memref<8x16x64xf32, #tpu.memory_space<vmem>>, vector<1x1x16xf32>,
          %get3A_782 = vector.shape_cast %get3A_781 : vector<1x1x16xf32> to vector<16xf32>
          %swap3A_783 = arith.index_cast %sub3A_726 : i32 to index
          %swap3A_784 = arith.constant 16 : index
          %swap3A_785 = tpu.vector_load %arg10[%swap3A_783, %swap3A_784] {strides = array<i32>} : memref<256x64xf32, #tpu.memory_space<vmem>>, vector<1x16xf32>,
          %swap3A_786 = vector.shape_cast %swap3A_785 : vector<1x16xf32> to vector<16xf32>
          %swap3A_787 = vector.shape_cast %get3A_782 : vector<16xf32> to vector<1x16xf32>
          tpu.vector_store %arg10[%swap3A_783, %swap3A_784], %swap3A_787 {strides = array<i32>} : memref<256x64xf32, #tpu.memory_space<vmem>>, vector<1x16xf32>,
          %get3A_788 = arith.constant 13 : i32
          %get3A_789 = arith.index_cast %scan3A_359 : i32 to index
          %get3A_790 = arith.index_cast %get3A_788 : i32 to index
          %get3A_791 = arith.constant 32 : index
          %get3A_792 = tpu.vector_load %arg11[%get3A_789, %get3A_790, %get3A_791] {strides = array<i32>} : memref<8x16x64xf32, #tpu.memory_space<vmem>>, vector<1x1x16xf32>,
          %get3A_793 = vector.shape_cast %get3A_792 : vector<1x1x16xf32> to vector<16xf32>
          %swap3A_794 = arith.index_cast %sub3A_726 : i32 to index
          %swap3A_795 = arith.constant 32 : index
          %swap3A_796 = tpu.vector_load %arg10[%swap3A_794, %swap3A_795] {strides = array<i32>} : memref<256x64xf32, #tpu.memory_space<vmem>>, vector<1x16xf32>,
          %swap3A_797 = vector.shape_cast %swap3A_796 : vector<1x16xf32> to vector<16xf32>
          %swap3A_798 = vector.shape_cast %get3A_793 : vector<16xf32> to vector<1x16xf32>
          tpu.vector_store %arg10[%swap3A_794, %swap3A_795], %swap3A_798 {strides = array<i32>} : memref<256x64xf32, #tpu.memory_space<vmem>>, vector<1x16xf32>,
          %get3A_799 = arith.constant 13 : i32
          %get3A_800 = arith.index_cast %scan3A_359 : i32 to index
          %get3A_801 = arith.index_cast %get3A_799 : i32 to index
          %get3A_802 = arith.constant 48 : index
          %get3A_803 = tpu.vector_load %arg11[%get3A_800, %get3A_801, %get3A_802] {strides = array<i32>} : memref<8x16x64xf32, #tpu.memory_space<vmem>>, vector<1x1x16xf32>,
          %get3A_804 = vector.shape_cast %get3A_803 : vector<1x1x16xf32> to vector<16xf32>
          %swap3A_805 = arith.index_cast %sub3A_726 : i32 to index
          %swap3A_806 = arith.constant 48 : index
          %swap3A_807 = tpu.vector_load %arg10[%swap3A_805, %swap3A_806] {strides = array<i32>} : memref<256x64xf32, #tpu.memory_space<vmem>>, vector<1x16xf32>,
          %swap3A_808 = vector.shape_cast %swap3A_807 : vector<1x16xf32> to vector<16xf32>
          %swap3A_809 = vector.shape_cast %get3A_804 : vector<16xf32> to vector<1x16xf32>
          tpu.vector_store %arg10[%swap3A_805, %swap3A_806], %swap3A_809 {strides = array<i32>} : memref<256x64xf32, #tpu.memory_space<vmem>>, vector<1x16xf32>,
        } else {
        }
        %sub3A_735 = arith.subi %squeeze3A_30, %mul3A_608 : i32
        %ge3A_736 = arith.constant 0 : i32
        %ge3A_737 = arith.cmpi sge, %sub3A_735, %ge3A_736 : i32
        %lt3A_738 = arith.constant 256 : i32
        %lt3A_739 = arith.cmpi slt, %sub3A_735, %lt3A_738 : i32
        %and3A_740 = arith.andi %ge3A_737, %lt3A_739 : i1
        %convert_element_type3A_741 = arith.extui %and3A_740 : i1 to i32
        %cond3A_742 = arith.constant 0 : i32
        %cond3A_743 = arith.cmpi ne, %convert_element_type3A_741, %cond3A_742 : i32
        scf.if %cond3A_743 {
          %get3A_767 = arith.constant 14 : i32
          %get3A_768 = arith.index_cast %scan3A_359 : i32 to index
          %get3A_769 = arith.index_cast %get3A_767 : i32 to index
          %get3A_770 = arith.constant 0 : index
          %get3A_771 = tpu.vector_load %arg11[%get3A_768, %get3A_769, %get3A_770] {strides = array<i32>} : memref<8x16x64xf32, #tpu.memory_space<vmem>>, vector<1x1x16xf32>,
          %get3A_772 = vector.shape_cast %get3A_771 : vector<1x1x16xf32> to vector<16xf32>
          %swap3A = arith.index_cast %sub3A_735 : i32 to index
          %swap3A_773 = arith.constant 0 : index
          %swap3A_774 = tpu.vector_load %arg10[%swap3A, %swap3A_773] {strides = array<i32>} : memref<256x64xf32, #tpu.memory_space<vmem>>, vector<1x16xf32>,
          %swap3A_775 = vector.shape_cast %swap3A_774 : vector<1x16xf32> to vector<16xf32>
          %swap3A_776 = vector.shape_cast %get3A_772 : vector<16xf32> to vector<1x16xf32>
          tpu.vector_store %arg10[%swap3A, %swap3A_773], %swap3A_776 {strides = array<i32>} : memref<256x64xf32, #tpu.memory_space<vmem>>, vector<1x16xf32>,
          %get3A_777 = arith.constant 14 : i32
          %get3A_778 = arith.index_cast %scan3A_359 : i32 to index
          %get3A_779 = arith.index_cast %get3A_777 : i32 to index
          %get3A_780 = arith.constant 16 : index
          %get3A_781 = tpu.vector_load %arg11[%get3A_778, %get3A_779, %get3A_780] {strides = array<i32>} : memref<8x16x64xf32, #tpu.memory_space<vmem>>, vector<1x1x16xf32>,
          %get3A_782 = vector.shape_cast %get3A_781 : vector<1x1x16xf32> to vector<16xf32>
          %swap3A_783 = arith.index_cast %sub3A_735 : i32 to index
          %swap3A_784 = arith.constant 16 : index
          %swap3A_785 = tpu.vector_load %arg10[%swap3A_783, %swap3A_784] {strides = array<i32>} : memref<256x64xf32, #tpu.memory_space<vmem>>, vector<1x16xf32>,
          %swap3A_786 = vector.shape_cast %swap3A_785 : vector<1x16xf32> to vector<16xf32>
          %swap3A_787 = vector.shape_cast %get3A_782 : vector<16xf32> to vector<1x16xf32>
          tpu.vector_store %arg10[%swap3A_783, %swap3A_784], %swap3A_787 {strides = array<i32>} : memref<256x64xf32, #tpu.memory_space<vmem>>, vector<1x16xf32>,
          %get3A_788 = arith.constant 14 : i32
          %get3A_789 = arith.index_cast %scan3A_359 : i32 to index
          %get3A_790 = arith.index_cast %get3A_788 : i32 to index
          %get3A_791 = arith.constant 32 : index
          %get3A_792 = tpu.vector_load %arg11[%get3A_789, %get3A_790, %get3A_791] {strides = array<i32>} : memref<8x16x64xf32, #tpu.memory_space<vmem>>, vector<1x1x16xf32>,
          %get3A_793 = vector.shape_cast %get3A_792 : vector<1x1x16xf32> to vector<16xf32>
          %swap3A_794 = arith.index_cast %sub3A_735 : i32 to index
          %swap3A_795 = arith.constant 32 : index
          %swap3A_796 = tpu.vector_load %arg10[%swap3A_794, %swap3A_795] {strides = array<i32>} : memref<256x64xf32, #tpu.memory_space<vmem>>, vector<1x16xf32>,
          %swap3A_797 = vector.shape_cast %swap3A_796 : vector<1x16xf32> to vector<16xf32>
          %swap3A_798 = vector.shape_cast %get3A_793 : vector<16xf32> to vector<1x16xf32>
          tpu.vector_store %arg10[%swap3A_794, %swap3A_795], %swap3A_798 {strides = array<i32>} : memref<256x64xf32, #tpu.memory_space<vmem>>, vector<1x16xf32>,
          %get3A_799 = arith.constant 14 : i32
          %get3A_800 = arith.index_cast %scan3A_359 : i32 to index
          %get3A_801 = arith.index_cast %get3A_799 : i32 to index
          %get3A_802 = arith.constant 48 : index
          %get3A_803 = tpu.vector_load %arg11[%get3A_800, %get3A_801, %get3A_802] {strides = array<i32>} : memref<8x16x64xf32, #tpu.memory_space<vmem>>, vector<1x1x16xf32>,
          %get3A_804 = vector.shape_cast %get3A_803 : vector<1x1x16xf32> to vector<16xf32>
          %swap3A_805 = arith.index_cast %sub3A_735 : i32 to index
          %swap3A_806 = arith.constant 48 : index
          %swap3A_807 = tpu.vector_load %arg10[%swap3A_805, %swap3A_806] {strides = array<i32>} : memref<256x64xf32, #tpu.memory_space<vmem>>, vector<1x16xf32>,
          %swap3A_808 = vector.shape_cast %swap3A_807 : vector<1x16xf32> to vector<16xf32>
          %swap3A_809 = vector.shape_cast %get3A_804 : vector<16xf32> to vector<1x16xf32>
          tpu.vector_store %arg10[%swap3A_805, %swap3A_806], %swap3A_809 {strides = array<i32>} : memref<256x64xf32, #tpu.memory_space<vmem>>, vector<1x16xf32>,
        } else {
        }
        %sub3A_744 = arith.subi %squeeze3A_32, %mul3A_608 : i32
        %ge3A_745 = arith.constant 0 : i32
        %ge3A_746 = arith.cmpi sge, %sub3A_744, %ge3A_745 : i32
        %lt3A_747 = arith.constant 256 : i32
        %lt3A_748 = arith.cmpi slt, %sub3A_744, %lt3A_747 : i32
        %and3A_749 = arith.andi %ge3A_746, %lt3A_748 : i1
        %convert_element_type3A_750 = arith.extui %and3A_749 : i1 to i32
        %cond3A_751 = arith.constant 0 : i32
        %cond3A_752 = arith.cmpi ne, %convert_element_type3A_750, %cond3A_751 : i32
        scf.if %cond3A_752 {
          %get3A_767 = arith.constant 15 : i32
          %get3A_768 = arith.index_cast %scan3A_359 : i32 to index
          %get3A_769 = arith.index_cast %get3A_767 : i32 to index
          %get3A_770 = arith.constant 0 : index
          %get3A_771 = tpu.vector_load %arg11[%get3A_768, %get3A_769, %get3A_770] {strides = array<i32>} : memref<8x16x64xf32, #tpu.memory_space<vmem>>, vector<1x1x16xf32>,
          %get3A_772 = vector.shape_cast %get3A_771 : vector<1x1x16xf32> to vector<16xf32>
          %swap3A = arith.index_cast %sub3A_744 : i32 to index
          %swap3A_773 = arith.constant 0 : index
          %swap3A_774 = tpu.vector_load %arg10[%swap3A, %swap3A_773] {strides = array<i32>} : memref<256x64xf32, #tpu.memory_space<vmem>>, vector<1x16xf32>,
          %swap3A_775 = vector.shape_cast %swap3A_774 : vector<1x16xf32> to vector<16xf32>
          %swap3A_776 = vector.shape_cast %get3A_772 : vector<16xf32> to vector<1x16xf32>
          tpu.vector_store %arg10[%swap3A, %swap3A_773], %swap3A_776 {strides = array<i32>} : memref<256x64xf32, #tpu.memory_space<vmem>>, vector<1x16xf32>,
          %get3A_777 = arith.constant 15 : i32
          %get3A_778 = arith.index_cast %scan3A_359 : i32 to index
          %get3A_779 = arith.index_cast %get3A_777 : i32 to index
          %get3A_780 = arith.constant 16 : index
          %get3A_781 = tpu.vector_load %arg11[%get3A_778, %get3A_779, %get3A_780] {strides = array<i32>} : memref<8x16x64xf32, #tpu.memory_space<vmem>>, vector<1x1x16xf32>,
          %get3A_782 = vector.shape_cast %get3A_781 : vector<1x1x16xf32> to vector<16xf32>
          %swap3A_783 = arith.index_cast %sub3A_744 : i32 to index
          %swap3A_784 = arith.constant 16 : index
          %swap3A_785 = tpu.vector_load %arg10[%swap3A_783, %swap3A_784] {strides = array<i32>} : memref<256x64xf32, #tpu.memory_space<vmem>>, vector<1x16xf32>,
          %swap3A_786 = vector.shape_cast %swap3A_785 : vector<1x16xf32> to vector<16xf32>
          %swap3A_787 = vector.shape_cast %get3A_782 : vector<16xf32> to vector<1x16xf32>
          tpu.vector_store %arg10[%swap3A_783, %swap3A_784], %swap3A_787 {strides = array<i32>} : memref<256x64xf32, #tpu.memory_space<vmem>>, vector<1x16xf32>,
          %get3A_788 = arith.constant 15 : i32
          %get3A_789 = arith.index_cast %scan3A_359 : i32 to index
          %get3A_790 = arith.index_cast %get3A_788 : i32 to index
          %get3A_791 = arith.constant 32 : index
          %get3A_792 = tpu.vector_load %arg11[%get3A_789, %get3A_790, %get3A_791] {strides = array<i32>} : memref<8x16x64xf32, #tpu.memory_space<vmem>>, vector<1x1x16xf32>,
          %get3A_793 = vector.shape_cast %get3A_792 : vector<1x1x16xf32> to vector<16xf32>
          %swap3A_794 = arith.index_cast %sub3A_744 : i32 to index
          %swap3A_795 = arith.constant 32 : index
          %swap3A_796 = tpu.vector_load %arg10[%swap3A_794, %swap3A_795] {strides = array<i32>} : memref<256x64xf32, #tpu.memory_space<vmem>>, vector<1x16xf32>,
          %swap3A_797 = vector.shape_cast %swap3A_796 : vector<1x16xf32> to vector<16xf32>
          %swap3A_798 = vector.shape_cast %get3A_793 : vector<16xf32> to vector<1x16xf32>
          tpu.vector_store %arg10[%swap3A_794, %swap3A_795], %swap3A_798 {strides = array<i32>} : memref<256x64xf32, #tpu.memory_space<vmem>>, vector<1x16xf32>,
          %get3A_799 = arith.constant 15 : i32
          %get3A_800 = arith.index_cast %scan3A_359 : i32 to index
          %get3A_801 = arith.index_cast %get3A_799 : i32 to index
          %get3A_802 = arith.constant 48 : index
          %get3A_803 = tpu.vector_load %arg11[%get3A_800, %get3A_801, %get3A_802] {strides = array<i32>} : memref<8x16x64xf32, #tpu.memory_space<vmem>>, vector<1x1x16xf32>,
          %get3A_804 = vector.shape_cast %get3A_803 : vector<1x1x16xf32> to vector<16xf32>
          %swap3A_805 = arith.index_cast %sub3A_744 : i32 to index
          %swap3A_806 = arith.constant 48 : index
          %swap3A_807 = tpu.vector_load %arg10[%swap3A_805, %swap3A_806] {strides = array<i32>} : memref<256x64xf32, #tpu.memory_space<vmem>>, vector<1x16xf32>,
          %swap3A_808 = vector.shape_cast %swap3A_807 : vector<1x16xf32> to vector<16xf32>
          %swap3A_809 = vector.shape_cast %get3A_804 : vector<16xf32> to vector<1x16xf32>
          tpu.vector_store %arg10[%swap3A_805, %swap3A_806], %swap3A_809 {strides = array<i32>} : memref<256x64xf32, #tpu.memory_space<vmem>>, vector<1x16xf32>,
        } else {
        }
        %add3A_753 = arith.constant 1 : i32
        %add3A_754 = arith.addi %mul3A_422, %add3A_753 : i32
        %mul3A_755 = arith.constant 256 : i32
        %mul3A_756 = arith.muli %add3A_754, %mul3A_755 : i32
        %add3A_757 = arith.addi %mul3A_394, %mul3A_756 : i32
        %dma_start3A_758 = arith.constant 0 : i32
        %dma_start3A_759 = tpu.memref_slice %arg7[%add3A_757, %dma_start3A_758] : memref<1048576x64xf32, #tpu.memory_space<hbm>> -> memref<256x64xf32, #tpu.memory_space<hbm>>
        %dma_start3A_760 = arith.constant 0 : i32
        %dma_start3A_761 = tpu.memref_slice %arg7[%add3A_757, %dma_start3A_760] : memref<1048576x64xf32, #tpu.memory_space<hbm>> -> memref<256x64xf32, #tpu.memory_space<hbm>>
        tpu.enqueue_dma source(%arg10 : memref<256x64xf32, #tpu.memory_space<vmem>>) target(%dma_start3A_761 : memref<256x64xf32, #tpu.memory_space<hbm>>) target_semaphore(%arg16 : memref<!tpu.dma_semaphore, #tpu.memory_space<semaphore_mem>>)
        %lt3A_762 = arith.constant 7 : i32
        %lt3A_763 = arith.cmpi slt, %scan3A_420, %lt3A_762 : i32
        %convert_element_type3A_764 = arith.extui %lt3A_763 : i1 to i32
        %cond3A_765 = arith.constant 0 : i32
        %cond3A_766 = arith.cmpi ne, %convert_element_type3A_764, %cond3A_765 : i32
        scf.if %cond3A_766 {
          %mul3A_767 = arith.constant 256 : i32
          %mul3A_768 = arith.muli %mul3A_422, %mul3A_767 : i32
          %add3A_769 = arith.addi %mul3A_394, %mul3A_768 : i32
          %dma_wait3A_770 = arith.constant 0 : i32
          %dma_wait3A_771 = tpu.memref_slice %arg7[%add3A_769, %dma_wait3A_770] : memref<1048576x64xf32, #tpu.memory_space<hbm>> -> memref<256x64xf32, #tpu.memory_space<hbm>>
          %dma_wait3A_772 = arith.constant 0 : i32
          %dma_wait3A_773 = tpu.memref_slice %arg7[%add3A_769, %dma_wait3A_772] : memref<1048576x64xf32, #tpu.memory_space<hbm>> -> memref<256x64xf32, #tpu.memory_space<hbm>>
          tpu.wait_dma2 semaphore(%arg15 : memref<!tpu.dma_semaphore, #tpu.memory_space<semaphore_mem>>) src(%arg9 : memref<256x64xf32, #tpu.memory_space<vmem>>) dst(%dma_wait3A_773 : memref<256x64xf32, #tpu.memory_space<hbm>>)
          %add3A_774 = arith.constant 2 : i32
          %add3A_775 = arith.addi %mul3A_422, %add3A_774 : i32
          %mul3A_776 = arith.constant 256 : i32
          %mul3A_777 = arith.muli %add3A_775, %mul3A_776 : i32
          %dma_start3A_778 = arith.constant 0 : i32
          %dma_start3A_779 = tpu.memref_slice %arg2[%select_n3A, %mul3A_777, %select_n3A_392, %dma_start3A_778] : memref<16x4096x16x64xf32, #tpu.memory_space<hbm>> -> memref<1x256x1x64xf32, #tpu.memory_space<hbm>>
          %dma_start3A_780 = tpu.memref_squeeze %dma_start3A_779 : memref<1x256x1x64xf32, #tpu.memory_space<hbm>> -> memref<256x64xf32, #tpu.memory_space<hbm>>
          %dma_start3A_781 = arith.constant 0 : i32
          %dma_start3A_782 = tpu.memref_slice %arg2[%select_n3A, %mul3A_777, %select_n3A_392, %dma_start3A_781] : memref<16x4096x16x64xf32, #tpu.memory_space<hbm>> -> memref<1x256x1x64xf32, #tpu.memory_space<hbm>>
          %dma_start3A_783 = tpu.memref_squeeze %dma_start3A_782 : memref<1x256x1x64xf32, #tpu.memory_space<hbm>> -> memref<256x64xf32, #tpu.memory_space<hbm>>
          tpu.enqueue_dma source(%dma_start3A_783 : memref<256x64xf32, #tpu.memory_space<hbm>>) target(%arg9 : memref<256x64xf32, #tpu.memory_space<vmem>>) target_semaphore(%arg13 : memref<!tpu.dma_semaphore, #tpu.memory_space<semaphore_mem>>)
        } else {
        }
      }
      %scan3A_407 = arith.constant 8 : i32
      %add3A_408 = arith.constant 3584 : i32
      %add3A_409 = arith.addi %mul3A_394, %add3A_408 : i32
      %dma_wait3A_410 = arith.constant 0 : i32
      %dma_wait3A_411 = tpu.memref_slice %arg7[%add3A_409, %dma_wait3A_410] : memref<1048576x64xf32, #tpu.memory_space<hbm>> -> memref<256x64xf32, #tpu.memory_space<hbm>>
      %dma_wait3A_412 = arith.constant 0 : i32
      %dma_wait3A_413 = tpu.memref_slice %arg7[%add3A_409, %dma_wait3A_412] : memref<1048576x64xf32, #tpu.memory_space<hbm>> -> memref<256x64xf32, #tpu.memory_space<hbm>>
      tpu.wait_dma2 semaphore(%arg15 : memref<!tpu.dma_semaphore, #tpu.memory_space<semaphore_mem>>) src(%arg9 : memref<256x64xf32, #tpu.memory_space<vmem>>) dst(%dma_wait3A_413 : memref<256x64xf32, #tpu.memory_space<hbm>>)
      %add3A_414 = arith.constant 3840 : i32
      %add3A_415 = arith.addi %mul3A_394, %add3A_414 : i32
      %dma_wait3A_416 = arith.constant 0 : i32
      %dma_wait3A_417 = tpu.memref_slice %arg7[%add3A_415, %dma_wait3A_416] : memref<1048576x64xf32, #tpu.memory_space<hbm>> -> memref<256x64xf32, #tpu.memory_space<hbm>>
      %dma_wait3A_418 = arith.constant 0 : i32
      %dma_wait3A_419 = tpu.memref_slice %arg7[%add3A_415, %dma_wait3A_418] : memref<1048576x64xf32, #tpu.memory_space<hbm>> -> memref<256x64xf32, #tpu.memory_space<hbm>>
      tpu.wait_dma2 semaphore(%arg16 : memref<!tpu.dma_semaphore, #tpu.memory_space<semaphore_mem>>) src(%arg10 : memref<256x64xf32, #tpu.memory_space<vmem>>) dst(%dma_wait3A_419 : memref<256x64xf32, #tpu.memory_space<hbm>>)
    }
    %scan3A_194 = arith.constant 8 : i32
    %scan3A_195 = arith.constant 0 : i32
    %scan3A_196 = arith.constant 0 : i32
    %scan3A_197 = arith.constant 8 : i32
    %scan3A_198 = arith.addi %scan3A_196, %scan3A_197 : i32
    %scan3A_199 = arith.constant 1 : i32
    scf.for %scan3A_359 = %scan3A_196 to %scan3A_198 step %scan3A_199  : i32 {
      %mul3A_360 = arith.constant 8 : i32
      %mul3A_361 = arith.muli %add3A, %mul3A_360 : i32
      %add3A_362 = arith.addi %mul3A_361, %scan3A_359 : i32
      %jit3A = arith.constant 16 : i32
      %div3A = arith.divsi %add3A_362, %jit3A : i32
      %sign3A = arith.constant 0 : i32
      %sign3A_363 = arith.cmpi sgt, %add3A_362, %sign3A : i32
      %sign3A_364 = arith.extui %sign3A_363 : i1 to i32
      %sign3A_365 = arith.constant 0 : i32
      %sign3A_366 = arith.cmpi slt, %add3A_362, %sign3A_365 : i32
      %sign3A_367 = arith.extui %sign3A_366 : i1 to i32
      %sign3A_368 = arith.subi %sign3A_364, %sign3A_367 : i32
      %sign3A_369 = arith.constant 0 : i32
      %sign3A_370 = arith.cmpi sgt, %jit3A, %sign3A_369 : i32
      %sign3A_371 = arith.extui %sign3A_370 : i1 to i32
      %sign3A_372 = arith.constant 0 : i32
      %sign3A_373 = arith.cmpi slt, %jit3A, %sign3A_372 : i32
      %sign3A_374 = arith.extui %sign3A_373 : i1 to i32
      %sign3A_375 = arith.subi %sign3A_371, %sign3A_374 : i32
      %ne3A = arith.cmpi ne, %sign3A_368, %sign3A_375 : i32
      %rem3A = arith.remsi %add3A_362, %jit3A : i32
      %ne3A_376 = arith.constant 0 : i32
      %ne3A_377 = arith.cmpi ne, %rem3A, %ne3A_376 : i32
      %and3A = arith.andi %ne3A, %ne3A_377 : i1
      %sub3A = arith.constant 1 : i32
      %sub3A_378 = arith.subi %div3A, %sub3A : i32
      %select_n3A = arith.select %and3A, %sub3A_378, %div3A : i32
      %jit3A_379 = arith.constant 16 : i32
      %eq3A = arith.constant 0 : i32
      %eq3A_380 = arith.cmpi eq, %jit3A_379, %eq3A : i32
      %jit3A_381 = arith.constant 1 : i32
      %select_n3A_382 = arith.select %eq3A_380, %jit3A_381, %jit3A_379 : i32
      %rem3A_383 = arith.remsi %add3A_362, %select_n3A_382 : i32
      %ne3A_384 = arith.constant 0 : i32
      %ne3A_385 = arith.cmpi ne, %rem3A_383, %ne3A_384 : i32
      %lt3A = arith.constant 0 : i32
      %lt3A_386 = arith.cmpi slt, %rem3A_383, %lt3A : i32
      %lt3A_387 = arith.constant 0 : i32
      %lt3A_388 = arith.cmpi slt, %select_n3A_382, %lt3A_387 : i32
      %ne3A_389 = arith.xori %lt3A_386, %lt3A_388 : i1
      %and3A_390 = arith.andi %ne3A_389, %ne3A_385 : i1
      %add3A_391 = arith.addi %rem3A_383, %select_n3A_382 : i32
      %select_n3A_392 = arith.select %and3A_390, %add3A_391, %rem3A_383 : i32
      %dma_start3A = arith.constant 0 : i32
      %dma_start3A_393 = arith.constant 0 : i32
      %dma_start3A_394 = tpu.memref_slice %arg11[%scan3A_359, %dma_start3A, %dma_start3A_393] : memref<8x16x64xf32, #tpu.memory_space<vmem>> -> memref<1x16x64xf32, #tpu.memory_space<vmem>>
      %dma_start3A_395 = tpu.memref_squeeze %dma_start3A_394 : memref<1x16x64xf32, #tpu.memory_space<vmem>> -> memref<16x64xf32, #tpu.memory_space<vmem>>
      %dma_start3A_396 = arith.constant 0 : i32
      %dma_start3A_397 = arith.constant 0 : i32
      %dma_start3A_398 = tpu.memref_slice %arg5[%select_n3A, %dma_start3A_396, %select_n3A_392, %dma_start3A_397] : memref<16x16x16x64xf32, #tpu.memory_space<hbm>> -> memref<1x16x1x64xf32, #tpu.memory_space<hbm>>
      %dma_start3A_399 = tpu.memref_squeeze %dma_start3A_398 : memref<1x16x1x64xf32, #tpu.memory_space<hbm>> -> memref<16x64xf32, #tpu.memory_space<hbm>>
      %dma_start3A_400 = arith.constant 0 : i32
      %dma_start3A_401 = arith.constant 0 : i32
      %dma_start3A_402 = tpu.memref_slice %arg11[%scan3A_359, %dma_start3A_400, %dma_start3A_401] : memref<8x16x64xf32, #tpu.memory_space<vmem>> -> memref<1x16x64xf32, #tpu.memory_space<vmem>>
      %dma_start3A_403 = tpu.memref_squeeze %dma_start3A_402 : memref<1x16x64xf32, #tpu.memory_space<vmem>> -> memref<16x64xf32, #tpu.memory_space<vmem>>
      %dma_start3A_404 = arith.constant 0 : i32
      %dma_start3A_405 = arith.constant 0 : i32
      %dma_start3A_406 = tpu.memref_slice %arg5[%select_n3A, %dma_start3A_404, %select_n3A_392, %dma_start3A_405] : memref<16x16x16x64xf32, #tpu.memory_space<hbm>> -> memref<1x16x1x64xf32, #tpu.memory_space<hbm>>
      %dma_start3A_407 = tpu.memref_squeeze %dma_start3A_406 : memref<1x16x1x64xf32, #tpu.memory_space<hbm>> -> memref<16x64xf32, #tpu.memory_space<hbm>>
      tpu.enqueue_dma source(%dma_start3A_407 : memref<16x64xf32, #tpu.memory_space<hbm>>) target(%dma_start3A_403 : memref<16x64xf32, #tpu.memory_space<vmem>>) target_semaphore(%arg17 : memref<!tpu.dma_semaphore, #tpu.memory_space<semaphore_mem>>)
    }
    %scan3A_200 = arith.constant 8 : i32
    %dma_wait3A_201 = arith.constant 0 : i32
    %dma_wait3A_202 = arith.constant 0 : i32
    %dma_wait3A_203 = arith.constant 0 : i32
    %dma_wait3A_204 = arith.constant 0 : i32
    %dma_wait3A_205 = arith.constant 0 : i32
    %dma_wait3A_206 = tpu.memref_slice %arg11[%dma_wait3A_203, %dma_wait3A_204, %dma_wait3A_205] : memref<8x16x64xf32, #tpu.memory_space<vmem>> -> memref<1x16x64xf32, #tpu.memory_space<vmem>>
    %dma_wait3A_207 = tpu.memref_squeeze %dma_wait3A_206 : memref<1x16x64xf32, #tpu.memory_space<vmem>> -> memref<16x64xf32, #tpu.memory_space<vmem>>
    %dma_wait3A_208 = arith.constant 0 : i32
    %dma_wait3A_209 = arith.constant 0 : i32
    %dma_wait3A_210 = tpu.memref_slice %arg5[%dma_wait3A_201, %dma_wait3A_208, %dma_wait3A_202, %dma_wait3A_209] : memref<16x16x16x64xf32, #tpu.memory_space<hbm>> -> memref<1x16x1x64xf32, #tpu.memory_space<hbm>>
    %dma_wait3A_211 = tpu.memref_squeeze %dma_wait3A_210 : memref<1x16x1x64xf32, #tpu.memory_space<hbm>> -> memref<16x64xf32, #tpu.memory_space<hbm>>
    %dma_wait3A_212 = arith.constant 0 : i32
    %dma_wait3A_213 = arith.constant 0 : i32
    %dma_wait3A_214 = tpu.memref_slice %arg11[%dma_wait3A_203, %dma_wait3A_212, %dma_wait3A_213] : memref<8x16x64xf32, #tpu.memory_space<vmem>> -> memref<1x16x64xf32, #tpu.memory_space<vmem>>
    %dma_wait3A_215 = tpu.memref_squeeze %dma_wait3A_214 : memref<1x16x64xf32, #tpu.memory_space<vmem>> -> memref<16x64xf32, #tpu.memory_space<vmem>>
    %dma_wait3A_216 = arith.constant 0 : i32
    %dma_wait3A_217 = arith.constant 0 : i32
    %dma_wait3A_218 = tpu.memref_slice %arg5[%dma_wait3A_201, %dma_wait3A_216, %dma_wait3A_202, %dma_wait3A_217] : memref<16x16x16x64xf32, #tpu.memory_space<hbm>> -> memref<1x16x1x64xf32, #tpu.memory_space<hbm>>
    %dma_wait3A_219 = tpu.memref_squeeze %dma_wait3A_218 : memref<1x16x1x64xf32, #tpu.memory_space<hbm>> -> memref<16x64xf32, #tpu.memory_space<hbm>>
    tpu.wait_dma2 semaphore(%arg17 : memref<!tpu.dma_semaphore, #tpu.memory_space<semaphore_mem>>) src(%dma_wait3A_219 : memref<16x64xf32, #tpu.memory_space<hbm>>) dst(%dma_wait3A_215 : memref<16x64xf32, #tpu.memory_space<vmem>>)
    %dma_wait3A_220 = arith.constant 0 : i32
    %dma_wait3A_221 = arith.constant 0 : i32
    %dma_wait3A_222 = arith.constant 0 : i32
    %dma_wait3A_223 = arith.constant 0 : i32
    %dma_wait3A_224 = arith.constant 0 : i32
    %dma_wait3A_225 = tpu.memref_slice %arg11[%dma_wait3A_222, %dma_wait3A_223, %dma_wait3A_224] : memref<8x16x64xf32, #tpu.memory_space<vmem>> -> memref<1x16x64xf32, #tpu.memory_space<vmem>>
    %dma_wait3A_226 = tpu.memref_squeeze %dma_wait3A_225 : memref<1x16x64xf32, #tpu.memory_space<vmem>> -> memref<16x64xf32, #tpu.memory_space<vmem>>
    %dma_wait3A_227 = arith.constant 0 : i32
    %dma_wait3A_228 = arith.constant 0 : i32
    %dma_wait3A_229 = tpu.memref_slice %arg5[%dma_wait3A_220, %dma_wait3A_227, %dma_wait3A_221, %dma_wait3A_228] : memref<16x16x16x64xf32, #tpu.memory_space<hbm>> -> memref<1x16x1x64xf32, #tpu.memory_space<hbm>>
    %dma_wait3A_230 = tpu.memref_squeeze %dma_wait3A_229 : memref<1x16x1x64xf32, #tpu.memory_space<hbm>> -> memref<16x64xf32, #tpu.memory_space<hbm>>
    %dma_wait3A_231 = arith.constant 0 : i32
    %dma_wait3A_232 = arith.constant 0 : i32
    %dma_wait3A_233 = tpu.memref_slice %arg11[%dma_wait3A_222, %dma_wait3A_231, %dma_wait3A_232] : memref<8x16x64xf32, #tpu.memory_space<vmem>> -> memref<1x16x64xf32, #tpu.memory_space<vmem>>
    %dma_wait3A_234 = tpu.memref_squeeze %dma_wait3A_233 : memref<1x16x64xf32, #tpu.memory_space<vmem>> -> memref<16x64xf32, #tpu.memory_space<vmem>>
    %dma_wait3A_235 = arith.constant 0 : i32
    %dma_wait3A_236 = arith.constant 0 : i32
    %dma_wait3A_237 = tpu.memref_slice %arg5[%dma_wait3A_220, %dma_wait3A_235, %dma_wait3A_221, %dma_wait3A_236] : memref<16x16x16x64xf32, #tpu.memory_space<hbm>> -> memref<1x16x1x64xf32, #tpu.memory_space<hbm>>
    %dma_wait3A_238 = tpu.memref_squeeze %dma_wait3A_237 : memref<1x16x1x64xf32, #tpu.memory_space<hbm>> -> memref<16x64xf32, #tpu.memory_space<hbm>>
    tpu.wait_dma2 semaphore(%arg17 : memref<!tpu.dma_semaphore, #tpu.memory_space<semaphore_mem>>) src(%dma_wait3A_238 : memref<16x64xf32, #tpu.memory_space<hbm>>) dst(%dma_wait3A_234 : memref<16x64xf32, #tpu.memory_space<vmem>>)
    %dma_wait3A_239 = arith.constant 0 : i32
    %dma_wait3A_240 = arith.constant 0 : i32
    %dma_wait3A_241 = arith.constant 0 : i32
    %dma_wait3A_242 = arith.constant 0 : i32
    %dma_wait3A_243 = arith.constant 0 : i32
    %dma_wait3A_244 = tpu.memref_slice %arg11[%dma_wait3A_241, %dma_wait3A_242, %dma_wait3A_243] : memref<8x16x64xf32, #tpu.memory_space<vmem>> -> memref<1x16x64xf32, #tpu.memory_space<vmem>>
    %dma_wait3A_245 = tpu.memref_squeeze %dma_wait3A_244 : memref<1x16x64xf32, #tpu.memory_space<vmem>> -> memref<16x64xf32, #tpu.memory_space<vmem>>
    %dma_wait3A_246 = arith.constant 0 : i32
    %dma_wait3A_247 = arith.constant 0 : i32
    %dma_wait3A_248 = tpu.memref_slice %arg5[%dma_wait3A_239, %dma_wait3A_246, %dma_wait3A_240, %dma_wait3A_247] : memref<16x16x16x64xf32, #tpu.memory_space<hbm>> -> memref<1x16x1x64xf32, #tpu.memory_space<hbm>>
    %dma_wait3A_249 = tpu.memref_squeeze %dma_wait3A_248 : memref<1x16x1x64xf32, #tpu.memory_space<hbm>> -> memref<16x64xf32, #tpu.memory_space<hbm>>
    %dma_wait3A_250 = arith.constant 0 : i32
    %dma_wait3A_251 = arith.constant 0 : i32
    %dma_wait3A_252 = tpu.memref_slice %arg11[%dma_wait3A_241, %dma_wait3A_250, %dma_wait3A_251] : memref<8x16x64xf32, #tpu.memory_space<vmem>> -> memref<1x16x64xf32, #tpu.memory_space<vmem>>
    %dma_wait3A_253 = tpu.memref_squeeze %dma_wait3A_252 : memref<1x16x64xf32, #tpu.memory_space<vmem>> -> memref<16x64xf32, #tpu.memory_space<vmem>>
    %dma_wait3A_254 = arith.constant 0 : i32
    %dma_wait3A_255 = arith.constant 0 : i32
    %dma_wait3A_256 = tpu.memref_slice %arg5[%dma_wait3A_239, %dma_wait3A_254, %dma_wait3A_240, %dma_wait3A_255] : memref<16x16x16x64xf32, #tpu.memory_space<hbm>> -> memref<1x16x1x64xf32, #tpu.memory_space<hbm>>
    %dma_wait3A_257 = tpu.memref_squeeze %dma_wait3A_256 : memref<1x16x1x64xf32, #tpu.memory_space<hbm>> -> memref<16x64xf32, #tpu.memory_space<hbm>>
    tpu.wait_dma2 semaphore(%arg17 : memref<!tpu.dma_semaphore, #tpu.memory_space<semaphore_mem>>) src(%dma_wait3A_257 : memref<16x64xf32, #tpu.memory_space<hbm>>) dst(%dma_wait3A_253 : memref<16x64xf32, #tpu.memory_space<vmem>>)
    %dma_wait3A_258 = arith.constant 0 : i32
    %dma_wait3A_259 = arith.constant 0 : i32
    %dma_wait3A_260 = arith.constant 0 : i32
    %dma_wait3A_261 = arith.constant 0 : i32
    %dma_wait3A_262 = arith.constant 0 : i32
    %dma_wait3A_263 = tpu.memref_slice %arg11[%dma_wait3A_260, %dma_wait3A_261, %dma_wait3A_262] : memref<8x16x64xf32, #tpu.memory_space<vmem>> -> memref<1x16x64xf32, #tpu.memory_space<vmem>>
    %dma_wait3A_264 = tpu.memref_squeeze %dma_wait3A_263 : memref<1x16x64xf32, #tpu.memory_space<vmem>> -> memref<16x64xf32, #tpu.memory_space<vmem>>
    %dma_wait3A_265 = arith.constant 0 : i32
    %dma_wait3A_266 = arith.constant 0 : i32
    %dma_wait3A_267 = tpu.memref_slice %arg5[%dma_wait3A_258, %dma_wait3A_265, %dma_wait3A_259, %dma_wait3A_266] : memref<16x16x16x64xf32, #tpu.memory_space<hbm>> -> memref<1x16x1x64xf32, #tpu.memory_space<hbm>>
    %dma_wait3A_268 = tpu.memref_squeeze %dma_wait3A_267 : memref<1x16x1x64xf32, #tpu.memory_space<hbm>> -> memref<16x64xf32, #tpu.memory_space<hbm>>
    %dma_wait3A_269 = arith.constant 0 : i32
    %dma_wait3A_270 = arith.constant 0 : i32
    %dma_wait3A_271 = tpu.memref_slice %arg11[%dma_wait3A_260, %dma_wait3A_269, %dma_wait3A_270] : memref<8x16x64xf32, #tpu.memory_space<vmem>> -> memref<1x16x64xf32, #tpu.memory_space<vmem>>
    %dma_wait3A_272 = tpu.memref_squeeze %dma_wait3A_271 : memref<1x16x64xf32, #tpu.memory_space<vmem>> -> memref<16x64xf32, #tpu.memory_space<vmem>>
    %dma_wait3A_273 = arith.constant 0 : i32
    %dma_wait3A_274 = arith.constant 0 : i32
    %dma_wait3A_275 = tpu.memref_slice %arg5[%dma_wait3A_258, %dma_wait3A_273, %dma_wait3A_259, %dma_wait3A_274] : memref<16x16x16x64xf32, #tpu.memory_space<hbm>> -> memref<1x16x1x64xf32, #tpu.memory_space<hbm>>
    %dma_wait3A_276 = tpu.memref_squeeze %dma_wait3A_275 : memref<1x16x1x64xf32, #tpu.memory_space<hbm>> -> memref<16x64xf32, #tpu.memory_space<hbm>>
    tpu.wait_dma2 semaphore(%arg17 : memref<!tpu.dma_semaphore, #tpu.memory_space<semaphore_mem>>) src(%dma_wait3A_276 : memref<16x64xf32, #tpu.memory_space<hbm>>) dst(%dma_wait3A_272 : memref<16x64xf32, #tpu.memory_space<vmem>>)
    %dma_wait3A_277 = arith.constant 0 : i32
    %dma_wait3A_278 = arith.constant 0 : i32
    %dma_wait3A_279 = arith.constant 0 : i32
    %dma_wait3A_280 = arith.constant 0 : i32
    %dma_wait3A_281 = arith.constant 0 : i32
    %dma_wait3A_282 = tpu.memref_slice %arg11[%dma_wait3A_279, %dma_wait3A_280, %dma_wait3A_281] : memref<8x16x64xf32, #tpu.memory_space<vmem>> -> memref<1x16x64xf32, #tpu.memory_space<vmem>>
    %dma_wait3A_283 = tpu.memref_squeeze %dma_wait3A_282 : memref<1x16x64xf32, #tpu.memory_space<vmem>> -> memref<16x64xf32, #tpu.memory_space<vmem>>
    %dma_wait3A_284 = arith.constant 0 : i32
    %dma_wait3A_285 = arith.constant 0 : i32
    %dma_wait3A_286 = tpu.memref_slice %arg5[%dma_wait3A_277, %dma_wait3A_284, %dma_wait3A_278, %dma_wait3A_285] : memref<16x16x16x64xf32, #tpu.memory_space<hbm>> -> memref<1x16x1x64xf32, #tpu.memory_space<hbm>>
    %dma_wait3A_287 = tpu.memref_squeeze %dma_wait3A_286 : memref<1x16x1x64xf32, #tpu.memory_space<hbm>> -> memref<16x64xf32, #tpu.memory_space<hbm>>
    %dma_wait3A_288 = arith.constant 0 : i32
    %dma_wait3A_289 = arith.constant 0 : i32
    %dma_wait3A_290 = tpu.memref_slice %arg11[%dma_wait3A_279, %dma_wait3A_288, %dma_wait3A_289] : memref<8x16x64xf32, #tpu.memory_space<vmem>> -> memref<1x16x64xf32, #tpu.memory_space<vmem>>
    %dma_wait3A_291 = tpu.memref_squeeze %dma_wait3A_290 : memref<1x16x64xf32, #tpu.memory_space<vmem>> -> memref<16x64xf32, #tpu.memory_space<vmem>>
    %dma_wait3A_292 = arith.constant 0 : i32
    %dma_wait3A_293 = arith.constant 0 : i32
    %dma_wait3A_294 = tpu.memref_slice %arg5[%dma_wait3A_277, %dma_wait3A_292, %dma_wait3A_278, %dma_wait3A_293] : memref<16x16x16x64xf32, #tpu.memory_space<hbm>> -> memref<1x16x1x64xf32, #tpu.memory_space<hbm>>
    %dma_wait3A_295 = tpu.memref_squeeze %dma_wait3A_294 : memref<1x16x1x64xf32, #tpu.memory_space<hbm>> -> memref<16x64xf32, #tpu.memory_space<hbm>>
    tpu.wait_dma2 semaphore(%arg17 : memref<!tpu.dma_semaphore, #tpu.memory_space<semaphore_mem>>) src(%dma_wait3A_295 : memref<16x64xf32, #tpu.memory_space<hbm>>) dst(%dma_wait3A_291 : memref<16x64xf32, #tpu.memory_space<vmem>>)
    %dma_wait3A_296 = arith.constant 0 : i32
    %dma_wait3A_297 = arith.constant 0 : i32
    %dma_wait3A_298 = arith.constant 0 : i32
    %dma_wait3A_299 = arith.constant 0 : i32
    %dma_wait3A_300 = arith.constant 0 : i32
    %dma_wait3A_301 = tpu.memref_slice %arg11[%dma_wait3A_298, %dma_wait3A_299, %dma_wait3A_300] : memref<8x16x64xf32, #tpu.memory_space<vmem>> -> memref<1x16x64xf32, #tpu.memory_space<vmem>>
    %dma_wait3A_302 = tpu.memref_squeeze %dma_wait3A_301 : memref<1x16x64xf32, #tpu.memory_space<vmem>> -> memref<16x64xf32, #tpu.memory_space<vmem>>
    %dma_wait3A_303 = arith.constant 0 : i32
    %dma_wait3A_304 = arith.constant 0 : i32
    %dma_wait3A_305 = tpu.memref_slice %arg5[%dma_wait3A_296, %dma_wait3A_303, %dma_wait3A_297, %dma_wait3A_304] : memref<16x16x16x64xf32, #tpu.memory_space<hbm>> -> memref<1x16x1x64xf32, #tpu.memory_space<hbm>>
    %dma_wait3A_306 = tpu.memref_squeeze %dma_wait3A_305 : memref<1x16x1x64xf32, #tpu.memory_space<hbm>> -> memref<16x64xf32, #tpu.memory_space<hbm>>
    %dma_wait3A_307 = arith.constant 0 : i32
    %dma_wait3A_308 = arith.constant 0 : i32
    %dma_wait3A_309 = tpu.memref_slice %arg11[%dma_wait3A_298, %dma_wait3A_307, %dma_wait3A_308] : memref<8x16x64xf32, #tpu.memory_space<vmem>> -> memref<1x16x64xf32, #tpu.memory_space<vmem>>
    %dma_wait3A_310 = tpu.memref_squeeze %dma_wait3A_309 : memref<1x16x64xf32, #tpu.memory_space<vmem>> -> memref<16x64xf32, #tpu.memory_space<vmem>>
    %dma_wait3A_311 = arith.constant 0 : i32
    %dma_wait3A_312 = arith.constant 0 : i32
    %dma_wait3A_313 = tpu.memref_slice %arg5[%dma_wait3A_296, %dma_wait3A_311, %dma_wait3A_297, %dma_wait3A_312] : memref<16x16x16x64xf32, #tpu.memory_space<hbm>> -> memref<1x16x1x64xf32, #tpu.memory_space<hbm>>
    %dma_wait3A_314 = tpu.memref_squeeze %dma_wait3A_313 : memref<1x16x1x64xf32, #tpu.memory_space<hbm>> -> memref<16x64xf32, #tpu.memory_space<hbm>>
    tpu.wait_dma2 semaphore(%arg17 : memref<!tpu.dma_semaphore, #tpu.memory_space<semaphore_mem>>) src(%dma_wait3A_314 : memref<16x64xf32, #tpu.memory_space<hbm>>) dst(%dma_wait3A_310 : memref<16x64xf32, #tpu.memory_space<vmem>>)
    %dma_wait3A_315 = arith.constant 0 : i32
    %dma_wait3A_316 = arith.constant 0 : i32
    %dma_wait3A_317 = arith.constant 0 : i32
    %dma_wait3A_318 = arith.constant 0 : i32
    %dma_wait3A_319 = arith.constant 0 : i32
    %dma_wait3A_320 = tpu.memref_slice %arg11[%dma_wait3A_317, %dma_wait3A_318, %dma_wait3A_319] : memref<8x16x64xf32, #tpu.memory_space<vmem>> -> memref<1x16x64xf32, #tpu.memory_space<vmem>>
    %dma_wait3A_321 = tpu.memref_squeeze %dma_wait3A_320 : memref<1x16x64xf32, #tpu.memory_space<vmem>> -> memref<16x64xf32, #tpu.memory_space<vmem>>
    %dma_wait3A_322 = arith.constant 0 : i32
    %dma_wait3A_323 = arith.constant 0 : i32
    %dma_wait3A_324 = tpu.memref_slice %arg5[%dma_wait3A_315, %dma_wait3A_322, %dma_wait3A_316, %dma_wait3A_323] : memref<16x16x16x64xf32, #tpu.memory_space<hbm>> -> memref<1x16x1x64xf32, #tpu.memory_space<hbm>>
    %dma_wait3A_325 = tpu.memref_squeeze %dma_wait3A_324 : memref<1x16x1x64xf32, #tpu.memory_space<hbm>> -> memref<16x64xf32, #tpu.memory_space<hbm>>
    %dma_wait3A_326 = arith.constant 0 : i32
    %dma_wait3A_327 = arith.constant 0 : i32
    %dma_wait3A_328 = tpu.memref_slice %arg11[%dma_wait3A_317, %dma_wait3A_326, %dma_wait3A_327] : memref<8x16x64xf32, #tpu.memory_space<vmem>> -> memref<1x16x64xf32, #tpu.memory_space<vmem>>
    %dma_wait3A_329 = tpu.memref_squeeze %dma_wait3A_328 : memref<1x16x64xf32, #tpu.memory_space<vmem>> -> memref<16x64xf32, #tpu.memory_space<vmem>>
    %dma_wait3A_330 = arith.constant 0 : i32
    %dma_wait3A_331 = arith.constant 0 : i32
    %dma_wait3A_332 = tpu.memref_slice %arg5[%dma_wait3A_315, %dma_wait3A_330, %dma_wait3A_316, %dma_wait3A_331] : memref<16x16x16x64xf32, #tpu.memory_space<hbm>> -> memref<1x16x1x64xf32, #tpu.memory_space<hbm>>
    %dma_wait3A_333 = tpu.memref_squeeze %dma_wait3A_332 : memref<1x16x1x64xf32, #tpu.memory_space<hbm>> -> memref<16x64xf32, #tpu.memory_space<hbm>>
    tpu.wait_dma2 semaphore(%arg17 : memref<!tpu.dma_semaphore, #tpu.memory_space<semaphore_mem>>) src(%dma_wait3A_333 : memref<16x64xf32, #tpu.memory_space<hbm>>) dst(%dma_wait3A_329 : memref<16x64xf32, #tpu.memory_space<vmem>>)
    %dma_wait3A_334 = arith.constant 0 : i32
    %dma_wait3A_335 = arith.constant 0 : i32
    %dma_wait3A_336 = arith.constant 0 : i32
    %dma_wait3A_337 = arith.constant 0 : i32
    %dma_wait3A_338 = arith.constant 0 : i32
    %dma_wait3A_339 = tpu.memref_slice %arg11[%dma_wait3A_336, %dma_wait3A_337, %dma_wait3A_338] : memref<8x16x64xf32, #tpu.memory_space<vmem>> -> memref<1x16x64xf32, #tpu.memory_space<vmem>>
    %dma_wait3A_340 = tpu.memref_squeeze %dma_wait3A_339 : memref<1x16x64xf32, #tpu.memory_space<vmem>> -> memref<16x64xf32, #tpu.memory_space<vmem>>
    %dma_wait3A_341 = arith.constant 0 : i32
    %dma_wait3A_342 = arith.constant 0 : i32
    %dma_wait3A_343 = tpu.memref_slice %arg5[%dma_wait3A_334, %dma_wait3A_341, %dma_wait3A_335, %dma_wait3A_342] : memref<16x16x16x64xf32, #tpu.memory_space<hbm>> -> memref<1x16x1x64xf32, #tpu.memory_space<hbm>>
    %dma_wait3A_344 = tpu.memref_squeeze %dma_wait3A_343 : memref<1x16x1x64xf32, #tpu.memory_space<hbm>> -> memref<16x64xf32, #tpu.memory_space<hbm>>
    %dma_wait3A_345 = arith.constant 0 : i32
    %dma_wait3A_346 = arith.constant 0 : i32
    %dma_wait3A_347 = tpu.memref_slice %arg11[%dma_wait3A_336, %dma_wait3A_345, %dma_wait3A_346] : memref<8x16x64xf32, #tpu.memory_space<vmem>> -> memref<1x16x64xf32, #tpu.memory_space<vmem>>
    %dma_wait3A_348 = tpu.memref_squeeze %dma_wait3A_347 : memref<1x16x64xf32, #tpu.memory_space<vmem>> -> memref<16x64xf32, #tpu.memory_space<vmem>>
    %dma_wait3A_349 = arith.constant 0 : i32
    %dma_wait3A_350 = arith.constant 0 : i32
    %dma_wait3A_351 = tpu.memref_slice %arg5[%dma_wait3A_334, %dma_wait3A_349, %dma_wait3A_335, %dma_wait3A_350] : memref<16x16x16x64xf32, #tpu.memory_space<hbm>> -> memref<1x16x1x64xf32, #tpu.memory_space<hbm>>
    %dma_wait3A_352 = tpu.memref_squeeze %dma_wait3A_351 : memref<1x16x1x64xf32, #tpu.memory_space<hbm>> -> memref<16x64xf32, #tpu.memory_space<hbm>>
    tpu.wait_dma2 semaphore(%arg17 : memref<!tpu.dma_semaphore, #tpu.memory_space<semaphore_mem>>) src(%dma_wait3A_352 : memref<16x64xf32, #tpu.memory_space<hbm>>) dst(%dma_wait3A_348 : memref<16x64xf32, #tpu.memory_space<vmem>>)
    %scan3A_353 = arith.constant 0 : i32
    %scan3A_354 = arith.constant 0 : i32
    %scan3A_355 = arith.constant 8 : i32
    %scan3A_356 = arith.addi %scan3A_354, %scan3A_355 : i32
    %scan3A_357 = arith.constant 1 : i32
    scf.for %scan3A_359 = %scan3A_354 to %scan3A_356 step %scan3A_357  : i32 {
      %mul3A_360 = arith.constant 8 : i32
      %mul3A_361 = arith.muli %add3A, %mul3A_360 : i32
      %add3A_362 = arith.addi %mul3A_361, %scan3A_359 : i32
      %jit3A = arith.constant 16 : i32
      %div3A = arith.divsi %add3A_362, %jit3A : i32
      %sign3A = arith.constant 0 : i32
      %sign3A_363 = arith.cmpi sgt, %add3A_362, %sign3A : i32
      %sign3A_364 = arith.extui %sign3A_363 : i1 to i32
      %sign3A_365 = arith.constant 0 : i32
      %sign3A_366 = arith.cmpi slt, %add3A_362, %sign3A_365 : i32
      %sign3A_367 = arith.extui %sign3A_366 : i1 to i32
      %sign3A_368 = arith.subi %sign3A_364, %sign3A_367 : i32
      %sign3A_369 = arith.constant 0 : i32
      %sign3A_370 = arith.cmpi sgt, %jit3A, %sign3A_369 : i32
      %sign3A_371 = arith.extui %sign3A_370 : i1 to i32
      %sign3A_372 = arith.constant 0 : i32
      %sign3A_373 = arith.cmpi slt, %jit3A, %sign3A_372 : i32
      %sign3A_374 = arith.extui %sign3A_373 : i1 to i32
      %sign3A_375 = arith.subi %sign3A_371, %sign3A_374 : i32
      %ne3A = arith.cmpi ne, %sign3A_368, %sign3A_375 : i32
      %rem3A = arith.remsi %add3A_362, %jit3A : i32
      %ne3A_376 = arith.constant 0 : i32
      %ne3A_377 = arith.cmpi ne, %rem3A, %ne3A_376 : i32
      %and3A = arith.andi %ne3A, %ne3A_377 : i1
      %sub3A = arith.constant 1 : i32
      %sub3A_378 = arith.subi %div3A, %sub3A : i32
      %select_n3A = arith.select %and3A, %sub3A_378, %div3A : i32
      %jit3A_379 = arith.constant 16 : i32
      %eq3A = arith.constant 0 : i32
      %eq3A_380 = arith.cmpi eq, %jit3A_379, %eq3A : i32
      %jit3A_381 = arith.constant 1 : i32
      %select_n3A_382 = arith.select %eq3A_380, %jit3A_381, %jit3A_379 : i32
      %rem3A_383 = arith.remsi %add3A_362, %select_n3A_382 : i32
      %ne3A_384 = arith.constant 0 : i32
      %ne3A_385 = arith.cmpi ne, %rem3A_383, %ne3A_384 : i32
      %lt3A = arith.constant 0 : i32
      %lt3A_386 = arith.cmpi slt, %rem3A_383, %lt3A : i32
      %lt3A_387 = arith.constant 0 : i32
      %lt3A_388 = arith.cmpi slt, %select_n3A_382, %lt3A_387 : i32
      %ne3A_389 = arith.xori %lt3A_386, %lt3A_388 : i1
      %and3A_390 = arith.andi %ne3A_389, %ne3A_385 : i1
      %add3A_391 = arith.addi %rem3A_383, %select_n3A_382 : i32
      %select_n3A_392 = arith.select %and3A_390, %add3A_391, %rem3A_383 : i32
      %mul3A_393 = arith.constant 4096 : i32
      %mul3A_394 = arith.muli %add3A_362, %mul3A_393 : i32
      %dma_start3A = arith.constant 0 : i32
      %dma_start3A_395 = arith.constant 0 : i32
      %dma_start3A_396 = tpu.memref_slice %arg3[%select_n3A, %dma_start3A, %select_n3A_392, %dma_start3A_395] : memref<16x4096x16x64xf32, #tpu.memory_space<hbm>> -> memref<1x256x1x64xf32, #tpu.memory_space<hbm>>
      %dma_start3A_397 = tpu.memref_squeeze %dma_start3A_396 : memref<1x256x1x64xf32, #tpu.memory_space<hbm>> -> memref<256x64xf32, #tpu.memory_space<hbm>>
      %dma_start3A_398 = arith.constant 0 : i32
      %dma_start3A_399 = arith.constant 0 : i32
      %dma_start3A_400 = tpu.memref_slice %arg3[%select_n3A, %dma_start3A_398, %select_n3A_392, %dma_start3A_399] : memref<16x4096x16x64xf32, #tpu.memory_space<hbm>> -> memref<1x256x1x64xf32, #tpu.memory_space<hbm>>
      %dma_start3A_401 = tpu.memref_squeeze %dma_start3A_400 : memref<1x256x1x64xf32, #tpu.memory_space<hbm>> -> memref<256x64xf32, #tpu.memory_space<hbm>>
      tpu.enqueue_dma source(%dma_start3A_401 : memref<256x64xf32, #tpu.memory_space<hbm>>) target(%arg9 : memref<256x64xf32, #tpu.memory_space<vmem>>) target_semaphore(%arg13 : memref<!tpu.dma_semaphore, #tpu.memory_space<semaphore_mem>>)
      %scan3A_402 = arith.constant 0 : i32
      %scan3A_403 = arith.constant 0 : i32
      %scan3A_404 = arith.constant 8 : i32
      %scan3A_405 = arith.addi %scan3A_403, %scan3A_404 : i32
      %scan3A_406 = arith.constant 1 : i32
      scf.for %scan3A_420 = %scan3A_403 to %scan3A_405 step %scan3A_406  : i32 {
        %mul3A_421 = arith.constant 2 : i32
        %mul3A_422 = arith.muli %mul3A_421, %scan3A_420 : i32
        %mul3A_423 = arith.constant 256 : i32
        %mul3A_424 = arith.muli %mul3A_422, %mul3A_423 : i32
        %dma_wait3A_425 = arith.constant 0 : i32
        %dma_wait3A_426 = tpu.memref_slice %arg3[%select_n3A, %mul3A_424, %select_n3A_392, %dma_wait3A_425] : memref<16x4096x16x64xf32, #tpu.memory_space<hbm>> -> memref<1x256x1x64xf32, #tpu.memory_space<hbm>>
        %dma_wait3A_427 = tpu.memref_squeeze %dma_wait3A_426 : memref<1x256x1x64xf32, #tpu.memory_space<hbm>> -> memref<256x64xf32, #tpu.memory_space<hbm>>
        %dma_wait3A_428 = arith.constant 0 : i32
        %dma_wait3A_429 = tpu.memref_slice %arg3[%select_n3A, %mul3A_424, %select_n3A_392, %dma_wait3A_428] : memref<16x4096x16x64xf32, #tpu.memory_space<hbm>> -> memref<1x256x1x64xf32, #tpu.memory_space<hbm>>
        %dma_wait3A_430 = tpu.memref_squeeze %dma_wait3A_429 : memref<1x256x1x64xf32, #tpu.memory_space<hbm>> -> memref<256x64xf32, #tpu.memory_space<hbm>>
        tpu.wait_dma2 semaphore(%arg13 : memref<!tpu.dma_semaphore, #tpu.memory_space<semaphore_mem>>) src(%dma_wait3A_430 : memref<256x64xf32, #tpu.memory_space<hbm>>) dst(%arg9 : memref<256x64xf32, #tpu.memory_space<vmem>>)
        %gt3A = arith.constant 0 : i32
        %gt3A_431 = arith.cmpi sgt, %scan3A_420, %gt3A : i32
        %convert_element_type3A = arith.extui %gt3A_431 : i1 to i32
        %cond3A = arith.constant 0 : i32
        %cond3A_432 = arith.cmpi ne, %convert_element_type3A, %cond3A : i32
        scf.if %cond3A_432 {
          %sub3A_767 = arith.constant 1 : i32
          %sub3A_768 = arith.subi %mul3A_422, %sub3A_767 : i32
          %mul3A_769 = arith.constant 256 : i32
          %mul3A_770 = arith.muli %sub3A_768, %mul3A_769 : i32
          %add3A_771 = arith.addi %mul3A_394, %mul3A_770 : i32
          %dma_wait3A_772 = arith.constant 0 : i32
          %dma_wait3A_773 = tpu.memref_slice %arg8[%add3A_771, %dma_wait3A_772] : memref<1048576x64xf32, #tpu.memory_space<hbm>> -> memref<256x64xf32, #tpu.memory_space<hbm>>
          %dma_wait3A_774 = arith.constant 0 : i32
          %dma_wait3A_775 = tpu.memref_slice %arg8[%add3A_771, %dma_wait3A_774] : memref<1048576x64xf32, #tpu.memory_space<hbm>> -> memref<256x64xf32, #tpu.memory_space<hbm>>
          tpu.wait_dma2 semaphore(%arg16 : memref<!tpu.dma_semaphore, #tpu.memory_space<semaphore_mem>>) src(%arg10 : memref<256x64xf32, #tpu.memory_space<vmem>>) dst(%dma_wait3A_775 : memref<256x64xf32, #tpu.memory_space<hbm>>)
        } else {
        }
        %add3A_433 = arith.constant 1 : i32
        %add3A_434 = arith.addi %mul3A_422, %add3A_433 : i32
        %mul3A_435 = arith.constant 256 : i32
        %mul3A_436 = arith.muli %add3A_434, %mul3A_435 : i32
        %dma_start3A_437 = arith.constant 0 : i32
        %dma_start3A_438 = tpu.memref_slice %arg3[%select_n3A, %mul3A_436, %select_n3A_392, %dma_start3A_437] : memref<16x4096x16x64xf32, #tpu.memory_space<hbm>> -> memref<1x256x1x64xf32, #tpu.memory_space<hbm>>
        %dma_start3A_439 = tpu.memref_squeeze %dma_start3A_438 : memref<1x256x1x64xf32, #tpu.memory_space<hbm>> -> memref<256x64xf32, #tpu.memory_space<hbm>>
        %dma_start3A_440 = arith.constant 0 : i32
        %dma_start3A_441 = tpu.memref_slice %arg3[%select_n3A, %mul3A_436, %select_n3A_392, %dma_start3A_440] : memref<16x4096x16x64xf32, #tpu.memory_space<hbm>> -> memref<1x256x1x64xf32, #tpu.memory_space<hbm>>
        %dma_start3A_442 = tpu.memref_squeeze %dma_start3A_441 : memref<1x256x1x64xf32, #tpu.memory_space<hbm>> -> memref<256x64xf32, #tpu.memory_space<hbm>>
        tpu.enqueue_dma source(%dma_start3A_442 : memref<256x64xf32, #tpu.memory_space<hbm>>) target(%arg10 : memref<256x64xf32, #tpu.memory_space<vmem>>) target_semaphore(%arg14 : memref<!tpu.dma_semaphore, #tpu.memory_space<semaphore_mem>>)
        %mul3A_443 = arith.constant 256 : i32
        %mul3A_444 = arith.muli %mul3A_422, %mul3A_443 : i32
        %sub3A_445 = arith.subi %squeeze3A, %mul3A_444 : i32
        %ge3A = arith.constant 0 : i32
        %ge3A_446 = arith.cmpi sge, %sub3A_445, %ge3A : i32
        %lt3A_447 = arith.constant 256 : i32
        %lt3A_448 = arith.cmpi slt, %sub3A_445, %lt3A_447 : i32
        %and3A_449 = arith.andi %ge3A_446, %lt3A_448 : i1
        %convert_element_type3A_450 = arith.extui %and3A_449 : i1 to i32
        %cond3A_451 = arith.constant 0 : i32
        %cond3A_452 = arith.cmpi ne, %convert_element_type3A_450, %cond3A_451 : i32
        scf.if %cond3A_452 {
          %get3A_767 = arith.constant 0 : i32
          %get3A_768 = arith.index_cast %scan3A_359 : i32 to index
          %get3A_769 = arith.index_cast %get3A_767 : i32 to index
          %get3A_770 = arith.constant 0 : index
          %get3A_771 = tpu.vector_load %arg11[%get3A_768, %get3A_769, %get3A_770] {strides = array<i32>} : memref<8x16x64xf32, #tpu.memory_space<vmem>>, vector<1x1x16xf32>,
          %get3A_772 = vector.shape_cast %get3A_771 : vector<1x1x16xf32> to vector<16xf32>
          %swap3A = arith.index_cast %sub3A_445 : i32 to index
          %swap3A_773 = arith.constant 0 : index
          %swap3A_774 = tpu.vector_load %arg9[%swap3A, %swap3A_773] {strides = array<i32>} : memref<256x64xf32, #tpu.memory_space<vmem>>, vector<1x16xf32>,
          %swap3A_775 = vector.shape_cast %swap3A_774 : vector<1x16xf32> to vector<16xf32>
          %swap3A_776 = vector.shape_cast %get3A_772 : vector<16xf32> to vector<1x16xf32>
          tpu.vector_store %arg9[%swap3A, %swap3A_773], %swap3A_776 {strides = array<i32>} : memref<256x64xf32, #tpu.memory_space<vmem>>, vector<1x16xf32>,
          %get3A_777 = arith.constant 0 : i32
          %get3A_778 = arith.index_cast %scan3A_359 : i32 to index
          %get3A_779 = arith.index_cast %get3A_777 : i32 to index
          %get3A_780 = arith.constant 16 : index
          %get3A_781 = tpu.vector_load %arg11[%get3A_778, %get3A_779, %get3A_780] {strides = array<i32>} : memref<8x16x64xf32, #tpu.memory_space<vmem>>, vector<1x1x16xf32>,
          %get3A_782 = vector.shape_cast %get3A_781 : vector<1x1x16xf32> to vector<16xf32>
          %swap3A_783 = arith.index_cast %sub3A_445 : i32 to index
          %swap3A_784 = arith.constant 16 : index
          %swap3A_785 = tpu.vector_load %arg9[%swap3A_783, %swap3A_784] {strides = array<i32>} : memref<256x64xf32, #tpu.memory_space<vmem>>, vector<1x16xf32>,
          %swap3A_786 = vector.shape_cast %swap3A_785 : vector<1x16xf32> to vector<16xf32>
          %swap3A_787 = vector.shape_cast %get3A_782 : vector<16xf32> to vector<1x16xf32>
          tpu.vector_store %arg9[%swap3A_783, %swap3A_784], %swap3A_787 {strides = array<i32>} : memref<256x64xf32, #tpu.memory_space<vmem>>, vector<1x16xf32>,
          %get3A_788 = arith.constant 0 : i32
          %get3A_789 = arith.index_cast %scan3A_359 : i32 to index
          %get3A_790 = arith.index_cast %get3A_788 : i32 to index
          %get3A_791 = arith.constant 32 : index
          %get3A_792 = tpu.vector_load %arg11[%get3A_789, %get3A_790, %get3A_791] {strides = array<i32>} : memref<8x16x64xf32, #tpu.memory_space<vmem>>, vector<1x1x16xf32>,
          %get3A_793 = vector.shape_cast %get3A_792 : vector<1x1x16xf32> to vector<16xf32>
          %swap3A_794 = arith.index_cast %sub3A_445 : i32 to index
          %swap3A_795 = arith.constant 32 : index
          %swap3A_796 = tpu.vector_load %arg9[%swap3A_794, %swap3A_795] {strides = array<i32>} : memref<256x64xf32, #tpu.memory_space<vmem>>, vector<1x16xf32>,
          %swap3A_797 = vector.shape_cast %swap3A_796 : vector<1x16xf32> to vector<16xf32>
          %swap3A_798 = vector.shape_cast %get3A_793 : vector<16xf32> to vector<1x16xf32>
          tpu.vector_store %arg9[%swap3A_794, %swap3A_795], %swap3A_798 {strides = array<i32>} : memref<256x64xf32, #tpu.memory_space<vmem>>, vector<1x16xf32>,
          %get3A_799 = arith.constant 0 : i32
          %get3A_800 = arith.index_cast %scan3A_359 : i32 to index
          %get3A_801 = arith.index_cast %get3A_799 : i32 to index
          %get3A_802 = arith.constant 48 : index
          %get3A_803 = tpu.vector_load %arg11[%get3A_800, %get3A_801, %get3A_802] {strides = array<i32>} : memref<8x16x64xf32, #tpu.memory_space<vmem>>, vector<1x1x16xf32>,
          %get3A_804 = vector.shape_cast %get3A_803 : vector<1x1x16xf32> to vector<16xf32>
          %swap3A_805 = arith.index_cast %sub3A_445 : i32 to index
          %swap3A_806 = arith.constant 48 : index
          %swap3A_807 = tpu.vector_load %arg9[%swap3A_805, %swap3A_806] {strides = array<i32>} : memref<256x64xf32, #tpu.memory_space<vmem>>, vector<1x16xf32>,
          %swap3A_808 = vector.shape_cast %swap3A_807 : vector<1x16xf32> to vector<16xf32>
          %swap3A_809 = vector.shape_cast %get3A_804 : vector<16xf32> to vector<1x16xf32>
          tpu.vector_store %arg9[%swap3A_805, %swap3A_806], %swap3A_809 {strides = array<i32>} : memref<256x64xf32, #tpu.memory_space<vmem>>, vector<1x16xf32>,
        } else {
        }
        %sub3A_453 = arith.subi %squeeze3A_4, %mul3A_444 : i32
        %ge3A_454 = arith.constant 0 : i32
        %ge3A_455 = arith.cmpi sge, %sub3A_453, %ge3A_454 : i32
        %lt3A_456 = arith.constant 256 : i32
        %lt3A_457 = arith.cmpi slt, %sub3A_453, %lt3A_456 : i32
        %and3A_458 = arith.andi %ge3A_455, %lt3A_457 : i1
        %convert_element_type3A_459 = arith.extui %and3A_458 : i1 to i32
        %cond3A_460 = arith.constant 0 : i32
        %cond3A_461 = arith.cmpi ne, %convert_element_type3A_459, %cond3A_460 : i32
        scf.if %cond3A_461 {
          %get3A_767 = arith.constant 1 : i32
          %get3A_768 = arith.index_cast %scan3A_359 : i32 to index
          %get3A_769 = arith.index_cast %get3A_767 : i32 to index
          %get3A_770 = arith.constant 0 : index
          %get3A_771 = tpu.vector_load %arg11[%get3A_768, %get3A_769, %get3A_770] {strides = array<i32>} : memref<8x16x64xf32, #tpu.memory_space<vmem>>, vector<1x1x16xf32>,
          %get3A_772 = vector.shape_cast %get3A_771 : vector<1x1x16xf32> to vector<16xf32>
          %swap3A = arith.index_cast %sub3A_453 : i32 to index
          %swap3A_773 = arith.constant 0 : index
          %swap3A_774 = tpu.vector_load %arg9[%swap3A, %swap3A_773] {strides = array<i32>} : memref<256x64xf32, #tpu.memory_space<vmem>>, vector<1x16xf32>,
          %swap3A_775 = vector.shape_cast %swap3A_774 : vector<1x16xf32> to vector<16xf32>
          %swap3A_776 = vector.shape_cast %get3A_772 : vector<16xf32> to vector<1x16xf32>
          tpu.vector_store %arg9[%swap3A, %swap3A_773], %swap3A_776 {strides = array<i32>} : memref<256x64xf32, #tpu.memory_space<vmem>>, vector<1x16xf32>,
          %get3A_777 = arith.constant 1 : i32
          %get3A_778 = arith.index_cast %scan3A_359 : i32 to index
          %get3A_779 = arith.index_cast %get3A_777 : i32 to index
          %get3A_780 = arith.constant 16 : index
          %get3A_781 = tpu.vector_load %arg11[%get3A_778, %get3A_779, %get3A_780] {strides = array<i32>} : memref<8x16x64xf32, #tpu.memory_space<vmem>>, vector<1x1x16xf32>,
          %get3A_782 = vector.shape_cast %get3A_781 : vector<1x1x16xf32> to vector<16xf32>
          %swap3A_783 = arith.index_cast %sub3A_453 : i32 to index
          %swap3A_784 = arith.constant 16 : index
          %swap3A_785 = tpu.vector_load %arg9[%swap3A_783, %swap3A_784] {strides = array<i32>} : memref<256x64xf32, #tpu.memory_space<vmem>>, vector<1x16xf32>,
          %swap3A_786 = vector.shape_cast %swap3A_785 : vector<1x16xf32> to vector<16xf32>
          %swap3A_787 = vector.shape_cast %get3A_782 : vector<16xf32> to vector<1x16xf32>
          tpu.vector_store %arg9[%swap3A_783, %swap3A_784], %swap3A_787 {strides = array<i32>} : memref<256x64xf32, #tpu.memory_space<vmem>>, vector<1x16xf32>,
          %get3A_788 = arith.constant 1 : i32
          %get3A_789 = arith.index_cast %scan3A_359 : i32 to index
          %get3A_790 = arith.index_cast %get3A_788 : i32 to index
          %get3A_791 = arith.constant 32 : index
          %get3A_792 = tpu.vector_load %arg11[%get3A_789, %get3A_790, %get3A_791] {strides = array<i32>} : memref<8x16x64xf32, #tpu.memory_space<vmem>>, vector<1x1x16xf32>,
          %get3A_793 = vector.shape_cast %get3A_792 : vector<1x1x16xf32> to vector<16xf32>
          %swap3A_794 = arith.index_cast %sub3A_453 : i32 to index
          %swap3A_795 = arith.constant 32 : index
          %swap3A_796 = tpu.vector_load %arg9[%swap3A_794, %swap3A_795] {strides = array<i32>} : memref<256x64xf32, #tpu.memory_space<vmem>>, vector<1x16xf32>,
          %swap3A_797 = vector.shape_cast %swap3A_796 : vector<1x16xf32> to vector<16xf32>
          %swap3A_798 = vector.shape_cast %get3A_793 : vector<16xf32> to vector<1x16xf32>
          tpu.vector_store %arg9[%swap3A_794, %swap3A_795], %swap3A_798 {strides = array<i32>} : memref<256x64xf32, #tpu.memory_space<vmem>>, vector<1x16xf32>,
          %get3A_799 = arith.constant 1 : i32
          %get3A_800 = arith.index_cast %scan3A_359 : i32 to index
          %get3A_801 = arith.index_cast %get3A_799 : i32 to index
          %get3A_802 = arith.constant 48 : index
          %get3A_803 = tpu.vector_load %arg11[%get3A_800, %get3A_801, %get3A_802] {strides = array<i32>} : memref<8x16x64xf32, #tpu.memory_space<vmem>>, vector<1x1x16xf32>,
          %get3A_804 = vector.shape_cast %get3A_803 : vector<1x1x16xf32> to vector<16xf32>
          %swap3A_805 = arith.index_cast %sub3A_453 : i32 to index
          %swap3A_806 = arith.constant 48 : index
          %swap3A_807 = tpu.vector_load %arg9[%swap3A_805, %swap3A_806] {strides = array<i32>} : memref<256x64xf32, #tpu.memory_space<vmem>>, vector<1x16xf32>,
          %swap3A_808 = vector.shape_cast %swap3A_807 : vector<1x16xf32> to vector<16xf32>
          %swap3A_809 = vector.shape_cast %get3A_804 : vector<16xf32> to vector<1x16xf32>
          tpu.vector_store %arg9[%swap3A_805, %swap3A_806], %swap3A_809 {strides = array<i32>} : memref<256x64xf32, #tpu.memory_space<vmem>>, vector<1x16xf32>,
        } else {
        }
        %sub3A_462 = arith.subi %squeeze3A_6, %mul3A_444 : i32
        %ge3A_463 = arith.constant 0 : i32
        %ge3A_464 = arith.cmpi sge, %sub3A_462, %ge3A_463 : i32
        %lt3A_465 = arith.constant 256 : i32
        %lt3A_466 = arith.cmpi slt, %sub3A_462, %lt3A_465 : i32
        %and3A_467 = arith.andi %ge3A_464, %lt3A_466 : i1
        %convert_element_type3A_468 = arith.extui %and3A_467 : i1 to i32
        %cond3A_469 = arith.constant 0 : i32
        %cond3A_470 = arith.cmpi ne, %convert_element_type3A_468, %cond3A_469 : i32
        scf.if %cond3A_470 {
          %get3A_767 = arith.constant 2 : i32
          %get3A_768 = arith.index_cast %scan3A_359 : i32 to index
          %get3A_769 = arith.index_cast %get3A_767 : i32 to index
          %get3A_770 = arith.constant 0 : index
          %get3A_771 = tpu.vector_load %arg11[%get3A_768, %get3A_769, %get3A_770] {strides = array<i32>} : memref<8x16x64xf32, #tpu.memory_space<vmem>>, vector<1x1x16xf32>,
          %get3A_772 = vector.shape_cast %get3A_771 : vector<1x1x16xf32> to vector<16xf32>
          %swap3A = arith.index_cast %sub3A_462 : i32 to index
          %swap3A_773 = arith.constant 0 : index
          %swap3A_774 = tpu.vector_load %arg9[%swap3A, %swap3A_773] {strides = array<i32>} : memref<256x64xf32, #tpu.memory_space<vmem>>, vector<1x16xf32>,
          %swap3A_775 = vector.shape_cast %swap3A_774 : vector<1x16xf32> to vector<16xf32>
          %swap3A_776 = vector.shape_cast %get3A_772 : vector<16xf32> to vector<1x16xf32>
          tpu.vector_store %arg9[%swap3A, %swap3A_773], %swap3A_776 {strides = array<i32>} : memref<256x64xf32, #tpu.memory_space<vmem>>, vector<1x16xf32>,
          %get3A_777 = arith.constant 2 : i32
          %get3A_778 = arith.index_cast %scan3A_359 : i32 to index
          %get3A_779 = arith.index_cast %get3A_777 : i32 to index
          %get3A_780 = arith.constant 16 : index
          %get3A_781 = tpu.vector_load %arg11[%get3A_778, %get3A_779, %get3A_780] {strides = array<i32>} : memref<8x16x64xf32, #tpu.memory_space<vmem>>, vector<1x1x16xf32>,
          %get3A_782 = vector.shape_cast %get3A_781 : vector<1x1x16xf32> to vector<16xf32>
          %swap3A_783 = arith.index_cast %sub3A_462 : i32 to index
          %swap3A_784 = arith.constant 16 : index
          %swap3A_785 = tpu.vector_load %arg9[%swap3A_783, %swap3A_784] {strides = array<i32>} : memref<256x64xf32, #tpu.memory_space<vmem>>, vector<1x16xf32>,
          %swap3A_786 = vector.shape_cast %swap3A_785 : vector<1x16xf32> to vector<16xf32>
          %swap3A_787 = vector.shape_cast %get3A_782 : vector<16xf32> to vector<1x16xf32>
          tpu.vector_store %arg9[%swap3A_783, %swap3A_784], %swap3A_787 {strides = array<i32>} : memref<256x64xf32, #tpu.memory_space<vmem>>, vector<1x16xf32>,
          %get3A_788 = arith.constant 2 : i32
          %get3A_789 = arith.index_cast %scan3A_359 : i32 to index
          %get3A_790 = arith.index_cast %get3A_788 : i32 to index
          %get3A_791 = arith.constant 32 : index
          %get3A_792 = tpu.vector_load %arg11[%get3A_789, %get3A_790, %get3A_791] {strides = array<i32>} : memref<8x16x64xf32, #tpu.memory_space<vmem>>, vector<1x1x16xf32>,
          %get3A_793 = vector.shape_cast %get3A_792 : vector<1x1x16xf32> to vector<16xf32>
          %swap3A_794 = arith.index_cast %sub3A_462 : i32 to index
          %swap3A_795 = arith.constant 32 : index
          %swap3A_796 = tpu.vector_load %arg9[%swap3A_794, %swap3A_795] {strides = array<i32>} : memref<256x64xf32, #tpu.memory_space<vmem>>, vector<1x16xf32>,
          %swap3A_797 = vector.shape_cast %swap3A_796 : vector<1x16xf32> to vector<16xf32>
          %swap3A_798 = vector.shape_cast %get3A_793 : vector<16xf32> to vector<1x16xf32>
          tpu.vector_store %arg9[%swap3A_794, %swap3A_795], %swap3A_798 {strides = array<i32>} : memref<256x64xf32, #tpu.memory_space<vmem>>, vector<1x16xf32>,
          %get3A_799 = arith.constant 2 : i32
          %get3A_800 = arith.index_cast %scan3A_359 : i32 to index
          %get3A_801 = arith.index_cast %get3A_799 : i32 to index
          %get3A_802 = arith.constant 48 : index
          %get3A_803 = tpu.vector_load %arg11[%get3A_800, %get3A_801, %get3A_802] {strides = array<i32>} : memref<8x16x64xf32, #tpu.memory_space<vmem>>, vector<1x1x16xf32>,
          %get3A_804 = vector.shape_cast %get3A_803 : vector<1x1x16xf32> to vector<16xf32>
          %swap3A_805 = arith.index_cast %sub3A_462 : i32 to index
          %swap3A_806 = arith.constant 48 : index
          %swap3A_807 = tpu.vector_load %arg9[%swap3A_805, %swap3A_806] {strides = array<i32>} : memref<256x64xf32, #tpu.memory_space<vmem>>, vector<1x16xf32>,
          %swap3A_808 = vector.shape_cast %swap3A_807 : vector<1x16xf32> to vector<16xf32>
          %swap3A_809 = vector.shape_cast %get3A_804 : vector<16xf32> to vector<1x16xf32>
          tpu.vector_store %arg9[%swap3A_805, %swap3A_806], %swap3A_809 {strides = array<i32>} : memref<256x64xf32, #tpu.memory_space<vmem>>, vector<1x16xf32>,
        } else {
        }
        %sub3A_471 = arith.subi %squeeze3A_8, %mul3A_444 : i32
        %ge3A_472 = arith.constant 0 : i32
        %ge3A_473 = arith.cmpi sge, %sub3A_471, %ge3A_472 : i32
        %lt3A_474 = arith.constant 256 : i32
        %lt3A_475 = arith.cmpi slt, %sub3A_471, %lt3A_474 : i32
        %and3A_476 = arith.andi %ge3A_473, %lt3A_475 : i1
        %convert_element_type3A_477 = arith.extui %and3A_476 : i1 to i32
        %cond3A_478 = arith.constant 0 : i32
        %cond3A_479 = arith.cmpi ne, %convert_element_type3A_477, %cond3A_478 : i32
        scf.if %cond3A_479 {
          %get3A_767 = arith.constant 3 : i32
          %get3A_768 = arith.index_cast %scan3A_359 : i32 to index
          %get3A_769 = arith.index_cast %get3A_767 : i32 to index
          %get3A_770 = arith.constant 0 : index
          %get3A_771 = tpu.vector_load %arg11[%get3A_768, %get3A_769, %get3A_770] {strides = array<i32>} : memref<8x16x64xf32, #tpu.memory_space<vmem>>, vector<1x1x16xf32>,
          %get3A_772 = vector.shape_cast %get3A_771 : vector<1x1x16xf32> to vector<16xf32>
          %swap3A = arith.index_cast %sub3A_471 : i32 to index
          %swap3A_773 = arith.constant 0 : index
          %swap3A_774 = tpu.vector_load %arg9[%swap3A, %swap3A_773] {strides = array<i32>} : memref<256x64xf32, #tpu.memory_space<vmem>>, vector<1x16xf32>,
          %swap3A_775 = vector.shape_cast %swap3A_774 : vector<1x16xf32> to vector<16xf32>
          %swap3A_776 = vector.shape_cast %get3A_772 : vector<16xf32> to vector<1x16xf32>
          tpu.vector_store %arg9[%swap3A, %swap3A_773], %swap3A_776 {strides = array<i32>} : memref<256x64xf32, #tpu.memory_space<vmem>>, vector<1x16xf32>,
          %get3A_777 = arith.constant 3 : i32
          %get3A_778 = arith.index_cast %scan3A_359 : i32 to index
          %get3A_779 = arith.index_cast %get3A_777 : i32 to index
          %get3A_780 = arith.constant 16 : index
          %get3A_781 = tpu.vector_load %arg11[%get3A_778, %get3A_779, %get3A_780] {strides = array<i32>} : memref<8x16x64xf32, #tpu.memory_space<vmem>>, vector<1x1x16xf32>,
          %get3A_782 = vector.shape_cast %get3A_781 : vector<1x1x16xf32> to vector<16xf32>
          %swap3A_783 = arith.index_cast %sub3A_471 : i32 to index
          %swap3A_784 = arith.constant 16 : index
          %swap3A_785 = tpu.vector_load %arg9[%swap3A_783, %swap3A_784] {strides = array<i32>} : memref<256x64xf32, #tpu.memory_space<vmem>>, vector<1x16xf32>,
          %swap3A_786 = vector.shape_cast %swap3A_785 : vector<1x16xf32> to vector<16xf32>
          %swap3A_787 = vector.shape_cast %get3A_782 : vector<16xf32> to vector<1x16xf32>
          tpu.vector_store %arg9[%swap3A_783, %swap3A_784], %swap3A_787 {strides = array<i32>} : memref<256x64xf32, #tpu.memory_space<vmem>>, vector<1x16xf32>,
          %get3A_788 = arith.constant 3 : i32
          %get3A_789 = arith.index_cast %scan3A_359 : i32 to index
          %get3A_790 = arith.index_cast %get3A_788 : i32 to index
          %get3A_791 = arith.constant 32 : index
          %get3A_792 = tpu.vector_load %arg11[%get3A_789, %get3A_790, %get3A_791] {strides = array<i32>} : memref<8x16x64xf32, #tpu.memory_space<vmem>>, vector<1x1x16xf32>,
          %get3A_793 = vector.shape_cast %get3A_792 : vector<1x1x16xf32> to vector<16xf32>
          %swap3A_794 = arith.index_cast %sub3A_471 : i32 to index
          %swap3A_795 = arith.constant 32 : index
          %swap3A_796 = tpu.vector_load %arg9[%swap3A_794, %swap3A_795] {strides = array<i32>} : memref<256x64xf32, #tpu.memory_space<vmem>>, vector<1x16xf32>,
          %swap3A_797 = vector.shape_cast %swap3A_796 : vector<1x16xf32> to vector<16xf32>
          %swap3A_798 = vector.shape_cast %get3A_793 : vector<16xf32> to vector<1x16xf32>
          tpu.vector_store %arg9[%swap3A_794, %swap3A_795], %swap3A_798 {strides = array<i32>} : memref<256x64xf32, #tpu.memory_space<vmem>>, vector<1x16xf32>,
          %get3A_799 = arith.constant 3 : i32
          %get3A_800 = arith.index_cast %scan3A_359 : i32 to index
          %get3A_801 = arith.index_cast %get3A_799 : i32 to index
          %get3A_802 = arith.constant 48 : index
          %get3A_803 = tpu.vector_load %arg11[%get3A_800, %get3A_801, %get3A_802] {strides = array<i32>} : memref<8x16x64xf32, #tpu.memory_space<vmem>>, vector<1x1x16xf32>,
          %get3A_804 = vector.shape_cast %get3A_803 : vector<1x1x16xf32> to vector<16xf32>
          %swap3A_805 = arith.index_cast %sub3A_471 : i32 to index
          %swap3A_806 = arith.constant 48 : index
          %swap3A_807 = tpu.vector_load %arg9[%swap3A_805, %swap3A_806] {strides = array<i32>} : memref<256x64xf32, #tpu.memory_space<vmem>>, vector<1x16xf32>,
          %swap3A_808 = vector.shape_cast %swap3A_807 : vector<1x16xf32> to vector<16xf32>
          %swap3A_809 = vector.shape_cast %get3A_804 : vector<16xf32> to vector<1x16xf32>
          tpu.vector_store %arg9[%swap3A_805, %swap3A_806], %swap3A_809 {strides = array<i32>} : memref<256x64xf32, #tpu.memory_space<vmem>>, vector<1x16xf32>,
        } else {
        }
        %sub3A_480 = arith.subi %squeeze3A_10, %mul3A_444 : i32
        %ge3A_481 = arith.constant 0 : i32
        %ge3A_482 = arith.cmpi sge, %sub3A_480, %ge3A_481 : i32
        %lt3A_483 = arith.constant 256 : i32
        %lt3A_484 = arith.cmpi slt, %sub3A_480, %lt3A_483 : i32
        %and3A_485 = arith.andi %ge3A_482, %lt3A_484 : i1
        %convert_element_type3A_486 = arith.extui %and3A_485 : i1 to i32
        %cond3A_487 = arith.constant 0 : i32
        %cond3A_488 = arith.cmpi ne, %convert_element_type3A_486, %cond3A_487 : i32
        scf.if %cond3A_488 {
          %get3A_767 = arith.constant 4 : i32
          %get3A_768 = arith.index_cast %scan3A_359 : i32 to index
          %get3A_769 = arith.index_cast %get3A_767 : i32 to index
          %get3A_770 = arith.constant 0 : index
          %get3A_771 = tpu.vector_load %arg11[%get3A_768, %get3A_769, %get3A_770] {strides = array<i32>} : memref<8x16x64xf32, #tpu.memory_space<vmem>>, vector<1x1x16xf32>,
          %get3A_772 = vector.shape_cast %get3A_771 : vector<1x1x16xf32> to vector<16xf32>
          %swap3A = arith.index_cast %sub3A_480 : i32 to index
          %swap3A_773 = arith.constant 0 : index
          %swap3A_774 = tpu.vector_load %arg9[%swap3A, %swap3A_773] {strides = array<i32>} : memref<256x64xf32, #tpu.memory_space<vmem>>, vector<1x16xf32>,
          %swap3A_775 = vector.shape_cast %swap3A_774 : vector<1x16xf32> to vector<16xf32>
          %swap3A_776 = vector.shape_cast %get3A_772 : vector<16xf32> to vector<1x16xf32>
          tpu.vector_store %arg9[%swap3A, %swap3A_773], %swap3A_776 {strides = array<i32>} : memref<256x64xf32, #tpu.memory_space<vmem>>, vector<1x16xf32>,
          %get3A_777 = arith.constant 4 : i32
          %get3A_778 = arith.index_cast %scan3A_359 : i32 to index
          %get3A_779 = arith.index_cast %get3A_777 : i32 to index
          %get3A_780 = arith.constant 16 : index
          %get3A_781 = tpu.vector_load %arg11[%get3A_778, %get3A_779, %get3A_780] {strides = array<i32>} : memref<8x16x64xf32, #tpu.memory_space<vmem>>, vector<1x1x16xf32>,
          %get3A_782 = vector.shape_cast %get3A_781 : vector<1x1x16xf32> to vector<16xf32>
          %swap3A_783 = arith.index_cast %sub3A_480 : i32 to index
          %swap3A_784 = arith.constant 16 : index
          %swap3A_785 = tpu.vector_load %arg9[%swap3A_783, %swap3A_784] {strides = array<i32>} : memref<256x64xf32, #tpu.memory_space<vmem>>, vector<1x16xf32>,
          %swap3A_786 = vector.shape_cast %swap3A_785 : vector<1x16xf32> to vector<16xf32>
          %swap3A_787 = vector.shape_cast %get3A_782 : vector<16xf32> to vector<1x16xf32>
          tpu.vector_store %arg9[%swap3A_783, %swap3A_784], %swap3A_787 {strides = array<i32>} : memref<256x64xf32, #tpu.memory_space<vmem>>, vector<1x16xf32>,
          %get3A_788 = arith.constant 4 : i32
          %get3A_789 = arith.index_cast %scan3A_359 : i32 to index
          %get3A_790 = arith.index_cast %get3A_788 : i32 to index
          %get3A_791 = arith.constant 32 : index
          %get3A_792 = tpu.vector_load %arg11[%get3A_789, %get3A_790, %get3A_791] {strides = array<i32>} : memref<8x16x64xf32, #tpu.memory_space<vmem>>, vector<1x1x16xf32>,
          %get3A_793 = vector.shape_cast %get3A_792 : vector<1x1x16xf32> to vector<16xf32>
          %swap3A_794 = arith.index_cast %sub3A_480 : i32 to index
          %swap3A_795 = arith.constant 32 : index
          %swap3A_796 = tpu.vector_load %arg9[%swap3A_794, %swap3A_795] {strides = array<i32>} : memref<256x64xf32, #tpu.memory_space<vmem>>, vector<1x16xf32>,
          %swap3A_797 = vector.shape_cast %swap3A_796 : vector<1x16xf32> to vector<16xf32>
          %swap3A_798 = vector.shape_cast %get3A_793 : vector<16xf32> to vector<1x16xf32>
          tpu.vector_store %arg9[%swap3A_794, %swap3A_795], %swap3A_798 {strides = array<i32>} : memref<256x64xf32, #tpu.memory_space<vmem>>, vector<1x16xf32>,
          %get3A_799 = arith.constant 4 : i32
          %get3A_800 = arith.index_cast %scan3A_359 : i32 to index
          %get3A_801 = arith.index_cast %get3A_799 : i32 to index
          %get3A_802 = arith.constant 48 : index
          %get3A_803 = tpu.vector_load %arg11[%get3A_800, %get3A_801, %get3A_802] {strides = array<i32>} : memref<8x16x64xf32, #tpu.memory_space<vmem>>, vector<1x1x16xf32>,
          %get3A_804 = vector.shape_cast %get3A_803 : vector<1x1x16xf32> to vector<16xf32>
          %swap3A_805 = arith.index_cast %sub3A_480 : i32 to index
          %swap3A_806 = arith.constant 48 : index
          %swap3A_807 = tpu.vector_load %arg9[%swap3A_805, %swap3A_806] {strides = array<i32>} : memref<256x64xf32, #tpu.memory_space<vmem>>, vector<1x16xf32>,
          %swap3A_808 = vector.shape_cast %swap3A_807 : vector<1x16xf32> to vector<16xf32>
          %swap3A_809 = vector.shape_cast %get3A_804 : vector<16xf32> to vector<1x16xf32>
          tpu.vector_store %arg9[%swap3A_805, %swap3A_806], %swap3A_809 {strides = array<i32>} : memref<256x64xf32, #tpu.memory_space<vmem>>, vector<1x16xf32>,
        } else {
        }
        %sub3A_489 = arith.subi %squeeze3A_12, %mul3A_444 : i32
        %ge3A_490 = arith.constant 0 : i32
        %ge3A_491 = arith.cmpi sge, %sub3A_489, %ge3A_490 : i32
        %lt3A_492 = arith.constant 256 : i32
        %lt3A_493 = arith.cmpi slt, %sub3A_489, %lt3A_492 : i32
        %and3A_494 = arith.andi %ge3A_491, %lt3A_493 : i1
        %convert_element_type3A_495 = arith.extui %and3A_494 : i1 to i32
        %cond3A_496 = arith.constant 0 : i32
        %cond3A_497 = arith.cmpi ne, %convert_element_type3A_495, %cond3A_496 : i32
        scf.if %cond3A_497 {
          %get3A_767 = arith.constant 5 : i32
          %get3A_768 = arith.index_cast %scan3A_359 : i32 to index
          %get3A_769 = arith.index_cast %get3A_767 : i32 to index
          %get3A_770 = arith.constant 0 : index
          %get3A_771 = tpu.vector_load %arg11[%get3A_768, %get3A_769, %get3A_770] {strides = array<i32>} : memref<8x16x64xf32, #tpu.memory_space<vmem>>, vector<1x1x16xf32>,
          %get3A_772 = vector.shape_cast %get3A_771 : vector<1x1x16xf32> to vector<16xf32>
          %swap3A = arith.index_cast %sub3A_489 : i32 to index
          %swap3A_773 = arith.constant 0 : index
          %swap3A_774 = tpu.vector_load %arg9[%swap3A, %swap3A_773] {strides = array<i32>} : memref<256x64xf32, #tpu.memory_space<vmem>>, vector<1x16xf32>,
          %swap3A_775 = vector.shape_cast %swap3A_774 : vector<1x16xf32> to vector<16xf32>
          %swap3A_776 = vector.shape_cast %get3A_772 : vector<16xf32> to vector<1x16xf32>
          tpu.vector_store %arg9[%swap3A, %swap3A_773], %swap3A_776 {strides = array<i32>} : memref<256x64xf32, #tpu.memory_space<vmem>>, vector<1x16xf32>,
          %get3A_777 = arith.constant 5 : i32
          %get3A_778 = arith.index_cast %scan3A_359 : i32 to index
          %get3A_779 = arith.index_cast %get3A_777 : i32 to index
          %get3A_780 = arith.constant 16 : index
          %get3A_781 = tpu.vector_load %arg11[%get3A_778, %get3A_779, %get3A_780] {strides = array<i32>} : memref<8x16x64xf32, #tpu.memory_space<vmem>>, vector<1x1x16xf32>,
          %get3A_782 = vector.shape_cast %get3A_781 : vector<1x1x16xf32> to vector<16xf32>
          %swap3A_783 = arith.index_cast %sub3A_489 : i32 to index
          %swap3A_784 = arith.constant 16 : index
          %swap3A_785 = tpu.vector_load %arg9[%swap3A_783, %swap3A_784] {strides = array<i32>} : memref<256x64xf32, #tpu.memory_space<vmem>>, vector<1x16xf32>,
          %swap3A_786 = vector.shape_cast %swap3A_785 : vector<1x16xf32> to vector<16xf32>
          %swap3A_787 = vector.shape_cast %get3A_782 : vector<16xf32> to vector<1x16xf32>
          tpu.vector_store %arg9[%swap3A_783, %swap3A_784], %swap3A_787 {strides = array<i32>} : memref<256x64xf32, #tpu.memory_space<vmem>>, vector<1x16xf32>,
          %get3A_788 = arith.constant 5 : i32
          %get3A_789 = arith.index_cast %scan3A_359 : i32 to index
          %get3A_790 = arith.index_cast %get3A_788 : i32 to index
          %get3A_791 = arith.constant 32 : index
          %get3A_792 = tpu.vector_load %arg11[%get3A_789, %get3A_790, %get3A_791] {strides = array<i32>} : memref<8x16x64xf32, #tpu.memory_space<vmem>>, vector<1x1x16xf32>,
          %get3A_793 = vector.shape_cast %get3A_792 : vector<1x1x16xf32> to vector<16xf32>
          %swap3A_794 = arith.index_cast %sub3A_489 : i32 to index
          %swap3A_795 = arith.constant 32 : index
          %swap3A_796 = tpu.vector_load %arg9[%swap3A_794, %swap3A_795] {strides = array<i32>} : memref<256x64xf32, #tpu.memory_space<vmem>>, vector<1x16xf32>,
          %swap3A_797 = vector.shape_cast %swap3A_796 : vector<1x16xf32> to vector<16xf32>
          %swap3A_798 = vector.shape_cast %get3A_793 : vector<16xf32> to vector<1x16xf32>
          tpu.vector_store %arg9[%swap3A_794, %swap3A_795], %swap3A_798 {strides = array<i32>} : memref<256x64xf32, #tpu.memory_space<vmem>>, vector<1x16xf32>,
          %get3A_799 = arith.constant 5 : i32
          %get3A_800 = arith.index_cast %scan3A_359 : i32 to index
          %get3A_801 = arith.index_cast %get3A_799 : i32 to index
          %get3A_802 = arith.constant 48 : index
          %get3A_803 = tpu.vector_load %arg11[%get3A_800, %get3A_801, %get3A_802] {strides = array<i32>} : memref<8x16x64xf32, #tpu.memory_space<vmem>>, vector<1x1x16xf32>,
          %get3A_804 = vector.shape_cast %get3A_803 : vector<1x1x16xf32> to vector<16xf32>
          %swap3A_805 = arith.index_cast %sub3A_489 : i32 to index
          %swap3A_806 = arith.constant 48 : index
          %swap3A_807 = tpu.vector_load %arg9[%swap3A_805, %swap3A_806] {strides = array<i32>} : memref<256x64xf32, #tpu.memory_space<vmem>>, vector<1x16xf32>,
          %swap3A_808 = vector.shape_cast %swap3A_807 : vector<1x16xf32> to vector<16xf32>
          %swap3A_809 = vector.shape_cast %get3A_804 : vector<16xf32> to vector<1x16xf32>
          tpu.vector_store %arg9[%swap3A_805, %swap3A_806], %swap3A_809 {strides = array<i32>} : memref<256x64xf32, #tpu.memory_space<vmem>>, vector<1x16xf32>,
        } else {
        }
        %sub3A_498 = arith.subi %squeeze3A_14, %mul3A_444 : i32
        %ge3A_499 = arith.constant 0 : i32
        %ge3A_500 = arith.cmpi sge, %sub3A_498, %ge3A_499 : i32
        %lt3A_501 = arith.constant 256 : i32
        %lt3A_502 = arith.cmpi slt, %sub3A_498, %lt3A_501 : i32
        %and3A_503 = arith.andi %ge3A_500, %lt3A_502 : i1
        %convert_element_type3A_504 = arith.extui %and3A_503 : i1 to i32
        %cond3A_505 = arith.constant 0 : i32
        %cond3A_506 = arith.cmpi ne, %convert_element_type3A_504, %cond3A_505 : i32
        scf.if %cond3A_506 {
          %get3A_767 = arith.constant 6 : i32
          %get3A_768 = arith.index_cast %scan3A_359 : i32 to index
          %get3A_769 = arith.index_cast %get3A_767 : i32 to index
          %get3A_770 = arith.constant 0 : index
          %get3A_771 = tpu.vector_load %arg11[%get3A_768, %get3A_769, %get3A_770] {strides = array<i32>} : memref<8x16x64xf32, #tpu.memory_space<vmem>>, vector<1x1x16xf32>,
          %get3A_772 = vector.shape_cast %get3A_771 : vector<1x1x16xf32> to vector<16xf32>
          %swap3A = arith.index_cast %sub3A_498 : i32 to index
          %swap3A_773 = arith.constant 0 : index
          %swap3A_774 = tpu.vector_load %arg9[%swap3A, %swap3A_773] {strides = array<i32>} : memref<256x64xf32, #tpu.memory_space<vmem>>, vector<1x16xf32>,
          %swap3A_775 = vector.shape_cast %swap3A_774 : vector<1x16xf32> to vector<16xf32>
          %swap3A_776 = vector.shape_cast %get3A_772 : vector<16xf32> to vector<1x16xf32>
          tpu.vector_store %arg9[%swap3A, %swap3A_773], %swap3A_776 {strides = array<i32>} : memref<256x64xf32, #tpu.memory_space<vmem>>, vector<1x16xf32>,
          %get3A_777 = arith.constant 6 : i32
          %get3A_778 = arith.index_cast %scan3A_359 : i32 to index
          %get3A_779 = arith.index_cast %get3A_777 : i32 to index
          %get3A_780 = arith.constant 16 : index
          %get3A_781 = tpu.vector_load %arg11[%get3A_778, %get3A_779, %get3A_780] {strides = array<i32>} : memref<8x16x64xf32, #tpu.memory_space<vmem>>, vector<1x1x16xf32>,
          %get3A_782 = vector.shape_cast %get3A_781 : vector<1x1x16xf32> to vector<16xf32>
          %swap3A_783 = arith.index_cast %sub3A_498 : i32 to index
          %swap3A_784 = arith.constant 16 : index
          %swap3A_785 = tpu.vector_load %arg9[%swap3A_783, %swap3A_784] {strides = array<i32>} : memref<256x64xf32, #tpu.memory_space<vmem>>, vector<1x16xf32>,
          %swap3A_786 = vector.shape_cast %swap3A_785 : vector<1x16xf32> to vector<16xf32>
          %swap3A_787 = vector.shape_cast %get3A_782 : vector<16xf32> to vector<1x16xf32>
          tpu.vector_store %arg9[%swap3A_783, %swap3A_784], %swap3A_787 {strides = array<i32>} : memref<256x64xf32, #tpu.memory_space<vmem>>, vector<1x16xf32>,
          %get3A_788 = arith.constant 6 : i32
          %get3A_789 = arith.index_cast %scan3A_359 : i32 to index
          %get3A_790 = arith.index_cast %get3A_788 : i32 to index
          %get3A_791 = arith.constant 32 : index
          %get3A_792 = tpu.vector_load %arg11[%get3A_789, %get3A_790, %get3A_791] {strides = array<i32>} : memref<8x16x64xf32, #tpu.memory_space<vmem>>, vector<1x1x16xf32>,
          %get3A_793 = vector.shape_cast %get3A_792 : vector<1x1x16xf32> to vector<16xf32>
          %swap3A_794 = arith.index_cast %sub3A_498 : i32 to index
          %swap3A_795 = arith.constant 32 : index
          %swap3A_796 = tpu.vector_load %arg9[%swap3A_794, %swap3A_795] {strides = array<i32>} : memref<256x64xf32, #tpu.memory_space<vmem>>, vector<1x16xf32>,
          %swap3A_797 = vector.shape_cast %swap3A_796 : vector<1x16xf32> to vector<16xf32>
          %swap3A_798 = vector.shape_cast %get3A_793 : vector<16xf32> to vector<1x16xf32>
          tpu.vector_store %arg9[%swap3A_794, %swap3A_795], %swap3A_798 {strides = array<i32>} : memref<256x64xf32, #tpu.memory_space<vmem>>, vector<1x16xf32>,
          %get3A_799 = arith.constant 6 : i32
          %get3A_800 = arith.index_cast %scan3A_359 : i32 to index
          %get3A_801 = arith.index_cast %get3A_799 : i32 to index
          %get3A_802 = arith.constant 48 : index
          %get3A_803 = tpu.vector_load %arg11[%get3A_800, %get3A_801, %get3A_802] {strides = array<i32>} : memref<8x16x64xf32, #tpu.memory_space<vmem>>, vector<1x1x16xf32>,
          %get3A_804 = vector.shape_cast %get3A_803 : vector<1x1x16xf32> to vector<16xf32>
          %swap3A_805 = arith.index_cast %sub3A_498 : i32 to index
          %swap3A_806 = arith.constant 48 : index
          %swap3A_807 = tpu.vector_load %arg9[%swap3A_805, %swap3A_806] {strides = array<i32>} : memref<256x64xf32, #tpu.memory_space<vmem>>, vector<1x16xf32>,
          %swap3A_808 = vector.shape_cast %swap3A_807 : vector<1x16xf32> to vector<16xf32>
          %swap3A_809 = vector.shape_cast %get3A_804 : vector<16xf32> to vector<1x16xf32>
          tpu.vector_store %arg9[%swap3A_805, %swap3A_806], %swap3A_809 {strides = array<i32>} : memref<256x64xf32, #tpu.memory_space<vmem>>, vector<1x16xf32>,
        } else {
        }
        %sub3A_507 = arith.subi %squeeze3A_16, %mul3A_444 : i32
        %ge3A_508 = arith.constant 0 : i32
        %ge3A_509 = arith.cmpi sge, %sub3A_507, %ge3A_508 : i32
        %lt3A_510 = arith.constant 256 : i32
        %lt3A_511 = arith.cmpi slt, %sub3A_507, %lt3A_510 : i32
        %and3A_512 = arith.andi %ge3A_509, %lt3A_511 : i1
        %convert_element_type3A_513 = arith.extui %and3A_512 : i1 to i32
        %cond3A_514 = arith.constant 0 : i32
        %cond3A_515 = arith.cmpi ne, %convert_element_type3A_513, %cond3A_514 : i32
        scf.if %cond3A_515 {
          %get3A_767 = arith.constant 7 : i32
          %get3A_768 = arith.index_cast %scan3A_359 : i32 to index
          %get3A_769 = arith.index_cast %get3A_767 : i32 to index
          %get3A_770 = arith.constant 0 : index
          %get3A_771 = tpu.vector_load %arg11[%get3A_768, %get3A_769, %get3A_770] {strides = array<i32>} : memref<8x16x64xf32, #tpu.memory_space<vmem>>, vector<1x1x16xf32>,
          %get3A_772 = vector.shape_cast %get3A_771 : vector<1x1x16xf32> to vector<16xf32>
          %swap3A = arith.index_cast %sub3A_507 : i32 to index
          %swap3A_773 = arith.constant 0 : index
          %swap3A_774 = tpu.vector_load %arg9[%swap3A, %swap3A_773] {strides = array<i32>} : memref<256x64xf32, #tpu.memory_space<vmem>>, vector<1x16xf32>,
          %swap3A_775 = vector.shape_cast %swap3A_774 : vector<1x16xf32> to vector<16xf32>
          %swap3A_776 = vector.shape_cast %get3A_772 : vector<16xf32> to vector<1x16xf32>
          tpu.vector_store %arg9[%swap3A, %swap3A_773], %swap3A_776 {strides = array<i32>} : memref<256x64xf32, #tpu.memory_space<vmem>>, vector<1x16xf32>,
          %get3A_777 = arith.constant 7 : i32
          %get3A_778 = arith.index_cast %scan3A_359 : i32 to index
          %get3A_779 = arith.index_cast %get3A_777 : i32 to index
          %get3A_780 = arith.constant 16 : index
          %get3A_781 = tpu.vector_load %arg11[%get3A_778, %get3A_779, %get3A_780] {strides = array<i32>} : memref<8x16x64xf32, #tpu.memory_space<vmem>>, vector<1x1x16xf32>,
          %get3A_782 = vector.shape_cast %get3A_781 : vector<1x1x16xf32> to vector<16xf32>
          %swap3A_783 = arith.index_cast %sub3A_507 : i32 to index
          %swap3A_784 = arith.constant 16 : index
          %swap3A_785 = tpu.vector_load %arg9[%swap3A_783, %swap3A_784] {strides = array<i32>} : memref<256x64xf32, #tpu.memory_space<vmem>>, vector<1x16xf32>,
          %swap3A_786 = vector.shape_cast %swap3A_785 : vector<1x16xf32> to vector<16xf32>
          %swap3A_787 = vector.shape_cast %get3A_782 : vector<16xf32> to vector<1x16xf32>
          tpu.vector_store %arg9[%swap3A_783, %swap3A_784], %swap3A_787 {strides = array<i32>} : memref<256x64xf32, #tpu.memory_space<vmem>>, vector<1x16xf32>,
          %get3A_788 = arith.constant 7 : i32
          %get3A_789 = arith.index_cast %scan3A_359 : i32 to index
          %get3A_790 = arith.index_cast %get3A_788 : i32 to index
          %get3A_791 = arith.constant 32 : index
          %get3A_792 = tpu.vector_load %arg11[%get3A_789, %get3A_790, %get3A_791] {strides = array<i32>} : memref<8x16x64xf32, #tpu.memory_space<vmem>>, vector<1x1x16xf32>,
          %get3A_793 = vector.shape_cast %get3A_792 : vector<1x1x16xf32> to vector<16xf32>
          %swap3A_794 = arith.index_cast %sub3A_507 : i32 to index
          %swap3A_795 = arith.constant 32 : index
          %swap3A_796 = tpu.vector_load %arg9[%swap3A_794, %swap3A_795] {strides = array<i32>} : memref<256x64xf32, #tpu.memory_space<vmem>>, vector<1x16xf32>,
          %swap3A_797 = vector.shape_cast %swap3A_796 : vector<1x16xf32> to vector<16xf32>
          %swap3A_798 = vector.shape_cast %get3A_793 : vector<16xf32> to vector<1x16xf32>
          tpu.vector_store %arg9[%swap3A_794, %swap3A_795], %swap3A_798 {strides = array<i32>} : memref<256x64xf32, #tpu.memory_space<vmem>>, vector<1x16xf32>,
          %get3A_799 = arith.constant 7 : i32
          %get3A_800 = arith.index_cast %scan3A_359 : i32 to index
          %get3A_801 = arith.index_cast %get3A_799 : i32 to index
          %get3A_802 = arith.constant 48 : index
          %get3A_803 = tpu.vector_load %arg11[%get3A_800, %get3A_801, %get3A_802] {strides = array<i32>} : memref<8x16x64xf32, #tpu.memory_space<vmem>>, vector<1x1x16xf32>,
          %get3A_804 = vector.shape_cast %get3A_803 : vector<1x1x16xf32> to vector<16xf32>
          %swap3A_805 = arith.index_cast %sub3A_507 : i32 to index
          %swap3A_806 = arith.constant 48 : index
          %swap3A_807 = tpu.vector_load %arg9[%swap3A_805, %swap3A_806] {strides = array<i32>} : memref<256x64xf32, #tpu.memory_space<vmem>>, vector<1x16xf32>,
          %swap3A_808 = vector.shape_cast %swap3A_807 : vector<1x16xf32> to vector<16xf32>
          %swap3A_809 = vector.shape_cast %get3A_804 : vector<16xf32> to vector<1x16xf32>
          tpu.vector_store %arg9[%swap3A_805, %swap3A_806], %swap3A_809 {strides = array<i32>} : memref<256x64xf32, #tpu.memory_space<vmem>>, vector<1x16xf32>,
        } else {
        }
        %sub3A_516 = arith.subi %squeeze3A_18, %mul3A_444 : i32
        %ge3A_517 = arith.constant 0 : i32
        %ge3A_518 = arith.cmpi sge, %sub3A_516, %ge3A_517 : i32
        %lt3A_519 = arith.constant 256 : i32
        %lt3A_520 = arith.cmpi slt, %sub3A_516, %lt3A_519 : i32
        %and3A_521 = arith.andi %ge3A_518, %lt3A_520 : i1
        %convert_element_type3A_522 = arith.extui %and3A_521 : i1 to i32
        %cond3A_523 = arith.constant 0 : i32
        %cond3A_524 = arith.cmpi ne, %convert_element_type3A_522, %cond3A_523 : i32
        scf.if %cond3A_524 {
          %get3A_767 = arith.constant 8 : i32
          %get3A_768 = arith.index_cast %scan3A_359 : i32 to index
          %get3A_769 = arith.index_cast %get3A_767 : i32 to index
          %get3A_770 = arith.constant 0 : index
          %get3A_771 = tpu.vector_load %arg11[%get3A_768, %get3A_769, %get3A_770] {strides = array<i32>} : memref<8x16x64xf32, #tpu.memory_space<vmem>>, vector<1x1x16xf32>,
          %get3A_772 = vector.shape_cast %get3A_771 : vector<1x1x16xf32> to vector<16xf32>
          %swap3A = arith.index_cast %sub3A_516 : i32 to index
          %swap3A_773 = arith.constant 0 : index
          %swap3A_774 = tpu.vector_load %arg9[%swap3A, %swap3A_773] {strides = array<i32>} : memref<256x64xf32, #tpu.memory_space<vmem>>, vector<1x16xf32>,
          %swap3A_775 = vector.shape_cast %swap3A_774 : vector<1x16xf32> to vector<16xf32>
          %swap3A_776 = vector.shape_cast %get3A_772 : vector<16xf32> to vector<1x16xf32>
          tpu.vector_store %arg9[%swap3A, %swap3A_773], %swap3A_776 {strides = array<i32>} : memref<256x64xf32, #tpu.memory_space<vmem>>, vector<1x16xf32>,
          %get3A_777 = arith.constant 8 : i32
          %get3A_778 = arith.index_cast %scan3A_359 : i32 to index
          %get3A_779 = arith.index_cast %get3A_777 : i32 to index
          %get3A_780 = arith.constant 16 : index
          %get3A_781 = tpu.vector_load %arg11[%get3A_778, %get3A_779, %get3A_780] {strides = array<i32>} : memref<8x16x64xf32, #tpu.memory_space<vmem>>, vector<1x1x16xf32>,
          %get3A_782 = vector.shape_cast %get3A_781 : vector<1x1x16xf32> to vector<16xf32>
          %swap3A_783 = arith.index_cast %sub3A_516 : i32 to index
          %swap3A_784 = arith.constant 16 : index
          %swap3A_785 = tpu.vector_load %arg9[%swap3A_783, %swap3A_784] {strides = array<i32>} : memref<256x64xf32, #tpu.memory_space<vmem>>, vector<1x16xf32>,
          %swap3A_786 = vector.shape_cast %swap3A_785 : vector<1x16xf32> to vector<16xf32>
          %swap3A_787 = vector.shape_cast %get3A_782 : vector<16xf32> to vector<1x16xf32>
          tpu.vector_store %arg9[%swap3A_783, %swap3A_784], %swap3A_787 {strides = array<i32>} : memref<256x64xf32, #tpu.memory_space<vmem>>, vector<1x16xf32>,
          %get3A_788 = arith.constant 8 : i32
          %get3A_789 = arith.index_cast %scan3A_359 : i32 to index
          %get3A_790 = arith.index_cast %get3A_788 : i32 to index
          %get3A_791 = arith.constant 32 : index
          %get3A_792 = tpu.vector_load %arg11[%get3A_789, %get3A_790, %get3A_791] {strides = array<i32>} : memref<8x16x64xf32, #tpu.memory_space<vmem>>, vector<1x1x16xf32>,
          %get3A_793 = vector.shape_cast %get3A_792 : vector<1x1x16xf32> to vector<16xf32>
          %swap3A_794 = arith.index_cast %sub3A_516 : i32 to index
          %swap3A_795 = arith.constant 32 : index
          %swap3A_796 = tpu.vector_load %arg9[%swap3A_794, %swap3A_795] {strides = array<i32>} : memref<256x64xf32, #tpu.memory_space<vmem>>, vector<1x16xf32>,
          %swap3A_797 = vector.shape_cast %swap3A_796 : vector<1x16xf32> to vector<16xf32>
          %swap3A_798 = vector.shape_cast %get3A_793 : vector<16xf32> to vector<1x16xf32>
          tpu.vector_store %arg9[%swap3A_794, %swap3A_795], %swap3A_798 {strides = array<i32>} : memref<256x64xf32, #tpu.memory_space<vmem>>, vector<1x16xf32>,
          %get3A_799 = arith.constant 8 : i32
          %get3A_800 = arith.index_cast %scan3A_359 : i32 to index
          %get3A_801 = arith.index_cast %get3A_799 : i32 to index
          %get3A_802 = arith.constant 48 : index
          %get3A_803 = tpu.vector_load %arg11[%get3A_800, %get3A_801, %get3A_802] {strides = array<i32>} : memref<8x16x64xf32, #tpu.memory_space<vmem>>, vector<1x1x16xf32>,
          %get3A_804 = vector.shape_cast %get3A_803 : vector<1x1x16xf32> to vector<16xf32>
          %swap3A_805 = arith.index_cast %sub3A_516 : i32 to index
          %swap3A_806 = arith.constant 48 : index
          %swap3A_807 = tpu.vector_load %arg9[%swap3A_805, %swap3A_806] {strides = array<i32>} : memref<256x64xf32, #tpu.memory_space<vmem>>, vector<1x16xf32>,
          %swap3A_808 = vector.shape_cast %swap3A_807 : vector<1x16xf32> to vector<16xf32>
          %swap3A_809 = vector.shape_cast %get3A_804 : vector<16xf32> to vector<1x16xf32>
          tpu.vector_store %arg9[%swap3A_805, %swap3A_806], %swap3A_809 {strides = array<i32>} : memref<256x64xf32, #tpu.memory_space<vmem>>, vector<1x16xf32>,
        } else {
        }
        %sub3A_525 = arith.subi %squeeze3A_20, %mul3A_444 : i32
        %ge3A_526 = arith.constant 0 : i32
        %ge3A_527 = arith.cmpi sge, %sub3A_525, %ge3A_526 : i32
        %lt3A_528 = arith.constant 256 : i32
        %lt3A_529 = arith.cmpi slt, %sub3A_525, %lt3A_528 : i32
        %and3A_530 = arith.andi %ge3A_527, %lt3A_529 : i1
        %convert_element_type3A_531 = arith.extui %and3A_530 : i1 to i32
        %cond3A_532 = arith.constant 0 : i32
        %cond3A_533 = arith.cmpi ne, %convert_element_type3A_531, %cond3A_532 : i32
        scf.if %cond3A_533 {
          %get3A_767 = arith.constant 9 : i32
          %get3A_768 = arith.index_cast %scan3A_359 : i32 to index
          %get3A_769 = arith.index_cast %get3A_767 : i32 to index
          %get3A_770 = arith.constant 0 : index
          %get3A_771 = tpu.vector_load %arg11[%get3A_768, %get3A_769, %get3A_770] {strides = array<i32>} : memref<8x16x64xf32, #tpu.memory_space<vmem>>, vector<1x1x16xf32>,
          %get3A_772 = vector.shape_cast %get3A_771 : vector<1x1x16xf32> to vector<16xf32>
          %swap3A = arith.index_cast %sub3A_525 : i32 to index
          %swap3A_773 = arith.constant 0 : index
          %swap3A_774 = tpu.vector_load %arg9[%swap3A, %swap3A_773] {strides = array<i32>} : memref<256x64xf32, #tpu.memory_space<vmem>>, vector<1x16xf32>,
          %swap3A_775 = vector.shape_cast %swap3A_774 : vector<1x16xf32> to vector<16xf32>
          %swap3A_776 = vector.shape_cast %get3A_772 : vector<16xf32> to vector<1x16xf32>
          tpu.vector_store %arg9[%swap3A, %swap3A_773], %swap3A_776 {strides = array<i32>} : memref<256x64xf32, #tpu.memory_space<vmem>>, vector<1x16xf32>,
          %get3A_777 = arith.constant 9 : i32
          %get3A_778 = arith.index_cast %scan3A_359 : i32 to index
          %get3A_779 = arith.index_cast %get3A_777 : i32 to index
          %get3A_780 = arith.constant 16 : index
          %get3A_781 = tpu.vector_load %arg11[%get3A_778, %get3A_779, %get3A_780] {strides = array<i32>} : memref<8x16x64xf32, #tpu.memory_space<vmem>>, vector<1x1x16xf32>,
          %get3A_782 = vector.shape_cast %get3A_781 : vector<1x1x16xf32> to vector<16xf32>
          %swap3A_783 = arith.index_cast %sub3A_525 : i32 to index
          %swap3A_784 = arith.constant 16 : index
          %swap3A_785 = tpu.vector_load %arg9[%swap3A_783, %swap3A_784] {strides = array<i32>} : memref<256x64xf32, #tpu.memory_space<vmem>>, vector<1x16xf32>,
          %swap3A_786 = vector.shape_cast %swap3A_785 : vector<1x16xf32> to vector<16xf32>
          %swap3A_787 = vector.shape_cast %get3A_782 : vector<16xf32> to vector<1x16xf32>
          tpu.vector_store %arg9[%swap3A_783, %swap3A_784], %swap3A_787 {strides = array<i32>} : memref<256x64xf32, #tpu.memory_space<vmem>>, vector<1x16xf32>,
          %get3A_788 = arith.constant 9 : i32
          %get3A_789 = arith.index_cast %scan3A_359 : i32 to index
          %get3A_790 = arith.index_cast %get3A_788 : i32 to index
          %get3A_791 = arith.constant 32 : index
          %get3A_792 = tpu.vector_load %arg11[%get3A_789, %get3A_790, %get3A_791] {strides = array<i32>} : memref<8x16x64xf32, #tpu.memory_space<vmem>>, vector<1x1x16xf32>,
          %get3A_793 = vector.shape_cast %get3A_792 : vector<1x1x16xf32> to vector<16xf32>
          %swap3A_794 = arith.index_cast %sub3A_525 : i32 to index
          %swap3A_795 = arith.constant 32 : index
          %swap3A_796 = tpu.vector_load %arg9[%swap3A_794, %swap3A_795] {strides = array<i32>} : memref<256x64xf32, #tpu.memory_space<vmem>>, vector<1x16xf32>,
          %swap3A_797 = vector.shape_cast %swap3A_796 : vector<1x16xf32> to vector<16xf32>
          %swap3A_798 = vector.shape_cast %get3A_793 : vector<16xf32> to vector<1x16xf32>
          tpu.vector_store %arg9[%swap3A_794, %swap3A_795], %swap3A_798 {strides = array<i32>} : memref<256x64xf32, #tpu.memory_space<vmem>>, vector<1x16xf32>,
          %get3A_799 = arith.constant 9 : i32
          %get3A_800 = arith.index_cast %scan3A_359 : i32 to index
          %get3A_801 = arith.index_cast %get3A_799 : i32 to index
          %get3A_802 = arith.constant 48 : index
          %get3A_803 = tpu.vector_load %arg11[%get3A_800, %get3A_801, %get3A_802] {strides = array<i32>} : memref<8x16x64xf32, #tpu.memory_space<vmem>>, vector<1x1x16xf32>,
          %get3A_804 = vector.shape_cast %get3A_803 : vector<1x1x16xf32> to vector<16xf32>
          %swap3A_805 = arith.index_cast %sub3A_525 : i32 to index
          %swap3A_806 = arith.constant 48 : index
          %swap3A_807 = tpu.vector_load %arg9[%swap3A_805, %swap3A_806] {strides = array<i32>} : memref<256x64xf32, #tpu.memory_space<vmem>>, vector<1x16xf32>,
          %swap3A_808 = vector.shape_cast %swap3A_807 : vector<1x16xf32> to vector<16xf32>
          %swap3A_809 = vector.shape_cast %get3A_804 : vector<16xf32> to vector<1x16xf32>
          tpu.vector_store %arg9[%swap3A_805, %swap3A_806], %swap3A_809 {strides = array<i32>} : memref<256x64xf32, #tpu.memory_space<vmem>>, vector<1x16xf32>,
        } else {
        }
        %sub3A_534 = arith.subi %squeeze3A_22, %mul3A_444 : i32
        %ge3A_535 = arith.constant 0 : i32
        %ge3A_536 = arith.cmpi sge, %sub3A_534, %ge3A_535 : i32
        %lt3A_537 = arith.constant 256 : i32
        %lt3A_538 = arith.cmpi slt, %sub3A_534, %lt3A_537 : i32
        %and3A_539 = arith.andi %ge3A_536, %lt3A_538 : i1
        %convert_element_type3A_540 = arith.extui %and3A_539 : i1 to i32
        %cond3A_541 = arith.constant 0 : i32
        %cond3A_542 = arith.cmpi ne, %convert_element_type3A_540, %cond3A_541 : i32
        scf.if %cond3A_542 {
          %get3A_767 = arith.constant 10 : i32
          %get3A_768 = arith.index_cast %scan3A_359 : i32 to index
          %get3A_769 = arith.index_cast %get3A_767 : i32 to index
          %get3A_770 = arith.constant 0 : index
          %get3A_771 = tpu.vector_load %arg11[%get3A_768, %get3A_769, %get3A_770] {strides = array<i32>} : memref<8x16x64xf32, #tpu.memory_space<vmem>>, vector<1x1x16xf32>,
          %get3A_772 = vector.shape_cast %get3A_771 : vector<1x1x16xf32> to vector<16xf32>
          %swap3A = arith.index_cast %sub3A_534 : i32 to index
          %swap3A_773 = arith.constant 0 : index
          %swap3A_774 = tpu.vector_load %arg9[%swap3A, %swap3A_773] {strides = array<i32>} : memref<256x64xf32, #tpu.memory_space<vmem>>, vector<1x16xf32>,
          %swap3A_775 = vector.shape_cast %swap3A_774 : vector<1x16xf32> to vector<16xf32>
          %swap3A_776 = vector.shape_cast %get3A_772 : vector<16xf32> to vector<1x16xf32>
          tpu.vector_store %arg9[%swap3A, %swap3A_773], %swap3A_776 {strides = array<i32>} : memref<256x64xf32, #tpu.memory_space<vmem>>, vector<1x16xf32>,
          %get3A_777 = arith.constant 10 : i32
          %get3A_778 = arith.index_cast %scan3A_359 : i32 to index
          %get3A_779 = arith.index_cast %get3A_777 : i32 to index
          %get3A_780 = arith.constant 16 : index
          %get3A_781 = tpu.vector_load %arg11[%get3A_778, %get3A_779, %get3A_780] {strides = array<i32>} : memref<8x16x64xf32, #tpu.memory_space<vmem>>, vector<1x1x16xf32>,
          %get3A_782 = vector.shape_cast %get3A_781 : vector<1x1x16xf32> to vector<16xf32>
          %swap3A_783 = arith.index_cast %sub3A_534 : i32 to index
          %swap3A_784 = arith.constant 16 : index
          %swap3A_785 = tpu.vector_load %arg9[%swap3A_783, %swap3A_784] {strides = array<i32>} : memref<256x64xf32, #tpu.memory_space<vmem>>, vector<1x16xf32>,
          %swap3A_786 = vector.shape_cast %swap3A_785 : vector<1x16xf32> to vector<16xf32>
          %swap3A_787 = vector.shape_cast %get3A_782 : vector<16xf32> to vector<1x16xf32>
          tpu.vector_store %arg9[%swap3A_783, %swap3A_784], %swap3A_787 {strides = array<i32>} : memref<256x64xf32, #tpu.memory_space<vmem>>, vector<1x16xf32>,
          %get3A_788 = arith.constant 10 : i32
          %get3A_789 = arith.index_cast %scan3A_359 : i32 to index
          %get3A_790 = arith.index_cast %get3A_788 : i32 to index
          %get3A_791 = arith.constant 32 : index
          %get3A_792 = tpu.vector_load %arg11[%get3A_789, %get3A_790, %get3A_791] {strides = array<i32>} : memref<8x16x64xf32, #tpu.memory_space<vmem>>, vector<1x1x16xf32>,
          %get3A_793 = vector.shape_cast %get3A_792 : vector<1x1x16xf32> to vector<16xf32>
          %swap3A_794 = arith.index_cast %sub3A_534 : i32 to index
          %swap3A_795 = arith.constant 32 : index
          %swap3A_796 = tpu.vector_load %arg9[%swap3A_794, %swap3A_795] {strides = array<i32>} : memref<256x64xf32, #tpu.memory_space<vmem>>, vector<1x16xf32>,
          %swap3A_797 = vector.shape_cast %swap3A_796 : vector<1x16xf32> to vector<16xf32>
          %swap3A_798 = vector.shape_cast %get3A_793 : vector<16xf32> to vector<1x16xf32>
          tpu.vector_store %arg9[%swap3A_794, %swap3A_795], %swap3A_798 {strides = array<i32>} : memref<256x64xf32, #tpu.memory_space<vmem>>, vector<1x16xf32>,
          %get3A_799 = arith.constant 10 : i32
          %get3A_800 = arith.index_cast %scan3A_359 : i32 to index
          %get3A_801 = arith.index_cast %get3A_799 : i32 to index
          %get3A_802 = arith.constant 48 : index
          %get3A_803 = tpu.vector_load %arg11[%get3A_800, %get3A_801, %get3A_802] {strides = array<i32>} : memref<8x16x64xf32, #tpu.memory_space<vmem>>, vector<1x1x16xf32>,
          %get3A_804 = vector.shape_cast %get3A_803 : vector<1x1x16xf32> to vector<16xf32>
          %swap3A_805 = arith.index_cast %sub3A_534 : i32 to index
          %swap3A_806 = arith.constant 48 : index
          %swap3A_807 = tpu.vector_load %arg9[%swap3A_805, %swap3A_806] {strides = array<i32>} : memref<256x64xf32, #tpu.memory_space<vmem>>, vector<1x16xf32>,
          %swap3A_808 = vector.shape_cast %swap3A_807 : vector<1x16xf32> to vector<16xf32>
          %swap3A_809 = vector.shape_cast %get3A_804 : vector<16xf32> to vector<1x16xf32>
          tpu.vector_store %arg9[%swap3A_805, %swap3A_806], %swap3A_809 {strides = array<i32>} : memref<256x64xf32, #tpu.memory_space<vmem>>, vector<1x16xf32>,
        } else {
        }
        %sub3A_543 = arith.subi %squeeze3A_24, %mul3A_444 : i32
        %ge3A_544 = arith.constant 0 : i32
        %ge3A_545 = arith.cmpi sge, %sub3A_543, %ge3A_544 : i32
        %lt3A_546 = arith.constant 256 : i32
        %lt3A_547 = arith.cmpi slt, %sub3A_543, %lt3A_546 : i32
        %and3A_548 = arith.andi %ge3A_545, %lt3A_547 : i1
        %convert_element_type3A_549 = arith.extui %and3A_548 : i1 to i32
        %cond3A_550 = arith.constant 0 : i32
        %cond3A_551 = arith.cmpi ne, %convert_element_type3A_549, %cond3A_550 : i32
        scf.if %cond3A_551 {
          %get3A_767 = arith.constant 11 : i32
          %get3A_768 = arith.index_cast %scan3A_359 : i32 to index
          %get3A_769 = arith.index_cast %get3A_767 : i32 to index
          %get3A_770 = arith.constant 0 : index
          %get3A_771 = tpu.vector_load %arg11[%get3A_768, %get3A_769, %get3A_770] {strides = array<i32>} : memref<8x16x64xf32, #tpu.memory_space<vmem>>, vector<1x1x16xf32>,
          %get3A_772 = vector.shape_cast %get3A_771 : vector<1x1x16xf32> to vector<16xf32>
          %swap3A = arith.index_cast %sub3A_543 : i32 to index
          %swap3A_773 = arith.constant 0 : index
          %swap3A_774 = tpu.vector_load %arg9[%swap3A, %swap3A_773] {strides = array<i32>} : memref<256x64xf32, #tpu.memory_space<vmem>>, vector<1x16xf32>,
          %swap3A_775 = vector.shape_cast %swap3A_774 : vector<1x16xf32> to vector<16xf32>
          %swap3A_776 = vector.shape_cast %get3A_772 : vector<16xf32> to vector<1x16xf32>
          tpu.vector_store %arg9[%swap3A, %swap3A_773], %swap3A_776 {strides = array<i32>} : memref<256x64xf32, #tpu.memory_space<vmem>>, vector<1x16xf32>,
          %get3A_777 = arith.constant 11 : i32
          %get3A_778 = arith.index_cast %scan3A_359 : i32 to index
          %get3A_779 = arith.index_cast %get3A_777 : i32 to index
          %get3A_780 = arith.constant 16 : index
          %get3A_781 = tpu.vector_load %arg11[%get3A_778, %get3A_779, %get3A_780] {strides = array<i32>} : memref<8x16x64xf32, #tpu.memory_space<vmem>>, vector<1x1x16xf32>,
          %get3A_782 = vector.shape_cast %get3A_781 : vector<1x1x16xf32> to vector<16xf32>
          %swap3A_783 = arith.index_cast %sub3A_543 : i32 to index
          %swap3A_784 = arith.constant 16 : index
          %swap3A_785 = tpu.vector_load %arg9[%swap3A_783, %swap3A_784] {strides = array<i32>} : memref<256x64xf32, #tpu.memory_space<vmem>>, vector<1x16xf32>,
          %swap3A_786 = vector.shape_cast %swap3A_785 : vector<1x16xf32> to vector<16xf32>
          %swap3A_787 = vector.shape_cast %get3A_782 : vector<16xf32> to vector<1x16xf32>
          tpu.vector_store %arg9[%swap3A_783, %swap3A_784], %swap3A_787 {strides = array<i32>} : memref<256x64xf32, #tpu.memory_space<vmem>>, vector<1x16xf32>,
          %get3A_788 = arith.constant 11 : i32
          %get3A_789 = arith.index_cast %scan3A_359 : i32 to index
          %get3A_790 = arith.index_cast %get3A_788 : i32 to index
          %get3A_791 = arith.constant 32 : index
          %get3A_792 = tpu.vector_load %arg11[%get3A_789, %get3A_790, %get3A_791] {strides = array<i32>} : memref<8x16x64xf32, #tpu.memory_space<vmem>>, vector<1x1x16xf32>,
          %get3A_793 = vector.shape_cast %get3A_792 : vector<1x1x16xf32> to vector<16xf32>
          %swap3A_794 = arith.index_cast %sub3A_543 : i32 to index
          %swap3A_795 = arith.constant 32 : index
          %swap3A_796 = tpu.vector_load %arg9[%swap3A_794, %swap3A_795] {strides = array<i32>} : memref<256x64xf32, #tpu.memory_space<vmem>>, vector<1x16xf32>,
          %swap3A_797 = vector.shape_cast %swap3A_796 : vector<1x16xf32> to vector<16xf32>
          %swap3A_798 = vector.shape_cast %get3A_793 : vector<16xf32> to vector<1x16xf32>
          tpu.vector_store %arg9[%swap3A_794, %swap3A_795], %swap3A_798 {strides = array<i32>} : memref<256x64xf32, #tpu.memory_space<vmem>>, vector<1x16xf32>,
          %get3A_799 = arith.constant 11 : i32
          %get3A_800 = arith.index_cast %scan3A_359 : i32 to index
          %get3A_801 = arith.index_cast %get3A_799 : i32 to index
          %get3A_802 = arith.constant 48 : index
          %get3A_803 = tpu.vector_load %arg11[%get3A_800, %get3A_801, %get3A_802] {strides = array<i32>} : memref<8x16x64xf32, #tpu.memory_space<vmem>>, vector<1x1x16xf32>,
          %get3A_804 = vector.shape_cast %get3A_803 : vector<1x1x16xf32> to vector<16xf32>
          %swap3A_805 = arith.index_cast %sub3A_543 : i32 to index
          %swap3A_806 = arith.constant 48 : index
          %swap3A_807 = tpu.vector_load %arg9[%swap3A_805, %swap3A_806] {strides = array<i32>} : memref<256x64xf32, #tpu.memory_space<vmem>>, vector<1x16xf32>,
          %swap3A_808 = vector.shape_cast %swap3A_807 : vector<1x16xf32> to vector<16xf32>
          %swap3A_809 = vector.shape_cast %get3A_804 : vector<16xf32> to vector<1x16xf32>
          tpu.vector_store %arg9[%swap3A_805, %swap3A_806], %swap3A_809 {strides = array<i32>} : memref<256x64xf32, #tpu.memory_space<vmem>>, vector<1x16xf32>,
        } else {
        }
        %sub3A_552 = arith.subi %squeeze3A_26, %mul3A_444 : i32
        %ge3A_553 = arith.constant 0 : i32
        %ge3A_554 = arith.cmpi sge, %sub3A_552, %ge3A_553 : i32
        %lt3A_555 = arith.constant 256 : i32
        %lt3A_556 = arith.cmpi slt, %sub3A_552, %lt3A_555 : i32
        %and3A_557 = arith.andi %ge3A_554, %lt3A_556 : i1
        %convert_element_type3A_558 = arith.extui %and3A_557 : i1 to i32
        %cond3A_559 = arith.constant 0 : i32
        %cond3A_560 = arith.cmpi ne, %convert_element_type3A_558, %cond3A_559 : i32
        scf.if %cond3A_560 {
          %get3A_767 = arith.constant 12 : i32
          %get3A_768 = arith.index_cast %scan3A_359 : i32 to index
          %get3A_769 = arith.index_cast %get3A_767 : i32 to index
          %get3A_770 = arith.constant 0 : index
          %get3A_771 = tpu.vector_load %arg11[%get3A_768, %get3A_769, %get3A_770] {strides = array<i32>} : memref<8x16x64xf32, #tpu.memory_space<vmem>>, vector<1x1x16xf32>,
          %get3A_772 = vector.shape_cast %get3A_771 : vector<1x1x16xf32> to vector<16xf32>
          %swap3A = arith.index_cast %sub3A_552 : i32 to index
          %swap3A_773 = arith.constant 0 : index
          %swap3A_774 = tpu.vector_load %arg9[%swap3A, %swap3A_773] {strides = array<i32>} : memref<256x64xf32, #tpu.memory_space<vmem>>, vector<1x16xf32>,
          %swap3A_775 = vector.shape_cast %swap3A_774 : vector<1x16xf32> to vector<16xf32>
          %swap3A_776 = vector.shape_cast %get3A_772 : vector<16xf32> to vector<1x16xf32>
          tpu.vector_store %arg9[%swap3A, %swap3A_773], %swap3A_776 {strides = array<i32>} : memref<256x64xf32, #tpu.memory_space<vmem>>, vector<1x16xf32>,
          %get3A_777 = arith.constant 12 : i32
          %get3A_778 = arith.index_cast %scan3A_359 : i32 to index
          %get3A_779 = arith.index_cast %get3A_777 : i32 to index
          %get3A_780 = arith.constant 16 : index
          %get3A_781 = tpu.vector_load %arg11[%get3A_778, %get3A_779, %get3A_780] {strides = array<i32>} : memref<8x16x64xf32, #tpu.memory_space<vmem>>, vector<1x1x16xf32>,
          %get3A_782 = vector.shape_cast %get3A_781 : vector<1x1x16xf32> to vector<16xf32>
          %swap3A_783 = arith.index_cast %sub3A_552 : i32 to index
          %swap3A_784 = arith.constant 16 : index
          %swap3A_785 = tpu.vector_load %arg9[%swap3A_783, %swap3A_784] {strides = array<i32>} : memref<256x64xf32, #tpu.memory_space<vmem>>, vector<1x16xf32>,
          %swap3A_786 = vector.shape_cast %swap3A_785 : vector<1x16xf32> to vector<16xf32>
          %swap3A_787 = vector.shape_cast %get3A_782 : vector<16xf32> to vector<1x16xf32>
          tpu.vector_store %arg9[%swap3A_783, %swap3A_784], %swap3A_787 {strides = array<i32>} : memref<256x64xf32, #tpu.memory_space<vmem>>, vector<1x16xf32>,
          %get3A_788 = arith.constant 12 : i32
          %get3A_789 = arith.index_cast %scan3A_359 : i32 to index
          %get3A_790 = arith.index_cast %get3A_788 : i32 to index
          %get3A_791 = arith.constant 32 : index
          %get3A_792 = tpu.vector_load %arg11[%get3A_789, %get3A_790, %get3A_791] {strides = array<i32>} : memref<8x16x64xf32, #tpu.memory_space<vmem>>, vector<1x1x16xf32>,
          %get3A_793 = vector.shape_cast %get3A_792 : vector<1x1x16xf32> to vector<16xf32>
          %swap3A_794 = arith.index_cast %sub3A_552 : i32 to index
          %swap3A_795 = arith.constant 32 : index
          %swap3A_796 = tpu.vector_load %arg9[%swap3A_794, %swap3A_795] {strides = array<i32>} : memref<256x64xf32, #tpu.memory_space<vmem>>, vector<1x16xf32>,
          %swap3A_797 = vector.shape_cast %swap3A_796 : vector<1x16xf32> to vector<16xf32>
          %swap3A_798 = vector.shape_cast %get3A_793 : vector<16xf32> to vector<1x16xf32>
          tpu.vector_store %arg9[%swap3A_794, %swap3A_795], %swap3A_798 {strides = array<i32>} : memref<256x64xf32, #tpu.memory_space<vmem>>, vector<1x16xf32>,
          %get3A_799 = arith.constant 12 : i32
          %get3A_800 = arith.index_cast %scan3A_359 : i32 to index
          %get3A_801 = arith.index_cast %get3A_799 : i32 to index
          %get3A_802 = arith.constant 48 : index
          %get3A_803 = tpu.vector_load %arg11[%get3A_800, %get3A_801, %get3A_802] {strides = array<i32>} : memref<8x16x64xf32, #tpu.memory_space<vmem>>, vector<1x1x16xf32>,
          %get3A_804 = vector.shape_cast %get3A_803 : vector<1x1x16xf32> to vector<16xf32>
          %swap3A_805 = arith.index_cast %sub3A_552 : i32 to index
          %swap3A_806 = arith.constant 48 : index
          %swap3A_807 = tpu.vector_load %arg9[%swap3A_805, %swap3A_806] {strides = array<i32>} : memref<256x64xf32, #tpu.memory_space<vmem>>, vector<1x16xf32>,
          %swap3A_808 = vector.shape_cast %swap3A_807 : vector<1x16xf32> to vector<16xf32>
          %swap3A_809 = vector.shape_cast %get3A_804 : vector<16xf32> to vector<1x16xf32>
          tpu.vector_store %arg9[%swap3A_805, %swap3A_806], %swap3A_809 {strides = array<i32>} : memref<256x64xf32, #tpu.memory_space<vmem>>, vector<1x16xf32>,
        } else {
        }
        %sub3A_561 = arith.subi %squeeze3A_28, %mul3A_444 : i32
        %ge3A_562 = arith.constant 0 : i32
        %ge3A_563 = arith.cmpi sge, %sub3A_561, %ge3A_562 : i32
        %lt3A_564 = arith.constant 256 : i32
        %lt3A_565 = arith.cmpi slt, %sub3A_561, %lt3A_564 : i32
        %and3A_566 = arith.andi %ge3A_563, %lt3A_565 : i1
        %convert_element_type3A_567 = arith.extui %and3A_566 : i1 to i32
        %cond3A_568 = arith.constant 0 : i32
        %cond3A_569 = arith.cmpi ne, %convert_element_type3A_567, %cond3A_568 : i32
        scf.if %cond3A_569 {
          %get3A_767 = arith.constant 13 : i32
          %get3A_768 = arith.index_cast %scan3A_359 : i32 to index
          %get3A_769 = arith.index_cast %get3A_767 : i32 to index
          %get3A_770 = arith.constant 0 : index
          %get3A_771 = tpu.vector_load %arg11[%get3A_768, %get3A_769, %get3A_770] {strides = array<i32>} : memref<8x16x64xf32, #tpu.memory_space<vmem>>, vector<1x1x16xf32>,
          %get3A_772 = vector.shape_cast %get3A_771 : vector<1x1x16xf32> to vector<16xf32>
          %swap3A = arith.index_cast %sub3A_561 : i32 to index
          %swap3A_773 = arith.constant 0 : index
          %swap3A_774 = tpu.vector_load %arg9[%swap3A, %swap3A_773] {strides = array<i32>} : memref<256x64xf32, #tpu.memory_space<vmem>>, vector<1x16xf32>,
          %swap3A_775 = vector.shape_cast %swap3A_774 : vector<1x16xf32> to vector<16xf32>
          %swap3A_776 = vector.shape_cast %get3A_772 : vector<16xf32> to vector<1x16xf32>
          tpu.vector_store %arg9[%swap3A, %swap3A_773], %swap3A_776 {strides = array<i32>} : memref<256x64xf32, #tpu.memory_space<vmem>>, vector<1x16xf32>,
          %get3A_777 = arith.constant 13 : i32
          %get3A_778 = arith.index_cast %scan3A_359 : i32 to index
          %get3A_779 = arith.index_cast %get3A_777 : i32 to index
          %get3A_780 = arith.constant 16 : index
          %get3A_781 = tpu.vector_load %arg11[%get3A_778, %get3A_779, %get3A_780] {strides = array<i32>} : memref<8x16x64xf32, #tpu.memory_space<vmem>>, vector<1x1x16xf32>,
          %get3A_782 = vector.shape_cast %get3A_781 : vector<1x1x16xf32> to vector<16xf32>
          %swap3A_783 = arith.index_cast %sub3A_561 : i32 to index
          %swap3A_784 = arith.constant 16 : index
          %swap3A_785 = tpu.vector_load %arg9[%swap3A_783, %swap3A_784] {strides = array<i32>} : memref<256x64xf32, #tpu.memory_space<vmem>>, vector<1x16xf32>,
          %swap3A_786 = vector.shape_cast %swap3A_785 : vector<1x16xf32> to vector<16xf32>
          %swap3A_787 = vector.shape_cast %get3A_782 : vector<16xf32> to vector<1x16xf32>
          tpu.vector_store %arg9[%swap3A_783, %swap3A_784], %swap3A_787 {strides = array<i32>} : memref<256x64xf32, #tpu.memory_space<vmem>>, vector<1x16xf32>,
          %get3A_788 = arith.constant 13 : i32
          %get3A_789 = arith.index_cast %scan3A_359 : i32 to index
          %get3A_790 = arith.index_cast %get3A_788 : i32 to index
          %get3A_791 = arith.constant 32 : index
          %get3A_792 = tpu.vector_load %arg11[%get3A_789, %get3A_790, %get3A_791] {strides = array<i32>} : memref<8x16x64xf32, #tpu.memory_space<vmem>>, vector<1x1x16xf32>,
          %get3A_793 = vector.shape_cast %get3A_792 : vector<1x1x16xf32> to vector<16xf32>
          %swap3A_794 = arith.index_cast %sub3A_561 : i32 to index
          %swap3A_795 = arith.constant 32 : index
          %swap3A_796 = tpu.vector_load %arg9[%swap3A_794, %swap3A_795] {strides = array<i32>} : memref<256x64xf32, #tpu.memory_space<vmem>>, vector<1x16xf32>,
          %swap3A_797 = vector.shape_cast %swap3A_796 : vector<1x16xf32> to vector<16xf32>
          %swap3A_798 = vector.shape_cast %get3A_793 : vector<16xf32> to vector<1x16xf32>
          tpu.vector_store %arg9[%swap3A_794, %swap3A_795], %swap3A_798 {strides = array<i32>} : memref<256x64xf32, #tpu.memory_space<vmem>>, vector<1x16xf32>,
          %get3A_799 = arith.constant 13 : i32
          %get3A_800 = arith.index_cast %scan3A_359 : i32 to index
          %get3A_801 = arith.index_cast %get3A_799 : i32 to index
          %get3A_802 = arith.constant 48 : index
          %get3A_803 = tpu.vector_load %arg11[%get3A_800, %get3A_801, %get3A_802] {strides = array<i32>} : memref<8x16x64xf32, #tpu.memory_space<vmem>>, vector<1x1x16xf32>,
          %get3A_804 = vector.shape_cast %get3A_803 : vector<1x1x16xf32> to vector<16xf32>
          %swap3A_805 = arith.index_cast %sub3A_561 : i32 to index
          %swap3A_806 = arith.constant 48 : index
          %swap3A_807 = tpu.vector_load %arg9[%swap3A_805, %swap3A_806] {strides = array<i32>} : memref<256x64xf32, #tpu.memory_space<vmem>>, vector<1x16xf32>,
          %swap3A_808 = vector.shape_cast %swap3A_807 : vector<1x16xf32> to vector<16xf32>
          %swap3A_809 = vector.shape_cast %get3A_804 : vector<16xf32> to vector<1x16xf32>
          tpu.vector_store %arg9[%swap3A_805, %swap3A_806], %swap3A_809 {strides = array<i32>} : memref<256x64xf32, #tpu.memory_space<vmem>>, vector<1x16xf32>,
        } else {
        }
        %sub3A_570 = arith.subi %squeeze3A_30, %mul3A_444 : i32
        %ge3A_571 = arith.constant 0 : i32
        %ge3A_572 = arith.cmpi sge, %sub3A_570, %ge3A_571 : i32
        %lt3A_573 = arith.constant 256 : i32
        %lt3A_574 = arith.cmpi slt, %sub3A_570, %lt3A_573 : i32
        %and3A_575 = arith.andi %ge3A_572, %lt3A_574 : i1
        %convert_element_type3A_576 = arith.extui %and3A_575 : i1 to i32
        %cond3A_577 = arith.constant 0 : i32
        %cond3A_578 = arith.cmpi ne, %convert_element_type3A_576, %cond3A_577 : i32
        scf.if %cond3A_578 {
          %get3A_767 = arith.constant 14 : i32
          %get3A_768 = arith.index_cast %scan3A_359 : i32 to index
          %get3A_769 = arith.index_cast %get3A_767 : i32 to index
          %get3A_770 = arith.constant 0 : index
          %get3A_771 = tpu.vector_load %arg11[%get3A_768, %get3A_769, %get3A_770] {strides = array<i32>} : memref<8x16x64xf32, #tpu.memory_space<vmem>>, vector<1x1x16xf32>,
          %get3A_772 = vector.shape_cast %get3A_771 : vector<1x1x16xf32> to vector<16xf32>
          %swap3A = arith.index_cast %sub3A_570 : i32 to index
          %swap3A_773 = arith.constant 0 : index
          %swap3A_774 = tpu.vector_load %arg9[%swap3A, %swap3A_773] {strides = array<i32>} : memref<256x64xf32, #tpu.memory_space<vmem>>, vector<1x16xf32>,
          %swap3A_775 = vector.shape_cast %swap3A_774 : vector<1x16xf32> to vector<16xf32>
          %swap3A_776 = vector.shape_cast %get3A_772 : vector<16xf32> to vector<1x16xf32>
          tpu.vector_store %arg9[%swap3A, %swap3A_773], %swap3A_776 {strides = array<i32>} : memref<256x64xf32, #tpu.memory_space<vmem>>, vector<1x16xf32>,
          %get3A_777 = arith.constant 14 : i32
          %get3A_778 = arith.index_cast %scan3A_359 : i32 to index
          %get3A_779 = arith.index_cast %get3A_777 : i32 to index
          %get3A_780 = arith.constant 16 : index
          %get3A_781 = tpu.vector_load %arg11[%get3A_778, %get3A_779, %get3A_780] {strides = array<i32>} : memref<8x16x64xf32, #tpu.memory_space<vmem>>, vector<1x1x16xf32>,
          %get3A_782 = vector.shape_cast %get3A_781 : vector<1x1x16xf32> to vector<16xf32>
          %swap3A_783 = arith.index_cast %sub3A_570 : i32 to index
          %swap3A_784 = arith.constant 16 : index
          %swap3A_785 = tpu.vector_load %arg9[%swap3A_783, %swap3A_784] {strides = array<i32>} : memref<256x64xf32, #tpu.memory_space<vmem>>, vector<1x16xf32>,
          %swap3A_786 = vector.shape_cast %swap3A_785 : vector<1x16xf32> to vector<16xf32>
          %swap3A_787 = vector.shape_cast %get3A_782 : vector<16xf32> to vector<1x16xf32>
          tpu.vector_store %arg9[%swap3A_783, %swap3A_784], %swap3A_787 {strides = array<i32>} : memref<256x64xf32, #tpu.memory_space<vmem>>, vector<1x16xf32>,
          %get3A_788 = arith.constant 14 : i32
          %get3A_789 = arith.index_cast %scan3A_359 : i32 to index
          %get3A_790 = arith.index_cast %get3A_788 : i32 to index
          %get3A_791 = arith.constant 32 : index
          %get3A_792 = tpu.vector_load %arg11[%get3A_789, %get3A_790, %get3A_791] {strides = array<i32>} : memref<8x16x64xf32, #tpu.memory_space<vmem>>, vector<1x1x16xf32>,
          %get3A_793 = vector.shape_cast %get3A_792 : vector<1x1x16xf32> to vector<16xf32>
          %swap3A_794 = arith.index_cast %sub3A_570 : i32 to index
          %swap3A_795 = arith.constant 32 : index
          %swap3A_796 = tpu.vector_load %arg9[%swap3A_794, %swap3A_795] {strides = array<i32>} : memref<256x64xf32, #tpu.memory_space<vmem>>, vector<1x16xf32>,
          %swap3A_797 = vector.shape_cast %swap3A_796 : vector<1x16xf32> to vector<16xf32>
          %swap3A_798 = vector.shape_cast %get3A_793 : vector<16xf32> to vector<1x16xf32>
          tpu.vector_store %arg9[%swap3A_794, %swap3A_795], %swap3A_798 {strides = array<i32>} : memref<256x64xf32, #tpu.memory_space<vmem>>, vector<1x16xf32>,
          %get3A_799 = arith.constant 14 : i32
          %get3A_800 = arith.index_cast %scan3A_359 : i32 to index
          %get3A_801 = arith.index_cast %get3A_799 : i32 to index
          %get3A_802 = arith.constant 48 : index
          %get3A_803 = tpu.vector_load %arg11[%get3A_800, %get3A_801, %get3A_802] {strides = array<i32>} : memref<8x16x64xf32, #tpu.memory_space<vmem>>, vector<1x1x16xf32>,
          %get3A_804 = vector.shape_cast %get3A_803 : vector<1x1x16xf32> to vector<16xf32>
          %swap3A_805 = arith.index_cast %sub3A_570 : i32 to index
          %swap3A_806 = arith.constant 48 : index
          %swap3A_807 = tpu.vector_load %arg9[%swap3A_805, %swap3A_806] {strides = array<i32>} : memref<256x64xf32, #tpu.memory_space<vmem>>, vector<1x16xf32>,
          %swap3A_808 = vector.shape_cast %swap3A_807 : vector<1x16xf32> to vector<16xf32>
          %swap3A_809 = vector.shape_cast %get3A_804 : vector<16xf32> to vector<1x16xf32>
          tpu.vector_store %arg9[%swap3A_805, %swap3A_806], %swap3A_809 {strides = array<i32>} : memref<256x64xf32, #tpu.memory_space<vmem>>, vector<1x16xf32>,
        } else {
        }
        %sub3A_579 = arith.subi %squeeze3A_32, %mul3A_444 : i32
        %ge3A_580 = arith.constant 0 : i32
        %ge3A_581 = arith.cmpi sge, %sub3A_579, %ge3A_580 : i32
        %lt3A_582 = arith.constant 256 : i32
        %lt3A_583 = arith.cmpi slt, %sub3A_579, %lt3A_582 : i32
        %and3A_584 = arith.andi %ge3A_581, %lt3A_583 : i1
        %convert_element_type3A_585 = arith.extui %and3A_584 : i1 to i32
        %cond3A_586 = arith.constant 0 : i32
        %cond3A_587 = arith.cmpi ne, %convert_element_type3A_585, %cond3A_586 : i32
        scf.if %cond3A_587 {
          %get3A_767 = arith.constant 15 : i32
          %get3A_768 = arith.index_cast %scan3A_359 : i32 to index
          %get3A_769 = arith.index_cast %get3A_767 : i32 to index
          %get3A_770 = arith.constant 0 : index
          %get3A_771 = tpu.vector_load %arg11[%get3A_768, %get3A_769, %get3A_770] {strides = array<i32>} : memref<8x16x64xf32, #tpu.memory_space<vmem>>, vector<1x1x16xf32>,
          %get3A_772 = vector.shape_cast %get3A_771 : vector<1x1x16xf32> to vector<16xf32>
          %swap3A = arith.index_cast %sub3A_579 : i32 to index
          %swap3A_773 = arith.constant 0 : index
          %swap3A_774 = tpu.vector_load %arg9[%swap3A, %swap3A_773] {strides = array<i32>} : memref<256x64xf32, #tpu.memory_space<vmem>>, vector<1x16xf32>,
          %swap3A_775 = vector.shape_cast %swap3A_774 : vector<1x16xf32> to vector<16xf32>
          %swap3A_776 = vector.shape_cast %get3A_772 : vector<16xf32> to vector<1x16xf32>
          tpu.vector_store %arg9[%swap3A, %swap3A_773], %swap3A_776 {strides = array<i32>} : memref<256x64xf32, #tpu.memory_space<vmem>>, vector<1x16xf32>,
          %get3A_777 = arith.constant 15 : i32
          %get3A_778 = arith.index_cast %scan3A_359 : i32 to index
          %get3A_779 = arith.index_cast %get3A_777 : i32 to index
          %get3A_780 = arith.constant 16 : index
          %get3A_781 = tpu.vector_load %arg11[%get3A_778, %get3A_779, %get3A_780] {strides = array<i32>} : memref<8x16x64xf32, #tpu.memory_space<vmem>>, vector<1x1x16xf32>,
          %get3A_782 = vector.shape_cast %get3A_781 : vector<1x1x16xf32> to vector<16xf32>
          %swap3A_783 = arith.index_cast %sub3A_579 : i32 to index
          %swap3A_784 = arith.constant 16 : index
          %swap3A_785 = tpu.vector_load %arg9[%swap3A_783, %swap3A_784] {strides = array<i32>} : memref<256x64xf32, #tpu.memory_space<vmem>>, vector<1x16xf32>,
          %swap3A_786 = vector.shape_cast %swap3A_785 : vector<1x16xf32> to vector<16xf32>
          %swap3A_787 = vector.shape_cast %get3A_782 : vector<16xf32> to vector<1x16xf32>
          tpu.vector_store %arg9[%swap3A_783, %swap3A_784], %swap3A_787 {strides = array<i32>} : memref<256x64xf32, #tpu.memory_space<vmem>>, vector<1x16xf32>,
          %get3A_788 = arith.constant 15 : i32
          %get3A_789 = arith.index_cast %scan3A_359 : i32 to index
          %get3A_790 = arith.index_cast %get3A_788 : i32 to index
          %get3A_791 = arith.constant 32 : index
          %get3A_792 = tpu.vector_load %arg11[%get3A_789, %get3A_790, %get3A_791] {strides = array<i32>} : memref<8x16x64xf32, #tpu.memory_space<vmem>>, vector<1x1x16xf32>,
          %get3A_793 = vector.shape_cast %get3A_792 : vector<1x1x16xf32> to vector<16xf32>
          %swap3A_794 = arith.index_cast %sub3A_579 : i32 to index
          %swap3A_795 = arith.constant 32 : index
          %swap3A_796 = tpu.vector_load %arg9[%swap3A_794, %swap3A_795] {strides = array<i32>} : memref<256x64xf32, #tpu.memory_space<vmem>>, vector<1x16xf32>,
          %swap3A_797 = vector.shape_cast %swap3A_796 : vector<1x16xf32> to vector<16xf32>
          %swap3A_798 = vector.shape_cast %get3A_793 : vector<16xf32> to vector<1x16xf32>
          tpu.vector_store %arg9[%swap3A_794, %swap3A_795], %swap3A_798 {strides = array<i32>} : memref<256x64xf32, #tpu.memory_space<vmem>>, vector<1x16xf32>,
          %get3A_799 = arith.constant 15 : i32
          %get3A_800 = arith.index_cast %scan3A_359 : i32 to index
          %get3A_801 = arith.index_cast %get3A_799 : i32 to index
          %get3A_802 = arith.constant 48 : index
          %get3A_803 = tpu.vector_load %arg11[%get3A_800, %get3A_801, %get3A_802] {strides = array<i32>} : memref<8x16x64xf32, #tpu.memory_space<vmem>>, vector<1x1x16xf32>,
          %get3A_804 = vector.shape_cast %get3A_803 : vector<1x1x16xf32> to vector<16xf32>
          %swap3A_805 = arith.index_cast %sub3A_579 : i32 to index
          %swap3A_806 = arith.constant 48 : index
          %swap3A_807 = tpu.vector_load %arg9[%swap3A_805, %swap3A_806] {strides = array<i32>} : memref<256x64xf32, #tpu.memory_space<vmem>>, vector<1x16xf32>,
          %swap3A_808 = vector.shape_cast %swap3A_807 : vector<1x16xf32> to vector<16xf32>
          %swap3A_809 = vector.shape_cast %get3A_804 : vector<16xf32> to vector<1x16xf32>
          tpu.vector_store %arg9[%swap3A_805, %swap3A_806], %swap3A_809 {strides = array<i32>} : memref<256x64xf32, #tpu.memory_space<vmem>>, vector<1x16xf32>,
        } else {
        }
        %mul3A_588 = arith.constant 256 : i32
        %mul3A_589 = arith.muli %mul3A_422, %mul3A_588 : i32
        %add3A_590 = arith.addi %mul3A_394, %mul3A_589 : i32
        %dma_start3A_591 = arith.constant 0 : i32
        %dma_start3A_592 = tpu.memref_slice %arg8[%add3A_590, %dma_start3A_591] : memref<1048576x64xf32, #tpu.memory_space<hbm>> -> memref<256x64xf32, #tpu.memory_space<hbm>>
        %dma_start3A_593 = arith.constant 0 : i32
        %dma_start3A_594 = tpu.memref_slice %arg8[%add3A_590, %dma_start3A_593] : memref<1048576x64xf32, #tpu.memory_space<hbm>> -> memref<256x64xf32, #tpu.memory_space<hbm>>
        tpu.enqueue_dma source(%arg9 : memref<256x64xf32, #tpu.memory_space<vmem>>) target(%dma_start3A_594 : memref<256x64xf32, #tpu.memory_space<hbm>>) target_semaphore(%arg15 : memref<!tpu.dma_semaphore, #tpu.memory_space<semaphore_mem>>)
        %add3A_595 = arith.constant 1 : i32
        %add3A_596 = arith.addi %mul3A_422, %add3A_595 : i32
        %mul3A_597 = arith.constant 256 : i32
        %mul3A_598 = arith.muli %add3A_596, %mul3A_597 : i32
        %dma_wait3A_599 = arith.constant 0 : i32
        %dma_wait3A_600 = tpu.memref_slice %arg3[%select_n3A, %mul3A_598, %select_n3A_392, %dma_wait3A_599] : memref<16x4096x16x64xf32, #tpu.memory_space<hbm>> -> memref<1x256x1x64xf32, #tpu.memory_space<hbm>>
        %dma_wait3A_601 = tpu.memref_squeeze %dma_wait3A_600 : memref<1x256x1x64xf32, #tpu.memory_space<hbm>> -> memref<256x64xf32, #tpu.memory_space<hbm>>
        %dma_wait3A_602 = arith.constant 0 : i32
        %dma_wait3A_603 = tpu.memref_slice %arg3[%select_n3A, %mul3A_598, %select_n3A_392, %dma_wait3A_602] : memref<16x4096x16x64xf32, #tpu.memory_space<hbm>> -> memref<1x256x1x64xf32, #tpu.memory_space<hbm>>
        %dma_wait3A_604 = tpu.memref_squeeze %dma_wait3A_603 : memref<1x256x1x64xf32, #tpu.memory_space<hbm>> -> memref<256x64xf32, #tpu.memory_space<hbm>>
        tpu.wait_dma2 semaphore(%arg14 : memref<!tpu.dma_semaphore, #tpu.memory_space<semaphore_mem>>) src(%dma_wait3A_604 : memref<256x64xf32, #tpu.memory_space<hbm>>) dst(%arg10 : memref<256x64xf32, #tpu.memory_space<vmem>>)
        %add3A_605 = arith.constant 1 : i32
        %add3A_606 = arith.addi %mul3A_422, %add3A_605 : i32
        %mul3A_607 = arith.constant 256 : i32
        %mul3A_608 = arith.muli %add3A_606, %mul3A_607 : i32
        %sub3A_609 = arith.subi %squeeze3A, %mul3A_608 : i32
        %ge3A_610 = arith.constant 0 : i32
        %ge3A_611 = arith.cmpi sge, %sub3A_609, %ge3A_610 : i32
        %lt3A_612 = arith.constant 256 : i32
        %lt3A_613 = arith.cmpi slt, %sub3A_609, %lt3A_612 : i32
        %and3A_614 = arith.andi %ge3A_611, %lt3A_613 : i1
        %convert_element_type3A_615 = arith.extui %and3A_614 : i1 to i32
        %cond3A_616 = arith.constant 0 : i32
        %cond3A_617 = arith.cmpi ne, %convert_element_type3A_615, %cond3A_616 : i32
        scf.if %cond3A_617 {
          %get3A_767 = arith.constant 0 : i32
          %get3A_768 = arith.index_cast %scan3A_359 : i32 to index
          %get3A_769 = arith.index_cast %get3A_767 : i32 to index
          %get3A_770 = arith.constant 0 : index
          %get3A_771 = tpu.vector_load %arg11[%get3A_768, %get3A_769, %get3A_770] {strides = array<i32>} : memref<8x16x64xf32, #tpu.memory_space<vmem>>, vector<1x1x16xf32>,
          %get3A_772 = vector.shape_cast %get3A_771 : vector<1x1x16xf32> to vector<16xf32>
          %swap3A = arith.index_cast %sub3A_609 : i32 to index
          %swap3A_773 = arith.constant 0 : index
          %swap3A_774 = tpu.vector_load %arg10[%swap3A, %swap3A_773] {strides = array<i32>} : memref<256x64xf32, #tpu.memory_space<vmem>>, vector<1x16xf32>,
          %swap3A_775 = vector.shape_cast %swap3A_774 : vector<1x16xf32> to vector<16xf32>
          %swap3A_776 = vector.shape_cast %get3A_772 : vector<16xf32> to vector<1x16xf32>
          tpu.vector_store %arg10[%swap3A, %swap3A_773], %swap3A_776 {strides = array<i32>} : memref<256x64xf32, #tpu.memory_space<vmem>>, vector<1x16xf32>,
          %get3A_777 = arith.constant 0 : i32
          %get3A_778 = arith.index_cast %scan3A_359 : i32 to index
          %get3A_779 = arith.index_cast %get3A_777 : i32 to index
          %get3A_780 = arith.constant 16 : index
          %get3A_781 = tpu.vector_load %arg11[%get3A_778, %get3A_779, %get3A_780] {strides = array<i32>} : memref<8x16x64xf32, #tpu.memory_space<vmem>>, vector<1x1x16xf32>,
          %get3A_782 = vector.shape_cast %get3A_781 : vector<1x1x16xf32> to vector<16xf32>
          %swap3A_783 = arith.index_cast %sub3A_609 : i32 to index
          %swap3A_784 = arith.constant 16 : index
          %swap3A_785 = tpu.vector_load %arg10[%swap3A_783, %swap3A_784] {strides = array<i32>} : memref<256x64xf32, #tpu.memory_space<vmem>>, vector<1x16xf32>,
          %swap3A_786 = vector.shape_cast %swap3A_785 : vector<1x16xf32> to vector<16xf32>
          %swap3A_787 = vector.shape_cast %get3A_782 : vector<16xf32> to vector<1x16xf32>
          tpu.vector_store %arg10[%swap3A_783, %swap3A_784], %swap3A_787 {strides = array<i32>} : memref<256x64xf32, #tpu.memory_space<vmem>>, vector<1x16xf32>,
          %get3A_788 = arith.constant 0 : i32
          %get3A_789 = arith.index_cast %scan3A_359 : i32 to index
          %get3A_790 = arith.index_cast %get3A_788 : i32 to index
          %get3A_791 = arith.constant 32 : index
          %get3A_792 = tpu.vector_load %arg11[%get3A_789, %get3A_790, %get3A_791] {strides = array<i32>} : memref<8x16x64xf32, #tpu.memory_space<vmem>>, vector<1x1x16xf32>,
          %get3A_793 = vector.shape_cast %get3A_792 : vector<1x1x16xf32> to vector<16xf32>
          %swap3A_794 = arith.index_cast %sub3A_609 : i32 to index
          %swap3A_795 = arith.constant 32 : index
          %swap3A_796 = tpu.vector_load %arg10[%swap3A_794, %swap3A_795] {strides = array<i32>} : memref<256x64xf32, #tpu.memory_space<vmem>>, vector<1x16xf32>,
          %swap3A_797 = vector.shape_cast %swap3A_796 : vector<1x16xf32> to vector<16xf32>
          %swap3A_798 = vector.shape_cast %get3A_793 : vector<16xf32> to vector<1x16xf32>
          tpu.vector_store %arg10[%swap3A_794, %swap3A_795], %swap3A_798 {strides = array<i32>} : memref<256x64xf32, #tpu.memory_space<vmem>>, vector<1x16xf32>,
          %get3A_799 = arith.constant 0 : i32
          %get3A_800 = arith.index_cast %scan3A_359 : i32 to index
          %get3A_801 = arith.index_cast %get3A_799 : i32 to index
          %get3A_802 = arith.constant 48 : index
          %get3A_803 = tpu.vector_load %arg11[%get3A_800, %get3A_801, %get3A_802] {strides = array<i32>} : memref<8x16x64xf32, #tpu.memory_space<vmem>>, vector<1x1x16xf32>,
          %get3A_804 = vector.shape_cast %get3A_803 : vector<1x1x16xf32> to vector<16xf32>
          %swap3A_805 = arith.index_cast %sub3A_609 : i32 to index
          %swap3A_806 = arith.constant 48 : index
          %swap3A_807 = tpu.vector_load %arg10[%swap3A_805, %swap3A_806] {strides = array<i32>} : memref<256x64xf32, #tpu.memory_space<vmem>>, vector<1x16xf32>,
          %swap3A_808 = vector.shape_cast %swap3A_807 : vector<1x16xf32> to vector<16xf32>
          %swap3A_809 = vector.shape_cast %get3A_804 : vector<16xf32> to vector<1x16xf32>
          tpu.vector_store %arg10[%swap3A_805, %swap3A_806], %swap3A_809 {strides = array<i32>} : memref<256x64xf32, #tpu.memory_space<vmem>>, vector<1x16xf32>,
        } else {
        }
        %sub3A_618 = arith.subi %squeeze3A_4, %mul3A_608 : i32
        %ge3A_619 = arith.constant 0 : i32
        %ge3A_620 = arith.cmpi sge, %sub3A_618, %ge3A_619 : i32
        %lt3A_621 = arith.constant 256 : i32
        %lt3A_622 = arith.cmpi slt, %sub3A_618, %lt3A_621 : i32
        %and3A_623 = arith.andi %ge3A_620, %lt3A_622 : i1
        %convert_element_type3A_624 = arith.extui %and3A_623 : i1 to i32
        %cond3A_625 = arith.constant 0 : i32
        %cond3A_626 = arith.cmpi ne, %convert_element_type3A_624, %cond3A_625 : i32
        scf.if %cond3A_626 {
          %get3A_767 = arith.constant 1 : i32
          %get3A_768 = arith.index_cast %scan3A_359 : i32 to index
          %get3A_769 = arith.index_cast %get3A_767 : i32 to index
          %get3A_770 = arith.constant 0 : index
          %get3A_771 = tpu.vector_load %arg11[%get3A_768, %get3A_769, %get3A_770] {strides = array<i32>} : memref<8x16x64xf32, #tpu.memory_space<vmem>>, vector<1x1x16xf32>,
          %get3A_772 = vector.shape_cast %get3A_771 : vector<1x1x16xf32> to vector<16xf32>
          %swap3A = arith.index_cast %sub3A_618 : i32 to index
          %swap3A_773 = arith.constant 0 : index
          %swap3A_774 = tpu.vector_load %arg10[%swap3A, %swap3A_773] {strides = array<i32>} : memref<256x64xf32, #tpu.memory_space<vmem>>, vector<1x16xf32>,
          %swap3A_775 = vector.shape_cast %swap3A_774 : vector<1x16xf32> to vector<16xf32>
          %swap3A_776 = vector.shape_cast %get3A_772 : vector<16xf32> to vector<1x16xf32>
          tpu.vector_store %arg10[%swap3A, %swap3A_773], %swap3A_776 {strides = array<i32>} : memref<256x64xf32, #tpu.memory_space<vmem>>, vector<1x16xf32>,
          %get3A_777 = arith.constant 1 : i32
          %get3A_778 = arith.index_cast %scan3A_359 : i32 to index
          %get3A_779 = arith.index_cast %get3A_777 : i32 to index
          %get3A_780 = arith.constant 16 : index
          %get3A_781 = tpu.vector_load %arg11[%get3A_778, %get3A_779, %get3A_780] {strides = array<i32>} : memref<8x16x64xf32, #tpu.memory_space<vmem>>, vector<1x1x16xf32>,
          %get3A_782 = vector.shape_cast %get3A_781 : vector<1x1x16xf32> to vector<16xf32>
          %swap3A_783 = arith.index_cast %sub3A_618 : i32 to index
          %swap3A_784 = arith.constant 16 : index
          %swap3A_785 = tpu.vector_load %arg10[%swap3A_783, %swap3A_784] {strides = array<i32>} : memref<256x64xf32, #tpu.memory_space<vmem>>, vector<1x16xf32>,
          %swap3A_786 = vector.shape_cast %swap3A_785 : vector<1x16xf32> to vector<16xf32>
          %swap3A_787 = vector.shape_cast %get3A_782 : vector<16xf32> to vector<1x16xf32>
          tpu.vector_store %arg10[%swap3A_783, %swap3A_784], %swap3A_787 {strides = array<i32>} : memref<256x64xf32, #tpu.memory_space<vmem>>, vector<1x16xf32>,
          %get3A_788 = arith.constant 1 : i32
          %get3A_789 = arith.index_cast %scan3A_359 : i32 to index
          %get3A_790 = arith.index_cast %get3A_788 : i32 to index
          %get3A_791 = arith.constant 32 : index
          %get3A_792 = tpu.vector_load %arg11[%get3A_789, %get3A_790, %get3A_791] {strides = array<i32>} : memref<8x16x64xf32, #tpu.memory_space<vmem>>, vector<1x1x16xf32>,
          %get3A_793 = vector.shape_cast %get3A_792 : vector<1x1x16xf32> to vector<16xf32>
          %swap3A_794 = arith.index_cast %sub3A_618 : i32 to index
          %swap3A_795 = arith.constant 32 : index
          %swap3A_796 = tpu.vector_load %arg10[%swap3A_794, %swap3A_795] {strides = array<i32>} : memref<256x64xf32, #tpu.memory_space<vmem>>, vector<1x16xf32>,
          %swap3A_797 = vector.shape_cast %swap3A_796 : vector<1x16xf32> to vector<16xf32>
          %swap3A_798 = vector.shape_cast %get3A_793 : vector<16xf32> to vector<1x16xf32>
          tpu.vector_store %arg10[%swap3A_794, %swap3A_795], %swap3A_798 {strides = array<i32>} : memref<256x64xf32, #tpu.memory_space<vmem>>, vector<1x16xf32>,
          %get3A_799 = arith.constant 1 : i32
          %get3A_800 = arith.index_cast %scan3A_359 : i32 to index
          %get3A_801 = arith.index_cast %get3A_799 : i32 to index
          %get3A_802 = arith.constant 48 : index
          %get3A_803 = tpu.vector_load %arg11[%get3A_800, %get3A_801, %get3A_802] {strides = array<i32>} : memref<8x16x64xf32, #tpu.memory_space<vmem>>, vector<1x1x16xf32>,
          %get3A_804 = vector.shape_cast %get3A_803 : vector<1x1x16xf32> to vector<16xf32>
          %swap3A_805 = arith.index_cast %sub3A_618 : i32 to index
          %swap3A_806 = arith.constant 48 : index
          %swap3A_807 = tpu.vector_load %arg10[%swap3A_805, %swap3A_806] {strides = array<i32>} : memref<256x64xf32, #tpu.memory_space<vmem>>, vector<1x16xf32>,
          %swap3A_808 = vector.shape_cast %swap3A_807 : vector<1x16xf32> to vector<16xf32>
          %swap3A_809 = vector.shape_cast %get3A_804 : vector<16xf32> to vector<1x16xf32>
          tpu.vector_store %arg10[%swap3A_805, %swap3A_806], %swap3A_809 {strides = array<i32>} : memref<256x64xf32, #tpu.memory_space<vmem>>, vector<1x16xf32>,
        } else {
        }
        %sub3A_627 = arith.subi %squeeze3A_6, %mul3A_608 : i32
        %ge3A_628 = arith.constant 0 : i32
        %ge3A_629 = arith.cmpi sge, %sub3A_627, %ge3A_628 : i32
        %lt3A_630 = arith.constant 256 : i32
        %lt3A_631 = arith.cmpi slt, %sub3A_627, %lt3A_630 : i32
        %and3A_632 = arith.andi %ge3A_629, %lt3A_631 : i1
        %convert_element_type3A_633 = arith.extui %and3A_632 : i1 to i32
        %cond3A_634 = arith.constant 0 : i32
        %cond3A_635 = arith.cmpi ne, %convert_element_type3A_633, %cond3A_634 : i32
        scf.if %cond3A_635 {
          %get3A_767 = arith.constant 2 : i32
          %get3A_768 = arith.index_cast %scan3A_359 : i32 to index
          %get3A_769 = arith.index_cast %get3A_767 : i32 to index
          %get3A_770 = arith.constant 0 : index
          %get3A_771 = tpu.vector_load %arg11[%get3A_768, %get3A_769, %get3A_770] {strides = array<i32>} : memref<8x16x64xf32, #tpu.memory_space<vmem>>, vector<1x1x16xf32>,
          %get3A_772 = vector.shape_cast %get3A_771 : vector<1x1x16xf32> to vector<16xf32>
          %swap3A = arith.index_cast %sub3A_627 : i32 to index
          %swap3A_773 = arith.constant 0 : index
          %swap3A_774 = tpu.vector_load %arg10[%swap3A, %swap3A_773] {strides = array<i32>} : memref<256x64xf32, #tpu.memory_space<vmem>>, vector<1x16xf32>,
          %swap3A_775 = vector.shape_cast %swap3A_774 : vector<1x16xf32> to vector<16xf32>
          %swap3A_776 = vector.shape_cast %get3A_772 : vector<16xf32> to vector<1x16xf32>
          tpu.vector_store %arg10[%swap3A, %swap3A_773], %swap3A_776 {strides = array<i32>} : memref<256x64xf32, #tpu.memory_space<vmem>>, vector<1x16xf32>,
          %get3A_777 = arith.constant 2 : i32
          %get3A_778 = arith.index_cast %scan3A_359 : i32 to index
          %get3A_779 = arith.index_cast %get3A_777 : i32 to index
          %get3A_780 = arith.constant 16 : index
          %get3A_781 = tpu.vector_load %arg11[%get3A_778, %get3A_779, %get3A_780] {strides = array<i32>} : memref<8x16x64xf32, #tpu.memory_space<vmem>>, vector<1x1x16xf32>,
          %get3A_782 = vector.shape_cast %get3A_781 : vector<1x1x16xf32> to vector<16xf32>
          %swap3A_783 = arith.index_cast %sub3A_627 : i32 to index
          %swap3A_784 = arith.constant 16 : index
          %swap3A_785 = tpu.vector_load %arg10[%swap3A_783, %swap3A_784] {strides = array<i32>} : memref<256x64xf32, #tpu.memory_space<vmem>>, vector<1x16xf32>,
          %swap3A_786 = vector.shape_cast %swap3A_785 : vector<1x16xf32> to vector<16xf32>
          %swap3A_787 = vector.shape_cast %get3A_782 : vector<16xf32> to vector<1x16xf32>
          tpu.vector_store %arg10[%swap3A_783, %swap3A_784], %swap3A_787 {strides = array<i32>} : memref<256x64xf32, #tpu.memory_space<vmem>>, vector<1x16xf32>,
          %get3A_788 = arith.constant 2 : i32
          %get3A_789 = arith.index_cast %scan3A_359 : i32 to index
          %get3A_790 = arith.index_cast %get3A_788 : i32 to index
          %get3A_791 = arith.constant 32 : index
          %get3A_792 = tpu.vector_load %arg11[%get3A_789, %get3A_790, %get3A_791] {strides = array<i32>} : memref<8x16x64xf32, #tpu.memory_space<vmem>>, vector<1x1x16xf32>,
          %get3A_793 = vector.shape_cast %get3A_792 : vector<1x1x16xf32> to vector<16xf32>
          %swap3A_794 = arith.index_cast %sub3A_627 : i32 to index
          %swap3A_795 = arith.constant 32 : index
          %swap3A_796 = tpu.vector_load %arg10[%swap3A_794, %swap3A_795] {strides = array<i32>} : memref<256x64xf32, #tpu.memory_space<vmem>>, vector<1x16xf32>,
          %swap3A_797 = vector.shape_cast %swap3A_796 : vector<1x16xf32> to vector<16xf32>
          %swap3A_798 = vector.shape_cast %get3A_793 : vector<16xf32> to vector<1x16xf32>
          tpu.vector_store %arg10[%swap3A_794, %swap3A_795], %swap3A_798 {strides = array<i32>} : memref<256x64xf32, #tpu.memory_space<vmem>>, vector<1x16xf32>,
          %get3A_799 = arith.constant 2 : i32
          %get3A_800 = arith.index_cast %scan3A_359 : i32 to index
          %get3A_801 = arith.index_cast %get3A_799 : i32 to index
          %get3A_802 = arith.constant 48 : index
          %get3A_803 = tpu.vector_load %arg11[%get3A_800, %get3A_801, %get3A_802] {strides = array<i32>} : memref<8x16x64xf32, #tpu.memory_space<vmem>>, vector<1x1x16xf32>,
          %get3A_804 = vector.shape_cast %get3A_803 : vector<1x1x16xf32> to vector<16xf32>
          %swap3A_805 = arith.index_cast %sub3A_627 : i32 to index
          %swap3A_806 = arith.constant 48 : index
          %swap3A_807 = tpu.vector_load %arg10[%swap3A_805, %swap3A_806] {strides = array<i32>} : memref<256x64xf32, #tpu.memory_space<vmem>>, vector<1x16xf32>,
          %swap3A_808 = vector.shape_cast %swap3A_807 : vector<1x16xf32> to vector<16xf32>
          %swap3A_809 = vector.shape_cast %get3A_804 : vector<16xf32> to vector<1x16xf32>
          tpu.vector_store %arg10[%swap3A_805, %swap3A_806], %swap3A_809 {strides = array<i32>} : memref<256x64xf32, #tpu.memory_space<vmem>>, vector<1x16xf32>,
        } else {
        }
        %sub3A_636 = arith.subi %squeeze3A_8, %mul3A_608 : i32
        %ge3A_637 = arith.constant 0 : i32
        %ge3A_638 = arith.cmpi sge, %sub3A_636, %ge3A_637 : i32
        %lt3A_639 = arith.constant 256 : i32
        %lt3A_640 = arith.cmpi slt, %sub3A_636, %lt3A_639 : i32
        %and3A_641 = arith.andi %ge3A_638, %lt3A_640 : i1
        %convert_element_type3A_642 = arith.extui %and3A_641 : i1 to i32
        %cond3A_643 = arith.constant 0 : i32
        %cond3A_644 = arith.cmpi ne, %convert_element_type3A_642, %cond3A_643 : i32
        scf.if %cond3A_644 {
          %get3A_767 = arith.constant 3 : i32
          %get3A_768 = arith.index_cast %scan3A_359 : i32 to index
          %get3A_769 = arith.index_cast %get3A_767 : i32 to index
          %get3A_770 = arith.constant 0 : index
          %get3A_771 = tpu.vector_load %arg11[%get3A_768, %get3A_769, %get3A_770] {strides = array<i32>} : memref<8x16x64xf32, #tpu.memory_space<vmem>>, vector<1x1x16xf32>,
          %get3A_772 = vector.shape_cast %get3A_771 : vector<1x1x16xf32> to vector<16xf32>
          %swap3A = arith.index_cast %sub3A_636 : i32 to index
          %swap3A_773 = arith.constant 0 : index
          %swap3A_774 = tpu.vector_load %arg10[%swap3A, %swap3A_773] {strides = array<i32>} : memref<256x64xf32, #tpu.memory_space<vmem>>, vector<1x16xf32>,
          %swap3A_775 = vector.shape_cast %swap3A_774 : vector<1x16xf32> to vector<16xf32>
          %swap3A_776 = vector.shape_cast %get3A_772 : vector<16xf32> to vector<1x16xf32>
          tpu.vector_store %arg10[%swap3A, %swap3A_773], %swap3A_776 {strides = array<i32>} : memref<256x64xf32, #tpu.memory_space<vmem>>, vector<1x16xf32>,
          %get3A_777 = arith.constant 3 : i32
          %get3A_778 = arith.index_cast %scan3A_359 : i32 to index
          %get3A_779 = arith.index_cast %get3A_777 : i32 to index
          %get3A_780 = arith.constant 16 : index
          %get3A_781 = tpu.vector_load %arg11[%get3A_778, %get3A_779, %get3A_780] {strides = array<i32>} : memref<8x16x64xf32, #tpu.memory_space<vmem>>, vector<1x1x16xf32>,
          %get3A_782 = vector.shape_cast %get3A_781 : vector<1x1x16xf32> to vector<16xf32>
          %swap3A_783 = arith.index_cast %sub3A_636 : i32 to index
          %swap3A_784 = arith.constant 16 : index
          %swap3A_785 = tpu.vector_load %arg10[%swap3A_783, %swap3A_784] {strides = array<i32>} : memref<256x64xf32, #tpu.memory_space<vmem>>, vector<1x16xf32>,
          %swap3A_786 = vector.shape_cast %swap3A_785 : vector<1x16xf32> to vector<16xf32>
          %swap3A_787 = vector.shape_cast %get3A_782 : vector<16xf32> to vector<1x16xf32>
          tpu.vector_store %arg10[%swap3A_783, %swap3A_784], %swap3A_787 {strides = array<i32>} : memref<256x64xf32, #tpu.memory_space<vmem>>, vector<1x16xf32>,
          %get3A_788 = arith.constant 3 : i32
          %get3A_789 = arith.index_cast %scan3A_359 : i32 to index
          %get3A_790 = arith.index_cast %get3A_788 : i32 to index
          %get3A_791 = arith.constant 32 : index
          %get3A_792 = tpu.vector_load %arg11[%get3A_789, %get3A_790, %get3A_791] {strides = array<i32>} : memref<8x16x64xf32, #tpu.memory_space<vmem>>, vector<1x1x16xf32>,
          %get3A_793 = vector.shape_cast %get3A_792 : vector<1x1x16xf32> to vector<16xf32>
          %swap3A_794 = arith.index_cast %sub3A_636 : i32 to index
          %swap3A_795 = arith.constant 32 : index
          %swap3A_796 = tpu.vector_load %arg10[%swap3A_794, %swap3A_795] {strides = array<i32>} : memref<256x64xf32, #tpu.memory_space<vmem>>, vector<1x16xf32>,
          %swap3A_797 = vector.shape_cast %swap3A_796 : vector<1x16xf32> to vector<16xf32>
          %swap3A_798 = vector.shape_cast %get3A_793 : vector<16xf32> to vector<1x16xf32>
          tpu.vector_store %arg10[%swap3A_794, %swap3A_795], %swap3A_798 {strides = array<i32>} : memref<256x64xf32, #tpu.memory_space<vmem>>, vector<1x16xf32>,
          %get3A_799 = arith.constant 3 : i32
          %get3A_800 = arith.index_cast %scan3A_359 : i32 to index
          %get3A_801 = arith.index_cast %get3A_799 : i32 to index
          %get3A_802 = arith.constant 48 : index
          %get3A_803 = tpu.vector_load %arg11[%get3A_800, %get3A_801, %get3A_802] {strides = array<i32>} : memref<8x16x64xf32, #tpu.memory_space<vmem>>, vector<1x1x16xf32>,
          %get3A_804 = vector.shape_cast %get3A_803 : vector<1x1x16xf32> to vector<16xf32>
          %swap3A_805 = arith.index_cast %sub3A_636 : i32 to index
          %swap3A_806 = arith.constant 48 : index
          %swap3A_807 = tpu.vector_load %arg10[%swap3A_805, %swap3A_806] {strides = array<i32>} : memref<256x64xf32, #tpu.memory_space<vmem>>, vector<1x16xf32>,
          %swap3A_808 = vector.shape_cast %swap3A_807 : vector<1x16xf32> to vector<16xf32>
          %swap3A_809 = vector.shape_cast %get3A_804 : vector<16xf32> to vector<1x16xf32>
          tpu.vector_store %arg10[%swap3A_805, %swap3A_806], %swap3A_809 {strides = array<i32>} : memref<256x64xf32, #tpu.memory_space<vmem>>, vector<1x16xf32>,
        } else {
        }
        %sub3A_645 = arith.subi %squeeze3A_10, %mul3A_608 : i32
        %ge3A_646 = arith.constant 0 : i32
        %ge3A_647 = arith.cmpi sge, %sub3A_645, %ge3A_646 : i32
        %lt3A_648 = arith.constant 256 : i32
        %lt3A_649 = arith.cmpi slt, %sub3A_645, %lt3A_648 : i32
        %and3A_650 = arith.andi %ge3A_647, %lt3A_649 : i1
        %convert_element_type3A_651 = arith.extui %and3A_650 : i1 to i32
        %cond3A_652 = arith.constant 0 : i32
        %cond3A_653 = arith.cmpi ne, %convert_element_type3A_651, %cond3A_652 : i32
        scf.if %cond3A_653 {
          %get3A_767 = arith.constant 4 : i32
          %get3A_768 = arith.index_cast %scan3A_359 : i32 to index
          %get3A_769 = arith.index_cast %get3A_767 : i32 to index
          %get3A_770 = arith.constant 0 : index
          %get3A_771 = tpu.vector_load %arg11[%get3A_768, %get3A_769, %get3A_770] {strides = array<i32>} : memref<8x16x64xf32, #tpu.memory_space<vmem>>, vector<1x1x16xf32>,
          %get3A_772 = vector.shape_cast %get3A_771 : vector<1x1x16xf32> to vector<16xf32>
          %swap3A = arith.index_cast %sub3A_645 : i32 to index
          %swap3A_773 = arith.constant 0 : index
          %swap3A_774 = tpu.vector_load %arg10[%swap3A, %swap3A_773] {strides = array<i32>} : memref<256x64xf32, #tpu.memory_space<vmem>>, vector<1x16xf32>,
          %swap3A_775 = vector.shape_cast %swap3A_774 : vector<1x16xf32> to vector<16xf32>
          %swap3A_776 = vector.shape_cast %get3A_772 : vector<16xf32> to vector<1x16xf32>
          tpu.vector_store %arg10[%swap3A, %swap3A_773], %swap3A_776 {strides = array<i32>} : memref<256x64xf32, #tpu.memory_space<vmem>>, vector<1x16xf32>,
          %get3A_777 = arith.constant 4 : i32
          %get3A_778 = arith.index_cast %scan3A_359 : i32 to index
          %get3A_779 = arith.index_cast %get3A_777 : i32 to index
          %get3A_780 = arith.constant 16 : index
          %get3A_781 = tpu.vector_load %arg11[%get3A_778, %get3A_779, %get3A_780] {strides = array<i32>} : memref<8x16x64xf32, #tpu.memory_space<vmem>>, vector<1x1x16xf32>,
          %get3A_782 = vector.shape_cast %get3A_781 : vector<1x1x16xf32> to vector<16xf32>
          %swap3A_783 = arith.index_cast %sub3A_645 : i32 to index
          %swap3A_784 = arith.constant 16 : index
          %swap3A_785 = tpu.vector_load %arg10[%swap3A_783, %swap3A_784] {strides = array<i32>} : memref<256x64xf32, #tpu.memory_space<vmem>>, vector<1x16xf32>,
          %swap3A_786 = vector.shape_cast %swap3A_785 : vector<1x16xf32> to vector<16xf32>
          %swap3A_787 = vector.shape_cast %get3A_782 : vector<16xf32> to vector<1x16xf32>
          tpu.vector_store %arg10[%swap3A_783, %swap3A_784], %swap3A_787 {strides = array<i32>} : memref<256x64xf32, #tpu.memory_space<vmem>>, vector<1x16xf32>,
          %get3A_788 = arith.constant 4 : i32
          %get3A_789 = arith.index_cast %scan3A_359 : i32 to index
          %get3A_790 = arith.index_cast %get3A_788 : i32 to index
          %get3A_791 = arith.constant 32 : index
          %get3A_792 = tpu.vector_load %arg11[%get3A_789, %get3A_790, %get3A_791] {strides = array<i32>} : memref<8x16x64xf32, #tpu.memory_space<vmem>>, vector<1x1x16xf32>,
          %get3A_793 = vector.shape_cast %get3A_792 : vector<1x1x16xf32> to vector<16xf32>
          %swap3A_794 = arith.index_cast %sub3A_645 : i32 to index
          %swap3A_795 = arith.constant 32 : index
          %swap3A_796 = tpu.vector_load %arg10[%swap3A_794, %swap3A_795] {strides = array<i32>} : memref<256x64xf32, #tpu.memory_space<vmem>>, vector<1x16xf32>,
          %swap3A_797 = vector.shape_cast %swap3A_796 : vector<1x16xf32> to vector<16xf32>
          %swap3A_798 = vector.shape_cast %get3A_793 : vector<16xf32> to vector<1x16xf32>
          tpu.vector_store %arg10[%swap3A_794, %swap3A_795], %swap3A_798 {strides = array<i32>} : memref<256x64xf32, #tpu.memory_space<vmem>>, vector<1x16xf32>,
          %get3A_799 = arith.constant 4 : i32
          %get3A_800 = arith.index_cast %scan3A_359 : i32 to index
          %get3A_801 = arith.index_cast %get3A_799 : i32 to index
          %get3A_802 = arith.constant 48 : index
          %get3A_803 = tpu.vector_load %arg11[%get3A_800, %get3A_801, %get3A_802] {strides = array<i32>} : memref<8x16x64xf32, #tpu.memory_space<vmem>>, vector<1x1x16xf32>,
          %get3A_804 = vector.shape_cast %get3A_803 : vector<1x1x16xf32> to vector<16xf32>
          %swap3A_805 = arith.index_cast %sub3A_645 : i32 to index
          %swap3A_806 = arith.constant 48 : index
          %swap3A_807 = tpu.vector_load %arg10[%swap3A_805, %swap3A_806] {strides = array<i32>} : memref<256x64xf32, #tpu.memory_space<vmem>>, vector<1x16xf32>,
          %swap3A_808 = vector.shape_cast %swap3A_807 : vector<1x16xf32> to vector<16xf32>
          %swap3A_809 = vector.shape_cast %get3A_804 : vector<16xf32> to vector<1x16xf32>
          tpu.vector_store %arg10[%swap3A_805, %swap3A_806], %swap3A_809 {strides = array<i32>} : memref<256x64xf32, #tpu.memory_space<vmem>>, vector<1x16xf32>,
        } else {
        }
        %sub3A_654 = arith.subi %squeeze3A_12, %mul3A_608 : i32
        %ge3A_655 = arith.constant 0 : i32
        %ge3A_656 = arith.cmpi sge, %sub3A_654, %ge3A_655 : i32
        %lt3A_657 = arith.constant 256 : i32
        %lt3A_658 = arith.cmpi slt, %sub3A_654, %lt3A_657 : i32
        %and3A_659 = arith.andi %ge3A_656, %lt3A_658 : i1
        %convert_element_type3A_660 = arith.extui %and3A_659 : i1 to i32
        %cond3A_661 = arith.constant 0 : i32
        %cond3A_662 = arith.cmpi ne, %convert_element_type3A_660, %cond3A_661 : i32
        scf.if %cond3A_662 {
          %get3A_767 = arith.constant 5 : i32
          %get3A_768 = arith.index_cast %scan3A_359 : i32 to index
          %get3A_769 = arith.index_cast %get3A_767 : i32 to index
          %get3A_770 = arith.constant 0 : index
          %get3A_771 = tpu.vector_load %arg11[%get3A_768, %get3A_769, %get3A_770] {strides = array<i32>} : memref<8x16x64xf32, #tpu.memory_space<vmem>>, vector<1x1x16xf32>,
          %get3A_772 = vector.shape_cast %get3A_771 : vector<1x1x16xf32> to vector<16xf32>
          %swap3A = arith.index_cast %sub3A_654 : i32 to index
          %swap3A_773 = arith.constant 0 : index
          %swap3A_774 = tpu.vector_load %arg10[%swap3A, %swap3A_773] {strides = array<i32>} : memref<256x64xf32, #tpu.memory_space<vmem>>, vector<1x16xf32>,
          %swap3A_775 = vector.shape_cast %swap3A_774 : vector<1x16xf32> to vector<16xf32>
          %swap3A_776 = vector.shape_cast %get3A_772 : vector<16xf32> to vector<1x16xf32>
          tpu.vector_store %arg10[%swap3A, %swap3A_773], %swap3A_776 {strides = array<i32>} : memref<256x64xf32, #tpu.memory_space<vmem>>, vector<1x16xf32>,
          %get3A_777 = arith.constant 5 : i32
          %get3A_778 = arith.index_cast %scan3A_359 : i32 to index
          %get3A_779 = arith.index_cast %get3A_777 : i32 to index
          %get3A_780 = arith.constant 16 : index
          %get3A_781 = tpu.vector_load %arg11[%get3A_778, %get3A_779, %get3A_780] {strides = array<i32>} : memref<8x16x64xf32, #tpu.memory_space<vmem>>, vector<1x1x16xf32>,
          %get3A_782 = vector.shape_cast %get3A_781 : vector<1x1x16xf32> to vector<16xf32>
          %swap3A_783 = arith.index_cast %sub3A_654 : i32 to index
          %swap3A_784 = arith.constant 16 : index
          %swap3A_785 = tpu.vector_load %arg10[%swap3A_783, %swap3A_784] {strides = array<i32>} : memref<256x64xf32, #tpu.memory_space<vmem>>, vector<1x16xf32>,
          %swap3A_786 = vector.shape_cast %swap3A_785 : vector<1x16xf32> to vector<16xf32>
          %swap3A_787 = vector.shape_cast %get3A_782 : vector<16xf32> to vector<1x16xf32>
          tpu.vector_store %arg10[%swap3A_783, %swap3A_784], %swap3A_787 {strides = array<i32>} : memref<256x64xf32, #tpu.memory_space<vmem>>, vector<1x16xf32>,
          %get3A_788 = arith.constant 5 : i32
          %get3A_789 = arith.index_cast %scan3A_359 : i32 to index
          %get3A_790 = arith.index_cast %get3A_788 : i32 to index
          %get3A_791 = arith.constant 32 : index
          %get3A_792 = tpu.vector_load %arg11[%get3A_789, %get3A_790, %get3A_791] {strides = array<i32>} : memref<8x16x64xf32, #tpu.memory_space<vmem>>, vector<1x1x16xf32>,
          %get3A_793 = vector.shape_cast %get3A_792 : vector<1x1x16xf32> to vector<16xf32>
          %swap3A_794 = arith.index_cast %sub3A_654 : i32 to index
          %swap3A_795 = arith.constant 32 : index
          %swap3A_796 = tpu.vector_load %arg10[%swap3A_794, %swap3A_795] {strides = array<i32>} : memref<256x64xf32, #tpu.memory_space<vmem>>, vector<1x16xf32>,
          %swap3A_797 = vector.shape_cast %swap3A_796 : vector<1x16xf32> to vector<16xf32>
          %swap3A_798 = vector.shape_cast %get3A_793 : vector<16xf32> to vector<1x16xf32>
          tpu.vector_store %arg10[%swap3A_794, %swap3A_795], %swap3A_798 {strides = array<i32>} : memref<256x64xf32, #tpu.memory_space<vmem>>, vector<1x16xf32>,
          %get3A_799 = arith.constant 5 : i32
          %get3A_800 = arith.index_cast %scan3A_359 : i32 to index
          %get3A_801 = arith.index_cast %get3A_799 : i32 to index
          %get3A_802 = arith.constant 48 : index
          %get3A_803 = tpu.vector_load %arg11[%get3A_800, %get3A_801, %get3A_802] {strides = array<i32>} : memref<8x16x64xf32, #tpu.memory_space<vmem>>, vector<1x1x16xf32>,
          %get3A_804 = vector.shape_cast %get3A_803 : vector<1x1x16xf32> to vector<16xf32>
          %swap3A_805 = arith.index_cast %sub3A_654 : i32 to index
          %swap3A_806 = arith.constant 48 : index
          %swap3A_807 = tpu.vector_load %arg10[%swap3A_805, %swap3A_806] {strides = array<i32>} : memref<256x64xf32, #tpu.memory_space<vmem>>, vector<1x16xf32>,
          %swap3A_808 = vector.shape_cast %swap3A_807 : vector<1x16xf32> to vector<16xf32>
          %swap3A_809 = vector.shape_cast %get3A_804 : vector<16xf32> to vector<1x16xf32>
          tpu.vector_store %arg10[%swap3A_805, %swap3A_806], %swap3A_809 {strides = array<i32>} : memref<256x64xf32, #tpu.memory_space<vmem>>, vector<1x16xf32>,
        } else {
        }
        %sub3A_663 = arith.subi %squeeze3A_14, %mul3A_608 : i32
        %ge3A_664 = arith.constant 0 : i32
        %ge3A_665 = arith.cmpi sge, %sub3A_663, %ge3A_664 : i32
        %lt3A_666 = arith.constant 256 : i32
        %lt3A_667 = arith.cmpi slt, %sub3A_663, %lt3A_666 : i32
        %and3A_668 = arith.andi %ge3A_665, %lt3A_667 : i1
        %convert_element_type3A_669 = arith.extui %and3A_668 : i1 to i32
        %cond3A_670 = arith.constant 0 : i32
        %cond3A_671 = arith.cmpi ne, %convert_element_type3A_669, %cond3A_670 : i32
        scf.if %cond3A_671 {
          %get3A_767 = arith.constant 6 : i32
          %get3A_768 = arith.index_cast %scan3A_359 : i32 to index
          %get3A_769 = arith.index_cast %get3A_767 : i32 to index
          %get3A_770 = arith.constant 0 : index
          %get3A_771 = tpu.vector_load %arg11[%get3A_768, %get3A_769, %get3A_770] {strides = array<i32>} : memref<8x16x64xf32, #tpu.memory_space<vmem>>, vector<1x1x16xf32>,
          %get3A_772 = vector.shape_cast %get3A_771 : vector<1x1x16xf32> to vector<16xf32>
          %swap3A = arith.index_cast %sub3A_663 : i32 to index
          %swap3A_773 = arith.constant 0 : index
          %swap3A_774 = tpu.vector_load %arg10[%swap3A, %swap3A_773] {strides = array<i32>} : memref<256x64xf32, #tpu.memory_space<vmem>>, vector<1x16xf32>,
          %swap3A_775 = vector.shape_cast %swap3A_774 : vector<1x16xf32> to vector<16xf32>
          %swap3A_776 = vector.shape_cast %get3A_772 : vector<16xf32> to vector<1x16xf32>
          tpu.vector_store %arg10[%swap3A, %swap3A_773], %swap3A_776 {strides = array<i32>} : memref<256x64xf32, #tpu.memory_space<vmem>>, vector<1x16xf32>,
          %get3A_777 = arith.constant 6 : i32
          %get3A_778 = arith.index_cast %scan3A_359 : i32 to index
          %get3A_779 = arith.index_cast %get3A_777 : i32 to index
          %get3A_780 = arith.constant 16 : index
          %get3A_781 = tpu.vector_load %arg11[%get3A_778, %get3A_779, %get3A_780] {strides = array<i32>} : memref<8x16x64xf32, #tpu.memory_space<vmem>>, vector<1x1x16xf32>,
          %get3A_782 = vector.shape_cast %get3A_781 : vector<1x1x16xf32> to vector<16xf32>
          %swap3A_783 = arith.index_cast %sub3A_663 : i32 to index
          %swap3A_784 = arith.constant 16 : index
          %swap3A_785 = tpu.vector_load %arg10[%swap3A_783, %swap3A_784] {strides = array<i32>} : memref<256x64xf32, #tpu.memory_space<vmem>>, vector<1x16xf32>,
          %swap3A_786 = vector.shape_cast %swap3A_785 : vector<1x16xf32> to vector<16xf32>
          %swap3A_787 = vector.shape_cast %get3A_782 : vector<16xf32> to vector<1x16xf32>
          tpu.vector_store %arg10[%swap3A_783, %swap3A_784], %swap3A_787 {strides = array<i32>} : memref<256x64xf32, #tpu.memory_space<vmem>>, vector<1x16xf32>,
          %get3A_788 = arith.constant 6 : i32
          %get3A_789 = arith.index_cast %scan3A_359 : i32 to index
          %get3A_790 = arith.index_cast %get3A_788 : i32 to index
          %get3A_791 = arith.constant 32 : index
          %get3A_792 = tpu.vector_load %arg11[%get3A_789, %get3A_790, %get3A_791] {strides = array<i32>} : memref<8x16x64xf32, #tpu.memory_space<vmem>>, vector<1x1x16xf32>,
          %get3A_793 = vector.shape_cast %get3A_792 : vector<1x1x16xf32> to vector<16xf32>
          %swap3A_794 = arith.index_cast %sub3A_663 : i32 to index
          %swap3A_795 = arith.constant 32 : index
          %swap3A_796 = tpu.vector_load %arg10[%swap3A_794, %swap3A_795] {strides = array<i32>} : memref<256x64xf32, #tpu.memory_space<vmem>>, vector<1x16xf32>,
          %swap3A_797 = vector.shape_cast %swap3A_796 : vector<1x16xf32> to vector<16xf32>
          %swap3A_798 = vector.shape_cast %get3A_793 : vector<16xf32> to vector<1x16xf32>
          tpu.vector_store %arg10[%swap3A_794, %swap3A_795], %swap3A_798 {strides = array<i32>} : memref<256x64xf32, #tpu.memory_space<vmem>>, vector<1x16xf32>,
          %get3A_799 = arith.constant 6 : i32
          %get3A_800 = arith.index_cast %scan3A_359 : i32 to index
          %get3A_801 = arith.index_cast %get3A_799 : i32 to index
          %get3A_802 = arith.constant 48 : index
          %get3A_803 = tpu.vector_load %arg11[%get3A_800, %get3A_801, %get3A_802] {strides = array<i32>} : memref<8x16x64xf32, #tpu.memory_space<vmem>>, vector<1x1x16xf32>,
          %get3A_804 = vector.shape_cast %get3A_803 : vector<1x1x16xf32> to vector<16xf32>
          %swap3A_805 = arith.index_cast %sub3A_663 : i32 to index
          %swap3A_806 = arith.constant 48 : index
          %swap3A_807 = tpu.vector_load %arg10[%swap3A_805, %swap3A_806] {strides = array<i32>} : memref<256x64xf32, #tpu.memory_space<vmem>>, vector<1x16xf32>,
          %swap3A_808 = vector.shape_cast %swap3A_807 : vector<1x16xf32> to vector<16xf32>
          %swap3A_809 = vector.shape_cast %get3A_804 : vector<16xf32> to vector<1x16xf32>
          tpu.vector_store %arg10[%swap3A_805, %swap3A_806], %swap3A_809 {strides = array<i32>} : memref<256x64xf32, #tpu.memory_space<vmem>>, vector<1x16xf32>,
        } else {
        }
        %sub3A_672 = arith.subi %squeeze3A_16, %mul3A_608 : i32
        %ge3A_673 = arith.constant 0 : i32
        %ge3A_674 = arith.cmpi sge, %sub3A_672, %ge3A_673 : i32
        %lt3A_675 = arith.constant 256 : i32
        %lt3A_676 = arith.cmpi slt, %sub3A_672, %lt3A_675 : i32
        %and3A_677 = arith.andi %ge3A_674, %lt3A_676 : i1
        %convert_element_type3A_678 = arith.extui %and3A_677 : i1 to i32
        %cond3A_679 = arith.constant 0 : i32
        %cond3A_680 = arith.cmpi ne, %convert_element_type3A_678, %cond3A_679 : i32
        scf.if %cond3A_680 {
          %get3A_767 = arith.constant 7 : i32
          %get3A_768 = arith.index_cast %scan3A_359 : i32 to index
          %get3A_769 = arith.index_cast %get3A_767 : i32 to index
          %get3A_770 = arith.constant 0 : index
          %get3A_771 = tpu.vector_load %arg11[%get3A_768, %get3A_769, %get3A_770] {strides = array<i32>} : memref<8x16x64xf32, #tpu.memory_space<vmem>>, vector<1x1x16xf32>,
          %get3A_772 = vector.shape_cast %get3A_771 : vector<1x1x16xf32> to vector<16xf32>
          %swap3A = arith.index_cast %sub3A_672 : i32 to index
          %swap3A_773 = arith.constant 0 : index
          %swap3A_774 = tpu.vector_load %arg10[%swap3A, %swap3A_773] {strides = array<i32>} : memref<256x64xf32, #tpu.memory_space<vmem>>, vector<1x16xf32>,
          %swap3A_775 = vector.shape_cast %swap3A_774 : vector<1x16xf32> to vector<16xf32>
          %swap3A_776 = vector.shape_cast %get3A_772 : vector<16xf32> to vector<1x16xf32>
          tpu.vector_store %arg10[%swap3A, %swap3A_773], %swap3A_776 {strides = array<i32>} : memref<256x64xf32, #tpu.memory_space<vmem>>, vector<1x16xf32>,
          %get3A_777 = arith.constant 7 : i32
          %get3A_778 = arith.index_cast %scan3A_359 : i32 to index
          %get3A_779 = arith.index_cast %get3A_777 : i32 to index
          %get3A_780 = arith.constant 16 : index
          %get3A_781 = tpu.vector_load %arg11[%get3A_778, %get3A_779, %get3A_780] {strides = array<i32>} : memref<8x16x64xf32, #tpu.memory_space<vmem>>, vector<1x1x16xf32>,
          %get3A_782 = vector.shape_cast %get3A_781 : vector<1x1x16xf32> to vector<16xf32>
          %swap3A_783 = arith.index_cast %sub3A_672 : i32 to index
          %swap3A_784 = arith.constant 16 : index
          %swap3A_785 = tpu.vector_load %arg10[%swap3A_783, %swap3A_784] {strides = array<i32>} : memref<256x64xf32, #tpu.memory_space<vmem>>, vector<1x16xf32>,
          %swap3A_786 = vector.shape_cast %swap3A_785 : vector<1x16xf32> to vector<16xf32>
          %swap3A_787 = vector.shape_cast %get3A_782 : vector<16xf32> to vector<1x16xf32>
          tpu.vector_store %arg10[%swap3A_783, %swap3A_784], %swap3A_787 {strides = array<i32>} : memref<256x64xf32, #tpu.memory_space<vmem>>, vector<1x16xf32>,
          %get3A_788 = arith.constant 7 : i32
          %get3A_789 = arith.index_cast %scan3A_359 : i32 to index
          %get3A_790 = arith.index_cast %get3A_788 : i32 to index
          %get3A_791 = arith.constant 32 : index
          %get3A_792 = tpu.vector_load %arg11[%get3A_789, %get3A_790, %get3A_791] {strides = array<i32>} : memref<8x16x64xf32, #tpu.memory_space<vmem>>, vector<1x1x16xf32>,
          %get3A_793 = vector.shape_cast %get3A_792 : vector<1x1x16xf32> to vector<16xf32>
          %swap3A_794 = arith.index_cast %sub3A_672 : i32 to index
          %swap3A_795 = arith.constant 32 : index
          %swap3A_796 = tpu.vector_load %arg10[%swap3A_794, %swap3A_795] {strides = array<i32>} : memref<256x64xf32, #tpu.memory_space<vmem>>, vector<1x16xf32>,
          %swap3A_797 = vector.shape_cast %swap3A_796 : vector<1x16xf32> to vector<16xf32>
          %swap3A_798 = vector.shape_cast %get3A_793 : vector<16xf32> to vector<1x16xf32>
          tpu.vector_store %arg10[%swap3A_794, %swap3A_795], %swap3A_798 {strides = array<i32>} : memref<256x64xf32, #tpu.memory_space<vmem>>, vector<1x16xf32>,
          %get3A_799 = arith.constant 7 : i32
          %get3A_800 = arith.index_cast %scan3A_359 : i32 to index
          %get3A_801 = arith.index_cast %get3A_799 : i32 to index
          %get3A_802 = arith.constant 48 : index
          %get3A_803 = tpu.vector_load %arg11[%get3A_800, %get3A_801, %get3A_802] {strides = array<i32>} : memref<8x16x64xf32, #tpu.memory_space<vmem>>, vector<1x1x16xf32>,
          %get3A_804 = vector.shape_cast %get3A_803 : vector<1x1x16xf32> to vector<16xf32>
          %swap3A_805 = arith.index_cast %sub3A_672 : i32 to index
          %swap3A_806 = arith.constant 48 : index
          %swap3A_807 = tpu.vector_load %arg10[%swap3A_805, %swap3A_806] {strides = array<i32>} : memref<256x64xf32, #tpu.memory_space<vmem>>, vector<1x16xf32>,
          %swap3A_808 = vector.shape_cast %swap3A_807 : vector<1x16xf32> to vector<16xf32>
          %swap3A_809 = vector.shape_cast %get3A_804 : vector<16xf32> to vector<1x16xf32>
          tpu.vector_store %arg10[%swap3A_805, %swap3A_806], %swap3A_809 {strides = array<i32>} : memref<256x64xf32, #tpu.memory_space<vmem>>, vector<1x16xf32>,
        } else {
        }
        %sub3A_681 = arith.subi %squeeze3A_18, %mul3A_608 : i32
        %ge3A_682 = arith.constant 0 : i32
        %ge3A_683 = arith.cmpi sge, %sub3A_681, %ge3A_682 : i32
        %lt3A_684 = arith.constant 256 : i32
        %lt3A_685 = arith.cmpi slt, %sub3A_681, %lt3A_684 : i32
        %and3A_686 = arith.andi %ge3A_683, %lt3A_685 : i1
        %convert_element_type3A_687 = arith.extui %and3A_686 : i1 to i32
        %cond3A_688 = arith.constant 0 : i32
        %cond3A_689 = arith.cmpi ne, %convert_element_type3A_687, %cond3A_688 : i32
        scf.if %cond3A_689 {
          %get3A_767 = arith.constant 8 : i32
          %get3A_768 = arith.index_cast %scan3A_359 : i32 to index
          %get3A_769 = arith.index_cast %get3A_767 : i32 to index
          %get3A_770 = arith.constant 0 : index
          %get3A_771 = tpu.vector_load %arg11[%get3A_768, %get3A_769, %get3A_770] {strides = array<i32>} : memref<8x16x64xf32, #tpu.memory_space<vmem>>, vector<1x1x16xf32>,
          %get3A_772 = vector.shape_cast %get3A_771 : vector<1x1x16xf32> to vector<16xf32>
          %swap3A = arith.index_cast %sub3A_681 : i32 to index
          %swap3A_773 = arith.constant 0 : index
          %swap3A_774 = tpu.vector_load %arg10[%swap3A, %swap3A_773] {strides = array<i32>} : memref<256x64xf32, #tpu.memory_space<vmem>>, vector<1x16xf32>,
          %swap3A_775 = vector.shape_cast %swap3A_774 : vector<1x16xf32> to vector<16xf32>
          %swap3A_776 = vector.shape_cast %get3A_772 : vector<16xf32> to vector<1x16xf32>
          tpu.vector_store %arg10[%swap3A, %swap3A_773], %swap3A_776 {strides = array<i32>} : memref<256x64xf32, #tpu.memory_space<vmem>>, vector<1x16xf32>,
          %get3A_777 = arith.constant 8 : i32
          %get3A_778 = arith.index_cast %scan3A_359 : i32 to index
          %get3A_779 = arith.index_cast %get3A_777 : i32 to index
          %get3A_780 = arith.constant 16 : index
          %get3A_781 = tpu.vector_load %arg11[%get3A_778, %get3A_779, %get3A_780] {strides = array<i32>} : memref<8x16x64xf32, #tpu.memory_space<vmem>>, vector<1x1x16xf32>,
          %get3A_782 = vector.shape_cast %get3A_781 : vector<1x1x16xf32> to vector<16xf32>
          %swap3A_783 = arith.index_cast %sub3A_681 : i32 to index
          %swap3A_784 = arith.constant 16 : index
          %swap3A_785 = tpu.vector_load %arg10[%swap3A_783, %swap3A_784] {strides = array<i32>} : memref<256x64xf32, #tpu.memory_space<vmem>>, vector<1x16xf32>,
          %swap3A_786 = vector.shape_cast %swap3A_785 : vector<1x16xf32> to vector<16xf32>
          %swap3A_787 = vector.shape_cast %get3A_782 : vector<16xf32> to vector<1x16xf32>
          tpu.vector_store %arg10[%swap3A_783, %swap3A_784], %swap3A_787 {strides = array<i32>} : memref<256x64xf32, #tpu.memory_space<vmem>>, vector<1x16xf32>,
          %get3A_788 = arith.constant 8 : i32
          %get3A_789 = arith.index_cast %scan3A_359 : i32 to index
          %get3A_790 = arith.index_cast %get3A_788 : i32 to index
          %get3A_791 = arith.constant 32 : index
          %get3A_792 = tpu.vector_load %arg11[%get3A_789, %get3A_790, %get3A_791] {strides = array<i32>} : memref<8x16x64xf32, #tpu.memory_space<vmem>>, vector<1x1x16xf32>,
          %get3A_793 = vector.shape_cast %get3A_792 : vector<1x1x16xf32> to vector<16xf32>
          %swap3A_794 = arith.index_cast %sub3A_681 : i32 to index
          %swap3A_795 = arith.constant 32 : index
          %swap3A_796 = tpu.vector_load %arg10[%swap3A_794, %swap3A_795] {strides = array<i32>} : memref<256x64xf32, #tpu.memory_space<vmem>>, vector<1x16xf32>,
          %swap3A_797 = vector.shape_cast %swap3A_796 : vector<1x16xf32> to vector<16xf32>
          %swap3A_798 = vector.shape_cast %get3A_793 : vector<16xf32> to vector<1x16xf32>
          tpu.vector_store %arg10[%swap3A_794, %swap3A_795], %swap3A_798 {strides = array<i32>} : memref<256x64xf32, #tpu.memory_space<vmem>>, vector<1x16xf32>,
          %get3A_799 = arith.constant 8 : i32
          %get3A_800 = arith.index_cast %scan3A_359 : i32 to index
          %get3A_801 = arith.index_cast %get3A_799 : i32 to index
          %get3A_802 = arith.constant 48 : index
          %get3A_803 = tpu.vector_load %arg11[%get3A_800, %get3A_801, %get3A_802] {strides = array<i32>} : memref<8x16x64xf32, #tpu.memory_space<vmem>>, vector<1x1x16xf32>,
          %get3A_804 = vector.shape_cast %get3A_803 : vector<1x1x16xf32> to vector<16xf32>
          %swap3A_805 = arith.index_cast %sub3A_681 : i32 to index
          %swap3A_806 = arith.constant 48 : index
          %swap3A_807 = tpu.vector_load %arg10[%swap3A_805, %swap3A_806] {strides = array<i32>} : memref<256x64xf32, #tpu.memory_space<vmem>>, vector<1x16xf32>,
          %swap3A_808 = vector.shape_cast %swap3A_807 : vector<1x16xf32> to vector<16xf32>
          %swap3A_809 = vector.shape_cast %get3A_804 : vector<16xf32> to vector<1x16xf32>
          tpu.vector_store %arg10[%swap3A_805, %swap3A_806], %swap3A_809 {strides = array<i32>} : memref<256x64xf32, #tpu.memory_space<vmem>>, vector<1x16xf32>,
        } else {
        }
        %sub3A_690 = arith.subi %squeeze3A_20, %mul3A_608 : i32
        %ge3A_691 = arith.constant 0 : i32
        %ge3A_692 = arith.cmpi sge, %sub3A_690, %ge3A_691 : i32
        %lt3A_693 = arith.constant 256 : i32
        %lt3A_694 = arith.cmpi slt, %sub3A_690, %lt3A_693 : i32
        %and3A_695 = arith.andi %ge3A_692, %lt3A_694 : i1
        %convert_element_type3A_696 = arith.extui %and3A_695 : i1 to i32
        %cond3A_697 = arith.constant 0 : i32
        %cond3A_698 = arith.cmpi ne, %convert_element_type3A_696, %cond3A_697 : i32
        scf.if %cond3A_698 {
          %get3A_767 = arith.constant 9 : i32
          %get3A_768 = arith.index_cast %scan3A_359 : i32 to index
          %get3A_769 = arith.index_cast %get3A_767 : i32 to index
          %get3A_770 = arith.constant 0 : index
          %get3A_771 = tpu.vector_load %arg11[%get3A_768, %get3A_769, %get3A_770] {strides = array<i32>} : memref<8x16x64xf32, #tpu.memory_space<vmem>>, vector<1x1x16xf32>,
          %get3A_772 = vector.shape_cast %get3A_771 : vector<1x1x16xf32> to vector<16xf32>
          %swap3A = arith.index_cast %sub3A_690 : i32 to index
          %swap3A_773 = arith.constant 0 : index
          %swap3A_774 = tpu.vector_load %arg10[%swap3A, %swap3A_773] {strides = array<i32>} : memref<256x64xf32, #tpu.memory_space<vmem>>, vector<1x16xf32>,
          %swap3A_775 = vector.shape_cast %swap3A_774 : vector<1x16xf32> to vector<16xf32>
          %swap3A_776 = vector.shape_cast %get3A_772 : vector<16xf32> to vector<1x16xf32>
          tpu.vector_store %arg10[%swap3A, %swap3A_773], %swap3A_776 {strides = array<i32>} : memref<256x64xf32, #tpu.memory_space<vmem>>, vector<1x16xf32>,
          %get3A_777 = arith.constant 9 : i32
          %get3A_778 = arith.index_cast %scan3A_359 : i32 to index
          %get3A_779 = arith.index_cast %get3A_777 : i32 to index
          %get3A_780 = arith.constant 16 : index
          %get3A_781 = tpu.vector_load %arg11[%get3A_778, %get3A_779, %get3A_780] {strides = array<i32>} : memref<8x16x64xf32, #tpu.memory_space<vmem>>, vector<1x1x16xf32>,
          %get3A_782 = vector.shape_cast %get3A_781 : vector<1x1x16xf32> to vector<16xf32>
          %swap3A_783 = arith.index_cast %sub3A_690 : i32 to index
          %swap3A_784 = arith.constant 16 : index
          %swap3A_785 = tpu.vector_load %arg10[%swap3A_783, %swap3A_784] {strides = array<i32>} : memref<256x64xf32, #tpu.memory_space<vmem>>, vector<1x16xf32>,
          %swap3A_786 = vector.shape_cast %swap3A_785 : vector<1x16xf32> to vector<16xf32>
          %swap3A_787 = vector.shape_cast %get3A_782 : vector<16xf32> to vector<1x16xf32>
          tpu.vector_store %arg10[%swap3A_783, %swap3A_784], %swap3A_787 {strides = array<i32>} : memref<256x64xf32, #tpu.memory_space<vmem>>, vector<1x16xf32>,
          %get3A_788 = arith.constant 9 : i32
          %get3A_789 = arith.index_cast %scan3A_359 : i32 to index
          %get3A_790 = arith.index_cast %get3A_788 : i32 to index
          %get3A_791 = arith.constant 32 : index
          %get3A_792 = tpu.vector_load %arg11[%get3A_789, %get3A_790, %get3A_791] {strides = array<i32>} : memref<8x16x64xf32, #tpu.memory_space<vmem>>, vector<1x1x16xf32>,
          %get3A_793 = vector.shape_cast %get3A_792 : vector<1x1x16xf32> to vector<16xf32>
          %swap3A_794 = arith.index_cast %sub3A_690 : i32 to index
          %swap3A_795 = arith.constant 32 : index
          %swap3A_796 = tpu.vector_load %arg10[%swap3A_794, %swap3A_795] {strides = array<i32>} : memref<256x64xf32, #tpu.memory_space<vmem>>, vector<1x16xf32>,
          %swap3A_797 = vector.shape_cast %swap3A_796 : vector<1x16xf32> to vector<16xf32>
          %swap3A_798 = vector.shape_cast %get3A_793 : vector<16xf32> to vector<1x16xf32>
          tpu.vector_store %arg10[%swap3A_794, %swap3A_795], %swap3A_798 {strides = array<i32>} : memref<256x64xf32, #tpu.memory_space<vmem>>, vector<1x16xf32>,
          %get3A_799 = arith.constant 9 : i32
          %get3A_800 = arith.index_cast %scan3A_359 : i32 to index
          %get3A_801 = arith.index_cast %get3A_799 : i32 to index
          %get3A_802 = arith.constant 48 : index
          %get3A_803 = tpu.vector_load %arg11[%get3A_800, %get3A_801, %get3A_802] {strides = array<i32>} : memref<8x16x64xf32, #tpu.memory_space<vmem>>, vector<1x1x16xf32>,
          %get3A_804 = vector.shape_cast %get3A_803 : vector<1x1x16xf32> to vector<16xf32>
          %swap3A_805 = arith.index_cast %sub3A_690 : i32 to index
          %swap3A_806 = arith.constant 48 : index
          %swap3A_807 = tpu.vector_load %arg10[%swap3A_805, %swap3A_806] {strides = array<i32>} : memref<256x64xf32, #tpu.memory_space<vmem>>, vector<1x16xf32>,
          %swap3A_808 = vector.shape_cast %swap3A_807 : vector<1x16xf32> to vector<16xf32>
          %swap3A_809 = vector.shape_cast %get3A_804 : vector<16xf32> to vector<1x16xf32>
          tpu.vector_store %arg10[%swap3A_805, %swap3A_806], %swap3A_809 {strides = array<i32>} : memref<256x64xf32, #tpu.memory_space<vmem>>, vector<1x16xf32>,
        } else {
        }
        %sub3A_699 = arith.subi %squeeze3A_22, %mul3A_608 : i32
        %ge3A_700 = arith.constant 0 : i32
        %ge3A_701 = arith.cmpi sge, %sub3A_699, %ge3A_700 : i32
        %lt3A_702 = arith.constant 256 : i32
        %lt3A_703 = arith.cmpi slt, %sub3A_699, %lt3A_702 : i32
        %and3A_704 = arith.andi %ge3A_701, %lt3A_703 : i1
        %convert_element_type3A_705 = arith.extui %and3A_704 : i1 to i32
        %cond3A_706 = arith.constant 0 : i32
        %cond3A_707 = arith.cmpi ne, %convert_element_type3A_705, %cond3A_706 : i32
        scf.if %cond3A_707 {
          %get3A_767 = arith.constant 10 : i32
          %get3A_768 = arith.index_cast %scan3A_359 : i32 to index
          %get3A_769 = arith.index_cast %get3A_767 : i32 to index
          %get3A_770 = arith.constant 0 : index
          %get3A_771 = tpu.vector_load %arg11[%get3A_768, %get3A_769, %get3A_770] {strides = array<i32>} : memref<8x16x64xf32, #tpu.memory_space<vmem>>, vector<1x1x16xf32>,
          %get3A_772 = vector.shape_cast %get3A_771 : vector<1x1x16xf32> to vector<16xf32>
          %swap3A = arith.index_cast %sub3A_699 : i32 to index
          %swap3A_773 = arith.constant 0 : index
          %swap3A_774 = tpu.vector_load %arg10[%swap3A, %swap3A_773] {strides = array<i32>} : memref<256x64xf32, #tpu.memory_space<vmem>>, vector<1x16xf32>,
          %swap3A_775 = vector.shape_cast %swap3A_774 : vector<1x16xf32> to vector<16xf32>
          %swap3A_776 = vector.shape_cast %get3A_772 : vector<16xf32> to vector<1x16xf32>
          tpu.vector_store %arg10[%swap3A, %swap3A_773], %swap3A_776 {strides = array<i32>} : memref<256x64xf32, #tpu.memory_space<vmem>>, vector<1x16xf32>,
          %get3A_777 = arith.constant 10 : i32
          %get3A_778 = arith.index_cast %scan3A_359 : i32 to index
          %get3A_779 = arith.index_cast %get3A_777 : i32 to index
          %get3A_780 = arith.constant 16 : index
          %get3A_781 = tpu.vector_load %arg11[%get3A_778, %get3A_779, %get3A_780] {strides = array<i32>} : memref<8x16x64xf32, #tpu.memory_space<vmem>>, vector<1x1x16xf32>,
          %get3A_782 = vector.shape_cast %get3A_781 : vector<1x1x16xf32> to vector<16xf32>
          %swap3A_783 = arith.index_cast %sub3A_699 : i32 to index
          %swap3A_784 = arith.constant 16 : index
          %swap3A_785 = tpu.vector_load %arg10[%swap3A_783, %swap3A_784] {strides = array<i32>} : memref<256x64xf32, #tpu.memory_space<vmem>>, vector<1x16xf32>,
          %swap3A_786 = vector.shape_cast %swap3A_785 : vector<1x16xf32> to vector<16xf32>
          %swap3A_787 = vector.shape_cast %get3A_782 : vector<16xf32> to vector<1x16xf32>
          tpu.vector_store %arg10[%swap3A_783, %swap3A_784], %swap3A_787 {strides = array<i32>} : memref<256x64xf32, #tpu.memory_space<vmem>>, vector<1x16xf32>,
          %get3A_788 = arith.constant 10 : i32
          %get3A_789 = arith.index_cast %scan3A_359 : i32 to index
          %get3A_790 = arith.index_cast %get3A_788 : i32 to index
          %get3A_791 = arith.constant 32 : index
          %get3A_792 = tpu.vector_load %arg11[%get3A_789, %get3A_790, %get3A_791] {strides = array<i32>} : memref<8x16x64xf32, #tpu.memory_space<vmem>>, vector<1x1x16xf32>,
          %get3A_793 = vector.shape_cast %get3A_792 : vector<1x1x16xf32> to vector<16xf32>
          %swap3A_794 = arith.index_cast %sub3A_699 : i32 to index
          %swap3A_795 = arith.constant 32 : index
          %swap3A_796 = tpu.vector_load %arg10[%swap3A_794, %swap3A_795] {strides = array<i32>} : memref<256x64xf32, #tpu.memory_space<vmem>>, vector<1x16xf32>,
          %swap3A_797 = vector.shape_cast %swap3A_796 : vector<1x16xf32> to vector<16xf32>
          %swap3A_798 = vector.shape_cast %get3A_793 : vector<16xf32> to vector<1x16xf32>
          tpu.vector_store %arg10[%swap3A_794, %swap3A_795], %swap3A_798 {strides = array<i32>} : memref<256x64xf32, #tpu.memory_space<vmem>>, vector<1x16xf32>,
          %get3A_799 = arith.constant 10 : i32
          %get3A_800 = arith.index_cast %scan3A_359 : i32 to index
          %get3A_801 = arith.index_cast %get3A_799 : i32 to index
          %get3A_802 = arith.constant 48 : index
          %get3A_803 = tpu.vector_load %arg11[%get3A_800, %get3A_801, %get3A_802] {strides = array<i32>} : memref<8x16x64xf32, #tpu.memory_space<vmem>>, vector<1x1x16xf32>,
          %get3A_804 = vector.shape_cast %get3A_803 : vector<1x1x16xf32> to vector<16xf32>
          %swap3A_805 = arith.index_cast %sub3A_699 : i32 to index
          %swap3A_806 = arith.constant 48 : index
          %swap3A_807 = tpu.vector_load %arg10[%swap3A_805, %swap3A_806] {strides = array<i32>} : memref<256x64xf32, #tpu.memory_space<vmem>>, vector<1x16xf32>,
          %swap3A_808 = vector.shape_cast %swap3A_807 : vector<1x16xf32> to vector<16xf32>
          %swap3A_809 = vector.shape_cast %get3A_804 : vector<16xf32> to vector<1x16xf32>
          tpu.vector_store %arg10[%swap3A_805, %swap3A_806], %swap3A_809 {strides = array<i32>} : memref<256x64xf32, #tpu.memory_space<vmem>>, vector<1x16xf32>,
        } else {
        }
        %sub3A_708 = arith.subi %squeeze3A_24, %mul3A_608 : i32
        %ge3A_709 = arith.constant 0 : i32
        %ge3A_710 = arith.cmpi sge, %sub3A_708, %ge3A_709 : i32
        %lt3A_711 = arith.constant 256 : i32
        %lt3A_712 = arith.cmpi slt, %sub3A_708, %lt3A_711 : i32
        %and3A_713 = arith.andi %ge3A_710, %lt3A_712 : i1
        %convert_element_type3A_714 = arith.extui %and3A_713 : i1 to i32
        %cond3A_715 = arith.constant 0 : i32
        %cond3A_716 = arith.cmpi ne, %convert_element_type3A_714, %cond3A_715 : i32
        scf.if %cond3A_716 {
          %get3A_767 = arith.constant 11 : i32
          %get3A_768 = arith.index_cast %scan3A_359 : i32 to index
          %get3A_769 = arith.index_cast %get3A_767 : i32 to index
          %get3A_770 = arith.constant 0 : index
          %get3A_771 = tpu.vector_load %arg11[%get3A_768, %get3A_769, %get3A_770] {strides = array<i32>} : memref<8x16x64xf32, #tpu.memory_space<vmem>>, vector<1x1x16xf32>,
          %get3A_772 = vector.shape_cast %get3A_771 : vector<1x1x16xf32> to vector<16xf32>
          %swap3A = arith.index_cast %sub3A_708 : i32 to index
          %swap3A_773 = arith.constant 0 : index
          %swap3A_774 = tpu.vector_load %arg10[%swap3A, %swap3A_773] {strides = array<i32>} : memref<256x64xf32, #tpu.memory_space<vmem>>, vector<1x16xf32>,
          %swap3A_775 = vector.shape_cast %swap3A_774 : vector<1x16xf32> to vector<16xf32>
          %swap3A_776 = vector.shape_cast %get3A_772 : vector<16xf32> to vector<1x16xf32>
          tpu.vector_store %arg10[%swap3A, %swap3A_773], %swap3A_776 {strides = array<i32>} : memref<256x64xf32, #tpu.memory_space<vmem>>, vector<1x16xf32>,
          %get3A_777 = arith.constant 11 : i32
          %get3A_778 = arith.index_cast %scan3A_359 : i32 to index
          %get3A_779 = arith.index_cast %get3A_777 : i32 to index
          %get3A_780 = arith.constant 16 : index
          %get3A_781 = tpu.vector_load %arg11[%get3A_778, %get3A_779, %get3A_780] {strides = array<i32>} : memref<8x16x64xf32, #tpu.memory_space<vmem>>, vector<1x1x16xf32>,
          %get3A_782 = vector.shape_cast %get3A_781 : vector<1x1x16xf32> to vector<16xf32>
          %swap3A_783 = arith.index_cast %sub3A_708 : i32 to index
          %swap3A_784 = arith.constant 16 : index
          %swap3A_785 = tpu.vector_load %arg10[%swap3A_783, %swap3A_784] {strides = array<i32>} : memref<256x64xf32, #tpu.memory_space<vmem>>, vector<1x16xf32>,
          %swap3A_786 = vector.shape_cast %swap3A_785 : vector<1x16xf32> to vector<16xf32>
          %swap3A_787 = vector.shape_cast %get3A_782 : vector<16xf32> to vector<1x16xf32>
          tpu.vector_store %arg10[%swap3A_783, %swap3A_784], %swap3A_787 {strides = array<i32>} : memref<256x64xf32, #tpu.memory_space<vmem>>, vector<1x16xf32>,
          %get3A_788 = arith.constant 11 : i32
          %get3A_789 = arith.index_cast %scan3A_359 : i32 to index
          %get3A_790 = arith.index_cast %get3A_788 : i32 to index
          %get3A_791 = arith.constant 32 : index
          %get3A_792 = tpu.vector_load %arg11[%get3A_789, %get3A_790, %get3A_791] {strides = array<i32>} : memref<8x16x64xf32, #tpu.memory_space<vmem>>, vector<1x1x16xf32>,
          %get3A_793 = vector.shape_cast %get3A_792 : vector<1x1x16xf32> to vector<16xf32>
          %swap3A_794 = arith.index_cast %sub3A_708 : i32 to index
          %swap3A_795 = arith.constant 32 : index
          %swap3A_796 = tpu.vector_load %arg10[%swap3A_794, %swap3A_795] {strides = array<i32>} : memref<256x64xf32, #tpu.memory_space<vmem>>, vector<1x16xf32>,
          %swap3A_797 = vector.shape_cast %swap3A_796 : vector<1x16xf32> to vector<16xf32>
          %swap3A_798 = vector.shape_cast %get3A_793 : vector<16xf32> to vector<1x16xf32>
          tpu.vector_store %arg10[%swap3A_794, %swap3A_795], %swap3A_798 {strides = array<i32>} : memref<256x64xf32, #tpu.memory_space<vmem>>, vector<1x16xf32>,
          %get3A_799 = arith.constant 11 : i32
          %get3A_800 = arith.index_cast %scan3A_359 : i32 to index
          %get3A_801 = arith.index_cast %get3A_799 : i32 to index
          %get3A_802 = arith.constant 48 : index
          %get3A_803 = tpu.vector_load %arg11[%get3A_800, %get3A_801, %get3A_802] {strides = array<i32>} : memref<8x16x64xf32, #tpu.memory_space<vmem>>, vector<1x1x16xf32>,
          %get3A_804 = vector.shape_cast %get3A_803 : vector<1x1x16xf32> to vector<16xf32>
          %swap3A_805 = arith.index_cast %sub3A_708 : i32 to index
          %swap3A_806 = arith.constant 48 : index
          %swap3A_807 = tpu.vector_load %arg10[%swap3A_805, %swap3A_806] {strides = array<i32>} : memref<256x64xf32, #tpu.memory_space<vmem>>, vector<1x16xf32>,
          %swap3A_808 = vector.shape_cast %swap3A_807 : vector<1x16xf32> to vector<16xf32>
          %swap3A_809 = vector.shape_cast %get3A_804 : vector<16xf32> to vector<1x16xf32>
          tpu.vector_store %arg10[%swap3A_805, %swap3A_806], %swap3A_809 {strides = array<i32>} : memref<256x64xf32, #tpu.memory_space<vmem>>, vector<1x16xf32>,
        } else {
        }
        %sub3A_717 = arith.subi %squeeze3A_26, %mul3A_608 : i32
        %ge3A_718 = arith.constant 0 : i32
        %ge3A_719 = arith.cmpi sge, %sub3A_717, %ge3A_718 : i32
        %lt3A_720 = arith.constant 256 : i32
        %lt3A_721 = arith.cmpi slt, %sub3A_717, %lt3A_720 : i32
        %and3A_722 = arith.andi %ge3A_719, %lt3A_721 : i1
        %convert_element_type3A_723 = arith.extui %and3A_722 : i1 to i32
        %cond3A_724 = arith.constant 0 : i32
        %cond3A_725 = arith.cmpi ne, %convert_element_type3A_723, %cond3A_724 : i32
        scf.if %cond3A_725 {
          %get3A_767 = arith.constant 12 : i32
          %get3A_768 = arith.index_cast %scan3A_359 : i32 to index
          %get3A_769 = arith.index_cast %get3A_767 : i32 to index
          %get3A_770 = arith.constant 0 : index
          %get3A_771 = tpu.vector_load %arg11[%get3A_768, %get3A_769, %get3A_770] {strides = array<i32>} : memref<8x16x64xf32, #tpu.memory_space<vmem>>, vector<1x1x16xf32>,
          %get3A_772 = vector.shape_cast %get3A_771 : vector<1x1x16xf32> to vector<16xf32>
          %swap3A = arith.index_cast %sub3A_717 : i32 to index
          %swap3A_773 = arith.constant 0 : index
          %swap3A_774 = tpu.vector_load %arg10[%swap3A, %swap3A_773] {strides = array<i32>} : memref<256x64xf32, #tpu.memory_space<vmem>>, vector<1x16xf32>,
          %swap3A_775 = vector.shape_cast %swap3A_774 : vector<1x16xf32> to vector<16xf32>
          %swap3A_776 = vector.shape_cast %get3A_772 : vector<16xf32> to vector<1x16xf32>
          tpu.vector_store %arg10[%swap3A, %swap3A_773], %swap3A_776 {strides = array<i32>} : memref<256x64xf32, #tpu.memory_space<vmem>>, vector<1x16xf32>,
          %get3A_777 = arith.constant 12 : i32
          %get3A_778 = arith.index_cast %scan3A_359 : i32 to index
          %get3A_779 = arith.index_cast %get3A_777 : i32 to index
          %get3A_780 = arith.constant 16 : index
          %get3A_781 = tpu.vector_load %arg11[%get3A_778, %get3A_779, %get3A_780] {strides = array<i32>} : memref<8x16x64xf32, #tpu.memory_space<vmem>>, vector<1x1x16xf32>,
          %get3A_782 = vector.shape_cast %get3A_781 : vector<1x1x16xf32> to vector<16xf32>
          %swap3A_783 = arith.index_cast %sub3A_717 : i32 to index
          %swap3A_784 = arith.constant 16 : index
          %swap3A_785 = tpu.vector_load %arg10[%swap3A_783, %swap3A_784] {strides = array<i32>} : memref<256x64xf32, #tpu.memory_space<vmem>>, vector<1x16xf32>,
          %swap3A_786 = vector.shape_cast %swap3A_785 : vector<1x16xf32> to vector<16xf32>
          %swap3A_787 = vector.shape_cast %get3A_782 : vector<16xf32> to vector<1x16xf32>
          tpu.vector_store %arg10[%swap3A_783, %swap3A_784], %swap3A_787 {strides = array<i32>} : memref<256x64xf32, #tpu.memory_space<vmem>>, vector<1x16xf32>,
          %get3A_788 = arith.constant 12 : i32
          %get3A_789 = arith.index_cast %scan3A_359 : i32 to index
          %get3A_790 = arith.index_cast %get3A_788 : i32 to index
          %get3A_791 = arith.constant 32 : index
          %get3A_792 = tpu.vector_load %arg11[%get3A_789, %get3A_790, %get3A_791] {strides = array<i32>} : memref<8x16x64xf32, #tpu.memory_space<vmem>>, vector<1x1x16xf32>,
          %get3A_793 = vector.shape_cast %get3A_792 : vector<1x1x16xf32> to vector<16xf32>
          %swap3A_794 = arith.index_cast %sub3A_717 : i32 to index
          %swap3A_795 = arith.constant 32 : index
          %swap3A_796 = tpu.vector_load %arg10[%swap3A_794, %swap3A_795] {strides = array<i32>} : memref<256x64xf32, #tpu.memory_space<vmem>>, vector<1x16xf32>,
          %swap3A_797 = vector.shape_cast %swap3A_796 : vector<1x16xf32> to vector<16xf32>
          %swap3A_798 = vector.shape_cast %get3A_793 : vector<16xf32> to vector<1x16xf32>
          tpu.vector_store %arg10[%swap3A_794, %swap3A_795], %swap3A_798 {strides = array<i32>} : memref<256x64xf32, #tpu.memory_space<vmem>>, vector<1x16xf32>,
          %get3A_799 = arith.constant 12 : i32
          %get3A_800 = arith.index_cast %scan3A_359 : i32 to index
          %get3A_801 = arith.index_cast %get3A_799 : i32 to index
          %get3A_802 = arith.constant 48 : index
          %get3A_803 = tpu.vector_load %arg11[%get3A_800, %get3A_801, %get3A_802] {strides = array<i32>} : memref<8x16x64xf32, #tpu.memory_space<vmem>>, vector<1x1x16xf32>,
          %get3A_804 = vector.shape_cast %get3A_803 : vector<1x1x16xf32> to vector<16xf32>
          %swap3A_805 = arith.index_cast %sub3A_717 : i32 to index
          %swap3A_806 = arith.constant 48 : index
          %swap3A_807 = tpu.vector_load %arg10[%swap3A_805, %swap3A_806] {strides = array<i32>} : memref<256x64xf32, #tpu.memory_space<vmem>>, vector<1x16xf32>,
          %swap3A_808 = vector.shape_cast %swap3A_807 : vector<1x16xf32> to vector<16xf32>
          %swap3A_809 = vector.shape_cast %get3A_804 : vector<16xf32> to vector<1x16xf32>
          tpu.vector_store %arg10[%swap3A_805, %swap3A_806], %swap3A_809 {strides = array<i32>} : memref<256x64xf32, #tpu.memory_space<vmem>>, vector<1x16xf32>,
        } else {
        }
        %sub3A_726 = arith.subi %squeeze3A_28, %mul3A_608 : i32
        %ge3A_727 = arith.constant 0 : i32
        %ge3A_728 = arith.cmpi sge, %sub3A_726, %ge3A_727 : i32
        %lt3A_729 = arith.constant 256 : i32
        %lt3A_730 = arith.cmpi slt, %sub3A_726, %lt3A_729 : i32
        %and3A_731 = arith.andi %ge3A_728, %lt3A_730 : i1
        %convert_element_type3A_732 = arith.extui %and3A_731 : i1 to i32
        %cond3A_733 = arith.constant 0 : i32
        %cond3A_734 = arith.cmpi ne, %convert_element_type3A_732, %cond3A_733 : i32
        scf.if %cond3A_734 {
          %get3A_767 = arith.constant 13 : i32
          %get3A_768 = arith.index_cast %scan3A_359 : i32 to index
          %get3A_769 = arith.index_cast %get3A_767 : i32 to index
          %get3A_770 = arith.constant 0 : index
          %get3A_771 = tpu.vector_load %arg11[%get3A_768, %get3A_769, %get3A_770] {strides = array<i32>} : memref<8x16x64xf32, #tpu.memory_space<vmem>>, vector<1x1x16xf32>,
          %get3A_772 = vector.shape_cast %get3A_771 : vector<1x1x16xf32> to vector<16xf32>
          %swap3A = arith.index_cast %sub3A_726 : i32 to index
          %swap3A_773 = arith.constant 0 : index
          %swap3A_774 = tpu.vector_load %arg10[%swap3A, %swap3A_773] {strides = array<i32>} : memref<256x64xf32, #tpu.memory_space<vmem>>, vector<1x16xf32>,
          %swap3A_775 = vector.shape_cast %swap3A_774 : vector<1x16xf32> to vector<16xf32>
          %swap3A_776 = vector.shape_cast %get3A_772 : vector<16xf32> to vector<1x16xf32>
          tpu.vector_store %arg10[%swap3A, %swap3A_773], %swap3A_776 {strides = array<i32>} : memref<256x64xf32, #tpu.memory_space<vmem>>, vector<1x16xf32>,
          %get3A_777 = arith.constant 13 : i32
          %get3A_778 = arith.index_cast %scan3A_359 : i32 to index
          %get3A_779 = arith.index_cast %get3A_777 : i32 to index
          %get3A_780 = arith.constant 16 : index
          %get3A_781 = tpu.vector_load %arg11[%get3A_778, %get3A_779, %get3A_780] {strides = array<i32>} : memref<8x16x64xf32, #tpu.memory_space<vmem>>, vector<1x1x16xf32>,
          %get3A_782 = vector.shape_cast %get3A_781 : vector<1x1x16xf32> to vector<16xf32>
          %swap3A_783 = arith.index_cast %sub3A_726 : i32 to index
          %swap3A_784 = arith.constant 16 : index
          %swap3A_785 = tpu.vector_load %arg10[%swap3A_783, %swap3A_784] {strides = array<i32>} : memref<256x64xf32, #tpu.memory_space<vmem>>, vector<1x16xf32>,
          %swap3A_786 = vector.shape_cast %swap3A_785 : vector<1x16xf32> to vector<16xf32>
          %swap3A_787 = vector.shape_cast %get3A_782 : vector<16xf32> to vector<1x16xf32>
          tpu.vector_store %arg10[%swap3A_783, %swap3A_784], %swap3A_787 {strides = array<i32>} : memref<256x64xf32, #tpu.memory_space<vmem>>, vector<1x16xf32>,
          %get3A_788 = arith.constant 13 : i32
          %get3A_789 = arith.index_cast %scan3A_359 : i32 to index
          %get3A_790 = arith.index_cast %get3A_788 : i32 to index
          %get3A_791 = arith.constant 32 : index
          %get3A_792 = tpu.vector_load %arg11[%get3A_789, %get3A_790, %get3A_791] {strides = array<i32>} : memref<8x16x64xf32, #tpu.memory_space<vmem>>, vector<1x1x16xf32>,
          %get3A_793 = vector.shape_cast %get3A_792 : vector<1x1x16xf32> to vector<16xf32>
          %swap3A_794 = arith.index_cast %sub3A_726 : i32 to index
          %swap3A_795 = arith.constant 32 : index
          %swap3A_796 = tpu.vector_load %arg10[%swap3A_794, %swap3A_795] {strides = array<i32>} : memref<256x64xf32, #tpu.memory_space<vmem>>, vector<1x16xf32>,
          %swap3A_797 = vector.shape_cast %swap3A_796 : vector<1x16xf32> to vector<16xf32>
          %swap3A_798 = vector.shape_cast %get3A_793 : vector<16xf32> to vector<1x16xf32>
          tpu.vector_store %arg10[%swap3A_794, %swap3A_795], %swap3A_798 {strides = array<i32>} : memref<256x64xf32, #tpu.memory_space<vmem>>, vector<1x16xf32>,
          %get3A_799 = arith.constant 13 : i32
          %get3A_800 = arith.index_cast %scan3A_359 : i32 to index
          %get3A_801 = arith.index_cast %get3A_799 : i32 to index
          %get3A_802 = arith.constant 48 : index
          %get3A_803 = tpu.vector_load %arg11[%get3A_800, %get3A_801, %get3A_802] {strides = array<i32>} : memref<8x16x64xf32, #tpu.memory_space<vmem>>, vector<1x1x16xf32>,
          %get3A_804 = vector.shape_cast %get3A_803 : vector<1x1x16xf32> to vector<16xf32>
          %swap3A_805 = arith.index_cast %sub3A_726 : i32 to index
          %swap3A_806 = arith.constant 48 : index
          %swap3A_807 = tpu.vector_load %arg10[%swap3A_805, %swap3A_806] {strides = array<i32>} : memref<256x64xf32, #tpu.memory_space<vmem>>, vector<1x16xf32>,
          %swap3A_808 = vector.shape_cast %swap3A_807 : vector<1x16xf32> to vector<16xf32>
          %swap3A_809 = vector.shape_cast %get3A_804 : vector<16xf32> to vector<1x16xf32>
          tpu.vector_store %arg10[%swap3A_805, %swap3A_806], %swap3A_809 {strides = array<i32>} : memref<256x64xf32, #tpu.memory_space<vmem>>, vector<1x16xf32>,
        } else {
        }
        %sub3A_735 = arith.subi %squeeze3A_30, %mul3A_608 : i32
        %ge3A_736 = arith.constant 0 : i32
        %ge3A_737 = arith.cmpi sge, %sub3A_735, %ge3A_736 : i32
        %lt3A_738 = arith.constant 256 : i32
        %lt3A_739 = arith.cmpi slt, %sub3A_735, %lt3A_738 : i32
        %and3A_740 = arith.andi %ge3A_737, %lt3A_739 : i1
        %convert_element_type3A_741 = arith.extui %and3A_740 : i1 to i32
        %cond3A_742 = arith.constant 0 : i32
        %cond3A_743 = arith.cmpi ne, %convert_element_type3A_741, %cond3A_742 : i32
        scf.if %cond3A_743 {
          %get3A_767 = arith.constant 14 : i32
          %get3A_768 = arith.index_cast %scan3A_359 : i32 to index
          %get3A_769 = arith.index_cast %get3A_767 : i32 to index
          %get3A_770 = arith.constant 0 : index
          %get3A_771 = tpu.vector_load %arg11[%get3A_768, %get3A_769, %get3A_770] {strides = array<i32>} : memref<8x16x64xf32, #tpu.memory_space<vmem>>, vector<1x1x16xf32>,
          %get3A_772 = vector.shape_cast %get3A_771 : vector<1x1x16xf32> to vector<16xf32>
          %swap3A = arith.index_cast %sub3A_735 : i32 to index
          %swap3A_773 = arith.constant 0 : index
          %swap3A_774 = tpu.vector_load %arg10[%swap3A, %swap3A_773] {strides = array<i32>} : memref<256x64xf32, #tpu.memory_space<vmem>>, vector<1x16xf32>,
          %swap3A_775 = vector.shape_cast %swap3A_774 : vector<1x16xf32> to vector<16xf32>
          %swap3A_776 = vector.shape_cast %get3A_772 : vector<16xf32> to vector<1x16xf32>
          tpu.vector_store %arg10[%swap3A, %swap3A_773], %swap3A_776 {strides = array<i32>} : memref<256x64xf32, #tpu.memory_space<vmem>>, vector<1x16xf32>,
          %get3A_777 = arith.constant 14 : i32
          %get3A_778 = arith.index_cast %scan3A_359 : i32 to index
          %get3A_779 = arith.index_cast %get3A_777 : i32 to index
          %get3A_780 = arith.constant 16 : index
          %get3A_781 = tpu.vector_load %arg11[%get3A_778, %get3A_779, %get3A_780] {strides = array<i32>} : memref<8x16x64xf32, #tpu.memory_space<vmem>>, vector<1x1x16xf32>,
          %get3A_782 = vector.shape_cast %get3A_781 : vector<1x1x16xf32> to vector<16xf32>
          %swap3A_783 = arith.index_cast %sub3A_735 : i32 to index
          %swap3A_784 = arith.constant 16 : index
          %swap3A_785 = tpu.vector_load %arg10[%swap3A_783, %swap3A_784] {strides = array<i32>} : memref<256x64xf32, #tpu.memory_space<vmem>>, vector<1x16xf32>,
          %swap3A_786 = vector.shape_cast %swap3A_785 : vector<1x16xf32> to vector<16xf32>
          %swap3A_787 = vector.shape_cast %get3A_782 : vector<16xf32> to vector<1x16xf32>
          tpu.vector_store %arg10[%swap3A_783, %swap3A_784], %swap3A_787 {strides = array<i32>} : memref<256x64xf32, #tpu.memory_space<vmem>>, vector<1x16xf32>,
          %get3A_788 = arith.constant 14 : i32
          %get3A_789 = arith.index_cast %scan3A_359 : i32 to index
          %get3A_790 = arith.index_cast %get3A_788 : i32 to index
          %get3A_791 = arith.constant 32 : index
          %get3A_792 = tpu.vector_load %arg11[%get3A_789, %get3A_790, %get3A_791] {strides = array<i32>} : memref<8x16x64xf32, #tpu.memory_space<vmem>>, vector<1x1x16xf32>,
          %get3A_793 = vector.shape_cast %get3A_792 : vector<1x1x16xf32> to vector<16xf32>
          %swap3A_794 = arith.index_cast %sub3A_735 : i32 to index
          %swap3A_795 = arith.constant 32 : index
          %swap3A_796 = tpu.vector_load %arg10[%swap3A_794, %swap3A_795] {strides = array<i32>} : memref<256x64xf32, #tpu.memory_space<vmem>>, vector<1x16xf32>,
          %swap3A_797 = vector.shape_cast %swap3A_796 : vector<1x16xf32> to vector<16xf32>
          %swap3A_798 = vector.shape_cast %get3A_793 : vector<16xf32> to vector<1x16xf32>
          tpu.vector_store %arg10[%swap3A_794, %swap3A_795], %swap3A_798 {strides = array<i32>} : memref<256x64xf32, #tpu.memory_space<vmem>>, vector<1x16xf32>,
          %get3A_799 = arith.constant 14 : i32
          %get3A_800 = arith.index_cast %scan3A_359 : i32 to index
          %get3A_801 = arith.index_cast %get3A_799 : i32 to index
          %get3A_802 = arith.constant 48 : index
          %get3A_803 = tpu.vector_load %arg11[%get3A_800, %get3A_801, %get3A_802] {strides = array<i32>} : memref<8x16x64xf32, #tpu.memory_space<vmem>>, vector<1x1x16xf32>,
          %get3A_804 = vector.shape_cast %get3A_803 : vector<1x1x16xf32> to vector<16xf32>
          %swap3A_805 = arith.index_cast %sub3A_735 : i32 to index
          %swap3A_806 = arith.constant 48 : index
          %swap3A_807 = tpu.vector_load %arg10[%swap3A_805, %swap3A_806] {strides = array<i32>} : memref<256x64xf32, #tpu.memory_space<vmem>>, vector<1x16xf32>,
          %swap3A_808 = vector.shape_cast %swap3A_807 : vector<1x16xf32> to vector<16xf32>
          %swap3A_809 = vector.shape_cast %get3A_804 : vector<16xf32> to vector<1x16xf32>
          tpu.vector_store %arg10[%swap3A_805, %swap3A_806], %swap3A_809 {strides = array<i32>} : memref<256x64xf32, #tpu.memory_space<vmem>>, vector<1x16xf32>,
        } else {
        }
        %sub3A_744 = arith.subi %squeeze3A_32, %mul3A_608 : i32
        %ge3A_745 = arith.constant 0 : i32
        %ge3A_746 = arith.cmpi sge, %sub3A_744, %ge3A_745 : i32
        %lt3A_747 = arith.constant 256 : i32
        %lt3A_748 = arith.cmpi slt, %sub3A_744, %lt3A_747 : i32
        %and3A_749 = arith.andi %ge3A_746, %lt3A_748 : i1
        %convert_element_type3A_750 = arith.extui %and3A_749 : i1 to i32
        %cond3A_751 = arith.constant 0 : i32
        %cond3A_752 = arith.cmpi ne, %convert_element_type3A_750, %cond3A_751 : i32
        scf.if %cond3A_752 {
          %get3A_767 = arith.constant 15 : i32
          %get3A_768 = arith.index_cast %scan3A_359 : i32 to index
          %get3A_769 = arith.index_cast %get3A_767 : i32 to index
          %get3A_770 = arith.constant 0 : index
          %get3A_771 = tpu.vector_load %arg11[%get3A_768, %get3A_769, %get3A_770] {strides = array<i32>} : memref<8x16x64xf32, #tpu.memory_space<vmem>>, vector<1x1x16xf32>,
          %get3A_772 = vector.shape_cast %get3A_771 : vector<1x1x16xf32> to vector<16xf32>
          %swap3A = arith.index_cast %sub3A_744 : i32 to index
          %swap3A_773 = arith.constant 0 : index
          %swap3A_774 = tpu.vector_load %arg10[%swap3A, %swap3A_773] {strides = array<i32>} : memref<256x64xf32, #tpu.memory_space<vmem>>, vector<1x16xf32>,
          %swap3A_775 = vector.shape_cast %swap3A_774 : vector<1x16xf32> to vector<16xf32>
          %swap3A_776 = vector.shape_cast %get3A_772 : vector<16xf32> to vector<1x16xf32>
          tpu.vector_store %arg10[%swap3A, %swap3A_773], %swap3A_776 {strides = array<i32>} : memref<256x64xf32, #tpu.memory_space<vmem>>, vector<1x16xf32>,
          %get3A_777 = arith.constant 15 : i32
          %get3A_778 = arith.index_cast %scan3A_359 : i32 to index
          %get3A_779 = arith.index_cast %get3A_777 : i32 to index
          %get3A_780 = arith.constant 16 : index
          %get3A_781 = tpu.vector_load %arg11[%get3A_778, %get3A_779, %get3A_780] {strides = array<i32>} : memref<8x16x64xf32, #tpu.memory_space<vmem>>, vector<1x1x16xf32>,
          %get3A_782 = vector.shape_cast %get3A_781 : vector<1x1x16xf32> to vector<16xf32>
          %swap3A_783 = arith.index_cast %sub3A_744 : i32 to index
          %swap3A_784 = arith.constant 16 : index
          %swap3A_785 = tpu.vector_load %arg10[%swap3A_783, %swap3A_784] {strides = array<i32>} : memref<256x64xf32, #tpu.memory_space<vmem>>, vector<1x16xf32>,
          %swap3A_786 = vector.shape_cast %swap3A_785 : vector<1x16xf32> to vector<16xf32>
          %swap3A_787 = vector.shape_cast %get3A_782 : vector<16xf32> to vector<1x16xf32>
          tpu.vector_store %arg10[%swap3A_783, %swap3A_784], %swap3A_787 {strides = array<i32>} : memref<256x64xf32, #tpu.memory_space<vmem>>, vector<1x16xf32>,
          %get3A_788 = arith.constant 15 : i32
          %get3A_789 = arith.index_cast %scan3A_359 : i32 to index
          %get3A_790 = arith.index_cast %get3A_788 : i32 to index
          %get3A_791 = arith.constant 32 : index
          %get3A_792 = tpu.vector_load %arg11[%get3A_789, %get3A_790, %get3A_791] {strides = array<i32>} : memref<8x16x64xf32, #tpu.memory_space<vmem>>, vector<1x1x16xf32>,
          %get3A_793 = vector.shape_cast %get3A_792 : vector<1x1x16xf32> to vector<16xf32>
          %swap3A_794 = arith.index_cast %sub3A_744 : i32 to index
          %swap3A_795 = arith.constant 32 : index
          %swap3A_796 = tpu.vector_load %arg10[%swap3A_794, %swap3A_795] {strides = array<i32>} : memref<256x64xf32, #tpu.memory_space<vmem>>, vector<1x16xf32>,
          %swap3A_797 = vector.shape_cast %swap3A_796 : vector<1x16xf32> to vector<16xf32>
          %swap3A_798 = vector.shape_cast %get3A_793 : vector<16xf32> to vector<1x16xf32>
          tpu.vector_store %arg10[%swap3A_794, %swap3A_795], %swap3A_798 {strides = array<i32>} : memref<256x64xf32, #tpu.memory_space<vmem>>, vector<1x16xf32>,
          %get3A_799 = arith.constant 15 : i32
          %get3A_800 = arith.index_cast %scan3A_359 : i32 to index
          %get3A_801 = arith.index_cast %get3A_799 : i32 to index
          %get3A_802 = arith.constant 48 : index
          %get3A_803 = tpu.vector_load %arg11[%get3A_800, %get3A_801, %get3A_802] {strides = array<i32>} : memref<8x16x64xf32, #tpu.memory_space<vmem>>, vector<1x1x16xf32>,
          %get3A_804 = vector.shape_cast %get3A_803 : vector<1x1x16xf32> to vector<16xf32>
          %swap3A_805 = arith.index_cast %sub3A_744 : i32 to index
          %swap3A_806 = arith.constant 48 : index
          %swap3A_807 = tpu.vector_load %arg10[%swap3A_805, %swap3A_806] {strides = array<i32>} : memref<256x64xf32, #tpu.memory_space<vmem>>, vector<1x16xf32>,
          %swap3A_808 = vector.shape_cast %swap3A_807 : vector<1x16xf32> to vector<16xf32>
          %swap3A_809 = vector.shape_cast %get3A_804 : vector<16xf32> to vector<1x16xf32>
          tpu.vector_store %arg10[%swap3A_805, %swap3A_806], %swap3A_809 {strides = array<i32>} : memref<256x64xf32, #tpu.memory_space<vmem>>, vector<1x16xf32>,
        } else {
        }
        %add3A_753 = arith.constant 1 : i32
        %add3A_754 = arith.addi %mul3A_422, %add3A_753 : i32
        %mul3A_755 = arith.constant 256 : i32
        %mul3A_756 = arith.muli %add3A_754, %mul3A_755 : i32
        %add3A_757 = arith.addi %mul3A_394, %mul3A_756 : i32
        %dma_start3A_758 = arith.constant 0 : i32
        %dma_start3A_759 = tpu.memref_slice %arg8[%add3A_757, %dma_start3A_758] : memref<1048576x64xf32, #tpu.memory_space<hbm>> -> memref<256x64xf32, #tpu.memory_space<hbm>>
        %dma_start3A_760 = arith.constant 0 : i32
        %dma_start3A_761 = tpu.memref_slice %arg8[%add3A_757, %dma_start3A_760] : memref<1048576x64xf32, #tpu.memory_space<hbm>> -> memref<256x64xf32, #tpu.memory_space<hbm>>
        tpu.enqueue_dma source(%arg10 : memref<256x64xf32, #tpu.memory_space<vmem>>) target(%dma_start3A_761 : memref<256x64xf32, #tpu.memory_space<hbm>>) target_semaphore(%arg16 : memref<!tpu.dma_semaphore, #tpu.memory_space<semaphore_mem>>)
        %lt3A_762 = arith.constant 7 : i32
        %lt3A_763 = arith.cmpi slt, %scan3A_420, %lt3A_762 : i32
        %convert_element_type3A_764 = arith.extui %lt3A_763 : i1 to i32
        %cond3A_765 = arith.constant 0 : i32
        %cond3A_766 = arith.cmpi ne, %convert_element_type3A_764, %cond3A_765 : i32
        scf.if %cond3A_766 {
          %mul3A_767 = arith.constant 256 : i32
          %mul3A_768 = arith.muli %mul3A_422, %mul3A_767 : i32
          %add3A_769 = arith.addi %mul3A_394, %mul3A_768 : i32
          %dma_wait3A_770 = arith.constant 0 : i32
          %dma_wait3A_771 = tpu.memref_slice %arg8[%add3A_769, %dma_wait3A_770] : memref<1048576x64xf32, #tpu.memory_space<hbm>> -> memref<256x64xf32, #tpu.memory_space<hbm>>
          %dma_wait3A_772 = arith.constant 0 : i32
          %dma_wait3A_773 = tpu.memref_slice %arg8[%add3A_769, %dma_wait3A_772] : memref<1048576x64xf32, #tpu.memory_space<hbm>> -> memref<256x64xf32, #tpu.memory_space<hbm>>
          tpu.wait_dma2 semaphore(%arg15 : memref<!tpu.dma_semaphore, #tpu.memory_space<semaphore_mem>>) src(%arg9 : memref<256x64xf32, #tpu.memory_space<vmem>>) dst(%dma_wait3A_773 : memref<256x64xf32, #tpu.memory_space<hbm>>)
          %add3A_774 = arith.constant 2 : i32
          %add3A_775 = arith.addi %mul3A_422, %add3A_774 : i32
          %mul3A_776 = arith.constant 256 : i32
          %mul3A_777 = arith.muli %add3A_775, %mul3A_776 : i32
          %dma_start3A_778 = arith.constant 0 : i32
          %dma_start3A_779 = tpu.memref_slice %arg3[%select_n3A, %mul3A_777, %select_n3A_392, %dma_start3A_778] : memref<16x4096x16x64xf32, #tpu.memory_space<hbm>> -> memref<1x256x1x64xf32, #tpu.memory_space<hbm>>
          %dma_start3A_780 = tpu.memref_squeeze %dma_start3A_779 : memref<1x256x1x64xf32, #tpu.memory_space<hbm>> -> memref<256x64xf32, #tpu.memory_space<hbm>>
          %dma_start3A_781 = arith.constant 0 : i32
          %dma_start3A_782 = tpu.memref_slice %arg3[%select_n3A, %mul3A_777, %select_n3A_392, %dma_start3A_781] : memref<16x4096x16x64xf32, #tpu.memory_space<hbm>> -> memref<1x256x1x64xf32, #tpu.memory_space<hbm>>
          %dma_start3A_783 = tpu.memref_squeeze %dma_start3A_782 : memref<1x256x1x64xf32, #tpu.memory_space<hbm>> -> memref<256x64xf32, #tpu.memory_space<hbm>>
          tpu.enqueue_dma source(%dma_start3A_783 : memref<256x64xf32, #tpu.memory_space<hbm>>) target(%arg9 : memref<256x64xf32, #tpu.memory_space<vmem>>) target_semaphore(%arg13 : memref<!tpu.dma_semaphore, #tpu.memory_space<semaphore_mem>>)
        } else {
        }
      }
      %scan3A_407 = arith.constant 8 : i32
      %add3A_408 = arith.constant 3584 : i32
      %add3A_409 = arith.addi %mul3A_394, %add3A_408 : i32
      %dma_wait3A_410 = arith.constant 0 : i32
      %dma_wait3A_411 = tpu.memref_slice %arg8[%add3A_409, %dma_wait3A_410] : memref<1048576x64xf32, #tpu.memory_space<hbm>> -> memref<256x64xf32, #tpu.memory_space<hbm>>
      %dma_wait3A_412 = arith.constant 0 : i32
      %dma_wait3A_413 = tpu.memref_slice %arg8[%add3A_409, %dma_wait3A_412] : memref<1048576x64xf32, #tpu.memory_space<hbm>> -> memref<256x64xf32, #tpu.memory_space<hbm>>
      tpu.wait_dma2 semaphore(%arg15 : memref<!tpu.dma_semaphore, #tpu.memory_space<semaphore_mem>>) src(%arg9 : memref<256x64xf32, #tpu.memory_space<vmem>>) dst(%dma_wait3A_413 : memref<256x64xf32, #tpu.memory_space<hbm>>)
      %add3A_414 = arith.constant 3840 : i32
      %add3A_415 = arith.addi %mul3A_394, %add3A_414 : i32
      %dma_wait3A_416 = arith.constant 0 : i32
      %dma_wait3A_417 = tpu.memref_slice %arg8[%add3A_415, %dma_wait3A_416] : memref<1048576x64xf32, #tpu.memory_space<hbm>> -> memref<256x64xf32, #tpu.memory_space<hbm>>
      %dma_wait3A_418 = arith.constant 0 : i32
      %dma_wait3A_419 = tpu.memref_slice %arg8[%add3A_415, %dma_wait3A_418] : memref<1048576x64xf32, #tpu.memory_space<hbm>> -> memref<256x64xf32, #tpu.memory_space<hbm>>
      tpu.wait_dma2 semaphore(%arg16 : memref<!tpu.dma_semaphore, #tpu.memory_space<semaphore_mem>>) src(%arg10 : memref<256x64xf32, #tpu.memory_space<vmem>>) dst(%dma_wait3A_419 : memref<256x64xf32, #tpu.memory_space<hbm>>)
    }
    %scan3A_358 = arith.constant 8 : i32
    return
  }
}

</mosaic_0001>

<sc_bundles>
// kernel: kernel.3.cloned.1.call-start
scs
__scs_entry_jumppad:
0x0: {  	(pc) =	sbr.rel $0x88, $3  }
0x1: {  	(tag) =	ssettag $0x0;
	lr =	simm.s32 $0x1  }
0x2: {  	[smem:$0x3F9C] =	sst lr;
	_ =	strace $0xD0000000  }
0x3: {  	_ = 	snop  }
0x4: {  	_ = 	snop  }
0x5: {  	_ = 	snop  }
0x6: {  	_ = 	snop  }
0x7: {  	_ = 	snop  }
__scs_overlays_trampoline_lowered:
0x8: {  	[smem:$0x3FAB] =	sst s0  }
0x9: {  	[smem:$0x3FAC] =	sst s1  }
0xa: {  	[smem:$0x3FAD] =	sst s2  }
0xb: {  	[smem:$0x3FAE] =	sst s3  }
0xc: {  	[smem:$0x3FAF] =	sst s4  }
0xd: {  	[smem:$0x3FB0] =	sst s5  }
0xe: {  	[smem:$0x3FB1] =	sst s6  }
0xf: {  	[smem:$0x3FB2] =	sst s7  }
0x10: {  	[smem:$0x3FB3] =	sst s8  }
0x11: {  	[smem:$0x3FB4] =	sst s9;
	s0 =	simm.s32 @!p0 $0x0  }
0x12: {  	s1 =	sld [smem:$0x3F9A];
	s0 =	simm.s32 @p0 $0x1  }
0x13: {  	[smem:$0x3FB5] =	sst s0;
	s0 =	simm.s32 @!p1 $0x0  }
0x14: {  	s2 =	sld [smem:$0x3F99];
	s0 =	simm.s32 @p1 $0x1  }
0x15: {  	[smem:$0x3FB6] =	sst s0;
	s0 =	simm.s32 @!p2 $0x0  }
0x16: {  	s3 =	sld [smem:$0x3FDB];
	s0 =	simm.s32 @p2 $0x1  }
0x17: {  	s4 =	simm.s32 $0x1BF5;
	[smem:$0x3FB8] =	sst s0  }
0x18: {  	s0 =	sld [smem:$0x3F9B];
	_ =	swait.ge [sflag:s4], $0x0  }
0x19: {  	s7 =	sld [smem:$0x3F9C]  }
0x1a: {  	s8 =	sadd.s32 $0xFFFFE003, lr  }
0x1b: {  	s9 =	sadd.s32 $0xFFFFFEF7, lr;
	s5 =	simm.s32 $0xFFFFFFFF;
	p2 =	slt.u32 s8, $0xFFFFF086  }
0x1c: {  	p1 =	slt.u32 s9, $0xF7A;
	s5 =	simm.s32 @!p2 $0x0  }
0x1d: {  	s5 =	simm.s32 @p1 $0x1;
	p0 =	seq.s32 s7, s2  }
0x1e: {  	s7 =	smul.u32 @!p0 $0xF7A, s2;
	p2 =	seq.s32 @!p0 s5, $0x0  }
0x1f: {  	s9 =	smul.u32 $0xF7A, s1;
	s8 =	simm.s32 @!p0 $0x1BF5;
	p2 =	por !p2, p0  }
0x20: {  	[sflag:s8] =	ssyncset.s32 @!p0 $0xFFFFF086;
	s6 =	sadd.s32 @!p0 s3, s7;
	s7 =	simm.s32 @!p0 $0x108  }
0x21: {  	s3 =	sadd.s32 s3, s9;
	s6 =	sadd.s32 @!p0 $0x88, s6;
	s7 =	simm.s32 @p2 $0x1082  }
0x22: {  	[simem:s7], [sflag:s8] =	dma.local @!p0 [hbm:s6], $0xF7A  }
0x23: {  	s9 =	sor.u32 $0xD0000000, s2;
	s6 =	simm.s32 $0x108;
	_ =	swait.ge @!p0 [sflag:s8], $0x0  }
0x24: {  	s3 =	sadd.s32 $0x88, s3;
	s6 =	simm.s32 @!p1 $0x1082;
	[sflag:s4] =	ssyncset.s32 $0xFFFFF086  }
0x25: {  	[simem:s6], [sflag:s4] =	dma.local [hbm:s3], $0xF7A  }
0x26: {  	[smem:$0x3F9C] =	sst s1;
	(tag) =	ssettag s2;
	_ =	strace s9  }
0x27: {  	s1 =	sld [smem:$0x3FAC]  }
0x28: {  	s2 =	sld [smem:$0x3FAD]  }
0x29: {  	s4 =	sld [smem:$0x3FAF]  }
0x2a: {  	p0 =	seq.s32 s5, $0x0;
	s5 =	sld [smem:$0x3FB0]  }
0x2b: {  	s6 =	sld [smem:$0x3FB1]  }
0x2c: {  	s7 =	sld [smem:$0x3FB2]  }
0x2d: {  	s3 =	simm.s32 $0x108;
	s8 =	sld [smem:$0x3FB3]  }
0x2e: {  	s3 =	simm.s32 @!p0 $0x1082;
	s9 =	sld [smem:$0x3FB4]  }
0x2f: {  	lr =	sadd.s32 s0, s3;
	s0 =	sld [smem:$0x3FAB]  }
0x30: {  	s3 =	sld [smem:$0x3FAE]  }
0x31: {  	[smem:$0x3FB7] =	sst s10  }
0x32: {  	s10 =	sld [smem:$0x3FB5];
	_ =	sdelay $0x3  }
0x33: {  	p0 =	seq.s32 s10, $0x1;
	s10 =	sld [smem:$0x3FB7];
	_ =	sdelay $0x3  }
0x34: {  	[smem:$0x3FB7] =	sst s10  }
0x35: {  	s10 =	sld [smem:$0x3FB6];
	_ =	sdelay $0x3  }
0x36: {  	p1 =	seq.s32 s10, $0x1;
	s10 =	sld [smem:$0x3FB7];
	_ =	sdelay $0x3  }
0x37: {  	[smem:$0x3FB7] =	sst s10  }
0x38: {  	s10 =	sld [smem:$0x3FB8]  }
0x39: {  	_ = 	snop;
	(pc) =	sbr.ind lr, $3  }
0x3a: {  	_ = 	snop  }
0x3b: {  	_ = 	snop  }
0x3c: {  	p2 =	seq.s32 s10, $0x1;
	s10 =	sld [smem:$0x3FB7]  }
0x3d: {  	_ =	shalt  }
0x3e: {  	_ =	shalt  }
0x3f: {  	_ =	shalt  }
0x40: {  	_ =	shalt  }
0x41: {  	_ =	shalt  }
0x42: {  	_ =	shalt  }
0x43: {  	_ =	shalt  }
0x44: {  	_ =	shalt  }
0x45: {  	_ =	shalt  }
0x46: {  	_ =	shalt  }
0x47: {  	_ =	shalt  }
0x48: {  	_ =	shalt  }
0x49: {  	_ =	shalt  }
0x4a: {  	_ =	shalt  }
0x4b: {  	_ =	shalt  }
0x4c: {  	_ =	shalt  }
0x4d: {  	_ =	shalt  }
0x4e: {  	_ =	shalt  }
0x4f: {  	_ =	shalt  }
0x50: {  	_ =	shalt  }
0x51: {  	_ =	shalt  }
0x52: {  	_ =	shalt  }
0x53: {  	_ =	shalt  }
0x54: {  	_ =	shalt  }
0x55: {  	_ =	shalt  }
0x56: {  	_ =	shalt  }
0x57: {  	_ =	shalt  }
0x58: {  	_ =	shalt  }
0x59: {  	_ =	shalt  }
0x5a: {  	_ =	shalt  }
0x5b: {  	_ =	shalt  }
0x5c: {  	_ =	shalt  }
0x5d: {  	_ =	shalt  }
0x5e: {  	_ =	shalt  }
0x5f: {  	_ =	shalt  }
0x60: {  	_ =	shalt  }
0x61: {  	_ =	shalt  }
0x62: {  	_ =	shalt  }
0x63: {  	_ =	shalt  }
0x64: {  	_ =	shalt  }
0x65: {  	_ =	shalt  }
0x66: {  	_ =	shalt  }
0x67: {  	_ =	shalt  }
0x68: {  	_ =	shalt  }
0x69: {  	_ =	shalt  }
0x6a: {  	_ =	shalt  }
0x6b: {  	_ =	shalt  }
0x6c: {  	_ =	shalt  }
0x6d: {  	_ =	shalt  }
0x6e: {  	_ =	shalt  }
0x6f: {  	_ =	shalt  }
0x70: {  	_ =	shalt  }
0x71: {  	_ =	shalt  }
0x72: {  	_ =	shalt  }
0x73: {  	_ =	shalt  }
0x74: {  	_ =	shalt  }
0x75: {  	_ =	shalt  }
0x76: {  	_ =	shalt  }
0x77: {  	_ =	shalt  }
0x78: {  	_ =	shalt  }
0x79: {  	_ =	shalt  }
0x7a: {  	_ =	shalt  }
0x7b: {  	_ =	shalt  }
0x7c: {  	_ =	shalt  }
0x7d: {  	_ =	shalt  }
0x7e: {  	_ =	shalt  }
0x7f: {  	_ =	shalt  }
0x80: {  	_ =	shalt  }
0x81: {  	_ =	shalt  }
0x82: {  	_ =	shalt  }
0x83: {  	_ =	shalt  }
0x84: {  	_ =	shalt  }
0x85: {  	_ =	shalt  }
0x86: {  	_ =	shalt  }
0x87: {  	_ =	shalt  }
.Lfunc_end0:
.L_simem_size_0:
called_computation.2_lowered:
.L_overlay_start_0:
0x88: {  	s2 =	sld [smem:$0x3FD9]  }
0x89: {  	s3 =	sld [smem:$0x3FFE];
	_ =	sdelay $0x1  }
0x8a: {  	s1 =	srdreg.scid  }
0x8b: {  	s0 =	sand.u32 $0x1, s1  }
0x8c: {  	s17 =	sshll.u32 s0, $0xA;
	s2 =	sadd.s32 s3, s2  }
0x8d: {  	s2 =	sadd.s32 s2, s17  }
0x8e: {  	[smem:$0x3FC3] =	sst s2  }
0x8f: {  	_ = 	snop  }
0x90: {  	s2 =	sld [smem:$0x3FC7]  }
0x91: {  	s18 =	sld [smem:$0x3FC6]  }
0x92: {  	s4 =	sld [smem:$0x3FC5];
	(tm) =	ssettm $0x1  }
0x93: {  	s5 =	sld [smem:$0x3FFB];
	_ =	sdelay $0x3  }
0x94: {  	_ =	strace s5  }
0x95: {  	s5 =	sld [smem:$0x3FFC];
	_ =	sdelay $0x3  }
0x96: {  	_ =	strace s5  }
0x97: {  	s5 =	sld [smem:$0x3FFD];
	_ =	sdelay $0x3  }
0x98: {  	_ =	strace s5  }
0x99: {  	_ =	strace $0x8FFFFFFF  }
0x9a: {  	s19 =	sld [smem:$0x3FDB];
	_ =	sdelay $0x1  }
0x9b: {  	s6 =	simm.s32 $_scs_section_size  }
0x9c: {  	s7 =	simm.s32 $_size__tile_overlayer_lowered;
	s8 =	simm.s32 $_tile_overlayer_lowered  }
0x9d: {  	s22 =	simm.s32 $0x1BFF;
	s21 =	sshll.u32 s8, $0x1;
	s5 =	sadd.s32 s6, s19  }
0x9e: {  	s9 =	simm.s32 $0x0;
	s20 =	sshll.u32 s7, $0x1;
	s7 =	sadd.s32 s21, s5  }
0x9f: {  	[timem:s9], [sflag:s22] =	dma.local [hbm:s7], s20  }
0xa0: {  	_ =	swait.ge [sflag:s22], s20  }
0xa1: {  	s6 =	ssub.s32 $0x0, s20;
	[sflag:s22] =	ssyncset.done $0x0  }
0xa2: {  	[sflag:s22] =	ssyncadd.s32 s6;
	_ =	sdelay $0x1  }
0xa3: {  	s23 =	simm.s32 $0x1B8B  }
0xa4: {  	_ =	swait.ge [sflag:s23], $0x1  }
0xa5: {  	[sflag:s23] =	ssyncset.done $0x0  }
0xa6: {  	s25 =	simm.s32 $0x1B8E;
	s24 =	sld [smem:$0x3FFE];
	[sflag:s23] =	ssyncadd.s32 $0xFFFFFFFF  }
0xa7: {  	s26 =	simm.s32 $execute0_lowered;
	[smem:$0x3FD2] =	sst s25  }
0xa8: {  	s7 =	sshll.u32 s26, $0x1;
	_ =	strace $0x80000046;
	[dreg:$0x1] =	wrdreg $0xFFFFFFFF  }
0xa9: {  	s28 =	simm.s32 $_size_execute0_lowered;
	s5 =	sadd.s32 s5, s7;
	[dreg:$0x0] =	wrdreg $0x0  }
0xaa: {  	s7 =	sshll.u32 s28, $0x1;
	[dreg:$0x2] =	wrdreg s5  }
0xab: {  	[dreg:$0x3] =	wrdreg s7  }
0xac: {  	[dreg:$0x4] =	wrdreg $0xC0  }
0xad: {  	_ =	task [dreg:s9], $0x5FFFF  }
0xae: {  	[dreg:$0x1] =	wrdreg $0xFFFFFFFF  }
0xaf: {  	[dreg:$0x0] =	wrdreg $0x60  }
0xb0: {  	[dreg:$0x2] =	wrdreg s24  }
0xb1: {  	[dreg:$0x3] =	wrdreg s18  }
0xb2: {  	[dreg:$0x4] =	wrdreg s4  }
0xb3: {  	[dreg:$0x5] =	wrdreg s2  }
0xb4: {  	[dreg:$0x6] =	wrdreg $0x9  }
0xb5: {  	_ =	task.clear_ibuf [dreg:s9], $0x7FFFF;
	_ =	strace $0x90000046  }
0xb6: {  	s29 =	simm.s32 $0x9;
	_ =	strace $0x80000048  }
0xb7: {  	_ =	swait.ge [sflag:s29], $0x1  }
0xb8: {  	[sflag:s29] =	ssyncadd.s32 $0xFFFFFFFF  }
0xb9: {  	_ =	strace $0x90000048  }
0xba: {  	_ =	sfence  }
0xbb: {  	s30 =	sld [smem:$0x0];
	_ =	sdelay $0x2  }
0xbc: {  	s31 =	sshll.u32 s1, $0xD;
	s1 =	sshrl.u32 s1, $0x2  }
0xbd: {  	s3 =	sand.u32 $0x4000, s31;
	s1 =	sadd.s32 s1, s30  }
0xbe: {  	s0 =	sor.u32 s3, s0;
	s1 =	sshll.u32 s1, $0x11  }
0xbf: {  	s0 =	sor.u32 s1, s0  }
0xc0: {  	s0 =	sadd.s32 $0x8F2B, s0  }
0xc1: {  	[sflag:s0] =	ssyncadd.remote.s32 $0x1  }
0xc2: {  	_ =	sfence.sel $0xFFFF  }
0xc3: {  	[dreg:$0x0] =	wrdreg $0xFFFFFFFF;
	(pc) =	sbr.abs _section_cstart, $3  }
0xc4: {  	[dreg:$0x1] =	wrdreg $0xFFFFFFFF  }
0xc5: {  	_ =	task.clear_ibuf [dreg:s9], $0x2FFFF;
	_ =	strace $0x9FFFFFFF  }
0xc6: {  	(tm) =	ssettm $0x7FFFFFFF  }
0xc7: {  	_ =	shalt  }
tec
execute0_lowered:
.L_overlay_start_1:
0x0: {  	(tag) =	ssettag $0x1  }
0x1: {  	s0 =	rddreg [dreg:$0x0]  }
0x2: {  	s1 =	rddreg [dreg:$0x1]  }
0x3: {  	s3 =	rddreg [dreg:$0x2]  }
0x4: {  	s2 =	simm.s32 $0x0;
	s4 =	srdreg.scid;
	s9 =	stileid.u32  }
0x5: {  	[smem:$0x7FF] =	sst s2;
	s5 =	sadd.s32 $0x1000, s0;
	s4 =	sand.u32 $0x1, s4  }
0x6: {  	s24 =	sadd.s32 $0x1001000, s0;
	s25 =	sshll.u32 s9, $0x14;
	s28 =	sshll.u32 s9, $0xC  }
0x7: {  	s29 =	sshll.u32 s9, $0x4;
	_ =	strace $0x80000047;
	[dreg:$0x5] =	wrdreg s5  }
0x8: {  	s30 =	sshll.u32 s9, $0x17;
	[dreg:$0x6] =	wrdreg s24;
	s6 =	ssub.s32 $0x2, s4  }
0x9: {  	s0 =	sadd.s32 s25, s0;
	s7 =	sshll.u32 s4, $0x7;
	s8 =	sshll.u32 s4, $0x3  }
0xa: {  	s22 =	sshll.u32 s4, $0xA;
	s4 =	sshll.u32 s4, $0x13;
	s1 =	sadd.s32 s1, s7  }
0xb: {  	[dreg:$0x9] =	wrdreg s30;
	s10 =	sadd.s32 s28, s1;
	s1 =	sor.u32 s8, s29  }
0xc: {  	s0 =	sadd.s32 s4, s0;
	[dreg:$0x8] =	wrdreg s1  }
0xd: {  	s26 =	sshrl.u32 s6, $0x1;
	s25 =	sadd.s32 $0x3001000, s0;
	[dreg:$0x7] =	wrdreg s10  }
0xe: {  	s3 =	sadd.s32 s3, s7;
	s0 =	sadd.s32 $0x2001000, s0;
	[dreg:$0x19] =	wrdreg s25  }
0xf: {  	s5 =	ssub.s32 s6, s26;
	s6 =	sadd.s32 s28, s3;
	[dreg:$0x1a] =	wrdreg s0  }
0x10: {  	s29 =	sor.u32 $0x100000, s30;
	[dreg:$0xa] =	wrdreg s6  }
0x11: {  	s30 =	sor.u32 $0x80000, s30;
	[dreg:$0x1d] =	wrdreg s29  }
0x12: {  	s7 =	smax.u32 s5, $0x1;
	[dreg:$0x1e] =	wrdreg s30  }
0x13: {  	s11 =	sadd.s32 $0x10, s10;
	[dreg:$0xb] =	wrdreg s7  }
0x14: {  	s12 =	sadd.s32 $0x20, s10;
	[dreg:$0xc] =	wrdreg s11  }
0x15: {  	s13 =	sadd.s32 $0x30, s10;
	[dreg:$0xd] =	wrdreg s12  }
0x16: {  	s14 =	sadd.s32 $0x40, s10;
	[dreg:$0xe] =	wrdreg s13  }
0x17: {  	s15 =	sadd.s32 $0x50, s10;
	[dreg:$0xf] =	wrdreg s14  }
0x18: {  	s16 =	sadd.s32 $0x60, s10;
	[dreg:$0x10] =	wrdreg s15  }
0x19: {  	s17 =	sadd.s32 $0x70, s10;
	[dreg:$0x11] =	wrdreg s16  }
0x1a: {  	s18 =	sadd.s32 $0x10, s6;
	[dreg:$0x12] =	wrdreg s17  }
0x1b: {  	s31 =	simm.s32 $0x3;
	s19 =	sadd.s32 $0x20, s6;
	[dreg:$0x13] =	wrdreg s18  }
0x1c: {  	s21 =	sshll.u32 s9, $0xB;
	s20 =	sadd.s32 $0x30, s6;
	[dreg:$0x14] =	wrdreg s19  }
0x1d: {  	s9 =	simm.s32 $0x800;
	s23 =	sadd.s32 $0x40, s6;
	[dreg:$0x15] =	wrdreg s20  }
.Ltmp0:
0x1e: {  	s24 =	sadd.s32 $0x50, s6;
	[dreg:$0x16] =	wrdreg s23;
	(pc) =	sbr.rel .LBB2_1-.Ltmp0, $4  }
0x1f: {  	s1 =	sor.u32 s22, s21;
	s26 =	sadd.s32 $0x60, s6;
	[dreg:$0x17] =	wrdreg s24  }
0x20: {  	s28 =	sadd.s32 $0x70, s6;
	s6 =	simm.s32 $0x80;
	[dreg:$0x1b] =	wrdreg s26  }
0x21: {  	s1 =	sshrl.u32 s1, $0x7;
	[dreg:$0x1c] =	wrdreg s28;
	s18 =	simm.s32 $0x1  }
0x22: {  	s20 =	simm.s32 $0x2;
	[dreg:$0x18] =	wrdreg s1;
	s1 =	simm.s32 $0x0  }
.LBB2_11:
0x23: {  	s1 =	rddreg [dreg:$0x1f]  }
0x24: {  	s0 =	rddreg [dreg:$0xb];
	s1 =	sadd.s32 $0x1, s1  }
0x25: {  	p0 =	sne.s32 s1, s0  }
.Ltmp1:
0x26: {  	_ = 	snop;
	(pc) =	sbr.rel @!p0 .LBB2_12-.Ltmp1, $1  }
0x27: {  	_ =	sdelay $0x3  }
.LBB2_1:
0x28: {  	[dreg:$0x1f] =	wrdreg s1  }
0x29: {  	s0 =	rddreg [dreg:$0x3];
	s24 =	simm.s32 $0x14000;
	s25 =	simm.s32 $0x6  }
0x2a: {  	[tilespmem:s24], [sflag:$0x6] =	stream.linear.gather [hbm4b:s0+s2], $0x80, $0x38;
	[tilespmem:$0x14080] =	vst v63  }
0x2b: {  	_ =	swait.ge [sflag:s25], $0x80  }
0x2c: {  	[sflag:s25] =	ssyncset.done $0x0  }
0x2d: {  	[sflag:s25] =	ssyncadd.s32 $0xFFFFFF80  }
0x2e: {  	v0 =	vld [tilespmem:$0x14000];
	_ =	sdelay $0x4  }
0x2f: {  	(v2sf) =	vpush v0, $0x0  }
0x30: {  	(v2sf) =	vpush v0, $0x1  }
0x31: {  	(v2sf) =	vpush v0, $0x2  }
0x32: {  	s28 =	simm.s32 $0x10000;
	s26 =	rddreg [dreg:$0x7];
	(v2sf) =	vpush v0, $0x3  }
0x33: {  	[tilespmem:s28], [sflag:$0x5] =	stream.strided.gather [hbm4b:s26+s6], $0x800, s9, s6, $0x38;
	(v2sf) =	vpush v0, $0x4;
	[tilespmem:$0x14080] =	vst v63  }
0x34: {  	s30 =	simm.s32 $0x10800;
	s29 =	rddreg [dreg:$0xc]  }
0x35: {  	[tilespmem:s30], [sflag:$0x5] =	stream.strided.gather [hbm4b:s29+s6], $0x800, s9, s6, $0x38;
	[tilespmem:$0x14080] =	vst v63  }
0x36: {  	s7 =	simm.s32 $0x11000;
	s5 =	rddreg [dreg:$0xd]  }
0x37: {  	[tilespmem:s7], [sflag:$0x5] =	stream.strided.gather [hbm4b:s5+s6], $0x800, s9, s6, $0x38;
	[tilespmem:$0x14080] =	vst v63  }
0x38: {  	s21 =	simm.s32 $0x11800;
	s8 =	rddreg [dreg:$0xe];
	(v2sf) =	vpush v0, $0x5  }
0x39: {  	[tilespmem:s21], [sflag:$0x5] =	stream.strided.gather [hbm4b:s8+s6], $0x800, s9, s6, $0x38;
	(v2sf) =	vpush v0, $0x6;
	[tilespmem:$0x14080] =	vst v63  }
0x3a: {  	s23 =	simm.s32 $0x12000;
	s22 =	rddreg [dreg:$0xf];
	(v2sf) =	vpush v0, $0x7  }
0x3b: {  	[tilespmem:s23], [sflag:$0x5] =	stream.strided.gather [hbm4b:s22+s6], $0x800, s9, s6, $0x38;
	(v2sf) =	vpush v0, $0x8;
	[tilespmem:$0x14080] =	vst v63  }
0x3c: {  	s24 =	rddreg [dreg:$0x10];
	s25 =	simm.s32 $0x12800;
	(v2sf) =	vpush v0, $0x9  }
0x3d: {  	[tilespmem:s25], [sflag:$0x5] =	stream.strided.gather [hbm4b:s24+s6], $0x800, s9, s6, $0x38;
	(v2sf) =	vpush v0, $0xA;
	[tilespmem:$0x14080] =	vst v63  }
0x3e: {  	s3 =	spop (v2sf);
	(v2sf) =	vpush v0, $0xB  }
0x3f: {  	s4 =	spop (v2sf);
	(v2sf) =	vpush v0, $0xC  }
0x40: {  	s10 =	spop (v2sf);
	(v2sf) =	vpush v0, $0xD  }
0x41: {  	s11 =	spop (v2sf);
	(v2sf) =	vpush v0, $0xE  }
0x42: {  	s14 =	spop (v2sf);
	(v2sf) =	vpush v0, $0xF  }
0x43: {  	s26 =	rddreg [dreg:$0x11];
	s28 =	simm.s32 $0x13000  }
0x44: {  	[tilespmem:s28], [sflag:$0x5] =	stream.strided.gather [hbm4b:s26+s6], $0x800, s9, s6, $0x38;
	[tilespmem:$0x14080] =	vst v63  }
0x45: {  	s29 =	rddreg [dreg:$0x12];
	s30 =	simm.s32 $0x13800  }
0x46: {  	[tilespmem:s30], [sflag:$0x5] =	stream.strided.gather [hbm4b:s29+s6], $0x800, s9, s6, $0x38;
	[tilespmem:$0x14080] =	vst v63  }
0x47: {  	s16 =	spop (v2sf)  }
0x48: {  	s19 =	spop (v2sf)  }
0x49: {  	s17 =	spop (v2sf)  }
0x4a: {  	s15 =	spop (v2sf)  }
0x4b: {  	s13 =	spop (v2sf)  }
0x4c: {  	s12 =	spop (v2sf)  }
0x4d: {  	s21 =	spop (v2sf)  }
0x4e: {  	s22 =	spop (v2sf)  }
0x4f: {  	s23 =	spop (v2sf)  }
0x50: {  	s5 =	spop (v2sf)  }
0x51: {  	s0 =	simm.s32 $0x5;
	s26 =	spop (v2sf)  }
0x52: {  	_ =	swait.ge [sflag:s0], $0x800  }
0x53: {  	[sflag:s0] =	ssyncset.done $0x0  }
0x54: {  	[sflag:s0] =	ssyncadd.s32 $0xFFFFF800  }
0x55: {  	_ =	swait.ge [sflag:s0], $0x800  }
0x56: {  	[sflag:s0] =	ssyncset.done $0x0  }
0x57: {  	[sflag:s0] =	ssyncadd.s32 $0xFFFFF800  }
0x58: {  	_ =	swait.ge [sflag:s0], $0x800  }
0x59: {  	[sflag:s0] =	ssyncset.done $0x0  }
0x5a: {  	[sflag:s0] =	ssyncadd.s32 $0xFFFFF800  }
0x5b: {  	_ =	swait.ge [sflag:s0], $0x800  }
0x5c: {  	[sflag:s0] =	ssyncset.done $0x0  }
0x5d: {  	[sflag:s0] =	ssyncadd.s32 $0xFFFFF800  }
0x5e: {  	_ =	swait.ge [sflag:s0], $0x800  }
0x5f: {  	[sflag:s0] =	ssyncset.done $0x0  }
0x60: {  	[sflag:s0] =	ssyncadd.s32 $0xFFFFF800  }
0x61: {  	_ =	swait.ge [sflag:s0], $0x800  }
0x62: {  	[smem:$0x7EF] =	sst s3  }
0x63: {  	[smem:$0x7F0] =	sst s5  }
0x64: {  	[smem:$0x7F1] =	sst s4  }
0x65: {  	[smem:$0x7F2] =	sst s23  }
0x66: {  	[smem:$0x7F3] =	sst s22  }
0x67: {  	s7 =	sshll.u32 s3, $0x9;
	s25 =	sshll.u32 s10, $0x9;
	[smem:$0x7F4] =	sst s10  }
0x68: {  	s28 =	sshll.u32 s21, $0x9;
	s24 =	sshll.u32 s22, $0x9;
	[smem:$0x7F5] =	sst s21  }
0x69: {  	s8 =	sshll.u32 s5, $0x9;
	[sflag:s0] =	ssyncset.done $0x0;
	[smem:$0x7F6] =	sst s11  }
0x6a: {  	s4 =	sshll.u32 s4, $0x9;
	s5 =	sshra.s32 s7, $0x2;
	[smem:$0x7F7] =	sst s12  }
0x6b: {  	s7 =	sshra.s32 s8, $0x2;
	s23 =	sshll.u32 s23, $0x9;
	[smem:$0x7F8] =	sst s13  }
0x6c: {  	s3 =	sshra.s32 s24, $0x2;
	s10 =	sshra.s32 s25, $0x2;
	[smem:$0x7F9] =	sst s14  }
0x6d: {  	s11 =	sshll.u32 s11, $0x9;
	s12 =	sshll.u32 s12, $0x9;
	[smem:$0x7FA] =	sst s15  }
0x6e: {  	s13 =	sshll.u32 s13, $0x9;
	s14 =	sshll.u32 s14, $0x9;
	[smem:$0x7FB] =	sst s16  }
0x6f: {  	s15 =	sshll.u32 s15, $0x9;
	s16 =	sshll.u32 s16, $0x9;
	[smem:$0x7FC] =	sst s17  }
0x70: {  	s17 =	sshll.u32 s17, $0x9;
	[smem:$0x7FD] =	sst s19;
	s19 =	sshll.u32 s19, $0x9  }
0x71: {  	[sflag:s0] =	ssyncadd.s32 $0xFFFFF800;
	s8 =	sshra.s32 s4, $0x2;
	s1 =	sshra.s32 s23, $0x2  }
0x72: {  	s4 =	sshra.s32 s28, $0x2;
	s11 =	sshra.s32 s11, $0x2;
	s12 =	sshra.s32 s12, $0x2  }
0x73: {  	s13 =	sshra.s32 s13, $0x2;
	s14 =	sshra.s32 s14, $0x2;
	s15 =	sshra.s32 s15, $0x2  }
0x74: {  	s16 =	sshra.s32 s16, $0x2;
	s29 =	sor.u32 $0x30, s5;
	s25 =	sor.u32 $0x30, s10;
	v14 =	vmov s7;
	v16 =	vmov s5;
	v18 =	vmov s10  }
0x75: {  	s17 =	sshra.s32 s17, $0x2;
	s19 =	sshra.s32 s19, $0x2;
	v28 =	vmov s3;
	s24 =	sor.u32 $0x30, s8;
	v0 =	vmov s29;
	v2 =	vmov s25  }
0x76: {  	s30 =	sor.u32 $0x30, s11;
	s21 =	sor.u32 $0x30, s14;
	s23 =	sor.u32 $0x30, s16;
	v17 =	vmov s8;
	v19 =	vmov s11;
	v20 =	vmov s14  }
0x77: {  	s25 =	sor.u32 $0x30, s19;
	s28 =	sor.u32 $0x30, s17;
	s29 =	sor.u32 $0x30, s15;
	v21 =	vmov s16;
	v22 =	vmov s19;
	v23 =	vmov s17  }
0x78: {  	_ =	swait.ge [sflag:s0], $0x800;
	v24 =	vmov s15;
	v3 =	vmov s30;
	v4 =	vmov s21;
	s30 =	sor.u32 $0x30, s13;
	s21 =	sor.u32 $0x30, s12  }
.Ltmp2:
0x79: {  	v25 =	vmov s13;
	v26 =	vmov s12;
	v5 =	vmov s23;
	s23 =	sor.u32 $0x30, s4;
	[sflag:s0] =	ssyncset.done $0x0;
	(pc) =	sbr.rel .LBB2_2-.Ltmp2, $4  }
0x7a: {  	v27 =	vmov s4;
	v7 =	vmov s28;
	v8 =	vmov s29;
	s28 =	sor.u32 $0x30, s3;
	s29 =	sor.u32 $0x20, s1;
	[sflag:s0] =	ssyncadd.s32 $0xFFFFF800  }
0x7b: {  	v29 =	vmov s1;
	v1 =	vmov s24;
	v10 =	vmov s21;
	s21 =	smov.u32 s26;
	s26 =	sshll.u32 s26, $0x9;
	_ =	swait.ge [sflag:s0], $0x800  }
0x7c: {  	v6 =	vmov s25;
	v9 =	vmov s30;
	v11 =	vmov s23;
	s30 =	sshra.s32 s26, $0x2;
	[sflag:s0] =	ssyncset.done $0x0;
	s7 =	rddreg [dreg:$0x19]  }
0x7d: {  	s8 =	simm.s32 $0x0;
	v12 =	vmov s28;
	v13 =	vmov s29;
	v15 =	vmov s30;
	[sflag:s0] =	ssyncadd.s32 $0xFFFFF800;
	s0 =	rddreg [dreg:$0x18]  }
.LBB2_5:
0x7e: {  	s0 =	simm.s32 $0x4  }
0x7f: {  	_ =	swait.ge [sflag:s0], $0x8000  }
0x80: {  	s8 =	sld [smem:$0x7ED];
	_ =	sdelay $0x2  }
0x81: {  	s8 =	sadd.s32 $0x1, s8  }
0x82: {  	p0 =	sne.s32 s8, $0x8  }
.Ltmp3:
0x83: {  	s30 =	sld [smem:$0x7EC];
	(pc) =	sbr.rel @!p0 .LBB2_6-.Ltmp3, $3  }
0x84: {  	s7 =	sld [smem:$0x7EE];
	_ =	sdelay $0x1  }
0x85: {  	s6 =	simm.s32 $0x80;
	s9 =	simm.s32 $0x800;
	[sflag:s0] =	ssyncset.done $0x0  }
0x86: {  	[sflag:s0] =	ssyncadd.s32 $0xFFFF8000;
	s0 =	sadd.s32 $0x1, s30;
	s7 =	sadd.s32 $0x10000, s7  }
.LBB2_2:
0x87: {  	s1 =	rddreg [dreg:$0x8]  }
0x88: {  	[smem:$0x7EC] =	sst s0  }
0x89: {  	s4 =	rddreg [dreg:$0x9]  }
0x8a: {  	s24 =	rddreg [dreg:$0x1e]  }
0x8b: {  	s3 =	sshll.u32 s0, $0x7;
	s5 =	rddreg [dreg:$0x5]  }
0x8c: {  	s29 =	simm.s32 $0x0;
	s25 =	rddreg [dreg:$0x1d];
	s1 =	sadd.s32 s1, s8  }
0x8d: {  	[smem:$0x7ED] =	sst s8;
	s28 =	sshll.u32 s8, $0xB;
	s1 =	sshll.u32 s1, $0x7  }
0x8e: {  	[smem:$0x7EE] =	sst s7;
	s3 =	sand.u32 $0x780, s3;
	s1 =	sand.u32 $0x780, s1  }
0x8f: {  	s17 =	sand.u32 $0x3FFFF800, s28;
	s1 =	sor.u32 s4, s1;
	s4 =	sadd.s32 s3, s24  }
0x90: {  	s8 =	simm.s32 $0x0;
	s1 =	sshrl.u32 s1, $0x3;
	s26 =	sshrl.u32 s4, $0x3  }
0x91: {  	s30 =	sadd.s32 s3, s25;
	s1 =	sadd.s32 s5, s1;
	s10 =	sadd.s32 s26, s5  }
0x92: {  	[tilespmem:s29], [sflag:$0x1] =	stream.strided.gather [hbm4b:s1+s6], $0x8000, s9, s6, $0x38;
	[tilespmem:$0x14080] =	vst v63  }
.LBB2_3:
0x93: {  	_ =	swait.ge [sflag:s18], $0x8000  }
0x94: {  	p0 =	seq.s32 s8, $0x0;
	[sflag:s18] =	ssyncset.done $0x0  }
0x95: {  	s1 =	simm.s32 @!p0 $0x4;
	[sflag:s18] =	ssyncadd.s32 $0xFFFF8000  }
0x96: {  	_ =	swait.ge @!p0 [sflag:s1], $0x8000  }
0x97: {  	[sflag:s1] =	ssyncset.done @!p0 $0x0;
	s0 =	sld [smem:$0x7EF]  }
0x98: {  	s23 =	simm.s32 $0x8000;
	[sflag:s1] =	ssyncadd.s32 @!p0 $0xFFFF8000  }
0x99: {  	[tilespmem:s23], [sflag:$0x2] =	stream.strided.gather [hbm4b:s10+s6], $0x8000, s9, s6, $0x38;
	[tilespmem:$0x14080] =	vst v63  }
0x9a: {  	s25 =	sadd.s32 s29, s0  }
0x9b: {  	p0 =	sgt.u32 s25, $0xFF  }
0x9c: {  	v30 =	vld @!p0 [tilespmem:s17+$0x10000];
	_ =	sdelay $0x3  }
0x9d: {  	s1 =	sshra.s32 @!p0 s8, $0x2  }
0x9e: {  	[tilespmem:v0+s1+$0xFFFFFFD0 ss:$0x1] =	vst.idx.msk @!p0 $0xffff, v30  }
0x9f: {  	v30 =	vld @!p0 [tilespmem:s17+$0x10010];
	_ =	sdelay $0x4  }
0xa0: {  	[tilespmem:v0+s1+$0xFFFFFFE0 ss:$0x1] =	vst.idx.msk @!p0 $0xffff, v30  }
0xa1: {  	v30 =	vld @!p0 [tilespmem:s17+$0x10020];
	_ =	sdelay $0x4  }
0xa2: {  	[tilespmem:v0+s1+$0xFFFFFFF0 ss:$0x1] =	vst.idx.msk @!p0 $0xffff, v30  }
0xa3: {  	v30 =	vld @!p0 [tilespmem:s17+$0x10030]  }
0xa4: {  	s6 =	sld [smem:$0x7F1];
	_ =	sdelay $0x2  }
0xa5: {  	s4 =	sadd.s32 s29, s6  }
0xa6: {  	[tilespmem:v0+s1+$0x0 ss:$0x1] =	vst.idx.msk @!p0 $0xffff, v30;
	p0 =	sgt.u32 s4, $0xFF  }
0xa7: {  	v30 =	vld @!p0 [tilespmem:s17+$0x10080];
	_ =	sdelay $0x3  }
0xa8: {  	s1 =	sshra.s32 @!p0 s8, $0x2  }
0xa9: {  	[tilespmem:v1+s1+$0xFFFFFFD0 ss:$0x1] =	vst.idx.msk @!p0 $0xffff, v30  }
0xaa: {  	v30 =	vld @!p0 [tilespmem:s17+$0x10090];
	_ =	sdelay $0x4  }
0xab: {  	[tilespmem:v1+s1+$0xFFFFFFE0 ss:$0x1] =	vst.idx.msk @!p0 $0xffff, v30  }
0xac: {  	v30 =	vld @!p0 [tilespmem:s17+$0x100A0];
	_ =	sdelay $0x4  }
0xad: {  	[tilespmem:v1+s1+$0xFFFFFFF0 ss:$0x1] =	vst.idx.msk @!p0 $0xffff, v30  }
0xae: {  	v30 =	vld @!p0 [tilespmem:s17+$0x100B0]  }
0xaf: {  	s9 =	sld [smem:$0x7F4];
	_ =	sdelay $0x2  }
0xb0: {  	s5 =	sadd.s32 s29, s9  }
0xb1: {  	[tilespmem:v1+s1+$0x0 ss:$0x1] =	vst.idx.msk @!p0 $0xffff, v30;
	p0 =	sgt.u32 s5, $0xFF  }
0xb2: {  	v30 =	vld @!p0 [tilespmem:s17+$0x10100];
	_ =	sdelay $0x3  }
0xb3: {  	s1 =	sshra.s32 @!p0 s8, $0x2  }
0xb4: {  	[tilespmem:v2+s1+$0xFFFFFFD0 ss:$0x1] =	vst.idx.msk @!p0 $0xffff, v30  }
0xb5: {  	v30 =	vld @!p0 [tilespmem:s17+$0x10110];
	_ =	sdelay $0x4  }
0xb6: {  	[tilespmem:v2+s1+$0xFFFFFFE0 ss:$0x1] =	vst.idx.msk @!p0 $0xffff, v30  }
0xb7: {  	v30 =	vld @!p0 [tilespmem:s17+$0x10120];
	_ =	sdelay $0x4  }
0xb8: {  	[tilespmem:v2+s1+$0xFFFFFFF0 ss:$0x1] =	vst.idx.msk @!p0 $0xffff, v30  }
0xb9: {  	v30 =	vld @!p0 [tilespmem:s17+$0x10130]  }
0xba: {  	s11 =	sld [smem:$0x7F6];
	_ =	sdelay $0x2  }
0xbb: {  	s3 =	sadd.s32 s29, s11  }
0xbc: {  	[tilespmem:v2+s1+$0x0 ss:$0x1] =	vst.idx.msk @!p0 $0xffff, v30;
	p0 =	sgt.u32 s3, $0xFF  }
0xbd: {  	v30 =	vld @!p0 [tilespmem:s17+$0x10180];
	_ =	sdelay $0x3  }
0xbe: {  	s11 =	sshra.s32 @!p0 s8, $0x2  }
0xbf: {  	[tilespmem:v3+s11+$0xFFFFFFD0 ss:$0x1] =	vst.idx.msk @!p0 $0xffff, v30  }
0xc0: {  	v30 =	vld @!p0 [tilespmem:s17+$0x10190];
	_ =	sdelay $0x4  }
0xc1: {  	[tilespmem:v3+s11+$0xFFFFFFE0 ss:$0x1] =	vst.idx.msk @!p0 $0xffff, v30  }
0xc2: {  	v30 =	vld @!p0 [tilespmem:s17+$0x101A0];
	_ =	sdelay $0x4  }
0xc3: {  	[tilespmem:v3+s11+$0xFFFFFFF0 ss:$0x1] =	vst.idx.msk @!p0 $0xffff, v30  }
0xc4: {  	v30 =	vld @!p0 [tilespmem:s17+$0x101B0]  }
0xc5: {  	s12 =	sld [smem:$0x7F9];
	_ =	sdelay $0x2  }
0xc6: {  	s1 =	sadd.s32 s29, s12  }
0xc7: {  	[tilespmem:v3+s11+$0x0 ss:$0x1] =	vst.idx.msk @!p0 $0xffff, v30;
	p0 =	sgt.u32 s1, $0xFF  }
0xc8: {  	v30 =	vld @!p0 [tilespmem:s17+$0x10200];
	_ =	sdelay $0x3  }
0xc9: {  	s11 =	sshra.s32 @!p0 s8, $0x2  }
0xca: {  	[tilespmem:v4+s11+$0xFFFFFFD0 ss:$0x1] =	vst.idx.msk @!p0 $0xffff, v30  }
0xcb: {  	v30 =	vld @!p0 [tilespmem:s17+$0x10210];
	_ =	sdelay $0x4  }
0xcc: {  	[tilespmem:v4+s11+$0xFFFFFFE0 ss:$0x1] =	vst.idx.msk @!p0 $0xffff, v30  }
0xcd: {  	v30 =	vld @!p0 [tilespmem:s17+$0x10220];
	_ =	sdelay $0x4  }
0xce: {  	[tilespmem:v4+s11+$0xFFFFFFF0 ss:$0x1] =	vst.idx.msk @!p0 $0xffff, v30  }
0xcf: {  	v30 =	vld @!p0 [tilespmem:s17+$0x10230]  }
0xd0: {  	s13 =	sld [smem:$0x7FB];
	_ =	sdelay $0x2  }
0xd1: {  	s19 =	sadd.s32 s29, s13  }
0xd2: {  	[tilespmem:v4+s11+$0x0 ss:$0x1] =	vst.idx.msk @!p0 $0xffff, v30;
	p0 =	sgt.u32 s19, $0xFF  }
0xd3: {  	v30 =	vld @!p0 [tilespmem:s17+$0x10280];
	_ =	sdelay $0x3  }
0xd4: {  	s12 =	sshra.s32 @!p0 s8, $0x2  }
0xd5: {  	[tilespmem:v5+s12+$0xFFFFFFD0 ss:$0x1] =	vst.idx.msk @!p0 $0xffff, v30  }
0xd6: {  	v30 =	vld @!p0 [tilespmem:s17+$0x10290];
	_ =	sdelay $0x4  }
0xd7: {  	[tilespmem:v5+s12+$0xFFFFFFE0 ss:$0x1] =	vst.idx.msk @!p0 $0xffff, v30  }
0xd8: {  	v30 =	vld @!p0 [tilespmem:s17+$0x102A0];
	_ =	sdelay $0x4  }
0xd9: {  	[tilespmem:v5+s12+$0xFFFFFFF0 ss:$0x1] =	vst.idx.msk @!p0 $0xffff, v30  }
0xda: {  	v30 =	vld @!p0 [tilespmem:s17+$0x102B0]  }
0xdb: {  	s14 =	sld [smem:$0x7FD];
	_ =	sdelay $0x2  }
0xdc: {  	s11 =	sadd.s32 s29, s14  }
0xdd: {  	[tilespmem:v5+s12+$0x0 ss:$0x1] =	vst.idx.msk @!p0 $0xffff, v30;
	p0 =	sgt.u32 s11, $0xFF  }
0xde: {  	v30 =	vld @!p0 [tilespmem:s17+$0x10300];
	_ =	sdelay $0x3  }
0xdf: {  	s13 =	sshra.s32 @!p0 s8, $0x2  }
0xe0: {  	[tilespmem:v6+s13+$0xFFFFFFD0 ss:$0x1] =	vst.idx.msk @!p0 $0xffff, v30  }
0xe1: {  	v30 =	vld @!p0 [tilespmem:s17+$0x10310];
	_ =	sdelay $0x4  }
0xe2: {  	[tilespmem:v6+s13+$0xFFFFFFE0 ss:$0x1] =	vst.idx.msk @!p0 $0xffff, v30  }
0xe3: {  	v30 =	vld @!p0 [tilespmem:s17+$0x10320];
	_ =	sdelay $0x4  }
0xe4: {  	[tilespmem:v6+s13+$0xFFFFFFF0 ss:$0x1] =	vst.idx.msk @!p0 $0xffff, v30  }
0xe5: {  	v30 =	vld @!p0 [tilespmem:s17+$0x10330]  }
0xe6: {  	s15 =	sld [smem:$0x7FC];
	_ =	sdelay $0x2  }
0xe7: {  	s12 =	sadd.s32 s29, s15  }
0xe8: {  	[tilespmem:v6+s13+$0x0 ss:$0x1] =	vst.idx.msk @!p0 $0xffff, v30;
	p0 =	sgt.u32 s12, $0xFF  }
0xe9: {  	v30 =	vld @!p0 [tilespmem:s17+$0x10380];
	_ =	sdelay $0x3  }
0xea: {  	s14 =	sshra.s32 @!p0 s8, $0x2  }
0xeb: {  	[tilespmem:v7+s14+$0xFFFFFFD0 ss:$0x1] =	vst.idx.msk @!p0 $0xffff, v30  }
0xec: {  	v30 =	vld @!p0 [tilespmem:s17+$0x10390];
	_ =	sdelay $0x4  }
0xed: {  	[tilespmem:v7+s14+$0xFFFFFFE0 ss:$0x1] =	vst.idx.msk @!p0 $0xffff, v30  }
0xee: {  	v30 =	vld @!p0 [tilespmem:s17+$0x103A0];
	_ =	sdelay $0x4  }
0xef: {  	[tilespmem:v7+s14+$0xFFFFFFF0 ss:$0x1] =	vst.idx.msk @!p0 $0xffff, v30  }
0xf0: {  	v30 =	vld @!p0 [tilespmem:s17+$0x103B0]  }
0xf1: {  	s16 =	sld [smem:$0x7FA];
	_ =	sdelay $0x2  }
0xf2: {  	s13 =	sadd.s32 s29, s16  }
0xf3: {  	[tilespmem:v7+s14+$0x0 ss:$0x1] =	vst.idx.msk @!p0 $0xffff, v30;
	p0 =	sgt.u32 s13, $0xFF  }
0xf4: {  	v30 =	vld @!p0 [tilespmem:s17+$0x10400];
	_ =	sdelay $0x3  }
0xf5: {  	s14 =	sshra.s32 @!p0 s8, $0x2  }
0xf6: {  	[tilespmem:v8+s14+$0xFFFFFFD0 ss:$0x1] =	vst.idx.msk @!p0 $0xffff, v30  }
0xf7: {  	v30 =	vld @!p0 [tilespmem:s17+$0x10410];
	_ =	sdelay $0x4  }
0xf8: {  	[tilespmem:v8+s14+$0xFFFFFFE0 ss:$0x1] =	vst.idx.msk @!p0 $0xffff, v30  }
0xf9: {  	v30 =	vld @!p0 [tilespmem:s17+$0x10420];
	_ =	sdelay $0x4  }
0xfa: {  	[tilespmem:v8+s14+$0xFFFFFFF0 ss:$0x1] =	vst.idx.msk @!p0 $0xffff, v30  }
0xfb: {  	v30 =	vld @!p0 [tilespmem:s17+$0x10430]  }
0xfc: {  	s22 =	sld [smem:$0x7F8];
	_ =	sdelay $0x2  }
0xfd: {  	s22 =	sadd.s32 s29, s22  }
0xfe: {  	[tilespmem:v8+s14+$0x0 ss:$0x1] =	vst.idx.msk @!p0 $0xffff, v30;
	p0 =	sgt.u32 s22, $0xFF  }
0xff: {  	v30 =	vld @!p0 [tilespmem:s17+$0x10480];
	_ =	sdelay $0x3  }
0x100: {  	s15 =	sshra.s32 @!p0 s8, $0x2  }
0x101: {  	[tilespmem:v9+s15+$0xFFFFFFD0 ss:$0x1] =	vst.idx.msk @!p0 $0xffff, v30  }
0x102: {  	v30 =	vld @!p0 [tilespmem:s17+$0x10490];
	_ =	sdelay $0x4  }
0x103: {  	[tilespmem:v9+s15+$0xFFFFFFE0 ss:$0x1] =	vst.idx.msk @!p0 $0xffff, v30  }
0x104: {  	v30 =	vld @!p0 [tilespmem:s17+$0x104A0];
	_ =	sdelay $0x4  }
0x105: {  	[tilespmem:v9+s15+$0xFFFFFFF0 ss:$0x1] =	vst.idx.msk @!p0 $0xffff, v30  }
0x106: {  	v30 =	vld @!p0 [tilespmem:s17+$0x104B0]  }
0x107: {  	s24 =	sld [smem:$0x7F7];
	_ =	sdelay $0x2  }
0x108: {  	s14 =	sadd.s32 s29, s24  }
0x109: {  	[tilespmem:v9+s15+$0x0 ss:$0x1] =	vst.idx.msk @!p0 $0xffff, v30;
	p0 =	sgt.u32 s14, $0xFF  }
0x10a: {  	v30 =	vld @!p0 [tilespmem:s17+$0x10500];
	_ =	sdelay $0x3  }
0x10b: {  	s16 =	sshra.s32 @!p0 s8, $0x2  }
0x10c: {  	[tilespmem:v10+s16+$0xFFFFFFD0 ss:$0x1] =	vst.idx.msk @!p0 $0xffff, v30  }
0x10d: {  	v30 =	vld @!p0 [tilespmem:s17+$0x10510];
	_ =	sdelay $0x4  }
0x10e: {  	[tilespmem:v10+s16+$0xFFFFFFE0 ss:$0x1] =	vst.idx.msk @!p0 $0xffff, v30  }
0x10f: {  	v30 =	vld @!p0 [tilespmem:s17+$0x10520];
	_ =	sdelay $0x4  }
0x110: {  	[tilespmem:v10+s16+$0xFFFFFFF0 ss:$0x1] =	vst.idx.msk @!p0 $0xffff, v30  }
0x111: {  	v30 =	vld @!p0 [tilespmem:s17+$0x10530]  }
0x112: {  	s26 =	sld [smem:$0x7F5];
	_ =	sdelay $0x2  }
0x113: {  	s15 =	sadd.s32 s29, s26  }
0x114: {  	[tilespmem:v10+s16+$0x0 ss:$0x1] =	vst.idx.msk @!p0 $0xffff, v30;
	p0 =	sgt.u32 s15, $0xFF  }
0x115: {  	v30 =	vld @!p0 [tilespmem:s17+$0x10580];
	_ =	sdelay $0x3  }
0x116: {  	s24 =	sshra.s32 @!p0 s8, $0x2  }
0x117: {  	[tilespmem:v11+s24+$0xFFFFFFD0 ss:$0x1] =	vst.idx.msk @!p0 $0xffff, v30  }
0x118: {  	v30 =	vld @!p0 [tilespmem:s17+$0x10590];
	_ =	sdelay $0x4  }
0x119: {  	[tilespmem:v11+s24+$0xFFFFFFE0 ss:$0x1] =	vst.idx.msk @!p0 $0xffff, v30  }
0x11a: {  	v30 =	vld @!p0 [tilespmem:s17+$0x105A0];
	_ =	sdelay $0x4  }
0x11b: {  	[tilespmem:v11+s24+$0xFFFFFFF0 ss:$0x1] =	vst.idx.msk @!p0 $0xffff, v30  }
0x11c: {  	v30 =	vld @!p0 [tilespmem:s17+$0x105B0]  }
0x11d: {  	s28 =	sld [smem:$0x7F3];
	_ =	sdelay $0x2  }
0x11e: {  	s16 =	sadd.s32 s29, s28  }
0x11f: {  	[tilespmem:v11+s24+$0x0 ss:$0x1] =	vst.idx.msk @!p0 $0xffff, v30;
	p0 =	sgt.u32 s16, $0xFF  }
0x120: {  	v30 =	vld @!p0 [tilespmem:s17+$0x10600];
	_ =	sdelay $0x3  }
0x121: {  	s24 =	sshra.s32 @!p0 s8, $0x2  }
0x122: {  	[tilespmem:v12+s24+$0xFFFFFFD0 ss:$0x1] =	vst.idx.msk @!p0 $0xffff, v30  }
0x123: {  	v30 =	vld @!p0 [tilespmem:s17+$0x10610];
	_ =	sdelay $0x4  }
0x124: {  	[tilespmem:v12+s24+$0xFFFFFFE0 ss:$0x1] =	vst.idx.msk @!p0 $0xffff, v30  }
0x125: {  	v30 =	vld @!p0 [tilespmem:s17+$0x10620];
	_ =	sdelay $0x4  }
0x126: {  	[tilespmem:v12+s24+$0xFFFFFFF0 ss:$0x1] =	vst.idx.msk @!p0 $0xffff, v30  }
0x127: {  	v30 =	vld @!p0 [tilespmem:s17+$0x10630]  }
0x128: {  	s6 =	sld [smem:$0x7F2];
	_ =	sdelay $0x2  }
0x129: {  	s26 =	sadd.s32 s29, s6  }
0x12a: {  	[tilespmem:v12+s24+$0x0 ss:$0x1] =	vst.idx.msk @!p0 $0xffff, v30;
	p0 =	sgt.u32 s26, $0xFF  }
0x12b: {  	v30 =	vld @!p0 [tilespmem:s17+$0x10680];
	_ =	sdelay $0x3  }
0x12c: {  	s24 =	sshra.s32 @!p0 s8, $0x2  }
0x12d: {  	[tilespmem:v13+s24+$0xFFFFFFE0 ss:$0x1] =	vst.idx.msk @!p0 $0xffff, v30  }
0x12e: {  	v30 =	vld @!p0 [tilespmem:s17+$0x10690];
	_ =	sdelay $0x4  }
0x12f: {  	[tilespmem:v13+s24+$0xFFFFFFF0 ss:$0x1] =	vst.idx.msk @!p0 $0xffff, v30  }
0x130: {  	v30 =	vld @!p0 [tilespmem:s17+$0x106A0];
	_ =	sdelay $0x4  }
0x131: {  	[tilespmem:v13+s24+$0x0 ss:$0x1] =	vst.idx.msk @!p0 $0xffff, v30  }
0x132: {  	v30 =	vld @!p0 [tilespmem:s17+$0x106B0]  }
0x133: {  	s9 =	sld [smem:$0x7F0];
	_ =	sdelay $0x2  }
0x134: {  	s28 =	sadd.s32 s29, s9  }
0x135: {  	[tilespmem:v13+s24+$0x10 ss:$0x1] =	vst.idx.msk @!p0 $0xffff, v30;
	p0 =	sgt.u32 s28, $0xFF  }
0x136: {  	v30 =	vld @!p0 [tilespmem:s17+$0x10700];
	_ =	sdelay $0x3  }
0x137: {  	s6 =	sshra.s32 @!p0 s8, $0x2  }
0x138: {  	[tilespmem:v14+s6+$0x0 ss:$0x1] =	vst.idx.msk @!p0 $0xffff, v30  }
0x139: {  	v30 =	vld @!p0 [tilespmem:s17+$0x10710];
	_ =	sdelay $0x4  }
0x13a: {  	[tilespmem:v14+s6+$0x10 ss:$0x1] =	vst.idx.msk @!p0 $0xffff, v30  }
0x13b: {  	v30 =	vld @!p0 [tilespmem:s17+$0x10720];
	_ =	sdelay $0x4  }
0x13c: {  	[tilespmem:v14+s6+$0x20 ss:$0x1] =	vst.idx.msk @!p0 $0xffff, v30  }
0x13d: {  	v30 =	vld @!p0 [tilespmem:s17+$0x10730];
	_ =	sdelay $0x3  }
0x13e: {  	s24 =	sadd.s32 s29, s21  }
0x13f: {  	[tilespmem:v14+s6+$0x30 ss:$0x1] =	vst.idx.msk @!p0 $0xffff, v30;
	p0 =	sgt.u32 s24, $0xFF  }
0x140: {  	v30 =	vld @!p0 [tilespmem:s17+$0x10780];
	_ =	sdelay $0x3  }
0x141: {  	s6 =	sshra.s32 @!p0 s8, $0x2  }
0x142: {  	[tilespmem:v15+s6+$0x0 ss:$0x1] =	vst.idx.msk @!p0 $0xffff, v30  }
0x143: {  	v30 =	vld @!p0 [tilespmem:s17+$0x10790];
	_ =	sdelay $0x4  }
0x144: {  	[tilespmem:v15+s6+$0x10 ss:$0x1] =	vst.idx.msk @!p0 $0xffff, v30  }
0x145: {  	v30 =	vld @!p0 [tilespmem:s17+$0x107A0];
	_ =	sdelay $0x4  }
0x146: {  	[tilespmem:v15+s6+$0x20 ss:$0x1] =	vst.idx.msk @!p0 $0xffff, v30  }
0x147: {  	v30 =	vld @!p0 [tilespmem:s17+$0x107B0];
	_ =	sdelay $0x4  }
0x148: {  	[tilespmem:v15+s6+$0x30 ss:$0x1] =	vst.idx.msk @!p0 $0xffff, v30  }
0x149: {  	[hbm4b:s7+s2] =	stream.linear.scatter [tilespmem:s2], [sflag:$0x3], $0x8000, $0x38;
	[tilespmem:$0x14080] =	vst v63  }
0x14a: {  	_ =	swait.ge [sflag:s20], $0x8000  }
0x14b: {  	s25 =	sadd.s32 $0xFFFFFF00, s25;
	[sflag:s20] =	ssyncset.done $0x0  }
0x14c: {  	p0 =	sgt.u32 s25, $0xFF;
	[sflag:s20] =	ssyncadd.s32 $0xFFFF8000  }
0x14d: {  	v30 =	vld @!p0 [tilespmem:s17+$0x10000];
	_ =	sdelay $0x3  }
0x14e: {  	s6 =	sshra.s32 @!p0 s8, $0x2  }
0x14f: {  	[tilespmem:v16+s6+$0x0 ss:$0x1] =	vst.idx.msk @!p0 $0xffff, v30  }
0x150: {  	v30 =	vld @!p0 [tilespmem:s17+$0x10010];
	_ =	sdelay $0x4  }
0x151: {  	[tilespmem:v16+s6+$0x10 ss:$0x1] =	vst.idx.msk @!p0 $0xffff, v30  }
0x152: {  	v30 =	vld @!p0 [tilespmem:s17+$0x10020];
	_ =	sdelay $0x4  }
0x153: {  	[tilespmem:v16+s6+$0x20 ss:$0x1] =	vst.idx.msk @!p0 $0xffff, v30  }
0x154: {  	v30 =	vld @!p0 [tilespmem:s17+$0x10030];
	_ =	sdelay $0x3  }
0x155: {  	s4 =	sadd.s32 $0xFFFFFF00, s4  }
0x156: {  	[tilespmem:v16+s6+$0x30 ss:$0x1] =	vst.idx.msk @!p0 $0xffff, v30;
	p0 =	sgt.u32 s4, $0xFF  }
0x157: {  	v30 =	vld @!p0 [tilespmem:s17+$0x10080];
	_ =	sdelay $0x3  }
0x158: {  	s4 =	sshra.s32 @!p0 s8, $0x2  }
0x159: {  	[tilespmem:v17+s4+$0x0 ss:$0x1] =	vst.idx.msk @!p0 $0xffff, v30  }
0x15a: {  	v30 =	vld @!p0 [tilespmem:s17+$0x10090];
	_ =	sdelay $0x4  }
0x15b: {  	[tilespmem:v17+s4+$0x10 ss:$0x1] =	vst.idx.msk @!p0 $0xffff, v30  }
0x15c: {  	v30 =	vld @!p0 [tilespmem:s17+$0x100A0];
	_ =	sdelay $0x4  }
0x15d: {  	[tilespmem:v17+s4+$0x20 ss:$0x1] =	vst.idx.msk @!p0 $0xffff, v30  }
0x15e: {  	v30 =	vld @!p0 [tilespmem:s17+$0x100B0];
	_ =	sdelay $0x3  }
0x15f: {  	s5 =	sadd.s32 $0xFFFFFF00, s5  }
0x160: {  	[tilespmem:v17+s4+$0x30 ss:$0x1] =	vst.idx.msk @!p0 $0xffff, v30;
	p0 =	sgt.u32 s5, $0xFF  }
0x161: {  	v30 =	vld @!p0 [tilespmem:s17+$0x10100];
	_ =	sdelay $0x3  }
0x162: {  	s4 =	sshra.s32 @!p0 s8, $0x2  }
0x163: {  	[tilespmem:v18+s4+$0x0 ss:$0x1] =	vst.idx.msk @!p0 $0xffff, v30  }
0x164: {  	v30 =	vld @!p0 [tilespmem:s17+$0x10110];
	_ =	sdelay $0x4  }
0x165: {  	[tilespmem:v18+s4+$0x10 ss:$0x1] =	vst.idx.msk @!p0 $0xffff, v30  }
0x166: {  	v30 =	vld @!p0 [tilespmem:s17+$0x10120];
	_ =	sdelay $0x4  }
0x167: {  	[tilespmem:v18+s4+$0x20 ss:$0x1] =	vst.idx.msk @!p0 $0xffff, v30  }
0x168: {  	v30 =	vld @!p0 [tilespmem:s17+$0x10130];
	_ =	sdelay $0x3  }
0x169: {  	s3 =	sadd.s32 $0xFFFFFF00, s3  }
0x16a: {  	[tilespmem:v18+s4+$0x30 ss:$0x1] =	vst.idx.msk @!p0 $0xffff, v30;
	p0 =	sgt.u32 s3, $0xFF  }
0x16b: {  	v30 =	vld @!p0 [tilespmem:s17+$0x10180];
	_ =	sdelay $0x3  }
0x16c: {  	s3 =	sshra.s32 @!p0 s8, $0x2  }
0x16d: {  	[tilespmem:v19+s3+$0x0 ss:$0x1] =	vst.idx.msk @!p0 $0xffff, v30  }
0x16e: {  	v30 =	vld @!p0 [tilespmem:s17+$0x10190];
	_ =	sdelay $0x4  }
0x16f: {  	[tilespmem:v19+s3+$0x10 ss:$0x1] =	vst.idx.msk @!p0 $0xffff, v30  }
0x170: {  	v30 =	vld @!p0 [tilespmem:s17+$0x101A0];
	_ =	sdelay $0x4  }
0x171: {  	[tilespmem:v19+s3+$0x20 ss:$0x1] =	vst.idx.msk @!p0 $0xffff, v30  }
0x172: {  	v30 =	vld @!p0 [tilespmem:s17+$0x101B0];
	_ =	sdelay $0x3  }
0x173: {  	s1 =	sadd.s32 $0xFFFFFF00, s1  }
0x174: {  	[tilespmem:v19+s3+$0x30 ss:$0x1] =	vst.idx.msk @!p0 $0xffff, v30;
	p0 =	sgt.u32 s1, $0xFF  }
0x175: {  	v30 =	vld @!p0 [tilespmem:s17+$0x10200];
	_ =	sdelay $0x3  }
0x176: {  	s1 =	sshra.s32 @!p0 s8, $0x2  }
0x177: {  	[tilespmem:v20+s1+$0x0 ss:$0x1] =	vst.idx.msk @!p0 $0xffff, v30  }
0x178: {  	v30 =	vld @!p0 [tilespmem:s17+$0x10210];
	_ =	sdelay $0x4  }
0x179: {  	[tilespmem:v20+s1+$0x10 ss:$0x1] =	vst.idx.msk @!p0 $0xffff, v30  }
0x17a: {  	v30 =	vld @!p0 [tilespmem:s17+$0x10220];
	_ =	sdelay $0x4  }
0x17b: {  	[tilespmem:v20+s1+$0x20 ss:$0x1] =	vst.idx.msk @!p0 $0xffff, v30  }
0x17c: {  	v30 =	vld @!p0 [tilespmem:s17+$0x10230];
	_ =	sdelay $0x3  }
0x17d: {  	s5 =	sadd.s32 $0xFFFFFF00, s19  }
0x17e: {  	[tilespmem:v20+s1+$0x30 ss:$0x1] =	vst.idx.msk @!p0 $0xffff, v30;
	p0 =	sgt.u32 s5, $0xFF  }
0x17f: {  	v30 =	vld @!p0 [tilespmem:s17+$0x10280];
	_ =	sdelay $0x3  }
0x180: {  	s1 =	sshra.s32 @!p0 s8, $0x2  }
0x181: {  	[tilespmem:v21+s1+$0x0 ss:$0x1] =	vst.idx.msk @!p0 $0xffff, v30  }
0x182: {  	v30 =	vld @!p0 [tilespmem:s17+$0x10290];
	_ =	sdelay $0x4  }
0x183: {  	[tilespmem:v21+s1+$0x10 ss:$0x1] =	vst.idx.msk @!p0 $0xffff, v30  }
0x184: {  	v30 =	vld @!p0 [tilespmem:s17+$0x102A0];
	_ =	sdelay $0x4  }
0x185: {  	[tilespmem:v21+s1+$0x20 ss:$0x1] =	vst.idx.msk @!p0 $0xffff, v30  }
0x186: {  	v30 =	vld @!p0 [tilespmem:s17+$0x102B0];
	_ =	sdelay $0x3  }
0x187: {  	s6 =	sadd.s32 $0xFFFFFF00, s11  }
0x188: {  	[tilespmem:v21+s1+$0x30 ss:$0x1] =	vst.idx.msk @!p0 $0xffff, v30;
	p0 =	sgt.u32 s6, $0xFF  }
0x189: {  	v30 =	vld @!p0 [tilespmem:s17+$0x10300];
	_ =	sdelay $0x3  }
0x18a: {  	s1 =	sshra.s32 @!p0 s8, $0x2  }
0x18b: {  	[tilespmem:v22+s1+$0x0 ss:$0x1] =	vst.idx.msk @!p0 $0xffff, v30  }
0x18c: {  	v30 =	vld @!p0 [tilespmem:s17+$0x10310];
	_ =	sdelay $0x4  }
0x18d: {  	[tilespmem:v22+s1+$0x10 ss:$0x1] =	vst.idx.msk @!p0 $0xffff, v30  }
0x18e: {  	v30 =	vld @!p0 [tilespmem:s17+$0x10320];
	_ =	sdelay $0x4  }
0x18f: {  	[tilespmem:v22+s1+$0x20 ss:$0x1] =	vst.idx.msk @!p0 $0xffff, v30  }
0x190: {  	v30 =	vld @!p0 [tilespmem:s17+$0x10330];
	_ =	sdelay $0x3  }
0x191: {  	s11 =	sadd.s32 $0xFFFFFF00, s12  }
0x192: {  	[tilespmem:v22+s1+$0x30 ss:$0x1] =	vst.idx.msk @!p0 $0xffff, v30;
	p0 =	sgt.u32 s11, $0xFF  }
0x193: {  	v30 =	vld @!p0 [tilespmem:s17+$0x10380];
	_ =	sdelay $0x3  }
0x194: {  	s1 =	sshra.s32 @!p0 s8, $0x2  }
0x195: {  	[tilespmem:v23+s1+$0x0 ss:$0x1] =	vst.idx.msk @!p0 $0xffff, v30  }
0x196: {  	v30 =	vld @!p0 [tilespmem:s17+$0x10390];
	_ =	sdelay $0x4  }
0x197: {  	[tilespmem:v23+s1+$0x10 ss:$0x1] =	vst.idx.msk @!p0 $0xffff, v30  }
0x198: {  	v30 =	vld @!p0 [tilespmem:s17+$0x103A0];
	_ =	sdelay $0x4  }
0x199: {  	[tilespmem:v23+s1+$0x20 ss:$0x1] =	vst.idx.msk @!p0 $0xffff, v30  }
0x19a: {  	v30 =	vld @!p0 [tilespmem:s17+$0x103B0];
	_ =	sdelay $0x3  }
0x19b: {  	s12 =	sadd.s32 $0xFFFFFF00, s13  }
0x19c: {  	[tilespmem:v23+s1+$0x30 ss:$0x1] =	vst.idx.msk @!p0 $0xffff, v30;
	p0 =	sgt.u32 s12, $0xFF  }
0x19d: {  	v30 =	vld @!p0 [tilespmem:s17+$0x10400];
	_ =	sdelay $0x3  }
0x19e: {  	s1 =	sshra.s32 @!p0 s8, $0x2  }
0x19f: {  	[tilespmem:v24+s1+$0x0 ss:$0x1] =	vst.idx.msk @!p0 $0xffff, v30  }
0x1a0: {  	v30 =	vld @!p0 [tilespmem:s17+$0x10410];
	_ =	sdelay $0x4  }
0x1a1: {  	[tilespmem:v24+s1+$0x10 ss:$0x1] =	vst.idx.msk @!p0 $0xffff, v30  }
0x1a2: {  	v30 =	vld @!p0 [tilespmem:s17+$0x10420];
	_ =	sdelay $0x4  }
0x1a3: {  	[tilespmem:v24+s1+$0x20 ss:$0x1] =	vst.idx.msk @!p0 $0xffff, v30  }
0x1a4: {  	v30 =	vld @!p0 [tilespmem:s17+$0x10430];
	_ =	sdelay $0x3  }
0x1a5: {  	s13 =	sadd.s32 $0xFFFFFF00, s22  }
0x1a6: {  	[tilespmem:v24+s1+$0x30 ss:$0x1] =	vst.idx.msk @!p0 $0xffff, v30;
	p0 =	sgt.u32 s13, $0xFF  }
0x1a7: {  	v30 =	vld @!p0 [tilespmem:s17+$0x10480];
	_ =	sdelay $0x3  }
0x1a8: {  	s1 =	sshra.s32 @!p0 s8, $0x2  }
0x1a9: {  	[tilespmem:v25+s1+$0x0 ss:$0x1] =	vst.idx.msk @!p0 $0xffff, v30  }
0x1aa: {  	v30 =	vld @!p0 [tilespmem:s17+$0x10490];
	_ =	sdelay $0x4  }
0x1ab: {  	[tilespmem:v25+s1+$0x10 ss:$0x1] =	vst.idx.msk @!p0 $0xffff, v30  }
0x1ac: {  	v30 =	vld @!p0 [tilespmem:s17+$0x104A0];
	_ =	sdelay $0x4  }
0x1ad: {  	[tilespmem:v25+s1+$0x20 ss:$0x1] =	vst.idx.msk @!p0 $0xffff, v30  }
0x1ae: {  	v30 =	vld @!p0 [tilespmem:s17+$0x104B0];
	_ =	sdelay $0x3  }
0x1af: {  	s14 =	sadd.s32 $0xFFFFFF00, s14  }
0x1b0: {  	[tilespmem:v25+s1+$0x30 ss:$0x1] =	vst.idx.msk @!p0 $0xffff, v30;
	p0 =	sgt.u32 s14, $0xFF  }
0x1b1: {  	v30 =	vld @!p0 [tilespmem:s17+$0x10500];
	_ =	sdelay $0x3  }
0x1b2: {  	s1 =	sshra.s32 @!p0 s8, $0x2  }
0x1b3: {  	[tilespmem:v26+s1+$0x0 ss:$0x1] =	vst.idx.msk @!p0 $0xffff, v30  }
0x1b4: {  	v30 =	vld @!p0 [tilespmem:s17+$0x10510];
	_ =	sdelay $0x4  }
0x1b5: {  	[tilespmem:v26+s1+$0x10 ss:$0x1] =	vst.idx.msk @!p0 $0xffff, v30  }
0x1b6: {  	v30 =	vld @!p0 [tilespmem:s17+$0x10520];
	_ =	sdelay $0x4  }
0x1b7: {  	[tilespmem:v26+s1+$0x20 ss:$0x1] =	vst.idx.msk @!p0 $0xffff, v30  }
0x1b8: {  	v30 =	vld @!p0 [tilespmem:s17+$0x10530];
	_ =	sdelay $0x3  }
0x1b9: {  	s15 =	sadd.s32 $0xFFFFFF00, s15  }
0x1ba: {  	[tilespmem:v26+s1+$0x30 ss:$0x1] =	vst.idx.msk @!p0 $0xffff, v30;
	p0 =	sgt.u32 s15, $0xFF  }
0x1bb: {  	v30 =	vld @!p0 [tilespmem:s17+$0x10580];
	_ =	sdelay $0x3  }
0x1bc: {  	s1 =	sshra.s32 @!p0 s8, $0x2  }
0x1bd: {  	[tilespmem:v27+s1+$0x0 ss:$0x1] =	vst.idx.msk @!p0 $0xffff, v30  }
0x1be: {  	v30 =	vld @!p0 [tilespmem:s17+$0x10590];
	_ =	sdelay $0x4  }
0x1bf: {  	[tilespmem:v27+s1+$0x10 ss:$0x1] =	vst.idx.msk @!p0 $0xffff, v30  }
0x1c0: {  	v30 =	vld @!p0 [tilespmem:s17+$0x105A0];
	_ =	sdelay $0x4  }
0x1c1: {  	[tilespmem:v27+s1+$0x20 ss:$0x1] =	vst.idx.msk @!p0 $0xffff, v30  }
0x1c2: {  	v30 =	vld @!p0 [tilespmem:s17+$0x105B0];
	_ =	sdelay $0x3  }
0x1c3: {  	s19 =	sadd.s32 $0xFFFFFF00, s16  }
0x1c4: {  	[tilespmem:v27+s1+$0x30 ss:$0x1] =	vst.idx.msk @!p0 $0xffff, v30;
	p0 =	sgt.u32 s19, $0xFF  }
0x1c5: {  	v30 =	vld @!p0 [tilespmem:s17+$0x10600];
	_ =	sdelay $0x3  }
0x1c6: {  	s1 =	sshra.s32 @!p0 s8, $0x2  }
0x1c7: {  	[tilespmem:v28+s1+$0x0 ss:$0x1] =	vst.idx.msk @!p0 $0xffff, v30  }
0x1c8: {  	v30 =	vld @!p0 [tilespmem:s17+$0x10610];
	_ =	sdelay $0x4  }
0x1c9: {  	[tilespmem:v28+s1+$0x10 ss:$0x1] =	vst.idx.msk @!p0 $0xffff, v30  }
0x1ca: {  	v30 =	vld @!p0 [tilespmem:s17+$0x10620];
	_ =	sdelay $0x4  }
0x1cb: {  	[tilespmem:v28+s1+$0x20 ss:$0x1] =	vst.idx.msk @!p0 $0xffff, v30  }
0x1cc: {  	v30 =	vld @!p0 [tilespmem:s17+$0x10630];
	_ =	sdelay $0x3  }
0x1cd: {  	s22 =	sadd.s32 $0xFFFFFF00, s26  }
0x1ce: {  	[tilespmem:v28+s1+$0x30 ss:$0x1] =	vst.idx.msk @!p0 $0xffff, v30;
	p0 =	sgt.u32 s22, $0xFF  }
0x1cf: {  	v30 =	vld @!p0 [tilespmem:s17+$0x10680];
	_ =	sdelay $0x3  }
0x1d0: {  	s1 =	sshra.s32 @!p0 s8, $0x2  }
0x1d1: {  	[tilespmem:v29+s1+$0x0 ss:$0x1] =	vst.idx.msk @!p0 $0xffff, v30  }
0x1d2: {  	v30 =	vld @!p0 [tilespmem:s17+$0x10690];
	_ =	sdelay $0x4  }
0x1d3: {  	[tilespmem:v29+s1+$0x10 ss:$0x1] =	vst.idx.msk @!p0 $0xffff, v30  }
0x1d4: {  	v30 =	vld @!p0 [tilespmem:s17+$0x106A0];
	_ =	sdelay $0x4  }
0x1d5: {  	[tilespmem:v29+s1+$0x20 ss:$0x1] =	vst.idx.msk @!p0 $0xffff, v30  }
0x1d6: {  	v30 =	vld @!p0 [tilespmem:s17+$0x106B0];
	_ =	sdelay $0x3  }
0x1d7: {  	s25 =	sadd.s32 $0xFFFFFF00, s28  }
0x1d8: {  	[tilespmem:v29+s1+$0x30 ss:$0x1] =	vst.idx.msk @!p0 $0xffff, v30;
	p0 =	sgt.u32 s25, $0xFF  }
0x1d9: {  	v30 =	vld @!p0 [tilespmem:s17+$0x10700];
	_ =	sdelay $0x3  }
0x1da: {  	s1 =	sshra.s32 @!p0 s8, $0x2  }
0x1db: {  	[tilespmem:v14+s1+$0x0 ss:$0x1] =	vst.idx.msk @!p0 $0xffff, v30  }
0x1dc: {  	v30 =	vld @!p0 [tilespmem:s17+$0x10710];
	_ =	sdelay $0x4  }
0x1dd: {  	[tilespmem:v14+s1+$0x10 ss:$0x1] =	vst.idx.msk @!p0 $0xffff, v30  }
0x1de: {  	v30 =	vld @!p0 [tilespmem:s17+$0x10720];
	_ =	sdelay $0x4  }
0x1df: {  	[tilespmem:v14+s1+$0x20 ss:$0x1] =	vst.idx.msk @!p0 $0xffff, v30  }
0x1e0: {  	v30 =	vld @!p0 [tilespmem:s17+$0x10730];
	_ =	sdelay $0x3  }
0x1e1: {  	s26 =	sadd.s32 $0xFFFFFF00, s24  }
0x1e2: {  	[tilespmem:v14+s1+$0x30 ss:$0x1] =	vst.idx.msk @!p0 $0xffff, v30;
	p0 =	sgt.u32 s26, $0xFF  }
0x1e3: {  	v30 =	vld @!p0 [tilespmem:s17+$0x10780];
	_ =	sdelay $0x3  }
0x1e4: {  	s1 =	sshra.s32 @!p0 s8, $0x2  }
0x1e5: {  	[tilespmem:v15+s1+$0x0 ss:$0x1] =	vst.idx.msk @!p0 $0xffff, v30  }
0x1e6: {  	v30 =	vld @!p0 [tilespmem:s17+$0x10790];
	_ =	sdelay $0x4  }
0x1e7: {  	[tilespmem:v15+s1+$0x10 ss:$0x1] =	vst.idx.msk @!p0 $0xffff, v30  }
0x1e8: {  	v30 =	vld @!p0 [tilespmem:s17+$0x107A0];
	_ =	sdelay $0x4  }
0x1e9: {  	[tilespmem:v15+s1+$0x20 ss:$0x1] =	vst.idx.msk @!p0 $0xffff, v30  }
0x1ea: {  	v30 =	vld @!p0 [tilespmem:s17+$0x107B0];
	_ =	sdelay $0x4  }
0x1eb: {  	[tilespmem:v15+s1+$0x30 ss:$0x1] =	vst.idx.msk @!p0 $0xffff, v30;
	p0 =	seq.s32 s8, $0xFFE40000  }
.Ltmp4:
0x1ec: {  	s28 =	sadd.s32 $0x1000, s7;
	(pc) =	sbr.rel @p0 .LBB2_5-.Ltmp4, $4  }
0x1ed: {  	[hbm4b:s28+s2] =	stream.linear.scatter [tilespmem:s23], [sflag:$0x4], $0x8000, $0x38;
	[tilespmem:$0x14080] =	vst v63  }
0x1ee: {  	_ =	swait.ge [sflag:s31], $0x8000  }
0x1ef: {  	[sflag:s31] =	ssyncset.done $0x0  }
0x1f0: {  	s0 =	simm.s32 $0x800;
	s9 =	simm.s32 $0x80;
	[sflag:s31] =	ssyncadd.s32 $0xFFFF8000  }
.Ltmp5:
0x1f1: {  	s1 =	sshrl.u32 s30, $0x3;
	(pc) =	sbr.rel .LBB2_3-.Ltmp5, $4  }
0x1f2: {  	s3 =	rddreg [dreg:$0x5];
	s30 =	sadd.s32 $0x100000, s30;
	s8 =	sadd.s32 $0xFFFC0000, s8  }
0x1f3: {  	s7 =	sadd.s32 $0x2000, s7;
	s29 =	sadd.s32 $0xFFFFFE00, s29;
	s1 =	sadd.s32 s3, s1  }
0x1f4: {  	[tilespmem:s2], [sflag:$0x1] =	stream.strided.gather [hbm4b:s1+s9], $0x8000, s0, s9, $0x38;
	[tilespmem:$0x14080] =	vst v63  }
0x1f5: {  	s10 =	sadd.s32 $0x20000, s10;
	s6 =	simm.s32 $0x80;
	s9 =	simm.s32 $0x800  }
.LBB2_6:
0x1f6: {  	s1 =	rddreg [dreg:$0xa];
	s0 =	simm.s32 $0x10000  }
0x1f7: {  	[tilespmem:s0], [sflag:$0x5] =	stream.strided.gather [hbm4b:s1+s6], $0x800, s9, s6, $0x38;
	[tilespmem:$0x14080] =	vst v63  }
0x1f8: {  	s12 =	rddreg [dreg:$0x13];
	s13 =	simm.s32 $0x10800  }
0x1f9: {  	[tilespmem:s13], [sflag:$0x5] =	stream.strided.gather [hbm4b:s12+s6], $0x800, s9, s6, $0x38;
	[tilespmem:$0x14080] =	vst v63  }
0x1fa: {  	s14 =	rddreg [dreg:$0x14];
	s15 =	simm.s32 $0x11000  }
0x1fb: {  	[tilespmem:s15], [sflag:$0x5] =	stream.strided.gather [hbm4b:s14+s6], $0x800, s9, s6, $0x38;
	[tilespmem:$0x14080] =	vst v63  }
0x1fc: {  	s16 =	rddreg [dreg:$0x15];
	s17 =	simm.s32 $0x11800  }
0x1fd: {  	[tilespmem:s17], [sflag:$0x5] =	stream.strided.gather [hbm4b:s16+s6], $0x800, s9, s6, $0x38;
	[tilespmem:$0x14080] =	vst v63  }
0x1fe: {  	s19 =	rddreg [dreg:$0x16];
	s22 =	simm.s32 $0x12000  }
0x1ff: {  	[tilespmem:s22], [sflag:$0x5] =	stream.strided.gather [hbm4b:s19+s6], $0x800, s9, s6, $0x38;
	[tilespmem:$0x14080] =	vst v63  }
0x200: {  	s23 =	rddreg [dreg:$0x17];
	s24 =	simm.s32 $0x12800  }
0x201: {  	[tilespmem:s24], [sflag:$0x5] =	stream.strided.gather [hbm4b:s23+s6], $0x800, s9, s6, $0x38;
	[tilespmem:$0x14080] =	vst v63  }
0x202: {  	s25 =	rddreg [dreg:$0x1b];
	s26 =	simm.s32 $0x13000  }
0x203: {  	[tilespmem:s26], [sflag:$0x5] =	stream.strided.gather [hbm4b:s25+s6], $0x800, s9, s6, $0x38;
	[tilespmem:$0x14080] =	vst v63  }
0x204: {  	s28 =	rddreg [dreg:$0x1c];
	s29 =	simm.s32 $0x13800;
	s30 =	simm.s32 $0x5  }
0x205: {  	[tilespmem:s29], [sflag:$0x5] =	stream.strided.gather [hbm4b:s28+s6], $0x800, s9, s6, $0x38;
	[tilespmem:$0x14080] =	vst v63  }
0x206: {  	_ =	swait.ge [sflag:s30], $0x800  }
0x207: {  	[sflag:s30] =	ssyncset.done $0x0  }
0x208: {  	[sflag:s30] =	ssyncadd.s32 $0xFFFFF800  }
0x209: {  	_ =	swait.ge [sflag:s30], $0x800  }
0x20a: {  	[sflag:s30] =	ssyncset.done $0x0  }
0x20b: {  	[sflag:s30] =	ssyncadd.s32 $0xFFFFF800  }
0x20c: {  	_ =	swait.ge [sflag:s30], $0x800  }
0x20d: {  	[sflag:s30] =	ssyncset.done $0x0  }
0x20e: {  	[sflag:s30] =	ssyncadd.s32 $0xFFFFF800  }
0x20f: {  	_ =	swait.ge [sflag:s30], $0x800  }
0x210: {  	[sflag:s30] =	ssyncset.done $0x0  }
0x211: {  	[sflag:s30] =	ssyncadd.s32 $0xFFFFF800  }
0x212: {  	_ =	swait.ge [sflag:s30], $0x800  }
0x213: {  	[sflag:s30] =	ssyncset.done $0x0  }
0x214: {  	[sflag:s30] =	ssyncadd.s32 $0xFFFFF800  }
0x215: {  	_ =	swait.ge [sflag:s30], $0x800  }
0x216: {  	[sflag:s30] =	ssyncset.done $0x0  }
0x217: {  	[sflag:s30] =	ssyncadd.s32 $0xFFFFF800  }
0x218: {  	_ =	swait.ge [sflag:s30], $0x800  }
.Ltmp6:
0x219: {  	[sflag:s30] =	ssyncset.done $0x0;
	(pc) =	sbr.rel .LBB2_7-.Ltmp6, $4  }
0x21a: {  	[sflag:s30] =	ssyncadd.s32 $0xFFFFF800  }
0x21b: {  	_ =	swait.ge [sflag:s30], $0x800  }
0x21c: {  	[sflag:s30] =	ssyncset.done $0x0;
	s7 =	rddreg [dreg:$0x1a]  }
0x21d: {  	s8 =	simm.s32 $0x0;
	s0 =	rddreg [dreg:$0x18];
	[sflag:s30] =	ssyncadd.s32 $0xFFFFF800  }
.LBB2_10:
0x21e: {  	s0 =	simm.s32 $0x4  }
0x21f: {  	_ =	swait.ge [sflag:s0], $0x8000  }
0x220: {  	s8 =	sld [smem:$0x7EA];
	_ =	sdelay $0x2  }
0x221: {  	s8 =	sadd.s32 $0x1, s8  }
0x222: {  	p0 =	sne.s32 s8, $0x8  }
.Ltmp7:
0x223: {  	s30 =	sld [smem:$0x7E9];
	(pc) =	sbr.rel @!p0 .LBB2_11-.Ltmp7, $3  }
0x224: {  	s7 =	sld [smem:$0x7EB];
	_ =	sdelay $0x1  }
0x225: {  	s6 =	simm.s32 $0x80;
	s9 =	simm.s32 $0x800;
	[sflag:s0] =	ssyncset.done $0x0  }
0x226: {  	[sflag:s0] =	ssyncadd.s32 $0xFFFF8000;
	s0 =	sadd.s32 $0x1, s30;
	s7 =	sadd.s32 $0x10000, s7  }
.LBB2_7:
0x227: {  	s1 =	rddreg [dreg:$0x8]  }
0x228: {  	[smem:$0x7E9] =	sst s0  }
0x229: {  	s4 =	rddreg [dreg:$0x9]  }
0x22a: {  	s24 =	rddreg [dreg:$0x1e]  }
0x22b: {  	s5 =	rddreg [dreg:$0x6]  }
0x22c: {  	s3 =	sshll.u32 s0, $0x7;
	s26 =	rddreg [dreg:$0x1d]  }
0x22d: {  	s25 =	simm.s32 $0x0;
	[smem:$0x7EA] =	sst s8;
	s1 =	sadd.s32 s1, s8  }
0x22e: {  	s28 =	sshll.u32 s8, $0xB;
	s17 =	simm.s32 $0x0;
	s1 =	sshll.u32 s1, $0x7  }
0x22f: {  	[smem:$0x7EB] =	sst s7;
	s3 =	sand.u32 $0x780, s3;
	s1 =	sand.u32 $0x780, s1  }
0x230: {  	s10 =	sand.u32 $0x3FFFF800, s28;
	s1 =	sor.u32 s4, s1;
	s4 =	sadd.s32 s3, s24  }
0x231: {  	s8 =	simm.s32 $0x0;
	s1 =	sshrl.u32 s1, $0x3;
	s4 =	sshrl.u32 s4, $0x3  }
0x232: {  	s29 =	sadd.s32 s3, s26;
	s1 =	sadd.s32 s5, s1;
	s30 =	sadd.s32 s4, s5  }
0x233: {  	[tilespmem:s25], [sflag:$0x1] =	stream.strided.gather [hbm4b:s1+s6], $0x8000, s9, s6, $0x38;
	[tilespmem:$0x14080] =	vst v63  }
.LBB2_8:
0x234: {  	_ =	swait.ge [sflag:s18], $0x8000  }
0x235: {  	p0 =	seq.s32 s8, $0x0;
	[sflag:s18] =	ssyncset.done $0x0  }
0x236: {  	s1 =	simm.s32 @!p0 $0x4;
	[sflag:s18] =	ssyncadd.s32 $0xFFFF8000  }
0x237: {  	_ =	swait.ge @!p0 [sflag:s1], $0x8000  }
0x238: {  	[sflag:s1] =	ssyncset.done @!p0 $0x0;
	s0 =	sld [smem:$0x7EF]  }
0x239: {  	s23 =	simm.s32 $0x8000;
	[sflag:s1] =	ssyncadd.s32 @!p0 $0xFFFF8000  }
0x23a: {  	[tilespmem:s23], [sflag:$0x2] =	stream.strided.gather [hbm4b:s30+s6], $0x8000, s9, s6, $0x38;
	[tilespmem:$0x14080] =	vst v63  }
0x23b: {  	s25 =	sadd.s32 s17, s0  }
0x23c: {  	p0 =	sgt.u32 s25, $0xFF  }
0x23d: {  	v30 =	vld @!p0 [tilespmem:s10+$0x10000];
	_ =	sdelay $0x3  }
0x23e: {  	s3 =	sshra.s32 @!p0 s8, $0x2  }
0x23f: {  	[tilespmem:v0+s3+$0xFFFFFFD0 ss:$0x1] =	vst.idx.msk @!p0 $0xffff, v30  }
0x240: {  	v30 =	vld @!p0 [tilespmem:s10+$0x10010];
	_ =	sdelay $0x4  }
0x241: {  	[tilespmem:v0+s3+$0xFFFFFFE0 ss:$0x1] =	vst.idx.msk @!p0 $0xffff, v30  }
0x242: {  	v30 =	vld @!p0 [tilespmem:s10+$0x10020];
	_ =	sdelay $0x4  }
0x243: {  	[tilespmem:v0+s3+$0xFFFFFFF0 ss:$0x1] =	vst.idx.msk @!p0 $0xffff, v30  }
0x244: {  	v30 =	vld @!p0 [tilespmem:s10+$0x10030]  }
0x245: {  	s16 =	sld [smem:$0x7F1];
	_ =	sdelay $0x2  }
0x246: {  	s1 =	sadd.s32 s17, s16  }
0x247: {  	[tilespmem:v0+s3+$0x0 ss:$0x1] =	vst.idx.msk @!p0 $0xffff, v30;
	p0 =	sgt.u32 s1, $0xFF  }
0x248: {  	v30 =	vld @!p0 [tilespmem:s10+$0x10080];
	_ =	sdelay $0x3  }
0x249: {  	s4 =	sshra.s32 @!p0 s8, $0x2  }
0x24a: {  	[tilespmem:v1+s4+$0xFFFFFFD0 ss:$0x1] =	vst.idx.msk @!p0 $0xffff, v30  }
0x24b: {  	v30 =	vld @!p0 [tilespmem:s10+$0x10090];
	_ =	sdelay $0x4  }
0x24c: {  	[tilespmem:v1+s4+$0xFFFFFFE0 ss:$0x1] =	vst.idx.msk @!p0 $0xffff, v30  }
0x24d: {  	v30 =	vld @!p0 [tilespmem:s10+$0x100A0];
	_ =	sdelay $0x4  }
0x24e: {  	[tilespmem:v1+s4+$0xFFFFFFF0 ss:$0x1] =	vst.idx.msk @!p0 $0xffff, v30  }
0x24f: {  	v30 =	vld @!p0 [tilespmem:s10+$0x100B0]  }
0x250: {  	s19 =	sld [smem:$0x7F4];
	_ =	sdelay $0x2  }
0x251: {  	s3 =	sadd.s32 s17, s19  }
0x252: {  	[tilespmem:v1+s4+$0x0 ss:$0x1] =	vst.idx.msk @!p0 $0xffff, v30;
	p0 =	sgt.u32 s3, $0xFF  }
0x253: {  	v30 =	vld @!p0 [tilespmem:s10+$0x10100];
	_ =	sdelay $0x3  }
0x254: {  	s5 =	sshra.s32 @!p0 s8, $0x2  }
0x255: {  	[tilespmem:v2+s5+$0xFFFFFFD0 ss:$0x1] =	vst.idx.msk @!p0 $0xffff, v30  }
0x256: {  	v30 =	vld @!p0 [tilespmem:s10+$0x10110];
	_ =	sdelay $0x4  }
0x257: {  	[tilespmem:v2+s5+$0xFFFFFFE0 ss:$0x1] =	vst.idx.msk @!p0 $0xffff, v30  }
0x258: {  	v30 =	vld @!p0 [tilespmem:s10+$0x10120];
	_ =	sdelay $0x4  }
0x259: {  	[tilespmem:v2+s5+$0xFFFFFFF0 ss:$0x1] =	vst.idx.msk @!p0 $0xffff, v30  }
0x25a: {  	v30 =	vld @!p0 [tilespmem:s10+$0x10130]  }
0x25b: {  	s22 =	sld [smem:$0x7F6];
	_ =	sdelay $0x2  }
0x25c: {  	s4 =	sadd.s32 s17, s22  }
0x25d: {  	[tilespmem:v2+s5+$0x0 ss:$0x1] =	vst.idx.msk @!p0 $0xffff, v30;
	p0 =	sgt.u32 s4, $0xFF  }
0x25e: {  	v30 =	vld @!p0 [tilespmem:s10+$0x10180];
	_ =	sdelay $0x3  }
0x25f: {  	s6 =	sshra.s32 @!p0 s8, $0x2  }
0x260: {  	[tilespmem:v3+s6+$0xFFFFFFD0 ss:$0x1] =	vst.idx.msk @!p0 $0xffff, v30  }
0x261: {  	v30 =	vld @!p0 [tilespmem:s10+$0x10190];
	_ =	sdelay $0x4  }
0x262: {  	[tilespmem:v3+s6+$0xFFFFFFE0 ss:$0x1] =	vst.idx.msk @!p0 $0xffff, v30  }
0x263: {  	v30 =	vld @!p0 [tilespmem:s10+$0x101A0];
	_ =	sdelay $0x4  }
0x264: {  	[tilespmem:v3+s6+$0xFFFFFFF0 ss:$0x1] =	vst.idx.msk @!p0 $0xffff, v30  }
0x265: {  	v30 =	vld @!p0 [tilespmem:s10+$0x101B0]  }
0x266: {  	s24 =	sld [smem:$0x7F9];
	_ =	sdelay $0x2  }
0x267: {  	s5 =	sadd.s32 s17, s24  }
0x268: {  	[tilespmem:v3+s6+$0x0 ss:$0x1] =	vst.idx.msk @!p0 $0xffff, v30;
	p0 =	sgt.u32 s5, $0xFF  }
0x269: {  	v30 =	vld @!p0 [tilespmem:s10+$0x10200];
	_ =	sdelay $0x3  }
0x26a: {  	s6 =	sshra.s32 @!p0 s8, $0x2  }
0x26b: {  	[tilespmem:v4+s6+$0xFFFFFFD0 ss:$0x1] =	vst.idx.msk @!p0 $0xffff, v30  }
0x26c: {  	v30 =	vld @!p0 [tilespmem:s10+$0x10210];
	_ =	sdelay $0x4  }
0x26d: {  	[tilespmem:v4+s6+$0xFFFFFFE0 ss:$0x1] =	vst.idx.msk @!p0 $0xffff, v30  }
0x26e: {  	v30 =	vld @!p0 [tilespmem:s10+$0x10220];
	_ =	sdelay $0x4  }
0x26f: {  	[tilespmem:v4+s6+$0xFFFFFFF0 ss:$0x1] =	vst.idx.msk @!p0 $0xffff, v30  }
0x270: {  	v30 =	vld @!p0 [tilespmem:s10+$0x10230]  }
0x271: {  	s11 =	sld [smem:$0x7FB];
	_ =	sdelay $0x2  }
0x272: {  	s11 =	sadd.s32 s17, s11  }
0x273: {  	[tilespmem:v4+s6+$0x0 ss:$0x1] =	vst.idx.msk @!p0 $0xffff, v30;
	p0 =	sgt.u32 s11, $0xFF  }
0x274: {  	v30 =	vld @!p0 [tilespmem:s10+$0x10280];
	_ =	sdelay $0x3  }
0x275: {  	s6 =	sshra.s32 @!p0 s8, $0x2  }
0x276: {  	[tilespmem:v5+s6+$0xFFFFFFD0 ss:$0x1] =	vst.idx.msk @!p0 $0xffff, v30  }
0x277: {  	v30 =	vld @!p0 [tilespmem:s10+$0x10290];
	_ =	sdelay $0x4  }
0x278: {  	[tilespmem:v5+s6+$0xFFFFFFE0 ss:$0x1] =	vst.idx.msk @!p0 $0xffff, v30  }
0x279: {  	v30 =	vld @!p0 [tilespmem:s10+$0x102A0];
	_ =	sdelay $0x4  }
0x27a: {  	[tilespmem:v5+s6+$0xFFFFFFF0 ss:$0x1] =	vst.idx.msk @!p0 $0xffff, v30  }
0x27b: {  	v30 =	vld @!p0 [tilespmem:s10+$0x102B0]  }
0x27c: {  	s12 =	sld [smem:$0x7FD];
	_ =	sdelay $0x2  }
0x27d: {  	s12 =	sadd.s32 s17, s12  }
0x27e: {  	[tilespmem:v5+s6+$0x0 ss:$0x1] =	vst.idx.msk @!p0 $0xffff, v30;
	p0 =	sgt.u32 s12, $0xFF  }
0x27f: {  	v30 =	vld @!p0 [tilespmem:s10+$0x10300];
	_ =	sdelay $0x3  }
0x280: {  	s6 =	sshra.s32 @!p0 s8, $0x2  }
0x281: {  	[tilespmem:v6+s6+$0xFFFFFFD0 ss:$0x1] =	vst.idx.msk @!p0 $0xffff, v30  }
0x282: {  	v30 =	vld @!p0 [tilespmem:s10+$0x10310];
	_ =	sdelay $0x4  }
0x283: {  	[tilespmem:v6+s6+$0xFFFFFFE0 ss:$0x1] =	vst.idx.msk @!p0 $0xffff, v30  }
0x284: {  	v30 =	vld @!p0 [tilespmem:s10+$0x10320];
	_ =	sdelay $0x4  }
0x285: {  	[tilespmem:v6+s6+$0xFFFFFFF0 ss:$0x1] =	vst.idx.msk @!p0 $0xffff, v30  }
0x286: {  	v30 =	vld @!p0 [tilespmem:s10+$0x10330]  }
0x287: {  	s13 =	sld [smem:$0x7FC];
	_ =	sdelay $0x2  }
0x288: {  	s13 =	sadd.s32 s17, s13  }
0x289: {  	[tilespmem:v6+s6+$0x0 ss:$0x1] =	vst.idx.msk @!p0 $0xffff, v30;
	p0 =	sgt.u32 s13, $0xFF  }
0x28a: {  	v30 =	vld @!p0 [tilespmem:s10+$0x10380];
	_ =	sdelay $0x3  }
0x28b: {  	s6 =	sshra.s32 @!p0 s8, $0x2  }
0x28c: {  	[tilespmem:v7+s6+$0xFFFFFFD0 ss:$0x1] =	vst.idx.msk @!p0 $0xffff, v30  }
0x28d: {  	v30 =	vld @!p0 [tilespmem:s10+$0x10390];
	_ =	sdelay $0x4  }
0x28e: {  	[tilespmem:v7+s6+$0xFFFFFFE0 ss:$0x1] =	vst.idx.msk @!p0 $0xffff, v30  }
0x28f: {  	v30 =	vld @!p0 [tilespmem:s10+$0x103A0];
	_ =	sdelay $0x4  }
0x290: {  	[tilespmem:v7+s6+$0xFFFFFFF0 ss:$0x1] =	vst.idx.msk @!p0 $0xffff, v30  }
0x291: {  	v30 =	vld @!p0 [tilespmem:s10+$0x103B0]  }
0x292: {  	s14 =	sld [smem:$0x7FA];
	_ =	sdelay $0x2  }
0x293: {  	s14 =	sadd.s32 s17, s14  }
0x294: {  	[tilespmem:v7+s6+$0x0 ss:$0x1] =	vst.idx.msk @!p0 $0xffff, v30;
	p0 =	sgt.u32 s14, $0xFF  }
0x295: {  	v30 =	vld @!p0 [tilespmem:s10+$0x10400];
	_ =	sdelay $0x3  }
0x296: {  	s6 =	sshra.s32 @!p0 s8, $0x2  }
0x297: {  	[tilespmem:v8+s6+$0xFFFFFFD0 ss:$0x1] =	vst.idx.msk @!p0 $0xffff, v30  }
0x298: {  	v30 =	vld @!p0 [tilespmem:s10+$0x10410];
	_ =	sdelay $0x4  }
0x299: {  	[tilespmem:v8+s6+$0xFFFFFFE0 ss:$0x1] =	vst.idx.msk @!p0 $0xffff, v30  }
0x29a: {  	v30 =	vld @!p0 [tilespmem:s10+$0x10420];
	_ =	sdelay $0x4  }
0x29b: {  	[tilespmem:v8+s6+$0xFFFFFFF0 ss:$0x1] =	vst.idx.msk @!p0 $0xffff, v30  }
0x29c: {  	v30 =	vld @!p0 [tilespmem:s10+$0x10430]  }
0x29d: {  	s15 =	sld [smem:$0x7F8];
	_ =	sdelay $0x2  }
0x29e: {  	s15 =	sadd.s32 s17, s15  }
0x29f: {  	[tilespmem:v8+s6+$0x0 ss:$0x1] =	vst.idx.msk @!p0 $0xffff, v30;
	p0 =	sgt.u32 s15, $0xFF  }
0x2a0: {  	v30 =	vld @!p0 [tilespmem:s10+$0x10480];
	_ =	sdelay $0x3  }
0x2a1: {  	s6 =	sshra.s32 @!p0 s8, $0x2  }
0x2a2: {  	[tilespmem:v9+s6+$0xFFFFFFD0 ss:$0x1] =	vst.idx.msk @!p0 $0xffff, v30  }
0x2a3: {  	v30 =	vld @!p0 [tilespmem:s10+$0x10490];
	_ =	sdelay $0x4  }
0x2a4: {  	[tilespmem:v9+s6+$0xFFFFFFE0 ss:$0x1] =	vst.idx.msk @!p0 $0xffff, v30  }
0x2a5: {  	v30 =	vld @!p0 [tilespmem:s10+$0x104A0];
	_ =	sdelay $0x4  }
0x2a6: {  	[tilespmem:v9+s6+$0xFFFFFFF0 ss:$0x1] =	vst.idx.msk @!p0 $0xffff, v30  }
0x2a7: {  	v30 =	vld @!p0 [tilespmem:s10+$0x104B0]  }
0x2a8: {  	s16 =	sld [smem:$0x7F7];
	_ =	sdelay $0x2  }
0x2a9: {  	s16 =	sadd.s32 s17, s16  }
0x2aa: {  	[tilespmem:v9+s6+$0x0 ss:$0x1] =	vst.idx.msk @!p0 $0xffff, v30;
	p0 =	sgt.u32 s16, $0xFF  }
0x2ab: {  	v30 =	vld @!p0 [tilespmem:s10+$0x10500];
	_ =	sdelay $0x3  }
0x2ac: {  	s6 =	sshra.s32 @!p0 s8, $0x2  }
0x2ad: {  	[tilespmem:v10+s6+$0xFFFFFFD0 ss:$0x1] =	vst.idx.msk @!p0 $0xffff, v30  }
0x2ae: {  	v30 =	vld @!p0 [tilespmem:s10+$0x10510];
	_ =	sdelay $0x4  }
0x2af: {  	[tilespmem:v10+s6+$0xFFFFFFE0 ss:$0x1] =	vst.idx.msk @!p0 $0xffff, v30  }
0x2b0: {  	v30 =	vld @!p0 [tilespmem:s10+$0x10520];
	_ =	sdelay $0x4  }
0x2b1: {  	[tilespmem:v10+s6+$0xFFFFFFF0 ss:$0x1] =	vst.idx.msk @!p0 $0xffff, v30  }
0x2b2: {  	v30 =	vld @!p0 [tilespmem:s10+$0x10530]  }
0x2b3: {  	s19 =	sld [smem:$0x7F5];
	_ =	sdelay $0x2  }
0x2b4: {  	s19 =	sadd.s32 s17, s19  }
0x2b5: {  	[tilespmem:v10+s6+$0x0 ss:$0x1] =	vst.idx.msk @!p0 $0xffff, v30;
	p0 =	sgt.u32 s19, $0xFF  }
0x2b6: {  	v30 =	vld @!p0 [tilespmem:s10+$0x10580];
	_ =	sdelay $0x3  }
0x2b7: {  	s6 =	sshra.s32 @!p0 s8, $0x2  }
0x2b8: {  	[tilespmem:v11+s6+$0xFFFFFFD0 ss:$0x1] =	vst.idx.msk @!p0 $0xffff, v30  }
0x2b9: {  	v30 =	vld @!p0 [tilespmem:s10+$0x10590];
	_ =	sdelay $0x4  }
0x2ba: {  	[tilespmem:v11+s6+$0xFFFFFFE0 ss:$0x1] =	vst.idx.msk @!p0 $0xffff, v30  }
0x2bb: {  	v30 =	vld @!p0 [tilespmem:s10+$0x105A0];
	_ =	sdelay $0x4  }
0x2bc: {  	[tilespmem:v11+s6+$0xFFFFFFF0 ss:$0x1] =	vst.idx.msk @!p0 $0xffff, v30  }
0x2bd: {  	v30 =	vld @!p0 [tilespmem:s10+$0x105B0]  }
0x2be: {  	s22 =	sld [smem:$0x7F3];
	_ =	sdelay $0x2  }
0x2bf: {  	s22 =	sadd.s32 s17, s22  }
0x2c0: {  	[tilespmem:v11+s6+$0x0 ss:$0x1] =	vst.idx.msk @!p0 $0xffff, v30;
	p0 =	sgt.u32 s22, $0xFF  }
0x2c1: {  	v30 =	vld @!p0 [tilespmem:s10+$0x10600];
	_ =	sdelay $0x3  }
0x2c2: {  	s6 =	sshra.s32 @!p0 s8, $0x2  }
0x2c3: {  	[tilespmem:v12+s6+$0xFFFFFFD0 ss:$0x1] =	vst.idx.msk @!p0 $0xffff, v30  }
0x2c4: {  	v30 =	vld @!p0 [tilespmem:s10+$0x10610];
	_ =	sdelay $0x4  }
0x2c5: {  	[tilespmem:v12+s6+$0xFFFFFFE0 ss:$0x1] =	vst.idx.msk @!p0 $0xffff, v30  }
0x2c6: {  	v30 =	vld @!p0 [tilespmem:s10+$0x10620];
	_ =	sdelay $0x4  }
0x2c7: {  	[tilespmem:v12+s6+$0xFFFFFFF0 ss:$0x1] =	vst.idx.msk @!p0 $0xffff, v30  }
0x2c8: {  	v30 =	vld @!p0 [tilespmem:s10+$0x10630]  }
0x2c9: {  	s24 =	sld [smem:$0x7F2];
	_ =	sdelay $0x2  }
0x2ca: {  	s24 =	sadd.s32 s17, s24  }
0x2cb: {  	[tilespmem:v12+s6+$0x0 ss:$0x1] =	vst.idx.msk @!p0 $0xffff, v30;
	p0 =	sgt.u32 s24, $0xFF  }
0x2cc: {  	v30 =	vld @!p0 [tilespmem:s10+$0x10680];
	_ =	sdelay $0x3  }
0x2cd: {  	s6 =	sshra.s32 @!p0 s8, $0x2  }
0x2ce: {  	[tilespmem:v13+s6+$0xFFFFFFE0 ss:$0x1] =	vst.idx.msk @!p0 $0xffff, v30  }
0x2cf: {  	v30 =	vld @!p0 [tilespmem:s10+$0x10690];
	_ =	sdelay $0x4  }
0x2d0: {  	[tilespmem:v13+s6+$0xFFFFFFF0 ss:$0x1] =	vst.idx.msk @!p0 $0xffff, v30  }
0x2d1: {  	v30 =	vld @!p0 [tilespmem:s10+$0x106A0];
	_ =	sdelay $0x4  }
0x2d2: {  	[tilespmem:v13+s6+$0x0 ss:$0x1] =	vst.idx.msk @!p0 $0xffff, v30  }
0x2d3: {  	v30 =	vld @!p0 [tilespmem:s10+$0x106B0]  }
0x2d4: {  	s26 =	sld [smem:$0x7F0];
	_ =	sdelay $0x2  }
0x2d5: {  	s26 =	sadd.s32 s17, s26  }
0x2d6: {  	[tilespmem:v13+s6+$0x10 ss:$0x1] =	vst.idx.msk @!p0 $0xffff, v30;
	p0 =	sgt.u32 s26, $0xFF  }
0x2d7: {  	v30 =	vld @!p0 [tilespmem:s10+$0x10700];
	_ =	sdelay $0x3  }
0x2d8: {  	s6 =	sshra.s32 @!p0 s8, $0x2  }
0x2d9: {  	[tilespmem:v14+s6+$0x0 ss:$0x1] =	vst.idx.msk @!p0 $0xffff, v30  }
0x2da: {  	v30 =	vld @!p0 [tilespmem:s10+$0x10710];
	_ =	sdelay $0x4  }
0x2db: {  	[tilespmem:v14+s6+$0x10 ss:$0x1] =	vst.idx.msk @!p0 $0xffff, v30  }
0x2dc: {  	v30 =	vld @!p0 [tilespmem:s10+$0x10720];
	_ =	sdelay $0x4  }
0x2dd: {  	[tilespmem:v14+s6+$0x20 ss:$0x1] =	vst.idx.msk @!p0 $0xffff, v30  }
0x2de: {  	v30 =	vld @!p0 [tilespmem:s10+$0x10730];
	_ =	sdelay $0x3  }
0x2df: {  	s28 =	sadd.s32 s17, s21  }
0x2e0: {  	[tilespmem:v14+s6+$0x30 ss:$0x1] =	vst.idx.msk @!p0 $0xffff, v30;
	p0 =	sgt.u32 s28, $0xFF  }
0x2e1: {  	v30 =	vld @!p0 [tilespmem:s10+$0x10780];
	_ =	sdelay $0x3  }
0x2e2: {  	s6 =	sshra.s32 @!p0 s8, $0x2  }
0x2e3: {  	[tilespmem:v15+s6+$0x0 ss:$0x1] =	vst.idx.msk @!p0 $0xffff, v30  }
0x2e4: {  	v30 =	vld @!p0 [tilespmem:s10+$0x10790];
	_ =	sdelay $0x4  }
0x2e5: {  	[tilespmem:v15+s6+$0x10 ss:$0x1] =	vst.idx.msk @!p0 $0xffff, v30  }
0x2e6: {  	v30 =	vld @!p0 [tilespmem:s10+$0x107A0];
	_ =	sdelay $0x4  }
0x2e7: {  	[tilespmem:v15+s6+$0x20 ss:$0x1] =	vst.idx.msk @!p0 $0xffff, v30  }
0x2e8: {  	v30 =	vld @!p0 [tilespmem:s10+$0x107B0];
	_ =	sdelay $0x4  }
0x2e9: {  	[tilespmem:v15+s6+$0x30 ss:$0x1] =	vst.idx.msk @!p0 $0xffff, v30  }
0x2ea: {  	[hbm4b:s7+s2] =	stream.linear.scatter [tilespmem:s2], [sflag:$0x3], $0x8000, $0x38;
	[tilespmem:$0x14080] =	vst v63  }
0x2eb: {  	_ =	swait.ge [sflag:s20], $0x8000  }
0x2ec: {  	s25 =	sadd.s32 $0xFFFFFF00, s25;
	[sflag:s20] =	ssyncset.done $0x0  }
0x2ed: {  	p0 =	sgt.u32 s25, $0xFF;
	[sflag:s20] =	ssyncadd.s32 $0xFFFF8000  }
0x2ee: {  	v30 =	vld @!p0 [tilespmem:s10+$0x10000];
	_ =	sdelay $0x3  }
0x2ef: {  	s6 =	sshra.s32 @!p0 s8, $0x2  }
0x2f0: {  	[tilespmem:v16+s6+$0x0 ss:$0x1] =	vst.idx.msk @!p0 $0xffff, v30  }
0x2f1: {  	v30 =	vld @!p0 [tilespmem:s10+$0x10010];
	_ =	sdelay $0x4  }
0x2f2: {  	[tilespmem:v16+s6+$0x10 ss:$0x1] =	vst.idx.msk @!p0 $0xffff, v30  }
0x2f3: {  	v30 =	vld @!p0 [tilespmem:s10+$0x10020];
	_ =	sdelay $0x4  }
0x2f4: {  	[tilespmem:v16+s6+$0x20 ss:$0x1] =	vst.idx.msk @!p0 $0xffff, v30  }
0x2f5: {  	v30 =	vld @!p0 [tilespmem:s10+$0x10030];
	_ =	sdelay $0x3  }
0x2f6: {  	s1 =	sadd.s32 $0xFFFFFF00, s1  }
0x2f7: {  	[tilespmem:v16+s6+$0x30 ss:$0x1] =	vst.idx.msk @!p0 $0xffff, v30;
	p0 =	sgt.u32 s1, $0xFF  }
0x2f8: {  	v30 =	vld @!p0 [tilespmem:s10+$0x10080];
	_ =	sdelay $0x3  }
0x2f9: {  	s1 =	sshra.s32 @!p0 s8, $0x2  }
0x2fa: {  	[tilespmem:v17+s1+$0x0 ss:$0x1] =	vst.idx.msk @!p0 $0xffff, v30  }
0x2fb: {  	v30 =	vld @!p0 [tilespmem:s10+$0x10090];
	_ =	sdelay $0x4  }
0x2fc: {  	[tilespmem:v17+s1+$0x10 ss:$0x1] =	vst.idx.msk @!p0 $0xffff, v30  }
0x2fd: {  	v30 =	vld @!p0 [tilespmem:s10+$0x100A0];
	_ =	sdelay $0x4  }
0x2fe: {  	[tilespmem:v17+s1+$0x20 ss:$0x1] =	vst.idx.msk @!p0 $0xffff, v30  }
0x2ff: {  	v30 =	vld @!p0 [tilespmem:s10+$0x100B0];
	_ =	sdelay $0x3  }
0x300: {  	s3 =	sadd.s32 $0xFFFFFF00, s3  }
0x301: {  	[tilespmem:v17+s1+$0x30 ss:$0x1] =	vst.idx.msk @!p0 $0xffff, v30;
	p0 =	sgt.u32 s3, $0xFF  }
0x302: {  	v30 =	vld @!p0 [tilespmem:s10+$0x10100];
	_ =	sdelay $0x3  }
0x303: {  	s1 =	sshra.s32 @!p0 s8, $0x2  }
0x304: {  	[tilespmem:v18+s1+$0x0 ss:$0x1] =	vst.idx.msk @!p0 $0xffff, v30  }
0x305: {  	v30 =	vld @!p0 [tilespmem:s10+$0x10110];
	_ =	sdelay $0x4  }
0x306: {  	[tilespmem:v18+s1+$0x10 ss:$0x1] =	vst.idx.msk @!p0 $0xffff, v30  }
0x307: {  	v30 =	vld @!p0 [tilespmem:s10+$0x10120];
	_ =	sdelay $0x4  }
0x308: {  	[tilespmem:v18+s1+$0x20 ss:$0x1] =	vst.idx.msk @!p0 $0xffff, v30  }
0x309: {  	v30 =	vld @!p0 [tilespmem:s10+$0x10130];
	_ =	sdelay $0x3  }
0x30a: {  	s4 =	sadd.s32 $0xFFFFFF00, s4  }
0x30b: {  	[tilespmem:v18+s1+$0x30 ss:$0x1] =	vst.idx.msk @!p0 $0xffff, v30;
	p0 =	sgt.u32 s4, $0xFF  }
0x30c: {  	v30 =	vld @!p0 [tilespmem:s10+$0x10180];
	_ =	sdelay $0x3  }
0x30d: {  	s1 =	sshra.s32 @!p0 s8, $0x2  }
0x30e: {  	[tilespmem:v19+s1+$0x0 ss:$0x1] =	vst.idx.msk @!p0 $0xffff, v30  }
0x30f: {  	v30 =	vld @!p0 [tilespmem:s10+$0x10190];
	_ =	sdelay $0x4  }
0x310: {  	[tilespmem:v19+s1+$0x10 ss:$0x1] =	vst.idx.msk @!p0 $0xffff, v30  }
0x311: {  	v30 =	vld @!p0 [tilespmem:s10+$0x101A0];
	_ =	sdelay $0x4  }
0x312: {  	[tilespmem:v19+s1+$0x20 ss:$0x1] =	vst.idx.msk @!p0 $0xffff, v30  }
0x313: {  	v30 =	vld @!p0 [tilespmem:s10+$0x101B0];
	_ =	sdelay $0x3  }
0x314: {  	s6 =	sadd.s32 $0xFFFFFF00, s5  }
0x315: {  	[tilespmem:v19+s1+$0x30 ss:$0x1] =	vst.idx.msk @!p0 $0xffff, v30;
	p0 =	sgt.u32 s6, $0xFF  }
0x316: {  	v30 =	vld @!p0 [tilespmem:s10+$0x10200];
	_ =	sdelay $0x3  }
0x317: {  	s1 =	sshra.s32 @!p0 s8, $0x2  }
0x318: {  	[tilespmem:v20+s1+$0x0 ss:$0x1] =	vst.idx.msk @!p0 $0xffff, v30  }
0x319: {  	v30 =	vld @!p0 [tilespmem:s10+$0x10210];
	_ =	sdelay $0x4  }
0x31a: {  	[tilespmem:v20+s1+$0x10 ss:$0x1] =	vst.idx.msk @!p0 $0xffff, v30  }
0x31b: {  	v30 =	vld @!p0 [tilespmem:s10+$0x10220];
	_ =	sdelay $0x4  }
0x31c: {  	[tilespmem:v20+s1+$0x20 ss:$0x1] =	vst.idx.msk @!p0 $0xffff, v30  }
0x31d: {  	v30 =	vld @!p0 [tilespmem:s10+$0x10230];
	_ =	sdelay $0x3  }
0x31e: {  	s11 =	sadd.s32 $0xFFFFFF00, s11  }
0x31f: {  	[tilespmem:v20+s1+$0x30 ss:$0x1] =	vst.idx.msk @!p0 $0xffff, v30;
	p0 =	sgt.u32 s11, $0xFF  }
0x320: {  	v30 =	vld @!p0 [tilespmem:s10+$0x10280];
	_ =	sdelay $0x3  }
0x321: {  	s1 =	sshra.s32 @!p0 s8, $0x2  }
0x322: {  	[tilespmem:v21+s1+$0x0 ss:$0x1] =	vst.idx.msk @!p0 $0xffff, v30  }
0x323: {  	v30 =	vld @!p0 [tilespmem:s10+$0x10290];
	_ =	sdelay $0x4  }
0x324: {  	[tilespmem:v21+s1+$0x10 ss:$0x1] =	vst.idx.msk @!p0 $0xffff, v30  }
0x325: {  	v30 =	vld @!p0 [tilespmem:s10+$0x102A0];
	_ =	sdelay $0x4  }
0x326: {  	[tilespmem:v21+s1+$0x20 ss:$0x1] =	vst.idx.msk @!p0 $0xffff, v30  }
0x327: {  	v30 =	vld @!p0 [tilespmem:s10+$0x102B0];
	_ =	sdelay $0x3  }
0x328: {  	s12 =	sadd.s32 $0xFFFFFF00, s12  }
0x329: {  	[tilespmem:v21+s1+$0x30 ss:$0x1] =	vst.idx.msk @!p0 $0xffff, v30;
	p0 =	sgt.u32 s12, $0xFF  }
0x32a: {  	v30 =	vld @!p0 [tilespmem:s10+$0x10300];
	_ =	sdelay $0x3  }
0x32b: {  	s1 =	sshra.s32 @!p0 s8, $0x2  }
0x32c: {  	[tilespmem:v22+s1+$0x0 ss:$0x1] =	vst.idx.msk @!p0 $0xffff, v30  }
0x32d: {  	v30 =	vld @!p0 [tilespmem:s10+$0x10310];
	_ =	sdelay $0x4  }
0x32e: {  	[tilespmem:v22+s1+$0x10 ss:$0x1] =	vst.idx.msk @!p0 $0xffff, v30  }
0x32f: {  	v30 =	vld @!p0 [tilespmem:s10+$0x10320];
	_ =	sdelay $0x4  }
0x330: {  	[tilespmem:v22+s1+$0x20 ss:$0x1] =	vst.idx.msk @!p0 $0xffff, v30  }
0x331: {  	v30 =	vld @!p0 [tilespmem:s10+$0x10330];
	_ =	sdelay $0x3  }
0x332: {  	s13 =	sadd.s32 $0xFFFFFF00, s13  }
0x333: {  	[tilespmem:v22+s1+$0x30 ss:$0x1] =	vst.idx.msk @!p0 $0xffff, v30;
	p0 =	sgt.u32 s13, $0xFF  }
0x334: {  	v30 =	vld @!p0 [tilespmem:s10+$0x10380];
	_ =	sdelay $0x3  }
0x335: {  	s1 =	sshra.s32 @!p0 s8, $0x2  }
0x336: {  	[tilespmem:v23+s1+$0x0 ss:$0x1] =	vst.idx.msk @!p0 $0xffff, v30  }
0x337: {  	v30 =	vld @!p0 [tilespmem:s10+$0x10390];
	_ =	sdelay $0x4  }
0x338: {  	[tilespmem:v23+s1+$0x10 ss:$0x1] =	vst.idx.msk @!p0 $0xffff, v30  }
0x339: {  	v30 =	vld @!p0 [tilespmem:s10+$0x103A0];
	_ =	sdelay $0x4  }
0x33a: {  	[tilespmem:v23+s1+$0x20 ss:$0x1] =	vst.idx.msk @!p0 $0xffff, v30  }
0x33b: {  	v30 =	vld @!p0 [tilespmem:s10+$0x103B0];
	_ =	sdelay $0x3  }
0x33c: {  	s14 =	sadd.s32 $0xFFFFFF00, s14  }
0x33d: {  	[tilespmem:v23+s1+$0x30 ss:$0x1] =	vst.idx.msk @!p0 $0xffff, v30;
	p0 =	sgt.u32 s14, $0xFF  }
0x33e: {  	v30 =	vld @!p0 [tilespmem:s10+$0x10400];
	_ =	sdelay $0x3  }
0x33f: {  	s1 =	sshra.s32 @!p0 s8, $0x2  }
0x340: {  	[tilespmem:v24+s1+$0x0 ss:$0x1] =	vst.idx.msk @!p0 $0xffff, v30  }
0x341: {  	v30 =	vld @!p0 [tilespmem:s10+$0x10410];
	_ =	sdelay $0x4  }
0x342: {  	[tilespmem:v24+s1+$0x10 ss:$0x1] =	vst.idx.msk @!p0 $0xffff, v30  }
0x343: {  	v30 =	vld @!p0 [tilespmem:s10+$0x10420];
	_ =	sdelay $0x4  }
0x344: {  	[tilespmem:v24+s1+$0x20 ss:$0x1] =	vst.idx.msk @!p0 $0xffff, v30  }
0x345: {  	v30 =	vld @!p0 [tilespmem:s10+$0x10430];
	_ =	sdelay $0x3  }
0x346: {  	s15 =	sadd.s32 $0xFFFFFF00, s15  }
0x347: {  	[tilespmem:v24+s1+$0x30 ss:$0x1] =	vst.idx.msk @!p0 $0xffff, v30;
	p0 =	sgt.u32 s15, $0xFF  }
0x348: {  	v30 =	vld @!p0 [tilespmem:s10+$0x10480];
	_ =	sdelay $0x3  }
0x349: {  	s1 =	sshra.s32 @!p0 s8, $0x2  }
0x34a: {  	[tilespmem:v25+s1+$0x0 ss:$0x1] =	vst.idx.msk @!p0 $0xffff, v30  }
0x34b: {  	v30 =	vld @!p0 [tilespmem:s10+$0x10490];
	_ =	sdelay $0x4  }
0x34c: {  	[tilespmem:v25+s1+$0x10 ss:$0x1] =	vst.idx.msk @!p0 $0xffff, v30  }
0x34d: {  	v30 =	vld @!p0 [tilespmem:s10+$0x104A0];
	_ =	sdelay $0x4  }
0x34e: {  	[tilespmem:v25+s1+$0x20 ss:$0x1] =	vst.idx.msk @!p0 $0xffff, v30  }
0x34f: {  	v30 =	vld @!p0 [tilespmem:s10+$0x104B0];
	_ =	sdelay $0x3  }
0x350: {  	s16 =	sadd.s32 $0xFFFFFF00, s16  }
0x351: {  	[tilespmem:v25+s1+$0x30 ss:$0x1] =	vst.idx.msk @!p0 $0xffff, v30;
	p0 =	sgt.u32 s16, $0xFF  }
0x352: {  	v30 =	vld @!p0 [tilespmem:s10+$0x10500];
	_ =	sdelay $0x3  }
0x353: {  	s1 =	sshra.s32 @!p0 s8, $0x2  }
0x354: {  	[tilespmem:v26+s1+$0x0 ss:$0x1] =	vst.idx.msk @!p0 $0xffff, v30  }
0x355: {  	v30 =	vld @!p0 [tilespmem:s10+$0x10510];
	_ =	sdelay $0x4  }
0x356: {  	[tilespmem:v26+s1+$0x10 ss:$0x1] =	vst.idx.msk @!p0 $0xffff, v30  }
0x357: {  	v30 =	vld @!p0 [tilespmem:s10+$0x10520];
	_ =	sdelay $0x4  }
0x358: {  	[tilespmem:v26+s1+$0x20 ss:$0x1] =	vst.idx.msk @!p0 $0xffff, v30  }
0x359: {  	v30 =	vld @!p0 [tilespmem:s10+$0x10530];
	_ =	sdelay $0x3  }
0x35a: {  	s19 =	sadd.s32 $0xFFFFFF00, s19  }
0x35b: {  	[tilespmem:v26+s1+$0x30 ss:$0x1] =	vst.idx.msk @!p0 $0xffff, v30;
	p0 =	sgt.u32 s19, $0xFF  }
0x35c: {  	v30 =	vld @!p0 [tilespmem:s10+$0x10580];
	_ =	sdelay $0x3  }
0x35d: {  	s1 =	sshra.s32 @!p0 s8, $0x2  }
0x35e: {  	[tilespmem:v27+s1+$0x0 ss:$0x1] =	vst.idx.msk @!p0 $0xffff, v30  }
0x35f: {  	v30 =	vld @!p0 [tilespmem:s10+$0x10590];
	_ =	sdelay $0x4  }
0x360: {  	[tilespmem:v27+s1+$0x10 ss:$0x1] =	vst.idx.msk @!p0 $0xffff, v30  }
0x361: {  	v30 =	vld @!p0 [tilespmem:s10+$0x105A0];
	_ =	sdelay $0x4  }
0x362: {  	[tilespmem:v27+s1+$0x20 ss:$0x1] =	vst.idx.msk @!p0 $0xffff, v30  }
0x363: {  	v30 =	vld @!p0 [tilespmem:s10+$0x105B0];
	_ =	sdelay $0x3  }
0x364: {  	s22 =	sadd.s32 $0xFFFFFF00, s22  }
0x365: {  	[tilespmem:v27+s1+$0x30 ss:$0x1] =	vst.idx.msk @!p0 $0xffff, v30;
	p0 =	sgt.u32 s22, $0xFF  }
0x366: {  	v30 =	vld @!p0 [tilespmem:s10+$0x10600];
	_ =	sdelay $0x3  }
0x367: {  	s1 =	sshra.s32 @!p0 s8, $0x2  }
0x368: {  	[tilespmem:v28+s1+$0x0 ss:$0x1] =	vst.idx.msk @!p0 $0xffff, v30  }
0x369: {  	v30 =	vld @!p0 [tilespmem:s10+$0x10610];
	_ =	sdelay $0x4  }
0x36a: {  	[tilespmem:v28+s1+$0x10 ss:$0x1] =	vst.idx.msk @!p0 $0xffff, v30  }
0x36b: {  	v30 =	vld @!p0 [tilespmem:s10+$0x10620];
	_ =	sdelay $0x4  }
0x36c: {  	[tilespmem:v28+s1+$0x20 ss:$0x1] =	vst.idx.msk @!p0 $0xffff, v30  }
0x36d: {  	v30 =	vld @!p0 [tilespmem:s10+$0x10630];
	_ =	sdelay $0x3  }
0x36e: {  	s24 =	sadd.s32 $0xFFFFFF00, s24  }
0x36f: {  	[tilespmem:v28+s1+$0x30 ss:$0x1] =	vst.idx.msk @!p0 $0xffff, v30;
	p0 =	sgt.u32 s24, $0xFF  }
0x370: {  	v30 =	vld @!p0 [tilespmem:s10+$0x10680];
	_ =	sdelay $0x3  }
0x371: {  	s1 =	sshra.s32 @!p0 s8, $0x2  }
0x372: {  	[tilespmem:v29+s1+$0x0 ss:$0x1] =	vst.idx.msk @!p0 $0xffff, v30  }
0x373: {  	v30 =	vld @!p0 [tilespmem:s10+$0x10690];
	_ =	sdelay $0x4  }
0x374: {  	[tilespmem:v29+s1+$0x10 ss:$0x1] =	vst.idx.msk @!p0 $0xffff, v30  }
0x375: {  	v30 =	vld @!p0 [tilespmem:s10+$0x106A0];
	_ =	sdelay $0x4  }
0x376: {  	[tilespmem:v29+s1+$0x20 ss:$0x1] =	vst.idx.msk @!p0 $0xffff, v30  }
0x377: {  	v30 =	vld @!p0 [tilespmem:s10+$0x106B0];
	_ =	sdelay $0x3  }
0x378: {  	s25 =	sadd.s32 $0xFFFFFF00, s26  }
0x379: {  	[tilespmem:v29+s1+$0x30 ss:$0x1] =	vst.idx.msk @!p0 $0xffff, v30;
	p0 =	sgt.u32 s25, $0xFF  }
0x37a: {  	v30 =	vld @!p0 [tilespmem:s10+$0x10700];
	_ =	sdelay $0x3  }
0x37b: {  	s1 =	sshra.s32 @!p0 s8, $0x2  }
0x37c: {  	[tilespmem:v14+s1+$0x0 ss:$0x1] =	vst.idx.msk @!p0 $0xffff, v30  }
0x37d: {  	v30 =	vld @!p0 [tilespmem:s10+$0x10710];
	_ =	sdelay $0x4  }
0x37e: {  	[tilespmem:v14+s1+$0x10 ss:$0x1] =	vst.idx.msk @!p0 $0xffff, v30  }
0x37f: {  	v30 =	vld @!p0 [tilespmem:s10+$0x10720];
	_ =	sdelay $0x4  }
0x380: {  	[tilespmem:v14+s1+$0x20 ss:$0x1] =	vst.idx.msk @!p0 $0xffff, v30  }
0x381: {  	v30 =	vld @!p0 [tilespmem:s10+$0x10730];
	_ =	sdelay $0x3  }
0x382: {  	s26 =	sadd.s32 $0xFFFFFF00, s28  }
0x383: {  	[tilespmem:v14+s1+$0x30 ss:$0x1] =	vst.idx.msk @!p0 $0xffff, v30;
	p0 =	sgt.u32 s26, $0xFF  }
0x384: {  	v30 =	vld @!p0 [tilespmem:s10+$0x10780];
	_ =	sdelay $0x3  }
0x385: {  	s1 =	sshra.s32 @!p0 s8, $0x2  }
0x386: {  	[tilespmem:v15+s1+$0x0 ss:$0x1] =	vst.idx.msk @!p0 $0xffff, v30  }
0x387: {  	v30 =	vld @!p0 [tilespmem:s10+$0x10790];
	_ =	sdelay $0x4  }
0x388: {  	[tilespmem:v15+s1+$0x10 ss:$0x1] =	vst.idx.msk @!p0 $0xffff, v30  }
0x389: {  	v30 =	vld @!p0 [tilespmem:s10+$0x107A0];
	_ =	sdelay $0x4  }
0x38a: {  	[tilespmem:v15+s1+$0x20 ss:$0x1] =	vst.idx.msk @!p0 $0xffff, v30  }
0x38b: {  	v30 =	vld @!p0 [tilespmem:s10+$0x107B0];
	_ =	sdelay $0x4  }
0x38c: {  	[tilespmem:v15+s1+$0x30 ss:$0x1] =	vst.idx.msk @!p0 $0xffff, v30;
	p0 =	seq.s32 s8, $0xFFE40000  }
.Ltmp8:
0x38d: {  	s28 =	sadd.s32 $0x1000, s7;
	(pc) =	sbr.rel @p0 .LBB2_10-.Ltmp8, $4  }
0x38e: {  	[hbm4b:s28+s2] =	stream.linear.scatter [tilespmem:s23], [sflag:$0x4], $0x8000, $0x38;
	[tilespmem:$0x14080] =	vst v63  }
0x38f: {  	_ =	swait.ge [sflag:s31], $0x8000  }
0x390: {  	[sflag:s31] =	ssyncset.done $0x0  }
0x391: {  	s9 =	simm.s32 $0x80;
	s0 =	simm.s32 $0x800;
	[sflag:s31] =	ssyncadd.s32 $0xFFFF8000  }
.Ltmp9:
0x392: {  	s1 =	sshrl.u32 s29, $0x3;
	(pc) =	sbr.rel .LBB2_8-.Ltmp9, $4  }
0x393: {  	s3 =	rddreg [dreg:$0x6];
	s29 =	sadd.s32 $0x100000, s29;
	s8 =	sadd.s32 $0xFFFC0000, s8  }
0x394: {  	s7 =	sadd.s32 $0x2000, s7;
	s17 =	sadd.s32 $0xFFFFFE00, s17;
	s1 =	sadd.s32 s3, s1  }
0x395: {  	[tilespmem:s2], [sflag:$0x1] =	stream.strided.gather [hbm4b:s1+s9], $0x8000, s0, s9, $0x38;
	[tilespmem:$0x14080] =	vst v63  }
0x396: {  	s30 =	sadd.s32 $0x20000, s30;
	s6 =	simm.s32 $0x80;
	s9 =	simm.s32 $0x800  }
.LBB2_12:
0x397: {  	_ =	sfence.sel $0x180000  }
0x398: {  	[bflag:$0x0] =	sbarrier.arrive $0xFFFF  }
0x399: {  	_ =	strace $0x90000047  }
0x39a: {  	s0 =	stileid.u32;
	[bflag:$0x2] =	sbarrier.arrive $0xFFFF  }
0x39b: {  	p0 =	sne.s32 s0, $0x0;
	s0 =	rddreg [dreg:$0x4]  }
0x39c: {  	s0 =	sadd.s32 @!p0 $0x100000, s0  }
0x39d: {  	[sflag:s0] =	ssyncadd.tile.s32 @!p0 $0x1;
	_ =	shalt  }
.Lfunc_end2:
_tile_overlayer_lowered:
.L_overlay_start_2:
0x39e: {  	(tag) =	ssettag $0x2  }
0x39f: {  	s0 =	rddreg [dreg:$0x0];
	s2 =	stileid.u32  }
0x3a0: {  	s1 =	rddreg [dreg:$0x1];
	p0 =	sne.s32 s2, $0x0  }
0x3a1: {  	s3 =	rddreg [dreg:$0x2];
	[bflag:$0x3] =	sbarrier.arrive $0xFFFF;
	s2 =	simm.s32 @!p0 $0x1C06  }
0x3a2: {  	[timem:s3], [sflag:s2] =	dma.local @!p0 [hbm:s0], s1  }
0x3a3: {  	s0 =	simm.s32 @!p0 $0x6  }
0x3a4: {  	_ =	swait.ge @!p0 [sflag:s0], s1  }
0x3a5: {  	s1 =	ssub.s32 @!p0 $0x0, s1;
	[sflag:s0] =	ssyncset.done @!p0 $0x0  }
0x3a6: {  	[sflag:s0] =	ssyncadd.s32 @!p0 s1  }
0x3a7: {  	[bflag:$0x3] =	sbarrier.arrive $0xFFFF  }
0x3a8: {  	_ =	shalt  }

// kernel: sparse-core-data-format-call.1.cloned.1.call-start
scs
called_computation.1_lowered:
.L_overlay_start_0:
0x0: {  	s2 =	sld [smem:$0x3FD9]  }
0x1: {  	s3 =	sld [smem:$0x3FFE];
	_ =	sdelay $0x1  }
0x2: {  	s1 =	srdreg.scid  }
0x3: {  	s0 =	sand.u32 $0x1, s1  }
0x4: {  	s16 =	sshll.u32 s0, $0xA;
	s2 =	sadd.s32 s3, s2  }
0x5: {  	s2 =	sadd.s32 s2, s16  }
0x6: {  	[smem:$0x3FC3] =	sst s2  }
0x7: {  	_ = 	snop  }
0x8: {  	s2 =	sld [smem:$0x3FD0];
	_ =	sdelay $0x2  }
0x9: {  	s17 =	simm.s32 $0xB;
	s4 =	simm.s32 $0x10  }
0xa: {  	[smem:s4], [sflag:s17] =	dma.local [hbm:s2], $0x1  }
0xb: {  	_ =	swait.eq [sflag:s17], $0x1  }
0xc: {  	[sflag:s17] =	ssyncset.done $0x0  }
0xd: {  	[sflag:s17] =	ssyncadd.s32 $0xFFFFFFFF  }
0xe: {  	s18 =	sld [smem:$0x10];
	(tm) =	ssettm $0x1  }
0xf: {  	s19 =	sld [smem:$0x3FFB];
	_ =	sdelay $0x3  }
0x10: {  	_ =	strace s19  }
0x11: {  	s2 =	sld [smem:$0x3FFC];
	_ =	sdelay $0x3  }
0x12: {  	_ =	strace s2  }
0x13: {  	s2 =	sld [smem:$0x3FFD];
	_ =	sdelay $0x3  }
0x14: {  	_ =	strace s2  }
0x15: {  	_ =	strace $0x8FFFFFFF  }
0x16: {  	s20 =	sld [smem:$0x3FDB];
	_ =	sdelay $0x1  }
0x17: {  	s21 =	simm.s32 $_scs_section_size  }
0x18: {  	s5 =	simm.s32 $_size__tile_overlayer_lowered;
	s6 =	simm.s32 $_tile_overlayer_lowered  }
0x19: {  	s7 =	simm.s32 $0x1BFF;
	s22 =	sshll.u32 s6, $0x1;
	s4 =	sadd.s32 s21, s20  }
0x1a: {  	s23 =	simm.s32 $0x0;
	s5 =	sshll.u32 s5, $0x1;
	s6 =	sadd.s32 s22, s4  }
0x1b: {  	[timem:s23], [sflag:s7] =	dma.local [hbm:s6], s5  }
0x1c: {  	_ =	swait.ge [sflag:s7], s5  }
0x1d: {  	s5 =	ssub.s32 $0x0, s5;
	[sflag:s7] =	ssyncset.done $0x0  }
0x1e: {  	[sflag:s7] =	ssyncadd.s32 s5;
	_ =	sdelay $0x1  }
0x1f: {  	s24 =	simm.s32 $0x1B8B  }
0x20: {  	_ =	swait.ge [sflag:s24], $0x1  }
0x21: {  	[sflag:s24] =	ssyncset.done $0x0  }
0x22: {  	[sflag:s24] =	ssyncadd.s32 $0xFFFFFFFF  }
0x23: {  	s5 =	sld [smem:$0x0]  }
0x24: {  	s6 =	sand.u32 $0xFFFFFFFE, s1  }
0x25: {  	p0 =	sne.s32 s1, s6  }
0x26: {  	s6 =	sshll.u32 @p0 s6, $0xE  }
0x27: {  	s6 =	sadd.s32 @p0 $0x11B8D, s6;
	s7 =	sshll.u32 @p0 s5, $0x11  }
0x28: {  	s6 =	sor.u32 @p0 s7, s6  }
0x29: {  	[sflag:s6] =	ssyncadd.remote.s32 @p0 $0x1;
	_ =	sdelay $0x1  }
0x2a: {  	s6 =	simm.s32 @p0 $0x1B8D  }
0x2b: {  	_ =	swait.eq @p0 [sflag:s6], $0x1  }
0x2c: {  	[sflag:s6] =	ssyncadd.s32 @p0 $0xFFFFFFFF  }
0x2d: {  	s7 =	sshll.u32 @!p0 s1, $0xE  }
0x2e: {  	s7 =	sor.u32 @!p0 $0x4000, s7;
	s6 =	simm.s32 @!p0 $0x1B8D  }
0x2f: {  	s5 =	sshll.u32 @!p0 s5, $0x11;
	s7 =	sadd.s32 @!p0 $0x11B8D, s7;
	_ =	swait.eq @!p0 [sflag:s6], $0x1  }
0x30: {  	s5 =	sor.u32 @!p0 s5, s7;
	[sflag:s6] =	ssyncadd.s32 @!p0 $0xFFFFFFFF  }
0x31: {  	s26 =	simm.s32 $0x1B8E;
	s25 =	sld [smem:$0x3FFE];
	[sflag:s5] =	ssyncadd.remote.s32 @!p0 $0x1  }
0x32: {  	s27 =	simm.s32 $execute0_lowered;
	[smem:$0x3FD2] =	sst s26  }
0x33: {  	s6 =	sshll.u32 s27, $0x1;
	_ =	strace $0x8000004C;
	[dreg:$0x1] =	wrdreg $0xFFFFFFFF  }
0x34: {  	s28 =	simm.s32 $_size_execute0_lowered;
	s4 =	sadd.s32 s4, s6;
	[dreg:$0x0] =	wrdreg $0x0  }
0x35: {  	s6 =	sshll.u32 s28, $0x1;
	[dreg:$0x2] =	wrdreg s4  }
0x36: {  	[dreg:$0x3] =	wrdreg s6  }
0x37: {  	[dreg:$0x4] =	wrdreg $0xC0  }
0x38: {  	_ =	task [dreg:s23], $0x5FFFF  }
0x39: {  	[dreg:$0x1] =	wrdreg $0xFFFFFFFF  }
0x3a: {  	[dreg:$0x0] =	wrdreg $0x60  }
0x3b: {  	[dreg:$0x2] =	wrdreg s25  }
0x3c: {  	[dreg:$0x3] =	wrdreg s18  }
0x3d: {  	[dreg:$0x4] =	wrdreg $0xA  }
0x3e: {  	_ =	task.clear_ibuf [dreg:s23], $0x5FFFF;
	_ =	strace $0x9000004C  }
0x3f: {  	s29 =	simm.s32 $0xA;
	_ =	strace $0x8000004E  }
0x40: {  	_ =	swait.ge [sflag:s29], $0x1  }
0x41: {  	[sflag:s29] =	ssyncadd.s32 $0xFFFFFFFF  }
0x42: {  	_ =	strace $0x9000004E  }
0x43: {  	_ =	sfence  }
0x44: {  	s30 =	sld [smem:$0x0];
	_ =	sdelay $0x2  }
0x45: {  	s31 =	sshll.u32 s1, $0xD;
	s1 =	sshrl.u32 s1, $0x2  }
0x46: {  	s4 =	sand.u32 $0x4000, s31;
	s1 =	sadd.s32 s1, s30  }
0x47: {  	s0 =	sor.u32 s4, s0;
	s1 =	sshll.u32 s1, $0x11  }
0x48: {  	s0 =	sor.u32 s1, s0  }
0x49: {  	s0 =	sadd.s32 $0x8F2B, s0  }
0x4a: {  	[sflag:s0] =	ssyncadd.remote.s32 $0x1  }
0x4b: {  	_ =	sfence.sel $0xFFFF  }
0x4c: {  	[dreg:$0x0] =	wrdreg $0xFFFFFFFF;
	(pc) =	sbr.abs _section_cstart, $3  }
0x4d: {  	[dreg:$0x1] =	wrdreg $0xFFFFFFFF  }
0x4e: {  	_ =	task.clear_ibuf [dreg:s23], $0x2FFFF;
	_ =	strace $0x9FFFFFFF  }
0x4f: {  	(tm) =	ssettm $0x7FFFFFFF  }
tec
execute0_lowered:
.L_overlay_start_1:
0x0: {  	(tag) =	ssettag $0x1  }
0x1: {  	s7 =	rddreg [dreg:$0x0]  }
0x2: {  	s0 =	srdreg.scid;
	s2 =	rddreg [dreg:$0x1];
	s5 =	simm.s32 $0x1  }
0x3: {  	s9 =	simm.s32 $0x2;
	s14 =	simm.s32 $0x0;
	p0 =	por $0x0, $0x0  }
0x4: {  	s15 =	simm.s32 $0x0;
	s16 =	simm.s32 $0x0;
	s1 =	sshll.u32 s0, $0x1  }
0x5: {  	s10 =	simm.s32 $0x0;
	s12 =	stileid.u32;
	s3 =	sand.u32 $0x2, s1  }
0x6: {  	s13 =	simm.s32 $0x0;
	s0 =	rddreg [dreg:$0x2];
	s6 =	ssub.s32 $0x10, s3  }
.Ltmp0:
0x7: {  	_ =	strace $0x8000004D;
	s8 =	sshrl.u32 s6, $0x1;
	(pc) =	sbr.rel .LBB1_1-.Ltmp0, $4  }
0x8: {  	s4 =	sadd.s32 $0x3001000, s7;
	s6 =	sshrl.u32 s6, $0x2;
	s8 =	sand.u32 $0x1, s8  }
0x9: {  	s7 =	sadd.s32 $0x3011000, s7;
	[sflag:s5] =	ssyncpa.u1 $0x0;
	s6 =	sadd.s32 s6, s8  }
0xa: {  	s1 =	stileid.u32;
	[sflag:s9] =	ssyncpa.u1 $0x0;
	s6 =	sshll.u32 s6, $0x5  }
0xb: {  	s9 =	simm.s32 $0x8000;
	s11 =	smov.u32 s3;
	s8 =	sor.u32 $0x1, s6  }
.LBB1_7:
0xc: {  	s17 =	sadd.s32 $0x80, s10  }
0xd: {  	s14 =	sadd.s32 $0x4, s11;
	s18 =	smov.u32 s11;
	p2 =	sgt.s32 s17, $0xFFF  }
0xe: {  	s18 =	smov.u32 @p2 s14  }
0xf: {  	s20 =	smov.u32 s12;
	s14 =	sadd.s32 $0x10, s12;
	p3 =	sgt.s32 s18, $0xF  }
0x10: {  	s20 =	smov.u32 @p3 s14  }
0x11: {  	s17 =	simm.s32 @p2 $0x0;
	p2 =	sgt.s32 s20, $0xF  }
0x12: {  	p1 =	slt.u32 s13, $0x2;
	s20 =	smov.u32 @p2 s1;
	p2 =	sne.s32 s13, s8  }
.Ltmp1:
0x13: {  	s19 =	simm.s32 @!p1 $0x2;
	(pc) =	sbr.rel @!p2 .LBB1_8-.Ltmp1, $4  }
0x14: {  	s15 =	smov.u32 s11;
	s16 =	smov.u32 s12;
	_ =	swait.ge @!p1 [sflag:s19], $0x4000  }
0x15: {  	p0 =	por !p0, !p0;
	[sflag:s19] =	ssyncset.done @!p1 $0x0;
	s18 =	smov.u32 @p3 s3  }
0x16: {  	s14 =	smov.u32 s10;
	[sflag:s19] =	ssyncadd.s32 @!p1 $0xFFFFC000;
	s10 =	smov.u32 s17  }
0x17: {  	s11 =	smov.u32 s18;
	s13 =	sadd.s32 $0x1, s13;
	s12 =	smov.u32 s20  }
.LBB1_1:
0x18: {  	p1 =	sge.u32 s13, s6  }
0x19: {  	s17 =	sxor.u32 @!p1 $0xFFFFFFFF, s13;
	s18 =	sshll.u32 @!p1 s12, $0x14  }
0x1a: {  	s19 =	sshll.u32 @!p1 s11, $0x10;
	s21 =	sshll.u32 @!p1 s10, $0x4;
	s22 =	simm.s32 @!p1 $0x40  }
0x1b: {  	s23 =	simm.s32 @!p1 $0x80;
	s17 =	sshll.u32 @!p1 s17, $0xE;
	s20 =	sadd.s32 @!p1 s18, s19  }
0x1c: {  	s21 =	sand.u32 @!p1 $0xFFF0, s21;
	s18 =	sadd.s32 @!p1 s18, s7;
	s20 =	sadd.s32 @!p1 s4, s20  }
0x1d: {  	s17 =	sand.u32 @!p1 $0x4000, s17;
	s18 =	sadd.s32 @!p1 s19, s18;
	s20 =	sadd.s32 @!p1 s21, s20  }
0x1e: {  	[tilespmem:s17], [sflag:$0x1] =	stream.strided.gather @!p1 [hbm4b:s20+s22], $0x2000, s23, s22, $0x38;
	[tilespmem:$0x10100] =	vst v63  }
0x1f: {  	s31 =	sadd.s32 $0xFFFFFFFF, s13;
	s18 =	sadd.s32 @!p1 s21, s18;
	s17 =	sor.u32 @!p1 $0x2000, s17  }
0x20: {  	[tilespmem:s17], [sflag:$0x1] =	stream.strided.gather @!p1 [hbm4b:s18+s22], $0x2000, s23, s22, $0x38;
	[tilespmem:$0x10100] =	vst v63  }
0x21: {  	p1 =	sge.u32 s31, s6  }
.Ltmp2:
0x22: {  	_ = 	snop;
	(pc) =	sbr.rel @p1 .LBB1_7-.Ltmp2, $1  }
0x23: {  	_ =	sdelay $0x3  }
0x24: {  	s17 =	simm.s32 $0x1;
	s19 =	sand.u32 $0x1, s13  }
0x25: {  	_ =	swait.ge [sflag:s5], $0x4000;
	s17 =	simm.s32 @!p0 $0x0;
	s19 =	smul.u32 $0x10200, s19  }
0x26: {  	p2 =	por $0x1, $0x1;
	[sflag:s5] =	ssyncset.done $0x0;
	s18 =	smul.u32 $0x10200, s17  }
0x27: {  	s20 =	sshll.u32 s17, $0x10;
	[sflag:s5] =	ssyncadd.s32 $0xFFFFC000;
	s30 =	sshrl.u32 s19, $0x2  }
0x28: {  	s31 =	sshrl.u32 s20, $0x2;
	s20 =	simm.s32 $0x0;
	s18 =	sshrl.u32 s18, $0x2  }
0x29: {  	s17 =	sor.u32 $0x8000, s30;
	s19 =	sadd.s32 $0x20, s31;
	s18 =	sor.u32 $0x8000, s18  }
.LBB1_3:
0x2a: {  	s21 =	sshll.u32 s20, $0xD  }
0x2b: {  	s21 =	sand.u32 $0x3FFFE000, s21  }
0x2c: {  	s23 =	sadd.s32 s21, s19  }
0x2d: {  	s31 =	smul.u32 $0x8100, s20;
	v3 =	vld [tilespmem:s23+$0x10]  }
0x2e: {  	v1 =	vld [tilespmem:s23+$0xFFFFFFF0]  }
0x2f: {  	s20 =	sshra.s32 s31, $0x2;
	v0 =	vld [tilespmem:s23+$0x0]  }
0x30: {  	s20 =	sadd.s32 s20, s18;
	v2 =	vld [tilespmem:s23+$0xFFFFFFE0]  }
0x31: {  	s21 =	sadd.s32 $0x0, s20  }
0x32: {  	p1 =	por p2, p2;
	s22 =	simm.s32 $0x4;
	s23 =	sadd.s32 $0x40, s23;
	[tilespmem:s21+$0x1830 ss:$0x81] =	vst.msk $0xffff, v3  }
.LBB1_4:
0x33: {  	v3 =	vld [tilespmem:s23+$0x10];
	p2 =	sne.s32 s22, $0x1FC;
	[tilespmem:s21+$0x810 ss:$0x81] =	vst.msk $0xffff, v1;
	s24 =	smov.u32 s22;
	s22 =	sadd.s32 $0x4, s22  }
.Ltmp3:
0x34: {  	v1 =	vld [tilespmem:s23+$0xFFFFFFF0];
	[tilespmem:s21+$0x1020 ss:$0x81] =	vst.msk $0xffff, v0;
	(pc) =	sbr.rel @p2 .LBB1_4-.Ltmp3, $4  }
0x35: {  	v0 =	vld [tilespmem:s23+$0x0];
	[tilespmem:s21+$0x0 ss:$0x81] =	vst.msk $0xffff, v2  }
0x36: {  	s21 =	sshra.s32 s24, $0x2;
	v2 =	vld [tilespmem:s23+$0xFFFFFFE0]  }
0x37: {  	s21 =	sadd.s32 s21, s20  }
0x38: {  	s23 =	sadd.s32 $0x40, s23;
	[tilespmem:s21+$0x1830 ss:$0x81] =	vst.msk $0xffff, v3  }
.Ltmp4:
0x39: {  	(pc) =	sbr.rel @p1 .LBB1_3-.Ltmp4, $4  }
0x3a: {  	_ = 	snop  }
0x3b: {  	[tilespmem:s21+$0x810 ss:$0x81] =	vst.msk $0xffff, v1  }
0x3c: {  	[tilespmem:s21+$0x1020 ss:$0x81] =	vst.msk $0xffff, v0  }
0x3d: {  	s20 =	simm.s32 $0x1;
	p2 =	por $0x0, $0x0;
	[tilespmem:s21+$0x0 ss:$0x81] =	vst.msk $0xffff, v2  }
0x3e: {  	s18 =	sshll.u32 s14, $0x3;
	s19 =	sand.u32 $0x78, s14  }
0x3f: {  	s16 =	sshll.u32 s16, $0x13;
	s15 =	sshll.u32 s15, $0xF;
	s29 =	sand.u32 $0x7E00, s14  }
.Ltmp5:
0x40: {  	s18 =	sand.u32 $0xC00, s18;
	s16 =	sadd.s32 s2, s16;
	(pc) =	sbr.rel .LBB1_7-.Ltmp5, $4  }
0x41: {  	s30 =	sand.u32 $0x7, s14;
	s18 =	sor.u32 s19, s18;
	s15 =	sadd.s32 s15, s16  }
0x42: {  	s14 =	sshll.u32 s30, $0x12;
	s31 =	sshrl.u32 s18, $0x3;
	s15 =	sadd.s32 s29, s15  }
0x43: {  	s14 =	sor.u32 $0x400, s14;
	s15 =	sadd.s32 s31, s15  }
0x44: {  	[hbm4b:s15+s14] =	stream.strided.scatter [tilespmem:s17], [sflag:$0x2], $0x4000, s9, s14, $0x20;
	[tilespmem:$0x10100] =	vst v63  }
.LBB1_8:
0x45: {  	_ =	sfence.sel $0x180000  }
0x46: {  	s2 =	simm.s32 $0x1;
	[bflag:$0x0] =	sbarrier.arrive $0xFFFF  }
0x47: {  	s31 =	simm.s32 $0x2;
	[sflag:s2] =	ssyncpa.u1 $0x1  }
0x48: {  	[sflag:s31] =	ssyncpa.u1 $0x1  }
0x49: {  	p0 =	sne.s32 s1, $0x0;
	_ =	strace $0x9000004D  }
0x4a: {  	s0 =	sadd.s32 @!p0 $0x100000, s0;
	[bflag:$0x2] =	sbarrier.arrive $0xFFFF  }
0x4b: {  	[sflag:s0] =	ssyncadd.tile.s32 @!p0 $0x1;
	_ =	shalt  }
.Lfunc_end1:
_tile_overlayer_lowered:
.L_overlay_start_2:
0x4c: {  	(tag) =	ssettag $0x2  }
0x4d: {  	s0 =	rddreg [dreg:$0x0];
	s2 =	stileid.u32  }
0x4e: {  	s1 =	rddreg [dreg:$0x1];
	p0 =	sne.s32 s2, $0x0  }
0x4f: {  	s3 =	rddreg [dreg:$0x2];
	[bflag:$0x3] =	sbarrier.arrive $0xFFFF;
	s2 =	simm.s32 @!p0 $0x1C01  }
0x50: {  	[timem:s3], [sflag:s2] =	dma.local @!p0 [hbm:s0], s1  }
0x51: {  	s0 =	simm.s32 @!p0 $0x1  }
0x52: {  	_ =	swait.ge @!p0 [sflag:s0], s1  }
0x53: {  	s1 =	ssub.s32 @!p0 $0x0, s1;
	[sflag:s0] =	ssyncset.done @!p0 $0x0  }
0x54: {  	[sflag:s0] =	ssyncadd.s32 @!p0 s1  }
0x55: {  	[bflag:$0x3] =	sbarrier.arrive $0xFFFF  }
0x56: {  	_ =	shalt  }

// kernel: sparse-core-data-format-call.cloned.1.call-start
scs
called_computation_lowered:
.L_overlay_start_0:
0x0: {  	s2 =	sld [smem:$0x3FD9]  }
0x1: {  	s3 =	sld [smem:$0x3FFE];
	_ =	sdelay $0x1  }
0x2: {  	s1 =	srdreg.scid  }
0x3: {  	s0 =	sand.u32 $0x1, s1  }
0x4: {  	s15 =	sshll.u32 s0, $0xA;
	s2 =	sadd.s32 s3, s2  }
0x5: {  	s2 =	sadd.s32 s2, s15  }
0x6: {  	[smem:$0x3FC3] =	sst s2  }
0x7: {  	_ = 	snop  }
0x8: {  	s2 =	sld [smem:$0x3FD0];
	_ =	sdelay $0x2  }
0x9: {  	s16 =	simm.s32 $0xB;
	s4 =	simm.s32 $0x10  }
0xa: {  	[smem:s4], [sflag:s16] =	dma.local [hbm:s2], $0x1  }
0xb: {  	_ =	swait.eq [sflag:s16], $0x1  }
0xc: {  	[sflag:s16] =	ssyncset.done $0x0  }
0xd: {  	[sflag:s16] =	ssyncadd.s32 $0xFFFFFFFF  }
0xe: {  	s17 =	sld [smem:$0x11];
	(tm) =	ssettm $0x1  }
0xf: {  	s18 =	sld [smem:$0x3FFB];
	_ =	sdelay $0x3  }
0x10: {  	_ =	strace s18  }
0x11: {  	s3 =	sld [smem:$0x3FFC];
	_ =	sdelay $0x3  }
0x12: {  	_ =	strace s3  }
0x13: {  	s3 =	sld [smem:$0x3FFD];
	_ =	sdelay $0x3  }
0x14: {  	_ =	strace s3  }
0x15: {  	_ =	strace $0x8FFFFFFF  }
0x16: {  	s19 =	sld [smem:$0x3FDB];
	_ =	sdelay $0x1  }
0x17: {  	s20 =	simm.s32 $_scs_section_size  }
0x18: {  	s5 =	simm.s32 $_size__tile_overlayer_lowered;
	s6 =	simm.s32 $_tile_overlayer_lowered  }
0x19: {  	s23 =	simm.s32 $0x1BFF;
	s22 =	sshll.u32 s6, $0x1;
	s3 =	sadd.s32 s20, s19  }
0x1a: {  	s7 =	simm.s32 $0x0;
	s21 =	sshll.u32 s5, $0x1;
	s5 =	sadd.s32 s22, s3  }
0x1b: {  	[timem:s7], [sflag:s23] =	dma.local [hbm:s5], s21  }
0x1c: {  	_ =	swait.ge [sflag:s23], s21  }
0x1d: {  	s4 =	ssub.s32 $0x0, s21;
	[sflag:s23] =	ssyncset.done $0x0  }
0x1e: {  	[sflag:s23] =	ssyncadd.s32 s4;
	_ =	sdelay $0x1  }
0x1f: {  	s24 =	simm.s32 $0x1B8B  }
0x20: {  	_ =	swait.ge [sflag:s24], $0x1  }
0x21: {  	[sflag:s24] =	ssyncset.done $0x0  }
0x22: {  	s26 =	simm.s32 $0x1B8E;
	s25 =	sld [smem:$0x3FFE];
	[sflag:s24] =	ssyncadd.s32 $0xFFFFFFFF  }
0x23: {  	s27 =	simm.s32 $execute0_lowered;
	[smem:$0x3FD2] =	sst s26  }
0x24: {  	s5 =	sshll.u32 s27, $0x1;
	_ =	strace $0x80000049;
	[dreg:$0x1] =	wrdreg $0xFFFFFFFF  }
0x25: {  	s28 =	simm.s32 $_size_execute0_lowered;
	s3 =	sadd.s32 s3, s5;
	[dreg:$0x0] =	wrdreg $0x0  }
0x26: {  	s5 =	sshll.u32 s28, $0x1;
	[dreg:$0x2] =	wrdreg s3  }
0x27: {  	[dreg:$0x3] =	wrdreg s5  }
0x28: {  	[dreg:$0x4] =	wrdreg $0xC0  }
0x29: {  	_ =	task [dreg:s7], $0x5FFFF  }
0x2a: {  	[dreg:$0x1] =	wrdreg $0xFFFFFFFF  }
0x2b: {  	[dreg:$0x0] =	wrdreg $0x60  }
0x2c: {  	[dreg:$0x2] =	wrdreg s25  }
0x2d: {  	[dreg:$0x3] =	wrdreg s17  }
0x2e: {  	[dreg:$0x4] =	wrdreg $0x9  }
0x2f: {  	_ =	task.clear_ibuf [dreg:s7], $0x5FFFF;
	_ =	strace $0x90000049  }
0x30: {  	s29 =	simm.s32 $0x9;
	_ =	strace $0x8000004B  }
0x31: {  	_ =	swait.ge [sflag:s29], $0x1  }
0x32: {  	[sflag:s29] =	ssyncadd.s32 $0xFFFFFFFF  }
0x33: {  	_ =	strace $0x9000004B  }
0x34: {  	_ =	sfence  }
0x35: {  	s30 =	sld [smem:$0x0];
	_ =	sdelay $0x2  }
0x36: {  	s31 =	sshll.u32 s1, $0xD;
	s1 =	sshrl.u32 s1, $0x2  }
0x37: {  	s3 =	sand.u32 $0x4000, s31;
	s1 =	sadd.s32 s1, s30  }
0x38: {  	s0 =	sor.u32 s3, s0;
	s1 =	sshll.u32 s1, $0x11  }
0x39: {  	s0 =	sor.u32 s1, s0  }
0x3a: {  	s0 =	sadd.s32 $0x8F2B, s0  }
0x3b: {  	[sflag:s0] =	ssyncadd.remote.s32 $0x1  }
0x3c: {  	_ =	sfence.sel $0xFFFF  }
0x3d: {  	[dreg:$0x0] =	wrdreg $0xFFFFFFFF;
	(pc) =	sbr.abs _section_cstart, $3  }
0x3e: {  	[dreg:$0x1] =	wrdreg $0xFFFFFFFF  }
0x3f: {  	_ =	task.clear_ibuf [dreg:s7], $0x2FFFF;
	_ =	strace $0x9FFFFFFF  }
0x40: {  	(tm) =	ssettm $0x7FFFFFFF  }
0x41: {  	_ =	shalt  }
tec
execute0_lowered:
.L_overlay_start_1:
0x0: {  	(tag) =	ssettag $0x1  }
0x1: {  	s7 =	rddreg [dreg:$0x0]  }
0x2: {  	s0 =	srdreg.scid;
	s2 =	rddreg [dreg:$0x1];
	s5 =	simm.s32 $0x1  }
0x3: {  	s9 =	simm.s32 $0x2;
	s14 =	simm.s32 $0x0;
	p0 =	por $0x0, $0x0  }
0x4: {  	s15 =	simm.s32 $0x0;
	s16 =	simm.s32 $0x0;
	s1 =	sshll.u32 s0, $0x1  }
0x5: {  	s10 =	simm.s32 $0x0;
	s12 =	stileid.u32;
	s3 =	sand.u32 $0x2, s1  }
0x6: {  	s13 =	simm.s32 $0x0;
	s0 =	rddreg [dreg:$0x2];
	s6 =	ssub.s32 $0x10, s3  }
.Ltmp0:
0x7: {  	_ =	strace $0x8000004A;
	s8 =	sshrl.u32 s6, $0x1;
	(pc) =	sbr.rel .LBB1_1-.Ltmp0, $4  }
0x8: {  	s4 =	sadd.s32 $0x2001000, s7;
	s6 =	sshrl.u32 s6, $0x2;
	s8 =	sand.u32 $0x1, s8  }
0x9: {  	s7 =	sadd.s32 $0x2011000, s7;
	[sflag:s5] =	ssyncpa.u1 $0x0;
	s6 =	sadd.s32 s6, s8  }
0xa: {  	s1 =	stileid.u32;
	[sflag:s9] =	ssyncpa.u1 $0x0;
	s6 =	sshll.u32 s6, $0x5  }
0xb: {  	s9 =	simm.s32 $0x8000;
	s11 =	smov.u32 s3;
	s8 =	sor.u32 $0x1, s6  }
.LBB1_7:
0xc: {  	s17 =	sadd.s32 $0x80, s10  }
0xd: {  	s14 =	sadd.s32 $0x4, s11;
	s18 =	smov.u32 s11;
	p2 =	sgt.s32 s17, $0xFFF  }
0xe: {  	s18 =	smov.u32 @p2 s14  }
0xf: {  	s20 =	smov.u32 s12;
	s14 =	sadd.s32 $0x10, s12;
	p3 =	sgt.s32 s18, $0xF  }
0x10: {  	s20 =	smov.u32 @p3 s14  }
0x11: {  	s17 =	simm.s32 @p2 $0x0;
	p2 =	sgt.s32 s20, $0xF  }
0x12: {  	p1 =	slt.u32 s13, $0x2;
	s20 =	smov.u32 @p2 s1;
	p2 =	sne.s32 s13, s8  }
.Ltmp1:
0x13: {  	s19 =	simm.s32 @!p1 $0x2;
	(pc) =	sbr.rel @!p2 .LBB1_8-.Ltmp1, $4  }
0x14: {  	s15 =	smov.u32 s11;
	s16 =	smov.u32 s12;
	_ =	swait.ge @!p1 [sflag:s19], $0x4000  }
0x15: {  	p0 =	por !p0, !p0;
	[sflag:s19] =	ssyncset.done @!p1 $0x0;
	s18 =	smov.u32 @p3 s3  }
0x16: {  	s14 =	smov.u32 s10;
	[sflag:s19] =	ssyncadd.s32 @!p1 $0xFFFFC000;
	s10 =	smov.u32 s17  }
0x17: {  	s11 =	smov.u32 s18;
	s13 =	sadd.s32 $0x1, s13;
	s12 =	smov.u32 s20  }
.LBB1_1:
0x18: {  	p1 =	sge.u32 s13, s6  }
0x19: {  	s17 =	sxor.u32 @!p1 $0xFFFFFFFF, s13;
	s18 =	sshll.u32 @!p1 s12, $0x14  }
0x1a: {  	s19 =	sshll.u32 @!p1 s11, $0x10;
	s21 =	sshll.u32 @!p1 s10, $0x4;
	s22 =	simm.s32 @!p1 $0x40  }
0x1b: {  	s23 =	simm.s32 @!p1 $0x80;
	s17 =	sshll.u32 @!p1 s17, $0xE;
	s20 =	sadd.s32 @!p1 s18, s19  }
0x1c: {  	s21 =	sand.u32 @!p1 $0xFFF0, s21;
	s18 =	sadd.s32 @!p1 s18, s7;
	s20 =	sadd.s32 @!p1 s4, s20  }
0x1d: {  	s17 =	sand.u32 @!p1 $0x4000, s17;
	s18 =	sadd.s32 @!p1 s19, s18;
	s20 =	sadd.s32 @!p1 s21, s20  }
0x1e: {  	[tilespmem:s17], [sflag:$0x1] =	stream.strided.gather @!p1 [hbm4b:s20+s22], $0x2000, s23, s22, $0x38;
	[tilespmem:$0x10100] =	vst v63  }
0x1f: {  	s31 =	sadd.s32 $0xFFFFFFFF, s13;
	s18 =	sadd.s32 @!p1 s21, s18;
	s17 =	sor.u32 @!p1 $0x2000, s17  }
0x20: {  	[tilespmem:s17], [sflag:$0x1] =	stream.strided.gather @!p1 [hbm4b:s18+s22], $0x2000, s23, s22, $0x38;
	[tilespmem:$0x10100] =	vst v63  }
0x21: {  	p1 =	sge.u32 s31, s6  }
.Ltmp2:
0x22: {  	_ = 	snop;
	(pc) =	sbr.rel @p1 .LBB1_7-.Ltmp2, $1  }
0x23: {  	_ =	sdelay $0x3  }
0x24: {  	s17 =	simm.s32 $0x1;
	s19 =	sand.u32 $0x1, s13  }
0x25: {  	_ =	swait.ge [sflag:s5], $0x4000;
	s17 =	simm.s32 @!p0 $0x0;
	s19 =	smul.u32 $0x10200, s19  }
0x26: {  	p2 =	por $0x1, $0x1;
	[sflag:s5] =	ssyncset.done $0x0;
	s18 =	smul.u32 $0x10200, s17  }
0x27: {  	s20 =	sshll.u32 s17, $0x10;
	[sflag:s5] =	ssyncadd.s32 $0xFFFFC000;
	s30 =	sshrl.u32 s19, $0x2  }
0x28: {  	s31 =	sshrl.u32 s20, $0x2;
	s20 =	simm.s32 $0x0;
	s18 =	sshrl.u32 s18, $0x2  }
0x29: {  	s17 =	sor.u32 $0x8000, s30;
	s19 =	sadd.s32 $0x20, s31;
	s18 =	sor.u32 $0x8000, s18  }
.LBB1_3:
0x2a: {  	s21 =	sshll.u32 s20, $0xD  }
0x2b: {  	s21 =	sand.u32 $0x3FFFE000, s21  }
0x2c: {  	s23 =	sadd.s32 s21, s19  }
0x2d: {  	s31 =	smul.u32 $0x8100, s20;
	v3 =	vld [tilespmem:s23+$0x10]  }
0x2e: {  	v1 =	vld [tilespmem:s23+$0xFFFFFFF0]  }
0x2f: {  	s20 =	sshra.s32 s31, $0x2;
	v0 =	vld [tilespmem:s23+$0x0]  }
0x30: {  	s20 =	sadd.s32 s20, s18;
	v2 =	vld [tilespmem:s23+$0xFFFFFFE0]  }
0x31: {  	s21 =	sadd.s32 $0x0, s20  }
0x32: {  	p1 =	por p2, p2;
	s22 =	simm.s32 $0x4;
	s23 =	sadd.s32 $0x40, s23;
	[tilespmem:s21+$0x1830 ss:$0x81] =	vst.msk $0xffff, v3  }
.LBB1_4:
0x33: {  	v3 =	vld [tilespmem:s23+$0x10];
	p2 =	sne.s32 s22, $0x1FC;
	[tilespmem:s21+$0x810 ss:$0x81] =	vst.msk $0xffff, v1;
	s24 =	smov.u32 s22;
	s22 =	sadd.s32 $0x4, s22  }
.Ltmp3:
0x34: {  	v1 =	vld [tilespmem:s23+$0xFFFFFFF0];
	[tilespmem:s21+$0x1020 ss:$0x81] =	vst.msk $0xffff, v0;
	(pc) =	sbr.rel @p2 .LBB1_4-.Ltmp3, $4  }
0x35: {  	v0 =	vld [tilespmem:s23+$0x0];
	[tilespmem:s21+$0x0 ss:$0x81] =	vst.msk $0xffff, v2  }
0x36: {  	s21 =	sshra.s32 s24, $0x2;
	v2 =	vld [tilespmem:s23+$0xFFFFFFE0]  }
0x37: {  	s21 =	sadd.s32 s21, s20  }
0x38: {  	s23 =	sadd.s32 $0x40, s23;
	[tilespmem:s21+$0x1830 ss:$0x81] =	vst.msk $0xffff, v3  }
.Ltmp4:
0x39: {  	(pc) =	sbr.rel @p1 .LBB1_3-.Ltmp4, $4  }
0x3a: {  	_ = 	snop  }
0x3b: {  	[tilespmem:s21+$0x810 ss:$0x81] =	vst.msk $0xffff, v1  }
0x3c: {  	[tilespmem:s21+$0x1020 ss:$0x81] =	vst.msk $0xffff, v0  }
0x3d: {  	s20 =	simm.s32 $0x1;
	p2 =	por $0x0, $0x0;
	[tilespmem:s21+$0x0 ss:$0x81] =	vst.msk $0xffff, v2  }
0x3e: {  	s18 =	sshll.u32 s14, $0x3;
	s19 =	sand.u32 $0x78, s14  }
0x3f: {  	s16 =	sshll.u32 s16, $0x13;
	s15 =	sshll.u32 s15, $0xF;
	s29 =	sand.u32 $0x7E00, s14  }
.Ltmp5:
0x40: {  	s18 =	sand.u32 $0xC00, s18;
	s16 =	sadd.s32 s2, s16;
	(pc) =	sbr.rel .LBB1_7-.Ltmp5, $4  }
0x41: {  	s30 =	sand.u32 $0x7, s14;
	s18 =	sor.u32 s19, s18;
	s15 =	sadd.s32 s15, s16  }
0x42: {  	s14 =	sshll.u32 s30, $0x12;
	s31 =	sshrl.u32 s18, $0x3;
	s15 =	sadd.s32 s29, s15  }
0x43: {  	s14 =	sor.u32 $0x400, s14;
	s15 =	sadd.s32 s31, s15  }
0x44: {  	[hbm4b:s15+s14] =	stream.strided.scatter [tilespmem:s17], [sflag:$0x2], $0x4000, s9, s14, $0x20;
	[tilespmem:$0x10100] =	vst v63  }
.LBB1_8:
0x45: {  	_ =	sfence.sel $0x180000  }
0x46: {  	s2 =	simm.s32 $0x1;
	[bflag:$0x0] =	sbarrier.arrive $0xFFFF  }
0x47: {  	s31 =	simm.s32 $0x2;
	[sflag:s2] =	ssyncpa.u1 $0x1  }
0x48: {  	[sflag:s31] =	ssyncpa.u1 $0x1  }
0x49: {  	p0 =	sne.s32 s1, $0x0;
	_ =	strace $0x9000004A  }
0x4a: {  	s0 =	sadd.s32 @!p0 $0x100000, s0;
	[bflag:$0x2] =	sbarrier.arrive $0xFFFF  }
0x4b: {  	[sflag:s0] =	ssyncadd.tile.s32 @!p0 $0x1;
	_ =	shalt  }
.Lfunc_end1:
_tile_overlayer_lowered:
.L_overlay_start_2:
0x4c: {  	(tag) =	ssettag $0x2  }
0x4d: {  	s0 =	rddreg [dreg:$0x0];
	s2 =	stileid.u32  }
0x4e: {  	s1 =	rddreg [dreg:$0x1];
	p0 =	sne.s32 s2, $0x0  }
0x4f: {  	s3 =	rddreg [dreg:$0x2];
	[bflag:$0x3] =	sbarrier.arrive $0xFFFF;
	s2 =	simm.s32 @!p0 $0x1C01  }
0x50: {  	[timem:s3], [sflag:s2] =	dma.local @!p0 [hbm:s0], s1  }
0x51: {  	s0 =	simm.s32 @!p0 $0x1  }
0x52: {  	_ =	swait.ge @!p0 [sflag:s0], s1  }
0x53: {  	s1 =	ssub.s32 @!p0 $0x0, s1;
	[sflag:s0] =	ssyncset.done @!p0 $0x0  }
0x54: {  	[sflag:s0] =	ssyncadd.s32 @!p0 s1  }
0x55: {  	[bflag:$0x3] =	sbarrier.arrive $0xFFFF  }
0x56: {  	_ =	shalt  }

</sc_bundles>
